<compile_context>
chip_gen: v7x
topology: tpu7x:2x2x1
jax: 0.10.2.dev20260603
libtpu: 0.0.44.dev20260713+nightly
codegen_flags: <defaults>
</compile_context>

<pallas_src>
import functools

import jax
import jax.numpy as jnp
from jax import lax
from jax.experimental import pallas as pl
from jax.experimental.pallas import tpu as pltpu
from jax.experimental.pallas import tpu_sc as plsc

_NPOINTS = [256, 128, 64, 32]
_NSAMPLES = [8, 16, 32, 32]
_EPS = 1e-8
_BIG = 3.0e38


def _first_argmin_cols(x, iota, n):
    m = jnp.min(x, axis=1, keepdims=True)
    am = jnp.min(jnp.where(x == m, iota, n), axis=1, keepdims=True)
    return m, am



def _mimic_dists(q_xyz, r_rows):
    sq = jnp.sum(q_xyz * q_xyz, axis=1, keepdims=True)
    sr = (r_rows[0:1, :] * r_rows[0:1, :]
          + r_rows[1:2, :] * r_rows[1:2, :]
          + r_rows[2:3, :] * r_rows[2:3, :])
    g = jax.lax.dot_general(
        q_xyz, r_rows[0:3, :],
        (((1,), (0,)), ((), ())), preferred_element_type=jnp.float32)
    return (sq + sr) - 2.0 * g


def _loa_body(xyz_ref, xyzP_ref, out_ref, d_s):
    x = xyz_ref[0]
    xp = xyzP_ref[0]
    n = x.shape[0]
    d2 = jnp.zeros((n, n), jnp.float32)
    for c in range(3):
        col = x[:, c:c + 1]
        row = xp[c:c + 1, :]
        diff = col - row
        d2 = d2 + diff * diff
    d_s[...] = jnp.sqrt(d2)
    md = _mimic_dists(x, xp)
    def step(_, dw):
        m = jnp.min(dw, axis=1, keepdims=True)
        return jnp.where(dw <= m, _BIG, dw)

    dw = jax.lax.fori_loop(0, 32, step, md)
    msk = (dw == _BIG).astype(jnp.float32)
    d = d_s[...]
    t = jnp.max(msk * d, axis=1, keepdims=True)
    w = msk * (t - d)
    v = (jax.lax.dot_general(w, x, (((1,), (0,)), ((), ())),
                             preferred_element_type=jnp.float32, precision=jax.lax.Precision.HIGHEST)
         - jnp.sum(w, axis=1, keepdims=True) * x)
    nrm = jnp.sqrt(jnp.sum(v * v, axis=1, keepdims=True))
    out_ref[0] = v / (nrm + _EPS)



def _sc_level(srcs, dsts, dist, n, npoint):
    nsl = n // 16
    lane = lax.broadcasted_iota(jnp.int32, (16,), 0)

    def init_s(s, carry):
        dist[pl.ds(s * 16, 16)] = jnp.full((16,), 1e10, jnp.float32)
        return carry

    lax.fori_loop(0, nsl, init_s, 0)

    def body(i, far):
        cs = [srcs[c][pl.ds(far, 16)][0] for c in range(6)]
        blk = (i // 16) * 16
        sel_st = lane == (i - blk)
        for c in range(6):
            old = dsts[c][pl.ds(blk, 16)]
            dsts[c][pl.ds(blk, 16)] = jnp.where(
                sel_st, lax.broadcast(cs[c], (16,)), old)
        csv = [lax.broadcast(v, (16,)) for v in cs[:3]]

        def scan_s(s, carry):
            mv, ms = carry
            off = s * 16
            dx = srcs[0][pl.ds(off, 16)] - csv[0]
            dy = srcs[1][pl.ds(off, 16)] - csv[1]
            dz = srcs[2][pl.ds(off, 16)] - csv[2]
            d = dx * dx + dy * dy + dz * dz
            dn = jnp.minimum(dist[pl.ds(off, 16)], d)
            dist[pl.ds(off, 16)] = dn
            upd = dn > mv
            mv = jnp.where(upd, dn, mv)
            ms = jnp.where(upd, lax.broadcast(s, (16,)), ms)
            return mv, ms

        mv, ms = lax.fori_loop(
            0, nsl, scan_s, (jnp.full((16,), -1.0, jnp.float32),
                             jnp.zeros((16,), jnp.int32)))
        best = jnp.array(-1.0, jnp.float32)
        bidx = jnp.array(0, jnp.int32)
        for j in range(16):
            v = mv[j]
            cnd = ms[j] * 16 + j
            better = (v > best) | ((v == best) & (cnd < bidx))
            best = jnp.where(better, v, best)
            bidx = jnp.where(better, cnd, bidx)
        return bidx

    lax.fori_loop(0, npoint, body, jnp.array(0, jnp.int32))


def _sc_fps(xyzT, loaT, b):
    f32 = jnp.float32
    mesh = plsc.VectorSubcoreMesh(core_axis_name="c", subcore_axis_name="s")
    out_type = [jax.ShapeDtypeStruct((b, 6, p), f32) for p in _NPOINTS]
    scratch = ([pltpu.VMEM((1024,), f32)] * 6
               + [pltpu.VMEM((256,), f32)] * 6
               + [pltpu.VMEM((128,), f32)] * 6
               + [pltpu.VMEM((64,), f32)] * 6
               + [pltpu.VMEM((32,), f32)] * 6
               + [pltpu.VMEM((1024,), f32), pltpu.VMEM((32,), f32)])

    @functools.partial(pl.kernel, mesh=mesh, out_type=out_type,
                       scratch_types=scratch)
    def k(xyzT_hbm, loaT_hbm, o1, o2, o3, o4, *bufs):
        pin = list(bufs[0:6])
        lv = [list(bufs[6:12]), list(bufs[12:18]),
              list(bufs[18:24]), list(bufs[24:30])]
        dist = bufs[30]
        wid = lax.axis_index("s") * 2 + lax.axis_index("c")

        def sample(j, carry):
            bb = wid * 2 + j
            for c in range(3):
                pltpu.sync_copy(xyzT_hbm.at[c, bb], pin[c])
                pltpu.sync_copy(loaT_hbm.at[c, bb], pin[c + 3])
            for srcs, dsts, o_hbm, n, p in ((pin, lv[0], o1, 1024, 256),
                                            (lv[0], lv[1], o2, 256, 128),
                                            (lv[1], lv[2], o3, 128, 64),
                                            (lv[2], lv[3], o4, 64, 32)):
                _sc_level(srcs, dsts, dist, n, p)
                for c in range(6):
                    pltpu.sync_copy(dsts[c], o_hbm.at[bb, c])
            return carry

        lax.fori_loop(0, 2, sample, 0)

    return k(xyzT, loaT)



def _make_knn_body(chunk, q, n, k):
    def body(q_ref, rows_ref, out_ref):
        d2s = [_mimic_dists(q_ref[s], rows_ref[s]) for s in range(chunk)]
        d2 = jnp.concatenate(d2s, axis=0) if chunk > 1 else d2s[0]
        iota = jax.lax.broadcasted_iota(jnp.int32, (chunk * q, n), 1)

        def kstep(kk, d2c):
            _, am = _first_argmin_cols(d2c, iota, n)
            for s in range(chunk):
                out_ref[s, pl.ds(kk * q, q), 0:1] = am[s * q:(s + 1) * q]
            return jnp.where(iota == am, _BIG, d2c)

        jax.lax.fori_loop(0, k, kstep, d2)

    return body



def _run_module(q_xyz, q_loa, r_xyz, r_loa, am_col, r_feats, k,
                wri, bri, w0, b0):
    qn = q_xyz.shape[0]
    n = r_xyz.shape[0]
    cf = 0 if r_feats is None else r_feats.shape[1]
    co = w0.shape[1]
    kq = k * qn
    iota_kq = jax.lax.broadcasted_iota(jnp.int32, (kq, n), 1)
    ohall = (iota_kq == am_col).astype(jnp.float32)
    dng = (((1,), (0,)), ((), ()))
    gx = jax.lax.dot_general(
        ohall, r_xyz, dng, preferred_element_type=jnp.float32,
        precision=jax.lax.Precision.HIGHEST).reshape(k, qn, 3)
    gl = jax.lax.dot_general(
        ohall, r_loa, dng, preferred_element_type=jnp.float32,
        precision=jax.lax.Precision.HIGHEST).reshape(k, qn, 3)
    gf = None
    if r_feats is not None:
        gf = jax.lax.dot_general(
            ohall, r_feats, dng, preferred_element_type=jnp.float32,
            precision=jax.lax.Precision.HIGHEST)
    rel = gx - q_xyz[None]
    dn = jnp.sqrt(jnp.sum(rel * rel, axis=-1, keepdims=True))
    u = rel / (dn + _EPS)
    c1 = jnp.sum(u * q_loa[None], axis=-1, keepdims=True)
    c2 = jnp.sum(u * gl, axis=-1, keepdims=True)
    c3 = jnp.sum(q_loa[None] * gl, axis=-1, keepdims=True)
    ri = jnp.concatenate([dn, c1, c2, c3], axis=-1).reshape(kq, 4)
    mm = (((1,), (0,)), ((), ()))
    h = jax.nn.relu(jax.lax.dot_general(
        ri, wri, mm, preferred_element_type=jnp.float32, precision=jax.lax.Precision.HIGHEST) + bri)
    z = jax.lax.dot_general(h, w0[0:64, :], mm,
                            preferred_element_type=jnp.float32, precision=jax.lax.Precision.HIGHEST)
    if r_feats is not None:
        z = z + jax.lax.dot_general(gf, w0[64:64 + cf, :], mm,
                                    preferred_element_type=jnp.float32, precision=jax.lax.Precision.HIGHEST)
    z = jax.nn.relu(z + b0)
    return jnp.max(z.reshape(k, qn, co), axis=0)


def _modules_body(xyz_ref, loa_ref,
                  nx1_ref, nl1_ref, nx2_ref, nl2_ref,
                  nx3_ref, nl3_ref, nx4_ref, nl4_ref,
                  am1_ref, am2_ref, am3_ref, am4_ref,
                  w1ri, b1ri, w10, b10, w2ri, b2ri, w20, b20,
                  w3ri, b3ri, w30, b30, w4ri, b4ri, w40, b40,
                  w5ri, b5ri, w50, b50,
                  out_ref):
    xyz = xyz_ref[0]
    loa = loa_ref[0]
    nx = [nx1_ref[0], nx2_ref[0], nx3_ref[0], nx4_ref[0]]
    nl = [nl1_ref[0], nl2_ref[0], nl3_ref[0], nl4_ref[0]]
    am = [am1_ref[0], am2_ref[0], am3_ref[0], am4_ref[0]]
    mp = [(w1ri, b1ri, w10, b10), (w2ri, b2ri, w20, b20),
          (w3ri, b3ri, w30, b30), (w4ri, b4ri, w40, b40)]

    f = None
    r_xyz, r_loa = xyz, loa
    for m in range(4):
        wri, bri, w0, b0 = mp[m]
        f = _run_module(nx[m], nl[m], r_xyz, r_loa, am[m], f,
                        _NSAMPLES[m],
                        wri[...], bri[...], w0[...], b0[...])
        r_xyz, r_loa = nx[m], nl[m]

    r_xyz, r_loa, r_feats = nx[3], nl[3], f
    q_xyz = jnp.mean(r_xyz, axis=0, keepdims=True)
    v5 = jnp.sum(r_loa, axis=0, keepdims=True)
    q_loa = v5 / (jnp.sqrt(jnp.sum(v5 * v5, axis=-1, keepdims=True)) + _EPS)
    rel = r_xyz - q_xyz
    dn = jnp.sqrt(jnp.sum(rel * rel, axis=-1, keepdims=True))
    u = rel / (dn + _EPS)
    c1 = jnp.sum(u * q_loa, axis=-1, keepdims=True)
    c2 = jnp.sum(u * r_loa, axis=-1, keepdims=True)
    c3 = jnp.sum(q_loa * r_loa, axis=-1, keepdims=True)
    ri = jnp.concatenate([dn, c1, c2, c3], axis=-1)
    mm = (((1,), (0,)), ((), ()))
    h = jax.nn.relu(jax.lax.dot_general(
        ri, w5ri[...], mm, preferred_element_type=jnp.float32, precision=jax.lax.Precision.HIGHEST) + b5ri[...])
    z = (jax.lax.dot_general(h, w50[0:64, :], mm,
                             preferred_element_type=jnp.float32, precision=jax.lax.Precision.HIGHEST)
         + jax.lax.dot_general(r_feats, w50[64:320, :], mm,
                               preferred_element_type=jnp.float32, precision=jax.lax.Precision.HIGHEST))
    z = jax.nn.relu(z + b50[...])
    out_ref[0] = jnp.max(z, axis=0, keepdims=True)



def _head_body(f5_ref, w1, b1, g1, bb1, w2, b2, g2, bb2, w3, b3, out_ref):
    mm = (((1,), (0,)), ((), ()))
    x = f5_ref[...]
    x = jax.nn.relu(g1[...] * (jax.lax.dot_general(
        x, w1[...], mm, preferred_element_type=jnp.float32, precision=jax.lax.Precision.HIGHEST) + b1[...])
        + bb1[...])
    x = jax.nn.relu(g2[...] * (jax.lax.dot_general(
        x, w2[...], mm, preferred_element_type=jnp.float32, precision=jax.lax.Precision.HIGHEST) + b2[...])
        + bb2[...])
    x = jax.lax.dot_general(
        x, w3[...], mm, preferred_element_type=jnp.float32, precision=jax.lax.Precision.HIGHEST) + b3[...]
    m = jnp.max(x, axis=-1, keepdims=True)
    lse = jnp.log(jnp.sum(jnp.exp(x - m), axis=-1, keepdims=True))
    out_ref[...] = x - m - lse



def _full_spec(shape):
    nd = len(shape)
    return pl.BlockSpec(shape, lambda *_a, _n=nd: (0,) * _n)


def kernel(xyz, params):
    b, n, _ = xyz.shape
    f32 = jnp.float32
    xyzT = jnp.transpose(xyz, (2, 0, 1))
    xyzP = jnp.transpose(xyz, (0, 2, 1))

    loa = pl.pallas_call(
        _loa_body,
        grid=(b,),
        in_specs=[pl.BlockSpec((1, n, 3), lambda i: (i, 0, 0)),
                  pl.BlockSpec((1, 3, n), lambda i: (i, 0, 0))],
        out_specs=pl.BlockSpec((1, n, 3), lambda i: (i, 0, 0)),
        out_shape=jax.ShapeDtypeStruct((b, n, 3), f32),
        scratch_shapes=[pltpu.VMEM((n, n), f32)],
        compiler_params=pltpu.CompilerParams(
            dimension_semantics=("parallel",)),
    )(xyz, xyzP)

    loaT = jnp.transpose(loa, (2, 0, 1))

    fps_outs = _sc_fps(xyzT, loaT, b)

    nx = [jnp.transpose(o[:, 0:3, :], (0, 2, 1)) for o in fps_outs]
    nl = [jnp.transpose(o[:, 3:6, :], (0, 2, 1)) for o in fps_outs]

    p = params
    mparams = []
    for m in range(1, 6):
        mparams += [p['m%d_Wri' % m], p['m%d_bri' % m].reshape(1, -1),
                    p['m%d_W0' % m], p['m%d_b0' % m].reshape(1, -1)]

    knn_cfg = [(2, 256, 1024, 8, xyzP, nx[0]),
               (2, 128, 256, 16, fps_outs[0], nx[1]),
               (2, 64, 128, 32, fps_outs[1], nx[2]),
               (2, 32, 64, 32, fps_outs[2], nx[3])]
    am_list = []
    for chunk, qn, nn, kk, rows_arr, q_arr in knn_cfg:
        am = pl.pallas_call(
            _make_knn_body(chunk, qn, nn, kk),
            grid=(b // chunk,),
            in_specs=[pl.BlockSpec((chunk, qn, 3), lambda i: (i, 0, 0)),
                      pl.BlockSpec((chunk,) + rows_arr.shape[1:],
                                   lambda i: (i, 0, 0))],
            out_specs=pl.BlockSpec((chunk, kk * qn, 1), lambda i: (i, 0, 0)),
            out_shape=jax.ShapeDtypeStruct((b, kk * qn, 1), jnp.int32),
            compiler_params=pltpu.CompilerParams(
                dimension_semantics=("parallel",)),
        )(q_arr, rows_arr)
        am_list.append(am)

    in_specs = [pl.BlockSpec((1, n, 3), lambda i: (i, 0, 0)),
                pl.BlockSpec((1, n, 3), lambda i: (i, 0, 0))]
    for pts in _NPOINTS:
        in_specs += [pl.BlockSpec((1, pts, 3), lambda i: (i, 0, 0))] * 2
    for pts, kk in zip(_NPOINTS, _NSAMPLES):
        in_specs.append(pl.BlockSpec((1, kk * pts, 1), lambda i: (i, 0, 0)))
    for w in mparams:
        in_specs.append(_full_spec(w.shape))

    args = [xyz, loa]
    for m in range(4):
        args += [nx[m], nl[m]]
    args += am_list
    args += mparams

    f5 = pl.pallas_call(
        _modules_body,
        grid=(b,),
        in_specs=in_specs,
        out_specs=pl.BlockSpec((1, 1, 512), lambda i: (i, 0, 0)),
        out_shape=jax.ShapeDtypeStruct((b, 1, 512), f32),
        compiler_params=pltpu.CompilerParams(
            dimension_semantics=("parallel",)),
    )(*args)

    hp = [p['fc1_W'], p['fc1_b'].reshape(1, -1),
          p['bn1_g'].reshape(1, -1), p['bn1_b'].reshape(1, -1),
          p['fc2_W'], p['fc2_b'].reshape(1, -1),
          p['bn2_g'].reshape(1, -1), p['bn2_b'].reshape(1, -1),
          p['fc3_W'], p['fc3_b'].reshape(1, -1)]
    logp = pl.pallas_call(
        _head_body,
        in_specs=[_full_spec((b, 512))] + [_full_spec(w.shape) for w in hp],
        out_specs=_full_spec((b, 40)),
        out_shape=jax.ShapeDtypeStruct((b, 40), f32),
    )(f5.reshape(b, 512), *hp)

    return logp, f5

# --- scband reference (transcript-rebuilt; emitter-appended) ---
"""Pipeline reference for scband-get-model-52647709114401 (READ-ONLY COPY).

The authoritative reference and input builder live on the scoring server;
editing this copy changes nothing except your own understanding.
"""

import jax, jax.numpy as jnp
import numpy as np

NPOINTS = [256, 128, 64, 32]
NSAMPLES = [8, 16, 32, 32]
MLP_SPECS = [(64, 32), (96, 64), (128, 128), (192, 256), (320, 512)]
EPS = 1e-8


def _group(points, idx):
    # points: [B, N, C], idx: [B, S, K] -> [B, S, K, C]
    return jax.vmap(lambda p, i: p[i])(points, idx)


def _knn(query, ref, k):
    d = (jnp.sum(query ** 2, -1)[:, :, None]
         + jnp.sum(ref ** 2, -1)[:, None, :]
         - 2.0 * jnp.einsum('bqc,bnc->bqn', query, ref))
    _, idx = jax.lax.top_k(-d, k)
    return idx


def compute_LOA(xyz, k=32):
    # Local Orientation Axis: distance-weighted mean of centered kNN vectors, normalized.
    idx = _knn(xyz, xyz, k)
    nbr = _group(xyz, idx)
    centered = nbr - xyz[:, :, None, :]
    d = jnp.linalg.norm(centered, axis=-1, keepdims=True)
    w = jnp.max(d, axis=2, keepdims=True) - d
    v = jnp.sum(centered * w, axis=2)
    return v / (jnp.linalg.norm(v, axis=-1, keepdims=True) + EPS)


def _fps(xyz, npoint):
    B, N, _ = xyz.shape
    def body(i, state):
        cent, dist, far = state
        cent = cent.at[:, i].set(far)
        c = jnp.take_along_axis(xyz, far[:, None, None], axis=1)
        d = jnp.sum((xyz - c) ** 2, -1)
        dist = jnp.minimum(dist, d)
        far = jnp.argmax(dist, -1).astype(jnp.int32)
        return cent, dist, far
    cent = jnp.zeros((B, npoint), dtype=jnp.int32)
    dist = jnp.full((B, N), 1e10, dtype=xyz.dtype)
    far = jnp.zeros((B,), dtype=jnp.int32)
    cent, _, _ = jax.lax.fori_loop(0, npoint, body, (cent, dist, far))
    return cent


def _ri_feats(new_xyz, new_loa, g_xyz, g_loa):
    # Rotation-invariant per-neighbor features: distance + 3 relative angles.
    rel = g_xyz - new_xyz[:, :, None, :]
    d = jnp.linalg.norm(rel, axis=-1, keepdims=True)
    u = rel / (d + EPS)
    c1 = jnp.sum(u * new_loa[:, :, None, :], -1, keepdims=True)
    c2 = jnp.sum(u * g_loa, -1, keepdims=True)
    c3 = jnp.sum(new_loa[:, :, None, :] * g_loa, -1, keepdims=True)
    return jnp.concatenate([d, c1, c2, c3], -1)


def _rcri_cm(xyz, loa, feats, npoint, nsample, Wri, bri, W0, b0, global_cm):
    if global_cm:
        new_xyz = jnp.mean(xyz, axis=1, keepdims=True)
        v = jnp.sum(loa, axis=1, keepdims=True)
        new_loa = v / (jnp.linalg.norm(v, axis=-1, keepdims=True) + EPS)
        g_xyz = xyz[:, None]
        g_loa = loa[:, None]
        g_feats = None if feats is None else feats[:, None]
    else:
        fi = _fps(xyz, npoint)
        new_xyz = jnp.take_along_axis(xyz, fi[:, :, None], axis=1)
        new_loa = jnp.take_along_axis(loa, fi[:, :, None], axis=1)
        idx = _knn(new_xyz, xyz, nsample)
        g_xyz = _group(xyz, idx)
        g_loa = _group(loa, idx)
        g_feats = None if feats is None else _group(feats, idx)
    ri = _ri_feats(new_xyz, new_loa, g_xyz, g_loa)
    h = jax.nn.relu(ri @ Wri + bri)
    if g_feats is not None:
        h = jnp.concatenate([h, g_feats], -1)
    h = jax.nn.relu(h @ W0 + b0)
    return new_xyz, new_loa, jnp.max(h, axis=2)


def _forward(xyz, params):
    B = xyz.shape[0]
    loa = compute_LOA(xyz)
    C, L, F = xyz, loa, None
    for m in range(1, 6):
        gcm = (m == 5)
        np_, ns_ = (None, None) if gcm else (NPOINTS[m - 1], NSAMPLES[m - 1])
        C, L, F = _rcri_cm(C, L, F, np_, ns_,
                           params['m%d_Wri' % m], params['m%d_bri' % m],
                           params['m%d_W0' % m], params['m%d_b0' % m], gcm)
    F5 = F
    x = F5.reshape(B, 512)
    # dropout is identity in eval; BN with running stats (mean 0, var 1) is affine
    x = jax.nn.relu(params['bn1_g'] * (x @ params['fc1_W'] + params['fc1_b']) + params['bn1_b'])
    x = jax.nn.relu(params['bn2_g'] * (x @ params['fc2_W'] + params['fc2_b']) + params['bn2_b'])
    x = x @ params['fc3_W'] + params['fc3_b']
    return jax.nn.log_softmax(x, -1), F5


def setup_inputs(seed: int = 0):
    key = jax.random.key(seed)
    ks = jax.random.split(key, 32)
    xyz = jax.random.normal(ks[0], (64, 1024, 3), dtype=jnp.float32)
    params = {}
    ki = 1
    for m, (ci, co) in enumerate(MLP_SPECS, start=1):
        params['m%d_Wri' % m] = jax.random.normal(ks[ki], (4, 64), dtype=jnp.float32) * 0.5; ki += 1
        params['m%d_bri' % m] = jnp.zeros((64,), dtype=jnp.float32)
        params['m%d_W0' % m] = jax.random.normal(ks[ki], (ci, co), dtype=jnp.float32) / np.sqrt(ci); ki += 1
        params['m%d_b0' % m] = jnp.zeros((co,), dtype=jnp.float32)
    for name, i, o in [('fc1', 512, 256), ('fc2', 256, 128), ('fc3', 128, 40)]:
        params[name + '_W'] = jax.random.normal(ks[ki], (i, o), dtype=jnp.float32) / np.sqrt(i); ki += 1
        params[name + '_b'] = jnp.zeros((o,), dtype=jnp.float32)
    for name, c in [('bn1', 256), ('bn2', 128)]:
        params[name + '_g'] = jnp.ones((c,), dtype=jnp.float32)
        params[name + '_b'] = jnp.zeros((c,), dtype=jnp.float32)
    return {'xyz': xyz, 'params': params}


def reference(xyz, params):
    return _forward(xyz, params)

if __name__ == "__main__":
    import jax
    _d = setup_inputs()
    print(jax.jit(kernel)(*tuple(_d.values())))

</pallas_src>

<mosaic_0001>
#map = affine_map<(d0, d1) -> (0, 0, 0)>
module attributes {stable_mosaic.version = 14 : i64} {
  func.func @k(%arg0: i32, %arg1: i32, %arg2: memref<3x64x1024xf32, #tpu.memory_space<hbm>>, %arg3: memref<3x64x1024xf32, #tpu.memory_space<hbm>>, %arg4: memref<64x6x256xf32, #tpu.memory_space<hbm>>, %arg5: memref<64x6x128xf32, #tpu.memory_space<hbm>>, %arg6: memref<64x6x64xf32, #tpu.memory_space<hbm>>, %arg7: memref<64x6x32xf32, #tpu.memory_space<hbm>>, %arg8: memref<1024xf32, #tpu.memory_space<vmem>>, %arg9: memref<1024xf32, #tpu.memory_space<vmem>>, %arg10: memref<1024xf32, #tpu.memory_space<vmem>>, %arg11: memref<1024xf32, #tpu.memory_space<vmem>>, %arg12: memref<1024xf32, #tpu.memory_space<vmem>>, %arg13: memref<1024xf32, #tpu.memory_space<vmem>>, %arg14: memref<256xf32, #tpu.memory_space<vmem>>, %arg15: memref<256xf32, #tpu.memory_space<vmem>>, %arg16: memref<256xf32, #tpu.memory_space<vmem>>, %arg17: memref<256xf32, #tpu.memory_space<vmem>>, %arg18: memref<256xf32, #tpu.memory_space<vmem>>, %arg19: memref<256xf32, #tpu.memory_space<vmem>>, %arg20: memref<128xf32, #tpu.memory_space<vmem>>, %arg21: memref<128xf32, #tpu.memory_space<vmem>>, %arg22: memref<128xf32, #tpu.memory_space<vmem>>, %arg23: memref<128xf32, #tpu.memory_space<vmem>>, %arg24: memref<128xf32, #tpu.memory_space<vmem>>, %arg25: memref<128xf32, #tpu.memory_space<vmem>>, %arg26: memref<64xf32, #tpu.memory_space<vmem>>, %arg27: memref<64xf32, #tpu.memory_space<vmem>>, %arg28: memref<64xf32, #tpu.memory_space<vmem>>, %arg29: memref<64xf32, #tpu.memory_space<vmem>>, %arg30: memref<64xf32, #tpu.memory_space<vmem>>, %arg31: memref<64xf32, #tpu.memory_space<vmem>>, %arg32: memref<32xf32, #tpu.memory_space<vmem>>, %arg33: memref<32xf32, #tpu.memory_space<vmem>>, %arg34: memref<32xf32, #tpu.memory_space<vmem>>, %arg35: memref<32xf32, #tpu.memory_space<vmem>>, %arg36: memref<32xf32, #tpu.memory_space<vmem>>, %arg37: memref<32xf32, #tpu.memory_space<vmem>>, %arg38: memref<1024xf32, #tpu.memory_space<vmem>>, %arg39: memref<32xf32, #tpu.memory_space<vmem>>) attributes {dimension_semantics = [#tpu.dimension_semantics<core_parallel>, #tpu.dimension_semantics<subcore_parallel>], iteration_bounds = array<i64: 2, 16>, scalar_prefetch = 0 : i64, scratch_operands = 32 : i64, tpu.core_type = #tpu.core_type<sc_vector_subcore>, window_params = [{transform_indices = #map}, {transform_indices = #map}, {transform_indices = #map}, {transform_indices = #map}, {transform_indices = #map}, {transform_indices = #map}]} {
    %mul3A = arith.constant 2 : i32
    %mul3A_0 = arith.muli %arg1, %mul3A : i32
    %add3A = arith.addi %mul3A_0, %arg0 : i32
    %scan3A = arith.constant 0 : i32
    %scan3A_1 = arith.constant 0 : i32
    %scan3A_2 = arith.constant 2 : i32
    %scan3A_3 = arith.addi %scan3A_1, %scan3A_2 : i32
    %scan3A_4 = arith.constant 1 : i32
    scf.for %scan3A_6 = %scan3A_1 to %scan3A_3 step %scan3A_4  : i32 {
      %mul3A_7 = arith.constant 2 : i32
      %mul3A_8 = arith.muli %add3A, %mul3A_7 : i32
      %add3A_9 = arith.addi %mul3A_8, %scan3A_6 : i32
      %run_scoped3A = arith.constant 0 : i32
      "tpu.region"() ({
        %run_scoped3A_94 = tpu.sem_alloc : memref<!tpu.dma_semaphore, #tpu.memory_space<semaphore_mem>>
        %dma_start3A = arith.constant 0 : i32
        %dma_start3A_95 = tpu.memref_slice %arg2[%run_scoped3A, %add3A_9, %dma_start3A] : memref<3x64x1024xf32, #tpu.memory_space<hbm>> -> memref<1x1x1024xf32, #tpu.memory_space<hbm>>
        %dma_start3A_96 = tpu.memref_squeeze %dma_start3A_95 : memref<1x1x1024xf32, #tpu.memory_space<hbm>> -> memref<1024xf32, #tpu.memory_space<hbm>>
        %dma_start3A_97 = arith.constant 0 : i32
        %dma_start3A_98 = tpu.memref_slice %arg2[%run_scoped3A, %add3A_9, %dma_start3A_97] : memref<3x64x1024xf32, #tpu.memory_space<hbm>> -> memref<1x1x1024xf32, #tpu.memory_space<hbm>>
        %dma_start3A_99 = tpu.memref_squeeze %dma_start3A_98 : memref<1x1x1024xf32, #tpu.memory_space<hbm>> -> memref<1024xf32, #tpu.memory_space<hbm>>
        tpu.enqueue_dma source(%dma_start3A_99 : memref<1024xf32, #tpu.memory_space<hbm>>) target(%arg8 : memref<1024xf32, #tpu.memory_space<vmem>>) target_semaphore(%run_scoped3A_94 : memref<!tpu.dma_semaphore, #tpu.memory_space<semaphore_mem>>)
        %dma_wait3A = arith.constant 0 : i32
        %dma_wait3A_100 = tpu.memref_slice %arg2[%run_scoped3A, %add3A_9, %dma_wait3A] : memref<3x64x1024xf32, #tpu.memory_space<hbm>> -> memref<1x1x1024xf32, #tpu.memory_space<hbm>>
        %dma_wait3A_101 = tpu.memref_squeeze %dma_wait3A_100 : memref<1x1x1024xf32, #tpu.memory_space<hbm>> -> memref<1024xf32, #tpu.memory_space<hbm>>
        %dma_wait3A_102 = arith.constant 0 : i32
        %dma_wait3A_103 = tpu.memref_slice %arg2[%run_scoped3A, %add3A_9, %dma_wait3A_102] : memref<3x64x1024xf32, #tpu.memory_space<hbm>> -> memref<1x1x1024xf32, #tpu.memory_space<hbm>>
        %dma_wait3A_104 = tpu.memref_squeeze %dma_wait3A_103 : memref<1x1x1024xf32, #tpu.memory_space<hbm>> -> memref<1024xf32, #tpu.memory_space<hbm>>
        tpu.wait_dma2 semaphore(%run_scoped3A_94 : memref<!tpu.dma_semaphore, #tpu.memory_space<semaphore_mem>>) src(%dma_wait3A_104 : memref<1024xf32, #tpu.memory_space<hbm>>) dst(%arg8 : memref<1024xf32, #tpu.memory_space<vmem>>)
        tpu.yield
      }) : () -> ()
      %run_scoped3A_10 = arith.constant 0 : i32
      "tpu.region"() ({
        %run_scoped3A_94 = tpu.sem_alloc : memref<!tpu.dma_semaphore, #tpu.memory_space<semaphore_mem>>
        %dma_start3A = arith.constant 0 : i32
        %dma_start3A_95 = tpu.memref_slice %arg3[%run_scoped3A_10, %add3A_9, %dma_start3A] : memref<3x64x1024xf32, #tpu.memory_space<hbm>> -> memref<1x1x1024xf32, #tpu.memory_space<hbm>>
        %dma_start3A_96 = tpu.memref_squeeze %dma_start3A_95 : memref<1x1x1024xf32, #tpu.memory_space<hbm>> -> memref<1024xf32, #tpu.memory_space<hbm>>
        %dma_start3A_97 = arith.constant 0 : i32
        %dma_start3A_98 = tpu.memref_slice %arg3[%run_scoped3A_10, %add3A_9, %dma_start3A_97] : memref<3x64x1024xf32, #tpu.memory_space<hbm>> -> memref<1x1x1024xf32, #tpu.memory_space<hbm>>
        %dma_start3A_99 = tpu.memref_squeeze %dma_start3A_98 : memref<1x1x1024xf32, #tpu.memory_space<hbm>> -> memref<1024xf32, #tpu.memory_space<hbm>>
        tpu.enqueue_dma source(%dma_start3A_99 : memref<1024xf32, #tpu.memory_space<hbm>>) target(%arg11 : memref<1024xf32, #tpu.memory_space<vmem>>) target_semaphore(%run_scoped3A_94 : memref<!tpu.dma_semaphore, #tpu.memory_space<semaphore_mem>>)
        %dma_wait3A = arith.constant 0 : i32
        %dma_wait3A_100 = tpu.memref_slice %arg3[%run_scoped3A_10, %add3A_9, %dma_wait3A] : memref<3x64x1024xf32, #tpu.memory_space<hbm>> -> memref<1x1x1024xf32, #tpu.memory_space<hbm>>
        %dma_wait3A_101 = tpu.memref_squeeze %dma_wait3A_100 : memref<1x1x1024xf32, #tpu.memory_space<hbm>> -> memref<1024xf32, #tpu.memory_space<hbm>>
        %dma_wait3A_102 = arith.constant 0 : i32
        %dma_wait3A_103 = tpu.memref_slice %arg3[%run_scoped3A_10, %add3A_9, %dma_wait3A_102] : memref<3x64x1024xf32, #tpu.memory_space<hbm>> -> memref<1x1x1024xf32, #tpu.memory_space<hbm>>
        %dma_wait3A_104 = tpu.memref_squeeze %dma_wait3A_103 : memref<1x1x1024xf32, #tpu.memory_space<hbm>> -> memref<1024xf32, #tpu.memory_space<hbm>>
        tpu.wait_dma2 semaphore(%run_scoped3A_94 : memref<!tpu.dma_semaphore, #tpu.memory_space<semaphore_mem>>) src(%dma_wait3A_104 : memref<1024xf32, #tpu.memory_space<hbm>>) dst(%arg11 : memref<1024xf32, #tpu.memory_space<vmem>>)
        tpu.yield
      }) : () -> ()
      %run_scoped3A_11 = arith.constant 1 : i32
      "tpu.region"() ({
        %run_scoped3A_94 = tpu.sem_alloc : memref<!tpu.dma_semaphore, #tpu.memory_space<semaphore_mem>>
        %dma_start3A = arith.constant 0 : i32
        %dma_start3A_95 = tpu.memref_slice %arg2[%run_scoped3A_11, %add3A_9, %dma_start3A] : memref<3x64x1024xf32, #tpu.memory_space<hbm>> -> memref<1x1x1024xf32, #tpu.memory_space<hbm>>
        %dma_start3A_96 = tpu.memref_squeeze %dma_start3A_95 : memref<1x1x1024xf32, #tpu.memory_space<hbm>> -> memref<1024xf32, #tpu.memory_space<hbm>>
        %dma_start3A_97 = arith.constant 0 : i32
        %dma_start3A_98 = tpu.memref_slice %arg2[%run_scoped3A_11, %add3A_9, %dma_start3A_97] : memref<3x64x1024xf32, #tpu.memory_space<hbm>> -> memref<1x1x1024xf32, #tpu.memory_space<hbm>>
        %dma_start3A_99 = tpu.memref_squeeze %dma_start3A_98 : memref<1x1x1024xf32, #tpu.memory_space<hbm>> -> memref<1024xf32, #tpu.memory_space<hbm>>
        tpu.enqueue_dma source(%dma_start3A_99 : memref<1024xf32, #tpu.memory_space<hbm>>) target(%arg9 : memref<1024xf32, #tpu.memory_space<vmem>>) target_semaphore(%run_scoped3A_94 : memref<!tpu.dma_semaphore, #tpu.memory_space<semaphore_mem>>)
        %dma_wait3A = arith.constant 0 : i32
        %dma_wait3A_100 = tpu.memref_slice %arg2[%run_scoped3A_11, %add3A_9, %dma_wait3A] : memref<3x64x1024xf32, #tpu.memory_space<hbm>> -> memref<1x1x1024xf32, #tpu.memory_space<hbm>>
        %dma_wait3A_101 = tpu.memref_squeeze %dma_wait3A_100 : memref<1x1x1024xf32, #tpu.memory_space<hbm>> -> memref<1024xf32, #tpu.memory_space<hbm>>
        %dma_wait3A_102 = arith.constant 0 : i32
        %dma_wait3A_103 = tpu.memref_slice %arg2[%run_scoped3A_11, %add3A_9, %dma_wait3A_102] : memref<3x64x1024xf32, #tpu.memory_space<hbm>> -> memref<1x1x1024xf32, #tpu.memory_space<hbm>>
        %dma_wait3A_104 = tpu.memref_squeeze %dma_wait3A_103 : memref<1x1x1024xf32, #tpu.memory_space<hbm>> -> memref<1024xf32, #tpu.memory_space<hbm>>
        tpu.wait_dma2 semaphore(%run_scoped3A_94 : memref<!tpu.dma_semaphore, #tpu.memory_space<semaphore_mem>>) src(%dma_wait3A_104 : memref<1024xf32, #tpu.memory_space<hbm>>) dst(%arg9 : memref<1024xf32, #tpu.memory_space<vmem>>)
        tpu.yield
      }) : () -> ()
      %run_scoped3A_12 = arith.constant 1 : i32
      "tpu.region"() ({
        %run_scoped3A_94 = tpu.sem_alloc : memref<!tpu.dma_semaphore, #tpu.memory_space<semaphore_mem>>
        %dma_start3A = arith.constant 0 : i32
        %dma_start3A_95 = tpu.memref_slice %arg3[%run_scoped3A_12, %add3A_9, %dma_start3A] : memref<3x64x1024xf32, #tpu.memory_space<hbm>> -> memref<1x1x1024xf32, #tpu.memory_space<hbm>>
        %dma_start3A_96 = tpu.memref_squeeze %dma_start3A_95 : memref<1x1x1024xf32, #tpu.memory_space<hbm>> -> memref<1024xf32, #tpu.memory_space<hbm>>
        %dma_start3A_97 = arith.constant 0 : i32
        %dma_start3A_98 = tpu.memref_slice %arg3[%run_scoped3A_12, %add3A_9, %dma_start3A_97] : memref<3x64x1024xf32, #tpu.memory_space<hbm>> -> memref<1x1x1024xf32, #tpu.memory_space<hbm>>
        %dma_start3A_99 = tpu.memref_squeeze %dma_start3A_98 : memref<1x1x1024xf32, #tpu.memory_space<hbm>> -> memref<1024xf32, #tpu.memory_space<hbm>>
        tpu.enqueue_dma source(%dma_start3A_99 : memref<1024xf32, #tpu.memory_space<hbm>>) target(%arg12 : memref<1024xf32, #tpu.memory_space<vmem>>) target_semaphore(%run_scoped3A_94 : memref<!tpu.dma_semaphore, #tpu.memory_space<semaphore_mem>>)
        %dma_wait3A = arith.constant 0 : i32
        %dma_wait3A_100 = tpu.memref_slice %arg3[%run_scoped3A_12, %add3A_9, %dma_wait3A] : memref<3x64x1024xf32, #tpu.memory_space<hbm>> -> memref<1x1x1024xf32, #tpu.memory_space<hbm>>
        %dma_wait3A_101 = tpu.memref_squeeze %dma_wait3A_100 : memref<1x1x1024xf32, #tpu.memory_space<hbm>> -> memref<1024xf32, #tpu.memory_space<hbm>>
        %dma_wait3A_102 = arith.constant 0 : i32
        %dma_wait3A_103 = tpu.memref_slice %arg3[%run_scoped3A_12, %add3A_9, %dma_wait3A_102] : memref<3x64x1024xf32, #tpu.memory_space<hbm>> -> memref<1x1x1024xf32, #tpu.memory_space<hbm>>
        %dma_wait3A_104 = tpu.memref_squeeze %dma_wait3A_103 : memref<1x1x1024xf32, #tpu.memory_space<hbm>> -> memref<1024xf32, #tpu.memory_space<hbm>>
        tpu.wait_dma2 semaphore(%run_scoped3A_94 : memref<!tpu.dma_semaphore, #tpu.memory_space<semaphore_mem>>) src(%dma_wait3A_104 : memref<1024xf32, #tpu.memory_space<hbm>>) dst(%arg12 : memref<1024xf32, #tpu.memory_space<vmem>>)
        tpu.yield
      }) : () -> ()
      %run_scoped3A_13 = arith.constant 2 : i32
      "tpu.region"() ({
        %run_scoped3A_94 = tpu.sem_alloc : memref<!tpu.dma_semaphore, #tpu.memory_space<semaphore_mem>>
        %dma_start3A = arith.constant 0 : i32
        %dma_start3A_95 = tpu.memref_slice %arg2[%run_scoped3A_13, %add3A_9, %dma_start3A] : memref<3x64x1024xf32, #tpu.memory_space<hbm>> -> memref<1x1x1024xf32, #tpu.memory_space<hbm>>
        %dma_start3A_96 = tpu.memref_squeeze %dma_start3A_95 : memref<1x1x1024xf32, #tpu.memory_space<hbm>> -> memref<1024xf32, #tpu.memory_space<hbm>>
        %dma_start3A_97 = arith.constant 0 : i32
        %dma_start3A_98 = tpu.memref_slice %arg2[%run_scoped3A_13, %add3A_9, %dma_start3A_97] : memref<3x64x1024xf32, #tpu.memory_space<hbm>> -> memref<1x1x1024xf32, #tpu.memory_space<hbm>>
        %dma_start3A_99 = tpu.memref_squeeze %dma_start3A_98 : memref<1x1x1024xf32, #tpu.memory_space<hbm>> -> memref<1024xf32, #tpu.memory_space<hbm>>
        tpu.enqueue_dma source(%dma_start3A_99 : memref<1024xf32, #tpu.memory_space<hbm>>) target(%arg10 : memref<1024xf32, #tpu.memory_space<vmem>>) target_semaphore(%run_scoped3A_94 : memref<!tpu.dma_semaphore, #tpu.memory_space<semaphore_mem>>)
        %dma_wait3A = arith.constant 0 : i32
        %dma_wait3A_100 = tpu.memref_slice %arg2[%run_scoped3A_13, %add3A_9, %dma_wait3A] : memref<3x64x1024xf32, #tpu.memory_space<hbm>> -> memref<1x1x1024xf32, #tpu.memory_space<hbm>>
        %dma_wait3A_101 = tpu.memref_squeeze %dma_wait3A_100 : memref<1x1x1024xf32, #tpu.memory_space<hbm>> -> memref<1024xf32, #tpu.memory_space<hbm>>
        %dma_wait3A_102 = arith.constant 0 : i32
        %dma_wait3A_103 = tpu.memref_slice %arg2[%run_scoped3A_13, %add3A_9, %dma_wait3A_102] : memref<3x64x1024xf32, #tpu.memory_space<hbm>> -> memref<1x1x1024xf32, #tpu.memory_space<hbm>>
        %dma_wait3A_104 = tpu.memref_squeeze %dma_wait3A_103 : memref<1x1x1024xf32, #tpu.memory_space<hbm>> -> memref<1024xf32, #tpu.memory_space<hbm>>
        tpu.wait_dma2 semaphore(%run_scoped3A_94 : memref<!tpu.dma_semaphore, #tpu.memory_space<semaphore_mem>>) src(%dma_wait3A_104 : memref<1024xf32, #tpu.memory_space<hbm>>) dst(%arg10 : memref<1024xf32, #tpu.memory_space<vmem>>)
        tpu.yield
      }) : () -> ()
      %run_scoped3A_14 = arith.constant 2 : i32
      "tpu.region"() ({
        %run_scoped3A_94 = tpu.sem_alloc : memref<!tpu.dma_semaphore, #tpu.memory_space<semaphore_mem>>
        %dma_start3A = arith.constant 0 : i32
        %dma_start3A_95 = tpu.memref_slice %arg3[%run_scoped3A_14, %add3A_9, %dma_start3A] : memref<3x64x1024xf32, #tpu.memory_space<hbm>> -> memref<1x1x1024xf32, #tpu.memory_space<hbm>>
        %dma_start3A_96 = tpu.memref_squeeze %dma_start3A_95 : memref<1x1x1024xf32, #tpu.memory_space<hbm>> -> memref<1024xf32, #tpu.memory_space<hbm>>
        %dma_start3A_97 = arith.constant 0 : i32
        %dma_start3A_98 = tpu.memref_slice %arg3[%run_scoped3A_14, %add3A_9, %dma_start3A_97] : memref<3x64x1024xf32, #tpu.memory_space<hbm>> -> memref<1x1x1024xf32, #tpu.memory_space<hbm>>
        %dma_start3A_99 = tpu.memref_squeeze %dma_start3A_98 : memref<1x1x1024xf32, #tpu.memory_space<hbm>> -> memref<1024xf32, #tpu.memory_space<hbm>>
        tpu.enqueue_dma source(%dma_start3A_99 : memref<1024xf32, #tpu.memory_space<hbm>>) target(%arg13 : memref<1024xf32, #tpu.memory_space<vmem>>) target_semaphore(%run_scoped3A_94 : memref<!tpu.dma_semaphore, #tpu.memory_space<semaphore_mem>>)
        %dma_wait3A = arith.constant 0 : i32
        %dma_wait3A_100 = tpu.memref_slice %arg3[%run_scoped3A_14, %add3A_9, %dma_wait3A] : memref<3x64x1024xf32, #tpu.memory_space<hbm>> -> memref<1x1x1024xf32, #tpu.memory_space<hbm>>
        %dma_wait3A_101 = tpu.memref_squeeze %dma_wait3A_100 : memref<1x1x1024xf32, #tpu.memory_space<hbm>> -> memref<1024xf32, #tpu.memory_space<hbm>>
        %dma_wait3A_102 = arith.constant 0 : i32
        %dma_wait3A_103 = tpu.memref_slice %arg3[%run_scoped3A_14, %add3A_9, %dma_wait3A_102] : memref<3x64x1024xf32, #tpu.memory_space<hbm>> -> memref<1x1x1024xf32, #tpu.memory_space<hbm>>
        %dma_wait3A_104 = tpu.memref_squeeze %dma_wait3A_103 : memref<1x1x1024xf32, #tpu.memory_space<hbm>> -> memref<1024xf32, #tpu.memory_space<hbm>>
        tpu.wait_dma2 semaphore(%run_scoped3A_94 : memref<!tpu.dma_semaphore, #tpu.memory_space<semaphore_mem>>) src(%dma_wait3A_104 : memref<1024xf32, #tpu.memory_space<hbm>>) dst(%arg13 : memref<1024xf32, #tpu.memory_space<vmem>>)
        tpu.yield
      }) : () -> ()
      %iota3A = tpu.iota {dimensions = array<i32: 0>} : vector<16xi32>
      %scan3A_15 = arith.constant 0 : i32
      %scan3A_16 = arith.constant 0 : i32
      %scan3A_17 = arith.constant 64 : i32
      %scan3A_18 = arith.addi %scan3A_16, %scan3A_17 : i32
      %scan3A_19 = arith.constant 1 : i32
      scf.for %scan3A_94 = %scan3A_16 to %scan3A_18 step %scan3A_19  : i32 {
        %broadcast_in_dim3A = arith.constant 1.000000e+10 : f32
        %broadcast_in_dim3A_95 = vector.broadcast %broadcast_in_dim3A : f32 to vector<16xf32>
        %mul3A_96 = arith.constant 16 : i32
        %mul3A_97 = arith.muli %scan3A_94, %mul3A_96 : i32
        %swap3A = arith.index_cast %mul3A_97 : i32 to index
        %swap3A_98 = tpu.vector_load %arg38[%swap3A] {strides = array<i32>} : memref<1024xf32, #tpu.memory_space<vmem>>, vector<16xf32>,
        %swap3A_99 = vector.shape_cast %swap3A_98 : vector<16xf32> to vector<16xf32>
        %swap3A_100 = vector.shape_cast %broadcast_in_dim3A_95 : vector<16xf32> to vector<16xf32>
        tpu.vector_store %arg38[%swap3A], %swap3A_100 {strides = array<i32>} : memref<1024xf32, #tpu.memory_space<vmem>>, vector<16xf32>,
      }
      %scan3A_20 = arith.constant 64 : i32
      %scan3A_21 = arith.constant 0 : i32
      %scan3A_22 = arith.constant 0 : i32
      %scan3A_23 = arith.constant 256 : i32
      %scan3A_24 = arith.addi %scan3A_22, %scan3A_23 : i32
      %scan3A_25 = arith.constant 1 : i32
      %scan3A_26 = scf.for %scan3A_94 = %scan3A_22 to %scan3A_24 step %scan3A_25 iter_args(%scan3A_95 = %scan3A_21) -> (i32)  : i32 {
        %get3A = arith.index_cast %scan3A_95 : i32 to index
        %get3A_96 = tpu.vector_load %arg8[%get3A] {strides = array<i32>} : memref<1024xf32, #tpu.memory_space<vmem>>, vector<16xf32>,
        %get3A_97 = vector.shape_cast %get3A_96 : vector<16xf32> to vector<16xf32>
        %slice3A = vector.extract_strided_slice %get3A_97 {offsets = [0], sizes = [1], strides = [1]} : vector<16xf32> to vector<1xf32>
        %squeeze3A = vector.extract %slice3A[0] : f32 from vector<1xf32>
        %get3A_98 = arith.index_cast %scan3A_95 : i32 to index
        %get3A_99 = tpu.vector_load %arg9[%get3A_98] {strides = array<i32>} : memref<1024xf32, #tpu.memory_space<vmem>>, vector<16xf32>,
        %get3A_100 = vector.shape_cast %get3A_99 : vector<16xf32> to vector<16xf32>
        %slice3A_101 = vector.extract_strided_slice %get3A_100 {offsets = [0], sizes = [1], strides = [1]} : vector<16xf32> to vector<1xf32>
        %squeeze3A_102 = vector.extract %slice3A_101[0] : f32 from vector<1xf32>
        %get3A_103 = arith.index_cast %scan3A_95 : i32 to index
        %get3A_104 = tpu.vector_load %arg10[%get3A_103] {strides = array<i32>} : memref<1024xf32, #tpu.memory_space<vmem>>, vector<16xf32>,
        %get3A_105 = vector.shape_cast %get3A_104 : vector<16xf32> to vector<16xf32>
        %slice3A_106 = vector.extract_strided_slice %get3A_105 {offsets = [0], sizes = [1], strides = [1]} : vector<16xf32> to vector<1xf32>
        %squeeze3A_107 = vector.extract %slice3A_106[0] : f32 from vector<1xf32>
        %get3A_108 = arith.index_cast %scan3A_95 : i32 to index
        %get3A_109 = tpu.vector_load %arg11[%get3A_108] {strides = array<i32>} : memref<1024xf32, #tpu.memory_space<vmem>>, vector<16xf32>,
        %get3A_110 = vector.shape_cast %get3A_109 : vector<16xf32> to vector<16xf32>
        %slice3A_111 = vector.extract_strided_slice %get3A_110 {offsets = [0], sizes = [1], strides = [1]} : vector<16xf32> to vector<1xf32>
        %squeeze3A_112 = vector.extract %slice3A_111[0] : f32 from vector<1xf32>
        %get3A_113 = arith.index_cast %scan3A_95 : i32 to index
        %get3A_114 = tpu.vector_load %arg12[%get3A_113] {strides = array<i32>} : memref<1024xf32, #tpu.memory_space<vmem>>, vector<16xf32>,
        %get3A_115 = vector.shape_cast %get3A_114 : vector<16xf32> to vector<16xf32>
        %slice3A_116 = vector.extract_strided_slice %get3A_115 {offsets = [0], sizes = [1], strides = [1]} : vector<16xf32> to vector<1xf32>
        %squeeze3A_117 = vector.extract %slice3A_116[0] : f32 from vector<1xf32>
        %get3A_118 = arith.index_cast %scan3A_95 : i32 to index
        %get3A_119 = tpu.vector_load %arg13[%get3A_118] {strides = array<i32>} : memref<1024xf32, #tpu.memory_space<vmem>>, vector<16xf32>,
        %get3A_120 = vector.shape_cast %get3A_119 : vector<16xf32> to vector<16xf32>
        %slice3A_121 = vector.extract_strided_slice %get3A_120 {offsets = [0], sizes = [1], strides = [1]} : vector<16xf32> to vector<1xf32>
        %squeeze3A_122 = vector.extract %slice3A_121[0] : f32 from vector<1xf32>
        %jit3A = arith.constant 16 : i32
        %div3A = arith.divsi %scan3A_94, %jit3A : i32
        %sign3A = arith.constant 0 : i32
        %sign3A_123 = arith.cmpi sgt, %scan3A_94, %sign3A : i32
        %sign3A_124 = arith.extui %sign3A_123 : i1 to i32
        %sign3A_125 = arith.constant 0 : i32
        %sign3A_126 = arith.cmpi slt, %scan3A_94, %sign3A_125 : i32
        %sign3A_127 = arith.extui %sign3A_126 : i1 to i32
        %sign3A_128 = arith.subi %sign3A_124, %sign3A_127 : i32
        %sign3A_129 = arith.constant 0 : i32
        %sign3A_130 = arith.cmpi sgt, %jit3A, %sign3A_129 : i32
        %sign3A_131 = arith.extui %sign3A_130 : i1 to i32
        %sign3A_132 = arith.constant 0 : i32
        %sign3A_133 = arith.cmpi slt, %jit3A, %sign3A_132 : i32
        %sign3A_134 = arith.extui %sign3A_133 : i1 to i32
        %sign3A_135 = arith.subi %sign3A_131, %sign3A_134 : i32
        %ne3A = arith.cmpi ne, %sign3A_128, %sign3A_135 : i32
        %rem3A = arith.remsi %scan3A_94, %jit3A : i32
        %ne3A_136 = arith.constant 0 : i32
        %ne3A_137 = arith.cmpi ne, %rem3A, %ne3A_136 : i32
        %and3A = arith.andi %ne3A, %ne3A_137 : i1
        %sub3A = arith.constant 1 : i32
        %sub3A_138 = arith.subi %div3A, %sub3A : i32
        %select_n3A = arith.select %and3A, %sub3A_138, %div3A : i32
        %mul3A_139 = arith.constant 16 : i32
        %mul3A_140 = arith.muli %select_n3A, %mul3A_139 : i32
        %sub3A_141 = arith.subi %scan3A_94, %mul3A_140 : i32
        %eq3A = vector.broadcast %sub3A_141 : i32 to vector<16xi32>
        %eq3A_142 = arith.cmpi eq, %iota3A, %eq3A : vector<16xi32>
        %get3A_143 = arith.index_cast %mul3A_140 : i32 to index
        %get3A_144 = tpu.vector_load %arg14[%get3A_143] {strides = array<i32>} : memref<256xf32, #tpu.memory_space<vmem>>, vector<16xf32>,
        %get3A_145 = vector.shape_cast %get3A_144 : vector<16xf32> to vector<16xf32>
        %broadcast_in_dim3A = vector.broadcast %squeeze3A : f32 to vector<16xf32>
        %select_n3A_146 = arith.select %eq3A_142, %broadcast_in_dim3A, %get3A_145 : vector<16xi1>, vector<16xf32>
        %swap3A = arith.index_cast %mul3A_140 : i32 to index
        %swap3A_147 = tpu.vector_load %arg14[%swap3A] {strides = array<i32>} : memref<256xf32, #tpu.memory_space<vmem>>, vector<16xf32>,
        %swap3A_148 = vector.shape_cast %swap3A_147 : vector<16xf32> to vector<16xf32>
        %swap3A_149 = vector.shape_cast %select_n3A_146 : vector<16xf32> to vector<16xf32>
        tpu.vector_store %arg14[%swap3A], %swap3A_149 {strides = array<i32>} : memref<256xf32, #tpu.memory_space<vmem>>, vector<16xf32>,
        %get3A_150 = arith.index_cast %mul3A_140 : i32 to index
        %get3A_151 = tpu.vector_load %arg15[%get3A_150] {strides = array<i32>} : memref<256xf32, #tpu.memory_space<vmem>>, vector<16xf32>,
        %get3A_152 = vector.shape_cast %get3A_151 : vector<16xf32> to vector<16xf32>
        %broadcast_in_dim3A_153 = vector.broadcast %squeeze3A_102 : f32 to vector<16xf32>
        %select_n3A_154 = arith.select %eq3A_142, %broadcast_in_dim3A_153, %get3A_152 : vector<16xi1>, vector<16xf32>
        %swap3A_155 = arith.index_cast %mul3A_140 : i32 to index
        %swap3A_156 = tpu.vector_load %arg15[%swap3A_155] {strides = array<i32>} : memref<256xf32, #tpu.memory_space<vmem>>, vector<16xf32>,
        %swap3A_157 = vector.shape_cast %swap3A_156 : vector<16xf32> to vector<16xf32>
        %swap3A_158 = vector.shape_cast %select_n3A_154 : vector<16xf32> to vector<16xf32>
        tpu.vector_store %arg15[%swap3A_155], %swap3A_158 {strides = array<i32>} : memref<256xf32, #tpu.memory_space<vmem>>, vector<16xf32>,
        %get3A_159 = arith.index_cast %mul3A_140 : i32 to index
        %get3A_160 = tpu.vector_load %arg16[%get3A_159] {strides = array<i32>} : memref<256xf32, #tpu.memory_space<vmem>>, vector<16xf32>,
        %get3A_161 = vector.shape_cast %get3A_160 : vector<16xf32> to vector<16xf32>
        %broadcast_in_dim3A_162 = vector.broadcast %squeeze3A_107 : f32 to vector<16xf32>
        %select_n3A_163 = arith.select %eq3A_142, %broadcast_in_dim3A_162, %get3A_161 : vector<16xi1>, vector<16xf32>
        %swap3A_164 = arith.index_cast %mul3A_140 : i32 to index
        %swap3A_165 = tpu.vector_load %arg16[%swap3A_164] {strides = array<i32>} : memref<256xf32, #tpu.memory_space<vmem>>, vector<16xf32>,
        %swap3A_166 = vector.shape_cast %swap3A_165 : vector<16xf32> to vector<16xf32>
        %swap3A_167 = vector.shape_cast %select_n3A_163 : vector<16xf32> to vector<16xf32>
        tpu.vector_store %arg16[%swap3A_164], %swap3A_167 {strides = array<i32>} : memref<256xf32, #tpu.memory_space<vmem>>, vector<16xf32>,
        %get3A_168 = arith.index_cast %mul3A_140 : i32 to index
        %get3A_169 = tpu.vector_load %arg17[%get3A_168] {strides = array<i32>} : memref<256xf32, #tpu.memory_space<vmem>>, vector<16xf32>,
        %get3A_170 = vector.shape_cast %get3A_169 : vector<16xf32> to vector<16xf32>
        %broadcast_in_dim3A_171 = vector.broadcast %squeeze3A_112 : f32 to vector<16xf32>
        %select_n3A_172 = arith.select %eq3A_142, %broadcast_in_dim3A_171, %get3A_170 : vector<16xi1>, vector<16xf32>
        %swap3A_173 = arith.index_cast %mul3A_140 : i32 to index
        %swap3A_174 = tpu.vector_load %arg17[%swap3A_173] {strides = array<i32>} : memref<256xf32, #tpu.memory_space<vmem>>, vector<16xf32>,
        %swap3A_175 = vector.shape_cast %swap3A_174 : vector<16xf32> to vector<16xf32>
        %swap3A_176 = vector.shape_cast %select_n3A_172 : vector<16xf32> to vector<16xf32>
        tpu.vector_store %arg17[%swap3A_173], %swap3A_176 {strides = array<i32>} : memref<256xf32, #tpu.memory_space<vmem>>, vector<16xf32>,
        %get3A_177 = arith.index_cast %mul3A_140 : i32 to index
        %get3A_178 = tpu.vector_load %arg18[%get3A_177] {strides = array<i32>} : memref<256xf32, #tpu.memory_space<vmem>>, vector<16xf32>,
        %get3A_179 = vector.shape_cast %get3A_178 : vector<16xf32> to vector<16xf32>
        %broadcast_in_dim3A_180 = vector.broadcast %squeeze3A_117 : f32 to vector<16xf32>
        %select_n3A_181 = arith.select %eq3A_142, %broadcast_in_dim3A_180, %get3A_179 : vector<16xi1>, vector<16xf32>
        %swap3A_182 = arith.index_cast %mul3A_140 : i32 to index
        %swap3A_183 = tpu.vector_load %arg18[%swap3A_182] {strides = array<i32>} : memref<256xf32, #tpu.memory_space<vmem>>, vector<16xf32>,
        %swap3A_184 = vector.shape_cast %swap3A_183 : vector<16xf32> to vector<16xf32>
        %swap3A_185 = vector.shape_cast %select_n3A_181 : vector<16xf32> to vector<16xf32>
        tpu.vector_store %arg18[%swap3A_182], %swap3A_185 {strides = array<i32>} : memref<256xf32, #tpu.memory_space<vmem>>, vector<16xf32>,
        %get3A_186 = arith.index_cast %mul3A_140 : i32 to index
        %get3A_187 = tpu.vector_load %arg19[%get3A_186] {strides = array<i32>} : memref<256xf32, #tpu.memory_space<vmem>>, vector<16xf32>,
        %get3A_188 = vector.shape_cast %get3A_187 : vector<16xf32> to vector<16xf32>
        %broadcast_in_dim3A_189 = vector.broadcast %squeeze3A_122 : f32 to vector<16xf32>
        %select_n3A_190 = arith.select %eq3A_142, %broadcast_in_dim3A_189, %get3A_188 : vector<16xi1>, vector<16xf32>
        %swap3A_191 = arith.index_cast %mul3A_140 : i32 to index
        %swap3A_192 = tpu.vector_load %arg19[%swap3A_191] {strides = array<i32>} : memref<256xf32, #tpu.memory_space<vmem>>, vector<16xf32>,
        %swap3A_193 = vector.shape_cast %swap3A_192 : vector<16xf32> to vector<16xf32>
        %swap3A_194 = vector.shape_cast %select_n3A_190 : vector<16xf32> to vector<16xf32>
        tpu.vector_store %arg19[%swap3A_191], %swap3A_194 {strides = array<i32>} : memref<256xf32, #tpu.memory_space<vmem>>, vector<16xf32>,
        %broadcast_in_dim3A_195 = vector.broadcast %squeeze3A : f32 to vector<16xf32>
        %broadcast_in_dim3A_196 = vector.broadcast %squeeze3A_102 : f32 to vector<16xf32>
        %broadcast_in_dim3A_197 = vector.broadcast %squeeze3A_107 : f32 to vector<16xf32>
        %broadcast_in_dim3A_198 = arith.constant -1.000000e+00 : f32
        %broadcast_in_dim3A_199 = vector.broadcast %broadcast_in_dim3A_198 : f32 to vector<16xf32>
        %broadcast_in_dim3A_200 = arith.constant 0 : i32
        %broadcast_in_dim3A_201 = vector.broadcast %broadcast_in_dim3A_200 : i32 to vector<16xi32>
        %scan3A_202 = arith.constant 0 : i32
        %scan3A_203 = arith.constant 64 : i32
        %scan3A_204 = arith.addi %scan3A_202, %scan3A_203 : i32
        %scan3A_205 = arith.constant 1 : i32
        %scan3A_206:2 = scf.for %scan3A_450 = %scan3A_202 to %scan3A_204 step %scan3A_205 iter_args(%scan3A_451 = %broadcast_in_dim3A_199, %scan3A_452 = %broadcast_in_dim3A_201) -> (vector<16xf32>, vector<16xi32>)  : i32 {
          %mul3A_453 = arith.constant 16 : i32
          %mul3A_454 = arith.muli %scan3A_450, %mul3A_453 : i32
          %get3A_455 = arith.index_cast %mul3A_454 : i32 to index
          %get3A_456 = tpu.vector_load %arg8[%get3A_455] {strides = array<i32>} : memref<1024xf32, #tpu.memory_space<vmem>>, vector<16xf32>,
          %get3A_457 = vector.shape_cast %get3A_456 : vector<16xf32> to vector<16xf32>
          %sub3A_458 = arith.subf %get3A_457, %broadcast_in_dim3A_195 : vector<16xf32>
          %get3A_459 = arith.index_cast %mul3A_454 : i32 to index
          %get3A_460 = tpu.vector_load %arg9[%get3A_459] {strides = array<i32>} : memref<1024xf32, #tpu.memory_space<vmem>>, vector<16xf32>,
          %get3A_461 = vector.shape_cast %get3A_460 : vector<16xf32> to vector<16xf32>
          %sub3A_462 = arith.subf %get3A_461, %broadcast_in_dim3A_196 : vector<16xf32>
          %get3A_463 = arith.index_cast %mul3A_454 : i32 to index
          %get3A_464 = tpu.vector_load %arg10[%get3A_463] {strides = array<i32>} : memref<1024xf32, #tpu.memory_space<vmem>>, vector<16xf32>,
          %get3A_465 = vector.shape_cast %get3A_464 : vector<16xf32> to vector<16xf32>
          %sub3A_466 = arith.subf %get3A_465, %broadcast_in_dim3A_197 : vector<16xf32>
          %mul3A_467 = arith.mulf %sub3A_458, %sub3A_458 : vector<16xf32>
          %mul3A_468 = arith.mulf %sub3A_462, %sub3A_462 : vector<16xf32>
          %add3A_469 = arith.addf %mul3A_467, %mul3A_468 : vector<16xf32>
          %mul3A_470 = arith.mulf %sub3A_466, %sub3A_466 : vector<16xf32>
          %add3A_471 = arith.addf %add3A_469, %mul3A_470 : vector<16xf32>
          %get3A_472 = arith.index_cast %mul3A_454 : i32 to index
          %get3A_473 = tpu.vector_load %arg38[%get3A_472] {strides = array<i32>} : memref<1024xf32, #tpu.memory_space<vmem>>, vector<16xf32>,
          %get3A_474 = vector.shape_cast %get3A_473 : vector<16xf32> to vector<16xf32>
          %min3A = arith.minimumf %get3A_474, %add3A_471 : vector<16xf32>
          %swap3A_475 = arith.index_cast %mul3A_454 : i32 to index
          %swap3A_476 = tpu.vector_load %arg38[%swap3A_475] {strides = array<i32>} : memref<1024xf32, #tpu.memory_space<vmem>>, vector<16xf32>,
          %swap3A_477 = vector.shape_cast %swap3A_476 : vector<16xf32> to vector<16xf32>
          %swap3A_478 = vector.shape_cast %min3A : vector<16xf32> to vector<16xf32>
          tpu.vector_store %arg38[%swap3A_475], %swap3A_478 {strides = array<i32>} : memref<1024xf32, #tpu.memory_space<vmem>>, vector<16xf32>,
          %gt3A_479 = arith.cmpf ogt, %min3A, %scan3A_451 : vector<16xf32>
          %select_n3A_480 = arith.select %gt3A_479, %min3A, %scan3A_451 : vector<16xi1>, vector<16xf32>
          %broadcast_in_dim3A_481 = vector.broadcast %scan3A_450 : i32 to vector<16xi32>
          %select_n3A_482 = arith.select %gt3A_479, %broadcast_in_dim3A_481, %scan3A_452 : vector<16xi1>, vector<16xi32>
          scf.yield %select_n3A_480, %select_n3A_482 : vector<16xf32>, vector<16xi32>
        }
        %scan3A_207 = arith.constant 64 : i32
        %slice3A_208 = vector.extract_strided_slice %scan3A_206#0 {offsets = [0], sizes = [1], strides = [1]} : vector<16xf32> to vector<1xf32>
        %squeeze3A_209 = vector.extract %slice3A_208[0] : f32 from vector<1xf32>
        %slice3A_210 = vector.extract_strided_slice %scan3A_206#1 {offsets = [0], sizes = [1], strides = [1]} : vector<16xi32> to vector<1xi32>
        %squeeze3A_211 = vector.extract %slice3A_210[0] : i32 from vector<1xi32>
        %mul3A_212 = arith.constant 16 : i32
        %mul3A_213 = arith.muli %squeeze3A_211, %mul3A_212 : i32
        %add3A_214 = arith.constant 0 : i32
        %add3A_215 = arith.addi %mul3A_213, %add3A_214 : i32
        %gt3A = arith.constant -1.000000e+00 : f32
        %gt3A_216 = arith.cmpf ogt, %squeeze3A_209, %gt3A : f32
        %eq3A_217 = arith.constant -1.000000e+00 : f32
        %eq3A_218 = arith.cmpf oeq, %squeeze3A_209, %eq3A_217 : f32
        %lt3A = arith.constant 0 : i32
        %lt3A_219 = arith.cmpi slt, %add3A_215, %lt3A : i32
        %and3A_220 = arith.andi %eq3A_218, %lt3A_219 : i1
        %or3A = arith.ori %gt3A_216, %and3A_220 : i1
        %jit3A_221 = arith.constant -1.000000e+00 : f32
        %select_n3A_222 = arith.select %or3A, %squeeze3A_209, %jit3A_221 : f32
        %jit3A_223 = arith.constant 0 : i32
        %select_n3A_224 = arith.select %or3A, %add3A_215, %jit3A_223 : i32
        %slice3A_225 = vector.extract_strided_slice %scan3A_206#0 {offsets = [1], sizes = [1], strides = [1]} : vector<16xf32> to vector<1xf32>
        %squeeze3A_226 = vector.extract %slice3A_225[0] : f32 from vector<1xf32>
        %slice3A_227 = vector.extract_strided_slice %scan3A_206#1 {offsets = [1], sizes = [1], strides = [1]} : vector<16xi32> to vector<1xi32>
        %squeeze3A_228 = vector.extract %slice3A_227[0] : i32 from vector<1xi32>
        %mul3A_229 = arith.constant 16 : i32
        %mul3A_230 = arith.muli %squeeze3A_228, %mul3A_229 : i32
        %add3A_231 = arith.constant 1 : i32
        %add3A_232 = arith.addi %mul3A_230, %add3A_231 : i32
        %gt3A_233 = arith.cmpf ogt, %squeeze3A_226, %select_n3A_222 : f32
        %eq3A_234 = arith.cmpf oeq, %squeeze3A_226, %select_n3A_222 : f32
        %lt3A_235 = arith.cmpi slt, %add3A_232, %select_n3A_224 : i32
        %and3A_236 = arith.andi %eq3A_234, %lt3A_235 : i1
        %or3A_237 = arith.ori %gt3A_233, %and3A_236 : i1
        %select_n3A_238 = arith.select %or3A_237, %squeeze3A_226, %select_n3A_222 : f32
        %select_n3A_239 = arith.select %or3A_237, %add3A_232, %select_n3A_224 : i32
        %slice3A_240 = vector.extract_strided_slice %scan3A_206#0 {offsets = [2], sizes = [1], strides = [1]} : vector<16xf32> to vector<1xf32>
        %squeeze3A_241 = vector.extract %slice3A_240[0] : f32 from vector<1xf32>
        %slice3A_242 = vector.extract_strided_slice %scan3A_206#1 {offsets = [2], sizes = [1], strides = [1]} : vector<16xi32> to vector<1xi32>
        %squeeze3A_243 = vector.extract %slice3A_242[0] : i32 from vector<1xi32>
        %mul3A_244 = arith.constant 16 : i32
        %mul3A_245 = arith.muli %squeeze3A_243, %mul3A_244 : i32
        %add3A_246 = arith.constant 2 : i32
        %add3A_247 = arith.addi %mul3A_245, %add3A_246 : i32
        %gt3A_248 = arith.cmpf ogt, %squeeze3A_241, %select_n3A_238 : f32
        %eq3A_249 = arith.cmpf oeq, %squeeze3A_241, %select_n3A_238 : f32
        %lt3A_250 = arith.cmpi slt, %add3A_247, %select_n3A_239 : i32
        %and3A_251 = arith.andi %eq3A_249, %lt3A_250 : i1
        %or3A_252 = arith.ori %gt3A_248, %and3A_251 : i1
        %select_n3A_253 = arith.select %or3A_252, %squeeze3A_241, %select_n3A_238 : f32
        %select_n3A_254 = arith.select %or3A_252, %add3A_247, %select_n3A_239 : i32
        %slice3A_255 = vector.extract_strided_slice %scan3A_206#0 {offsets = [3], sizes = [1], strides = [1]} : vector<16xf32> to vector<1xf32>
        %squeeze3A_256 = vector.extract %slice3A_255[0] : f32 from vector<1xf32>
        %slice3A_257 = vector.extract_strided_slice %scan3A_206#1 {offsets = [3], sizes = [1], strides = [1]} : vector<16xi32> to vector<1xi32>
        %squeeze3A_258 = vector.extract %slice3A_257[0] : i32 from vector<1xi32>
        %mul3A_259 = arith.constant 16 : i32
        %mul3A_260 = arith.muli %squeeze3A_258, %mul3A_259 : i32
        %add3A_261 = arith.constant 3 : i32
        %add3A_262 = arith.addi %mul3A_260, %add3A_261 : i32
        %gt3A_263 = arith.cmpf ogt, %squeeze3A_256, %select_n3A_253 : f32
        %eq3A_264 = arith.cmpf oeq, %squeeze3A_256, %select_n3A_253 : f32
        %lt3A_265 = arith.cmpi slt, %add3A_262, %select_n3A_254 : i32
        %and3A_266 = arith.andi %eq3A_264, %lt3A_265 : i1
        %or3A_267 = arith.ori %gt3A_263, %and3A_266 : i1
        %select_n3A_268 = arith.select %or3A_267, %squeeze3A_256, %select_n3A_253 : f32
        %select_n3A_269 = arith.select %or3A_267, %add3A_262, %select_n3A_254 : i32
        %slice3A_270 = vector.extract_strided_slice %scan3A_206#0 {offsets = [4], sizes = [1], strides = [1]} : vector<16xf32> to vector<1xf32>
        %squeeze3A_271 = vector.extract %slice3A_270[0] : f32 from vector<1xf32>
        %slice3A_272 = vector.extract_strided_slice %scan3A_206#1 {offsets = [4], sizes = [1], strides = [1]} : vector<16xi32> to vector<1xi32>
        %squeeze3A_273 = vector.extract %slice3A_272[0] : i32 from vector<1xi32>
        %mul3A_274 = arith.constant 16 : i32
        %mul3A_275 = arith.muli %squeeze3A_273, %mul3A_274 : i32
        %add3A_276 = arith.constant 4 : i32
        %add3A_277 = arith.addi %mul3A_275, %add3A_276 : i32
        %gt3A_278 = arith.cmpf ogt, %squeeze3A_271, %select_n3A_268 : f32
        %eq3A_279 = arith.cmpf oeq, %squeeze3A_271, %select_n3A_268 : f32
        %lt3A_280 = arith.cmpi slt, %add3A_277, %select_n3A_269 : i32
        %and3A_281 = arith.andi %eq3A_279, %lt3A_280 : i1
        %or3A_282 = arith.ori %gt3A_278, %and3A_281 : i1
        %select_n3A_283 = arith.select %or3A_282, %squeeze3A_271, %select_n3A_268 : f32
        %select_n3A_284 = arith.select %or3A_282, %add3A_277, %select_n3A_269 : i32
        %slice3A_285 = vector.extract_strided_slice %scan3A_206#0 {offsets = [5], sizes = [1], strides = [1]} : vector<16xf32> to vector<1xf32>
        %squeeze3A_286 = vector.extract %slice3A_285[0] : f32 from vector<1xf32>
        %slice3A_287 = vector.extract_strided_slice %scan3A_206#1 {offsets = [5], sizes = [1], strides = [1]} : vector<16xi32> to vector<1xi32>
        %squeeze3A_288 = vector.extract %slice3A_287[0] : i32 from vector<1xi32>
        %mul3A_289 = arith.constant 16 : i32
        %mul3A_290 = arith.muli %squeeze3A_288, %mul3A_289 : i32
        %add3A_291 = arith.constant 5 : i32
        %add3A_292 = arith.addi %mul3A_290, %add3A_291 : i32
        %gt3A_293 = arith.cmpf ogt, %squeeze3A_286, %select_n3A_283 : f32
        %eq3A_294 = arith.cmpf oeq, %squeeze3A_286, %select_n3A_283 : f32
        %lt3A_295 = arith.cmpi slt, %add3A_292, %select_n3A_284 : i32
        %and3A_296 = arith.andi %eq3A_294, %lt3A_295 : i1
        %or3A_297 = arith.ori %gt3A_293, %and3A_296 : i1
        %select_n3A_298 = arith.select %or3A_297, %squeeze3A_286, %select_n3A_283 : f32
        %select_n3A_299 = arith.select %or3A_297, %add3A_292, %select_n3A_284 : i32
        %slice3A_300 = vector.extract_strided_slice %scan3A_206#0 {offsets = [6], sizes = [1], strides = [1]} : vector<16xf32> to vector<1xf32>
        %squeeze3A_301 = vector.extract %slice3A_300[0] : f32 from vector<1xf32>
        %slice3A_302 = vector.extract_strided_slice %scan3A_206#1 {offsets = [6], sizes = [1], strides = [1]} : vector<16xi32> to vector<1xi32>
        %squeeze3A_303 = vector.extract %slice3A_302[0] : i32 from vector<1xi32>
        %mul3A_304 = arith.constant 16 : i32
        %mul3A_305 = arith.muli %squeeze3A_303, %mul3A_304 : i32
        %add3A_306 = arith.constant 6 : i32
        %add3A_307 = arith.addi %mul3A_305, %add3A_306 : i32
        %gt3A_308 = arith.cmpf ogt, %squeeze3A_301, %select_n3A_298 : f32
        %eq3A_309 = arith.cmpf oeq, %squeeze3A_301, %select_n3A_298 : f32
        %lt3A_310 = arith.cmpi slt, %add3A_307, %select_n3A_299 : i32
        %and3A_311 = arith.andi %eq3A_309, %lt3A_310 : i1
        %or3A_312 = arith.ori %gt3A_308, %and3A_311 : i1
        %select_n3A_313 = arith.select %or3A_312, %squeeze3A_301, %select_n3A_298 : f32
        %select_n3A_314 = arith.select %or3A_312, %add3A_307, %select_n3A_299 : i32
        %slice3A_315 = vector.extract_strided_slice %scan3A_206#0 {offsets = [7], sizes = [1], strides = [1]} : vector<16xf32> to vector<1xf32>
        %squeeze3A_316 = vector.extract %slice3A_315[0] : f32 from vector<1xf32>
        %slice3A_317 = vector.extract_strided_slice %scan3A_206#1 {offsets = [7], sizes = [1], strides = [1]} : vector<16xi32> to vector<1xi32>
        %squeeze3A_318 = vector.extract %slice3A_317[0] : i32 from vector<1xi32>
        %mul3A_319 = arith.constant 16 : i32
        %mul3A_320 = arith.muli %squeeze3A_318, %mul3A_319 : i32
        %add3A_321 = arith.constant 7 : i32
        %add3A_322 = arith.addi %mul3A_320, %add3A_321 : i32
        %gt3A_323 = arith.cmpf ogt, %squeeze3A_316, %select_n3A_313 : f32
        %eq3A_324 = arith.cmpf oeq, %squeeze3A_316, %select_n3A_313 : f32
        %lt3A_325 = arith.cmpi slt, %add3A_322, %select_n3A_314 : i32
        %and3A_326 = arith.andi %eq3A_324, %lt3A_325 : i1
        %or3A_327 = arith.ori %gt3A_323, %and3A_326 : i1
        %select_n3A_328 = arith.select %or3A_327, %squeeze3A_316, %select_n3A_313 : f32
        %select_n3A_329 = arith.select %or3A_327, %add3A_322, %select_n3A_314 : i32
        %slice3A_330 = vector.extract_strided_slice %scan3A_206#0 {offsets = [8], sizes = [1], strides = [1]} : vector<16xf32> to vector<1xf32>
        %squeeze3A_331 = vector.extract %slice3A_330[0] : f32 from vector<1xf32>
        %slice3A_332 = vector.extract_strided_slice %scan3A_206#1 {offsets = [8], sizes = [1], strides = [1]} : vector<16xi32> to vector<1xi32>
        %squeeze3A_333 = vector.extract %slice3A_332[0] : i32 from vector<1xi32>
        %mul3A_334 = arith.constant 16 : i32
        %mul3A_335 = arith.muli %squeeze3A_333, %mul3A_334 : i32
        %add3A_336 = arith.constant 8 : i32
        %add3A_337 = arith.addi %mul3A_335, %add3A_336 : i32
        %gt3A_338 = arith.cmpf ogt, %squeeze3A_331, %select_n3A_328 : f32
        %eq3A_339 = arith.cmpf oeq, %squeeze3A_331, %select_n3A_328 : f32
        %lt3A_340 = arith.cmpi slt, %add3A_337, %select_n3A_329 : i32
        %and3A_341 = arith.andi %eq3A_339, %lt3A_340 : i1
        %or3A_342 = arith.ori %gt3A_338, %and3A_341 : i1
        %select_n3A_343 = arith.select %or3A_342, %squeeze3A_331, %select_n3A_328 : f32
        %select_n3A_344 = arith.select %or3A_342, %add3A_337, %select_n3A_329 : i32
        %slice3A_345 = vector.extract_strided_slice %scan3A_206#0 {offsets = [9], sizes = [1], strides = [1]} : vector<16xf32> to vector<1xf32>
        %squeeze3A_346 = vector.extract %slice3A_345[0] : f32 from vector<1xf32>
        %slice3A_347 = vector.extract_strided_slice %scan3A_206#1 {offsets = [9], sizes = [1], strides = [1]} : vector<16xi32> to vector<1xi32>
        %squeeze3A_348 = vector.extract %slice3A_347[0] : i32 from vector<1xi32>
        %mul3A_349 = arith.constant 16 : i32
        %mul3A_350 = arith.muli %squeeze3A_348, %mul3A_349 : i32
        %add3A_351 = arith.constant 9 : i32
        %add3A_352 = arith.addi %mul3A_350, %add3A_351 : i32
        %gt3A_353 = arith.cmpf ogt, %squeeze3A_346, %select_n3A_343 : f32
        %eq3A_354 = arith.cmpf oeq, %squeeze3A_346, %select_n3A_343 : f32
        %lt3A_355 = arith.cmpi slt, %add3A_352, %select_n3A_344 : i32
        %and3A_356 = arith.andi %eq3A_354, %lt3A_355 : i1
        %or3A_357 = arith.ori %gt3A_353, %and3A_356 : i1
        %select_n3A_358 = arith.select %or3A_357, %squeeze3A_346, %select_n3A_343 : f32
        %select_n3A_359 = arith.select %or3A_357, %add3A_352, %select_n3A_344 : i32
        %slice3A_360 = vector.extract_strided_slice %scan3A_206#0 {offsets = [10], sizes = [1], strides = [1]} : vector<16xf32> to vector<1xf32>
        %squeeze3A_361 = vector.extract %slice3A_360[0] : f32 from vector<1xf32>
        %slice3A_362 = vector.extract_strided_slice %scan3A_206#1 {offsets = [10], sizes = [1], strides = [1]} : vector<16xi32> to vector<1xi32>
        %squeeze3A_363 = vector.extract %slice3A_362[0] : i32 from vector<1xi32>
        %mul3A_364 = arith.constant 16 : i32
        %mul3A_365 = arith.muli %squeeze3A_363, %mul3A_364 : i32
        %add3A_366 = arith.constant 10 : i32
        %add3A_367 = arith.addi %mul3A_365, %add3A_366 : i32
        %gt3A_368 = arith.cmpf ogt, %squeeze3A_361, %select_n3A_358 : f32
        %eq3A_369 = arith.cmpf oeq, %squeeze3A_361, %select_n3A_358 : f32
        %lt3A_370 = arith.cmpi slt, %add3A_367, %select_n3A_359 : i32
        %and3A_371 = arith.andi %eq3A_369, %lt3A_370 : i1
        %or3A_372 = arith.ori %gt3A_368, %and3A_371 : i1
        %select_n3A_373 = arith.select %or3A_372, %squeeze3A_361, %select_n3A_358 : f32
        %select_n3A_374 = arith.select %or3A_372, %add3A_367, %select_n3A_359 : i32
        %slice3A_375 = vector.extract_strided_slice %scan3A_206#0 {offsets = [11], sizes = [1], strides = [1]} : vector<16xf32> to vector<1xf32>
        %squeeze3A_376 = vector.extract %slice3A_375[0] : f32 from vector<1xf32>
        %slice3A_377 = vector.extract_strided_slice %scan3A_206#1 {offsets = [11], sizes = [1], strides = [1]} : vector<16xi32> to vector<1xi32>
        %squeeze3A_378 = vector.extract %slice3A_377[0] : i32 from vector<1xi32>
        %mul3A_379 = arith.constant 16 : i32
        %mul3A_380 = arith.muli %squeeze3A_378, %mul3A_379 : i32
        %add3A_381 = arith.constant 11 : i32
        %add3A_382 = arith.addi %mul3A_380, %add3A_381 : i32
        %gt3A_383 = arith.cmpf ogt, %squeeze3A_376, %select_n3A_373 : f32
        %eq3A_384 = arith.cmpf oeq, %squeeze3A_376, %select_n3A_373 : f32
        %lt3A_385 = arith.cmpi slt, %add3A_382, %select_n3A_374 : i32
        %and3A_386 = arith.andi %eq3A_384, %lt3A_385 : i1
        %or3A_387 = arith.ori %gt3A_383, %and3A_386 : i1
        %select_n3A_388 = arith.select %or3A_387, %squeeze3A_376, %select_n3A_373 : f32
        %select_n3A_389 = arith.select %or3A_387, %add3A_382, %select_n3A_374 : i32
        %slice3A_390 = vector.extract_strided_slice %scan3A_206#0 {offsets = [12], sizes = [1], strides = [1]} : vector<16xf32> to vector<1xf32>
        %squeeze3A_391 = vector.extract %slice3A_390[0] : f32 from vector<1xf32>
        %slice3A_392 = vector.extract_strided_slice %scan3A_206#1 {offsets = [12], sizes = [1], strides = [1]} : vector<16xi32> to vector<1xi32>
        %squeeze3A_393 = vector.extract %slice3A_392[0] : i32 from vector<1xi32>
        %mul3A_394 = arith.constant 16 : i32
        %mul3A_395 = arith.muli %squeeze3A_393, %mul3A_394 : i32
        %add3A_396 = arith.constant 12 : i32
        %add3A_397 = arith.addi %mul3A_395, %add3A_396 : i32
        %gt3A_398 = arith.cmpf ogt, %squeeze3A_391, %select_n3A_388 : f32
        %eq3A_399 = arith.cmpf oeq, %squeeze3A_391, %select_n3A_388 : f32
        %lt3A_400 = arith.cmpi slt, %add3A_397, %select_n3A_389 : i32
        %and3A_401 = arith.andi %eq3A_399, %lt3A_400 : i1
        %or3A_402 = arith.ori %gt3A_398, %and3A_401 : i1
        %select_n3A_403 = arith.select %or3A_402, %squeeze3A_391, %select_n3A_388 : f32
        %select_n3A_404 = arith.select %or3A_402, %add3A_397, %select_n3A_389 : i32
        %slice3A_405 = vector.extract_strided_slice %scan3A_206#0 {offsets = [13], sizes = [1], strides = [1]} : vector<16xf32> to vector<1xf32>
        %squeeze3A_406 = vector.extract %slice3A_405[0] : f32 from vector<1xf32>
        %slice3A_407 = vector.extract_strided_slice %scan3A_206#1 {offsets = [13], sizes = [1], strides = [1]} : vector<16xi32> to vector<1xi32>
        %squeeze3A_408 = vector.extract %slice3A_407[0] : i32 from vector<1xi32>
        %mul3A_409 = arith.constant 16 : i32
        %mul3A_410 = arith.muli %squeeze3A_408, %mul3A_409 : i32
        %add3A_411 = arith.constant 13 : i32
        %add3A_412 = arith.addi %mul3A_410, %add3A_411 : i32
        %gt3A_413 = arith.cmpf ogt, %squeeze3A_406, %select_n3A_403 : f32
        %eq3A_414 = arith.cmpf oeq, %squeeze3A_406, %select_n3A_403 : f32
        %lt3A_415 = arith.cmpi slt, %add3A_412, %select_n3A_404 : i32
        %and3A_416 = arith.andi %eq3A_414, %lt3A_415 : i1
        %or3A_417 = arith.ori %gt3A_413, %and3A_416 : i1
        %select_n3A_418 = arith.select %or3A_417, %squeeze3A_406, %select_n3A_403 : f32
        %select_n3A_419 = arith.select %or3A_417, %add3A_412, %select_n3A_404 : i32
        %slice3A_420 = vector.extract_strided_slice %scan3A_206#0 {offsets = [14], sizes = [1], strides = [1]} : vector<16xf32> to vector<1xf32>
        %squeeze3A_421 = vector.extract %slice3A_420[0] : f32 from vector<1xf32>
        %slice3A_422 = vector.extract_strided_slice %scan3A_206#1 {offsets = [14], sizes = [1], strides = [1]} : vector<16xi32> to vector<1xi32>
        %squeeze3A_423 = vector.extract %slice3A_422[0] : i32 from vector<1xi32>
        %mul3A_424 = arith.constant 16 : i32
        %mul3A_425 = arith.muli %squeeze3A_423, %mul3A_424 : i32
        %add3A_426 = arith.constant 14 : i32
        %add3A_427 = arith.addi %mul3A_425, %add3A_426 : i32
        %gt3A_428 = arith.cmpf ogt, %squeeze3A_421, %select_n3A_418 : f32
        %eq3A_429 = arith.cmpf oeq, %squeeze3A_421, %select_n3A_418 : f32
        %lt3A_430 = arith.cmpi slt, %add3A_427, %select_n3A_419 : i32
        %and3A_431 = arith.andi %eq3A_429, %lt3A_430 : i1
        %or3A_432 = arith.ori %gt3A_428, %and3A_431 : i1
        %select_n3A_433 = arith.select %or3A_432, %squeeze3A_421, %select_n3A_418 : f32
        %select_n3A_434 = arith.select %or3A_432, %add3A_427, %select_n3A_419 : i32
        %slice3A_435 = vector.extract_strided_slice %scan3A_206#0 {offsets = [15], sizes = [1], strides = [1]} : vector<16xf32> to vector<1xf32>
        %squeeze3A_436 = vector.extract %slice3A_435[0] : f32 from vector<1xf32>
        %slice3A_437 = vector.extract_strided_slice %scan3A_206#1 {offsets = [15], sizes = [1], strides = [1]} : vector<16xi32> to vector<1xi32>
        %squeeze3A_438 = vector.extract %slice3A_437[0] : i32 from vector<1xi32>
        %mul3A_439 = arith.constant 16 : i32
        %mul3A_440 = arith.muli %squeeze3A_438, %mul3A_439 : i32
        %add3A_441 = arith.constant 15 : i32
        %add3A_442 = arith.addi %mul3A_440, %add3A_441 : i32
        %gt3A_443 = arith.cmpf ogt, %squeeze3A_436, %select_n3A_433 : f32
        %eq3A_444 = arith.cmpf oeq, %squeeze3A_436, %select_n3A_433 : f32
        %lt3A_445 = arith.cmpi slt, %add3A_442, %select_n3A_434 : i32
        %and3A_446 = arith.andi %eq3A_444, %lt3A_445 : i1
        %or3A_447 = arith.ori %gt3A_443, %and3A_446 : i1
        %select_n3A_448 = arith.select %or3A_447, %squeeze3A_436, %select_n3A_433 : f32
        %select_n3A_449 = arith.select %or3A_447, %add3A_442, %select_n3A_434 : i32
        scf.yield %select_n3A_449 : i32
      }
      %scan3A_27 = arith.constant 256 : i32
      %run_scoped3A_28 = arith.constant 0 : i32
      "tpu.region"() ({
        %run_scoped3A_94 = tpu.sem_alloc : memref<!tpu.dma_semaphore, #tpu.memory_space<semaphore_mem>>
        %dma_start3A = arith.constant 0 : i32
        %dma_start3A_95 = tpu.memref_slice %arg4[%add3A_9, %run_scoped3A_28, %dma_start3A] : memref<64x6x256xf32, #tpu.memory_space<hbm>> -> memref<1x1x256xf32, #tpu.memory_space<hbm>>
        %dma_start3A_96 = tpu.memref_squeeze %dma_start3A_95 : memref<1x1x256xf32, #tpu.memory_space<hbm>> -> memref<256xf32, #tpu.memory_space<hbm>>
        %dma_start3A_97 = arith.constant 0 : i32
        %dma_start3A_98 = tpu.memref_slice %arg4[%add3A_9, %run_scoped3A_28, %dma_start3A_97] : memref<64x6x256xf32, #tpu.memory_space<hbm>> -> memref<1x1x256xf32, #tpu.memory_space<hbm>>
        %dma_start3A_99 = tpu.memref_squeeze %dma_start3A_98 : memref<1x1x256xf32, #tpu.memory_space<hbm>> -> memref<256xf32, #tpu.memory_space<hbm>>
        tpu.enqueue_dma source(%arg14 : memref<256xf32, #tpu.memory_space<vmem>>) target(%dma_start3A_99 : memref<256xf32, #tpu.memory_space<hbm>>) target_semaphore(%run_scoped3A_94 : memref<!tpu.dma_semaphore, #tpu.memory_space<semaphore_mem>>)
        %dma_wait3A = arith.constant 0 : i32
        %dma_wait3A_100 = tpu.memref_slice %arg4[%add3A_9, %run_scoped3A_28, %dma_wait3A] : memref<64x6x256xf32, #tpu.memory_space<hbm>> -> memref<1x1x256xf32, #tpu.memory_space<hbm>>
        %dma_wait3A_101 = tpu.memref_squeeze %dma_wait3A_100 : memref<1x1x256xf32, #tpu.memory_space<hbm>> -> memref<256xf32, #tpu.memory_space<hbm>>
        %dma_wait3A_102 = arith.constant 0 : i32
        %dma_wait3A_103 = tpu.memref_slice %arg4[%add3A_9, %run_scoped3A_28, %dma_wait3A_102] : memref<64x6x256xf32, #tpu.memory_space<hbm>> -> memref<1x1x256xf32, #tpu.memory_space<hbm>>
        %dma_wait3A_104 = tpu.memref_squeeze %dma_wait3A_103 : memref<1x1x256xf32, #tpu.memory_space<hbm>> -> memref<256xf32, #tpu.memory_space<hbm>>
        tpu.wait_dma2 semaphore(%run_scoped3A_94 : memref<!tpu.dma_semaphore, #tpu.memory_space<semaphore_mem>>) src(%arg14 : memref<256xf32, #tpu.memory_space<vmem>>) dst(%dma_wait3A_104 : memref<256xf32, #tpu.memory_space<hbm>>)
        tpu.yield
      }) : () -> ()
      %run_scoped3A_29 = arith.constant 1 : i32
      "tpu.region"() ({
        %run_scoped3A_94 = tpu.sem_alloc : memref<!tpu.dma_semaphore, #tpu.memory_space<semaphore_mem>>
        %dma_start3A = arith.constant 0 : i32
        %dma_start3A_95 = tpu.memref_slice %arg4[%add3A_9, %run_scoped3A_29, %dma_start3A] : memref<64x6x256xf32, #tpu.memory_space<hbm>> -> memref<1x1x256xf32, #tpu.memory_space<hbm>>
        %dma_start3A_96 = tpu.memref_squeeze %dma_start3A_95 : memref<1x1x256xf32, #tpu.memory_space<hbm>> -> memref<256xf32, #tpu.memory_space<hbm>>
        %dma_start3A_97 = arith.constant 0 : i32
        %dma_start3A_98 = tpu.memref_slice %arg4[%add3A_9, %run_scoped3A_29, %dma_start3A_97] : memref<64x6x256xf32, #tpu.memory_space<hbm>> -> memref<1x1x256xf32, #tpu.memory_space<hbm>>
        %dma_start3A_99 = tpu.memref_squeeze %dma_start3A_98 : memref<1x1x256xf32, #tpu.memory_space<hbm>> -> memref<256xf32, #tpu.memory_space<hbm>>
        tpu.enqueue_dma source(%arg15 : memref<256xf32, #tpu.memory_space<vmem>>) target(%dma_start3A_99 : memref<256xf32, #tpu.memory_space<hbm>>) target_semaphore(%run_scoped3A_94 : memref<!tpu.dma_semaphore, #tpu.memory_space<semaphore_mem>>)
        %dma_wait3A = arith.constant 0 : i32
        %dma_wait3A_100 = tpu.memref_slice %arg4[%add3A_9, %run_scoped3A_29, %dma_wait3A] : memref<64x6x256xf32, #tpu.memory_space<hbm>> -> memref<1x1x256xf32, #tpu.memory_space<hbm>>
        %dma_wait3A_101 = tpu.memref_squeeze %dma_wait3A_100 : memref<1x1x256xf32, #tpu.memory_space<hbm>> -> memref<256xf32, #tpu.memory_space<hbm>>
        %dma_wait3A_102 = arith.constant 0 : i32
        %dma_wait3A_103 = tpu.memref_slice %arg4[%add3A_9, %run_scoped3A_29, %dma_wait3A_102] : memref<64x6x256xf32, #tpu.memory_space<hbm>> -> memref<1x1x256xf32, #tpu.memory_space<hbm>>
        %dma_wait3A_104 = tpu.memref_squeeze %dma_wait3A_103 : memref<1x1x256xf32, #tpu.memory_space<hbm>> -> memref<256xf32, #tpu.memory_space<hbm>>
        tpu.wait_dma2 semaphore(%run_scoped3A_94 : memref<!tpu.dma_semaphore, #tpu.memory_space<semaphore_mem>>) src(%arg15 : memref<256xf32, #tpu.memory_space<vmem>>) dst(%dma_wait3A_104 : memref<256xf32, #tpu.memory_space<hbm>>)
        tpu.yield
      }) : () -> ()
      %run_scoped3A_30 = arith.constant 2 : i32
      "tpu.region"() ({
        %run_scoped3A_94 = tpu.sem_alloc : memref<!tpu.dma_semaphore, #tpu.memory_space<semaphore_mem>>
        %dma_start3A = arith.constant 0 : i32
        %dma_start3A_95 = tpu.memref_slice %arg4[%add3A_9, %run_scoped3A_30, %dma_start3A] : memref<64x6x256xf32, #tpu.memory_space<hbm>> -> memref<1x1x256xf32, #tpu.memory_space<hbm>>
        %dma_start3A_96 = tpu.memref_squeeze %dma_start3A_95 : memref<1x1x256xf32, #tpu.memory_space<hbm>> -> memref<256xf32, #tpu.memory_space<hbm>>
        %dma_start3A_97 = arith.constant 0 : i32
        %dma_start3A_98 = tpu.memref_slice %arg4[%add3A_9, %run_scoped3A_30, %dma_start3A_97] : memref<64x6x256xf32, #tpu.memory_space<hbm>> -> memref<1x1x256xf32, #tpu.memory_space<hbm>>
        %dma_start3A_99 = tpu.memref_squeeze %dma_start3A_98 : memref<1x1x256xf32, #tpu.memory_space<hbm>> -> memref<256xf32, #tpu.memory_space<hbm>>
        tpu.enqueue_dma source(%arg16 : memref<256xf32, #tpu.memory_space<vmem>>) target(%dma_start3A_99 : memref<256xf32, #tpu.memory_space<hbm>>) target_semaphore(%run_scoped3A_94 : memref<!tpu.dma_semaphore, #tpu.memory_space<semaphore_mem>>)
        %dma_wait3A = arith.constant 0 : i32
        %dma_wait3A_100 = tpu.memref_slice %arg4[%add3A_9, %run_scoped3A_30, %dma_wait3A] : memref<64x6x256xf32, #tpu.memory_space<hbm>> -> memref<1x1x256xf32, #tpu.memory_space<hbm>>
        %dma_wait3A_101 = tpu.memref_squeeze %dma_wait3A_100 : memref<1x1x256xf32, #tpu.memory_space<hbm>> -> memref<256xf32, #tpu.memory_space<hbm>>
        %dma_wait3A_102 = arith.constant 0 : i32
        %dma_wait3A_103 = tpu.memref_slice %arg4[%add3A_9, %run_scoped3A_30, %dma_wait3A_102] : memref<64x6x256xf32, #tpu.memory_space<hbm>> -> memref<1x1x256xf32, #tpu.memory_space<hbm>>
        %dma_wait3A_104 = tpu.memref_squeeze %dma_wait3A_103 : memref<1x1x256xf32, #tpu.memory_space<hbm>> -> memref<256xf32, #tpu.memory_space<hbm>>
        tpu.wait_dma2 semaphore(%run_scoped3A_94 : memref<!tpu.dma_semaphore, #tpu.memory_space<semaphore_mem>>) src(%arg16 : memref<256xf32, #tpu.memory_space<vmem>>) dst(%dma_wait3A_104 : memref<256xf32, #tpu.memory_space<hbm>>)
        tpu.yield
      }) : () -> ()
      %run_scoped3A_31 = arith.constant 3 : i32
      "tpu.region"() ({
        %run_scoped3A_94 = tpu.sem_alloc : memref<!tpu.dma_semaphore, #tpu.memory_space<semaphore_mem>>
        %dma_start3A = arith.constant 0 : i32
        %dma_start3A_95 = tpu.memref_slice %arg4[%add3A_9, %run_scoped3A_31, %dma_start3A] : memref<64x6x256xf32, #tpu.memory_space<hbm>> -> memref<1x1x256xf32, #tpu.memory_space<hbm>>
        %dma_start3A_96 = tpu.memref_squeeze %dma_start3A_95 : memref<1x1x256xf32, #tpu.memory_space<hbm>> -> memref<256xf32, #tpu.memory_space<hbm>>
        %dma_start3A_97 = arith.constant 0 : i32
        %dma_start3A_98 = tpu.memref_slice %arg4[%add3A_9, %run_scoped3A_31, %dma_start3A_97] : memref<64x6x256xf32, #tpu.memory_space<hbm>> -> memref<1x1x256xf32, #tpu.memory_space<hbm>>
        %dma_start3A_99 = tpu.memref_squeeze %dma_start3A_98 : memref<1x1x256xf32, #tpu.memory_space<hbm>> -> memref<256xf32, #tpu.memory_space<hbm>>
        tpu.enqueue_dma source(%arg17 : memref<256xf32, #tpu.memory_space<vmem>>) target(%dma_start3A_99 : memref<256xf32, #tpu.memory_space<hbm>>) target_semaphore(%run_scoped3A_94 : memref<!tpu.dma_semaphore, #tpu.memory_space<semaphore_mem>>)
        %dma_wait3A = arith.constant 0 : i32
        %dma_wait3A_100 = tpu.memref_slice %arg4[%add3A_9, %run_scoped3A_31, %dma_wait3A] : memref<64x6x256xf32, #tpu.memory_space<hbm>> -> memref<1x1x256xf32, #tpu.memory_space<hbm>>
        %dma_wait3A_101 = tpu.memref_squeeze %dma_wait3A_100 : memref<1x1x256xf32, #tpu.memory_space<hbm>> -> memref<256xf32, #tpu.memory_space<hbm>>
        %dma_wait3A_102 = arith.constant 0 : i32
        %dma_wait3A_103 = tpu.memref_slice %arg4[%add3A_9, %run_scoped3A_31, %dma_wait3A_102] : memref<64x6x256xf32, #tpu.memory_space<hbm>> -> memref<1x1x256xf32, #tpu.memory_space<hbm>>
        %dma_wait3A_104 = tpu.memref_squeeze %dma_wait3A_103 : memref<1x1x256xf32, #tpu.memory_space<hbm>> -> memref<256xf32, #tpu.memory_space<hbm>>
        tpu.wait_dma2 semaphore(%run_scoped3A_94 : memref<!tpu.dma_semaphore, #tpu.memory_space<semaphore_mem>>) src(%arg17 : memref<256xf32, #tpu.memory_space<vmem>>) dst(%dma_wait3A_104 : memref<256xf32, #tpu.memory_space<hbm>>)
        tpu.yield
      }) : () -> ()
      %run_scoped3A_32 = arith.constant 4 : i32
      "tpu.region"() ({
        %run_scoped3A_94 = tpu.sem_alloc : memref<!tpu.dma_semaphore, #tpu.memory_space<semaphore_mem>>
        %dma_start3A = arith.constant 0 : i32
        %dma_start3A_95 = tpu.memref_slice %arg4[%add3A_9, %run_scoped3A_32, %dma_start3A] : memref<64x6x256xf32, #tpu.memory_space<hbm>> -> memref<1x1x256xf32, #tpu.memory_space<hbm>>
        %dma_start3A_96 = tpu.memref_squeeze %dma_start3A_95 : memref<1x1x256xf32, #tpu.memory_space<hbm>> -> memref<256xf32, #tpu.memory_space<hbm>>
        %dma_start3A_97 = arith.constant 0 : i32
        %dma_start3A_98 = tpu.memref_slice %arg4[%add3A_9, %run_scoped3A_32, %dma_start3A_97] : memref<64x6x256xf32, #tpu.memory_space<hbm>> -> memref<1x1x256xf32, #tpu.memory_space<hbm>>
        %dma_start3A_99 = tpu.memref_squeeze %dma_start3A_98 : memref<1x1x256xf32, #tpu.memory_space<hbm>> -> memref<256xf32, #tpu.memory_space<hbm>>
        tpu.enqueue_dma source(%arg18 : memref<256xf32, #tpu.memory_space<vmem>>) target(%dma_start3A_99 : memref<256xf32, #tpu.memory_space<hbm>>) target_semaphore(%run_scoped3A_94 : memref<!tpu.dma_semaphore, #tpu.memory_space<semaphore_mem>>)
        %dma_wait3A = arith.constant 0 : i32
        %dma_wait3A_100 = tpu.memref_slice %arg4[%add3A_9, %run_scoped3A_32, %dma_wait3A] : memref<64x6x256xf32, #tpu.memory_space<hbm>> -> memref<1x1x256xf32, #tpu.memory_space<hbm>>
        %dma_wait3A_101 = tpu.memref_squeeze %dma_wait3A_100 : memref<1x1x256xf32, #tpu.memory_space<hbm>> -> memref<256xf32, #tpu.memory_space<hbm>>
        %dma_wait3A_102 = arith.constant 0 : i32
        %dma_wait3A_103 = tpu.memref_slice %arg4[%add3A_9, %run_scoped3A_32, %dma_wait3A_102] : memref<64x6x256xf32, #tpu.memory_space<hbm>> -> memref<1x1x256xf32, #tpu.memory_space<hbm>>
        %dma_wait3A_104 = tpu.memref_squeeze %dma_wait3A_103 : memref<1x1x256xf32, #tpu.memory_space<hbm>> -> memref<256xf32, #tpu.memory_space<hbm>>
        tpu.wait_dma2 semaphore(%run_scoped3A_94 : memref<!tpu.dma_semaphore, #tpu.memory_space<semaphore_mem>>) src(%arg18 : memref<256xf32, #tpu.memory_space<vmem>>) dst(%dma_wait3A_104 : memref<256xf32, #tpu.memory_space<hbm>>)
        tpu.yield
      }) : () -> ()
      %run_scoped3A_33 = arith.constant 5 : i32
      "tpu.region"() ({
        %run_scoped3A_94 = tpu.sem_alloc : memref<!tpu.dma_semaphore, #tpu.memory_space<semaphore_mem>>
        %dma_start3A = arith.constant 0 : i32
        %dma_start3A_95 = tpu.memref_slice %arg4[%add3A_9, %run_scoped3A_33, %dma_start3A] : memref<64x6x256xf32, #tpu.memory_space<hbm>> -> memref<1x1x256xf32, #tpu.memory_space<hbm>>
        %dma_start3A_96 = tpu.memref_squeeze %dma_start3A_95 : memref<1x1x256xf32, #tpu.memory_space<hbm>> -> memref<256xf32, #tpu.memory_space<hbm>>
        %dma_start3A_97 = arith.constant 0 : i32
        %dma_start3A_98 = tpu.memref_slice %arg4[%add3A_9, %run_scoped3A_33, %dma_start3A_97] : memref<64x6x256xf32, #tpu.memory_space<hbm>> -> memref<1x1x256xf32, #tpu.memory_space<hbm>>
        %dma_start3A_99 = tpu.memref_squeeze %dma_start3A_98 : memref<1x1x256xf32, #tpu.memory_space<hbm>> -> memref<256xf32, #tpu.memory_space<hbm>>
        tpu.enqueue_dma source(%arg19 : memref<256xf32, #tpu.memory_space<vmem>>) target(%dma_start3A_99 : memref<256xf32, #tpu.memory_space<hbm>>) target_semaphore(%run_scoped3A_94 : memref<!tpu.dma_semaphore, #tpu.memory_space<semaphore_mem>>)
        %dma_wait3A = arith.constant 0 : i32
        %dma_wait3A_100 = tpu.memref_slice %arg4[%add3A_9, %run_scoped3A_33, %dma_wait3A] : memref<64x6x256xf32, #tpu.memory_space<hbm>> -> memref<1x1x256xf32, #tpu.memory_space<hbm>>
        %dma_wait3A_101 = tpu.memref_squeeze %dma_wait3A_100 : memref<1x1x256xf32, #tpu.memory_space<hbm>> -> memref<256xf32, #tpu.memory_space<hbm>>
        %dma_wait3A_102 = arith.constant 0 : i32
        %dma_wait3A_103 = tpu.memref_slice %arg4[%add3A_9, %run_scoped3A_33, %dma_wait3A_102] : memref<64x6x256xf32, #tpu.memory_space<hbm>> -> memref<1x1x256xf32, #tpu.memory_space<hbm>>
        %dma_wait3A_104 = tpu.memref_squeeze %dma_wait3A_103 : memref<1x1x256xf32, #tpu.memory_space<hbm>> -> memref<256xf32, #tpu.memory_space<hbm>>
        tpu.wait_dma2 semaphore(%run_scoped3A_94 : memref<!tpu.dma_semaphore, #tpu.memory_space<semaphore_mem>>) src(%arg19 : memref<256xf32, #tpu.memory_space<vmem>>) dst(%dma_wait3A_104 : memref<256xf32, #tpu.memory_space<hbm>>)
        tpu.yield
      }) : () -> ()
      %iota3A_34 = tpu.iota {dimensions = array<i32: 0>} : vector<16xi32>
      %scan3A_35 = arith.constant 0 : i32
      %scan3A_36 = arith.constant 0 : i32
      %scan3A_37 = arith.constant 16 : i32
      %scan3A_38 = arith.addi %scan3A_36, %scan3A_37 : i32
      %scan3A_39 = arith.constant 1 : i32
      scf.for %scan3A_94 = %scan3A_36 to %scan3A_38 step %scan3A_39  : i32 {
        %broadcast_in_dim3A = arith.constant 1.000000e+10 : f32
        %broadcast_in_dim3A_95 = vector.broadcast %broadcast_in_dim3A : f32 to vector<16xf32>
        %mul3A_96 = arith.constant 16 : i32
        %mul3A_97 = arith.muli %scan3A_94, %mul3A_96 : i32
        %swap3A = arith.index_cast %mul3A_97 : i32 to index
        %swap3A_98 = tpu.vector_load %arg38[%swap3A] {strides = array<i32>} : memref<1024xf32, #tpu.memory_space<vmem>>, vector<16xf32>,
        %swap3A_99 = vector.shape_cast %swap3A_98 : vector<16xf32> to vector<16xf32>
        %swap3A_100 = vector.shape_cast %broadcast_in_dim3A_95 : vector<16xf32> to vector<16xf32>
        tpu.vector_store %arg38[%swap3A], %swap3A_100 {strides = array<i32>} : memref<1024xf32, #tpu.memory_space<vmem>>, vector<16xf32>,
      }
      %scan3A_40 = arith.constant 16 : i32
      %scan3A_41 = arith.constant 0 : i32
      %scan3A_42 = arith.constant 0 : i32
      %scan3A_43 = arith.constant 128 : i32
      %scan3A_44 = arith.addi %scan3A_42, %scan3A_43 : i32
      %scan3A_45 = arith.constant 1 : i32
      %scan3A_46 = scf.for %scan3A_94 = %scan3A_42 to %scan3A_44 step %scan3A_45 iter_args(%scan3A_95 = %scan3A_41) -> (i32)  : i32 {
        %get3A = arith.index_cast %scan3A_95 : i32 to index
        %get3A_96 = tpu.vector_load %arg14[%get3A] {strides = array<i32>} : memref<256xf32, #tpu.memory_space<vmem>>, vector<16xf32>,
        %get3A_97 = vector.shape_cast %get3A_96 : vector<16xf32> to vector<16xf32>
        %slice3A = vector.extract_strided_slice %get3A_97 {offsets = [0], sizes = [1], strides = [1]} : vector<16xf32> to vector<1xf32>
        %squeeze3A = vector.extract %slice3A[0] : f32 from vector<1xf32>
        %get3A_98 = arith.index_cast %scan3A_95 : i32 to index
        %get3A_99 = tpu.vector_load %arg15[%get3A_98] {strides = array<i32>} : memref<256xf32, #tpu.memory_space<vmem>>, vector<16xf32>,
        %get3A_100 = vector.shape_cast %get3A_99 : vector<16xf32> to vector<16xf32>
        %slice3A_101 = vector.extract_strided_slice %get3A_100 {offsets = [0], sizes = [1], strides = [1]} : vector<16xf32> to vector<1xf32>
        %squeeze3A_102 = vector.extract %slice3A_101[0] : f32 from vector<1xf32>
        %get3A_103 = arith.index_cast %scan3A_95 : i32 to index
        %get3A_104 = tpu.vector_load %arg16[%get3A_103] {strides = array<i32>} : memref<256xf32, #tpu.memory_space<vmem>>, vector<16xf32>,
        %get3A_105 = vector.shape_cast %get3A_104 : vector<16xf32> to vector<16xf32>
        %slice3A_106 = vector.extract_strided_slice %get3A_105 {offsets = [0], sizes = [1], strides = [1]} : vector<16xf32> to vector<1xf32>
        %squeeze3A_107 = vector.extract %slice3A_106[0] : f32 from vector<1xf32>
        %get3A_108 = arith.index_cast %scan3A_95 : i32 to index
        %get3A_109 = tpu.vector_load %arg17[%get3A_108] {strides = array<i32>} : memref<256xf32, #tpu.memory_space<vmem>>, vector<16xf32>,
        %get3A_110 = vector.shape_cast %get3A_109 : vector<16xf32> to vector<16xf32>
        %slice3A_111 = vector.extract_strided_slice %get3A_110 {offsets = [0], sizes = [1], strides = [1]} : vector<16xf32> to vector<1xf32>
        %squeeze3A_112 = vector.extract %slice3A_111[0] : f32 from vector<1xf32>
        %get3A_113 = arith.index_cast %scan3A_95 : i32 to index
        %get3A_114 = tpu.vector_load %arg18[%get3A_113] {strides = array<i32>} : memref<256xf32, #tpu.memory_space<vmem>>, vector<16xf32>,
        %get3A_115 = vector.shape_cast %get3A_114 : vector<16xf32> to vector<16xf32>
        %slice3A_116 = vector.extract_strided_slice %get3A_115 {offsets = [0], sizes = [1], strides = [1]} : vector<16xf32> to vector<1xf32>
        %squeeze3A_117 = vector.extract %slice3A_116[0] : f32 from vector<1xf32>
        %get3A_118 = arith.index_cast %scan3A_95 : i32 to index
        %get3A_119 = tpu.vector_load %arg19[%get3A_118] {strides = array<i32>} : memref<256xf32, #tpu.memory_space<vmem>>, vector<16xf32>,
        %get3A_120 = vector.shape_cast %get3A_119 : vector<16xf32> to vector<16xf32>
        %slice3A_121 = vector.extract_strided_slice %get3A_120 {offsets = [0], sizes = [1], strides = [1]} : vector<16xf32> to vector<1xf32>
        %squeeze3A_122 = vector.extract %slice3A_121[0] : f32 from vector<1xf32>
        %jit3A = arith.constant 16 : i32
        %div3A = arith.divsi %scan3A_94, %jit3A : i32
        %sign3A = arith.constant 0 : i32
        %sign3A_123 = arith.cmpi sgt, %scan3A_94, %sign3A : i32
        %sign3A_124 = arith.extui %sign3A_123 : i1 to i32
        %sign3A_125 = arith.constant 0 : i32
        %sign3A_126 = arith.cmpi slt, %scan3A_94, %sign3A_125 : i32
        %sign3A_127 = arith.extui %sign3A_126 : i1 to i32
        %sign3A_128 = arith.subi %sign3A_124, %sign3A_127 : i32
        %sign3A_129 = arith.constant 0 : i32
        %sign3A_130 = arith.cmpi sgt, %jit3A, %sign3A_129 : i32
        %sign3A_131 = arith.extui %sign3A_130 : i1 to i32
        %sign3A_132 = arith.constant 0 : i32
        %sign3A_133 = arith.cmpi slt, %jit3A, %sign3A_132 : i32
        %sign3A_134 = arith.extui %sign3A_133 : i1 to i32
        %sign3A_135 = arith.subi %sign3A_131, %sign3A_134 : i32
        %ne3A = arith.cmpi ne, %sign3A_128, %sign3A_135 : i32
        %rem3A = arith.remsi %scan3A_94, %jit3A : i32
        %ne3A_136 = arith.constant 0 : i32
        %ne3A_137 = arith.cmpi ne, %rem3A, %ne3A_136 : i32
        %and3A = arith.andi %ne3A, %ne3A_137 : i1
        %sub3A = arith.constant 1 : i32
        %sub3A_138 = arith.subi %div3A, %sub3A : i32
        %select_n3A = arith.select %and3A, %sub3A_138, %div3A : i32
        %mul3A_139 = arith.constant 16 : i32
        %mul3A_140 = arith.muli %select_n3A, %mul3A_139 : i32
        %sub3A_141 = arith.subi %scan3A_94, %mul3A_140 : i32
        %eq3A = vector.broadcast %sub3A_141 : i32 to vector<16xi32>
        %eq3A_142 = arith.cmpi eq, %iota3A_34, %eq3A : vector<16xi32>
        %get3A_143 = arith.index_cast %mul3A_140 : i32 to index
        %get3A_144 = tpu.vector_load %arg20[%get3A_143] {strides = array<i32>} : memref<128xf32, #tpu.memory_space<vmem>>, vector<16xf32>,
        %get3A_145 = vector.shape_cast %get3A_144 : vector<16xf32> to vector<16xf32>
        %broadcast_in_dim3A = vector.broadcast %squeeze3A : f32 to vector<16xf32>
        %select_n3A_146 = arith.select %eq3A_142, %broadcast_in_dim3A, %get3A_145 : vector<16xi1>, vector<16xf32>
        %swap3A = arith.index_cast %mul3A_140 : i32 to index
        %swap3A_147 = tpu.vector_load %arg20[%swap3A] {strides = array<i32>} : memref<128xf32, #tpu.memory_space<vmem>>, vector<16xf32>,
        %swap3A_148 = vector.shape_cast %swap3A_147 : vector<16xf32> to vector<16xf32>
        %swap3A_149 = vector.shape_cast %select_n3A_146 : vector<16xf32> to vector<16xf32>
        tpu.vector_store %arg20[%swap3A], %swap3A_149 {strides = array<i32>} : memref<128xf32, #tpu.memory_space<vmem>>, vector<16xf32>,
        %get3A_150 = arith.index_cast %mul3A_140 : i32 to index
        %get3A_151 = tpu.vector_load %arg21[%get3A_150] {strides = array<i32>} : memref<128xf32, #tpu.memory_space<vmem>>, vector<16xf32>,
        %get3A_152 = vector.shape_cast %get3A_151 : vector<16xf32> to vector<16xf32>
        %broadcast_in_dim3A_153 = vector.broadcast %squeeze3A_102 : f32 to vector<16xf32>
        %select_n3A_154 = arith.select %eq3A_142, %broadcast_in_dim3A_153, %get3A_152 : vector<16xi1>, vector<16xf32>
        %swap3A_155 = arith.index_cast %mul3A_140 : i32 to index
        %swap3A_156 = tpu.vector_load %arg21[%swap3A_155] {strides = array<i32>} : memref<128xf32, #tpu.memory_space<vmem>>, vector<16xf32>,
        %swap3A_157 = vector.shape_cast %swap3A_156 : vector<16xf32> to vector<16xf32>
        %swap3A_158 = vector.shape_cast %select_n3A_154 : vector<16xf32> to vector<16xf32>
        tpu.vector_store %arg21[%swap3A_155], %swap3A_158 {strides = array<i32>} : memref<128xf32, #tpu.memory_space<vmem>>, vector<16xf32>,
        %get3A_159 = arith.index_cast %mul3A_140 : i32 to index
        %get3A_160 = tpu.vector_load %arg22[%get3A_159] {strides = array<i32>} : memref<128xf32, #tpu.memory_space<vmem>>, vector<16xf32>,
        %get3A_161 = vector.shape_cast %get3A_160 : vector<16xf32> to vector<16xf32>
        %broadcast_in_dim3A_162 = vector.broadcast %squeeze3A_107 : f32 to vector<16xf32>
        %select_n3A_163 = arith.select %eq3A_142, %broadcast_in_dim3A_162, %get3A_161 : vector<16xi1>, vector<16xf32>
        %swap3A_164 = arith.index_cast %mul3A_140 : i32 to index
        %swap3A_165 = tpu.vector_load %arg22[%swap3A_164] {strides = array<i32>} : memref<128xf32, #tpu.memory_space<vmem>>, vector<16xf32>,
        %swap3A_166 = vector.shape_cast %swap3A_165 : vector<16xf32> to vector<16xf32>
        %swap3A_167 = vector.shape_cast %select_n3A_163 : vector<16xf32> to vector<16xf32>
        tpu.vector_store %arg22[%swap3A_164], %swap3A_167 {strides = array<i32>} : memref<128xf32, #tpu.memory_space<vmem>>, vector<16xf32>,
        %get3A_168 = arith.index_cast %mul3A_140 : i32 to index
        %get3A_169 = tpu.vector_load %arg23[%get3A_168] {strides = array<i32>} : memref<128xf32, #tpu.memory_space<vmem>>, vector<16xf32>,
        %get3A_170 = vector.shape_cast %get3A_169 : vector<16xf32> to vector<16xf32>
        %broadcast_in_dim3A_171 = vector.broadcast %squeeze3A_112 : f32 to vector<16xf32>
        %select_n3A_172 = arith.select %eq3A_142, %broadcast_in_dim3A_171, %get3A_170 : vector<16xi1>, vector<16xf32>
        %swap3A_173 = arith.index_cast %mul3A_140 : i32 to index
        %swap3A_174 = tpu.vector_load %arg23[%swap3A_173] {strides = array<i32>} : memref<128xf32, #tpu.memory_space<vmem>>, vector<16xf32>,
        %swap3A_175 = vector.shape_cast %swap3A_174 : vector<16xf32> to vector<16xf32>
        %swap3A_176 = vector.shape_cast %select_n3A_172 : vector<16xf32> to vector<16xf32>
        tpu.vector_store %arg23[%swap3A_173], %swap3A_176 {strides = array<i32>} : memref<128xf32, #tpu.memory_space<vmem>>, vector<16xf32>,
        %get3A_177 = arith.index_cast %mul3A_140 : i32 to index
        %get3A_178 = tpu.vector_load %arg24[%get3A_177] {strides = array<i32>} : memref<128xf32, #tpu.memory_space<vmem>>, vector<16xf32>,
        %get3A_179 = vector.shape_cast %get3A_178 : vector<16xf32> to vector<16xf32>
        %broadcast_in_dim3A_180 = vector.broadcast %squeeze3A_117 : f32 to vector<16xf32>
        %select_n3A_181 = arith.select %eq3A_142, %broadcast_in_dim3A_180, %get3A_179 : vector<16xi1>, vector<16xf32>
        %swap3A_182 = arith.index_cast %mul3A_140 : i32 to index
        %swap3A_183 = tpu.vector_load %arg24[%swap3A_182] {strides = array<i32>} : memref<128xf32, #tpu.memory_space<vmem>>, vector<16xf32>,
        %swap3A_184 = vector.shape_cast %swap3A_183 : vector<16xf32> to vector<16xf32>
        %swap3A_185 = vector.shape_cast %select_n3A_181 : vector<16xf32> to vector<16xf32>
        tpu.vector_store %arg24[%swap3A_182], %swap3A_185 {strides = array<i32>} : memref<128xf32, #tpu.memory_space<vmem>>, vector<16xf32>,
        %get3A_186 = arith.index_cast %mul3A_140 : i32 to index
        %get3A_187 = tpu.vector_load %arg25[%get3A_186] {strides = array<i32>} : memref<128xf32, #tpu.memory_space<vmem>>, vector<16xf32>,
        %get3A_188 = vector.shape_cast %get3A_187 : vector<16xf32> to vector<16xf32>
        %broadcast_in_dim3A_189 = vector.broadcast %squeeze3A_122 : f32 to vector<16xf32>
        %select_n3A_190 = arith.select %eq3A_142, %broadcast_in_dim3A_189, %get3A_188 : vector<16xi1>, vector<16xf32>
        %swap3A_191 = arith.index_cast %mul3A_140 : i32 to index
        %swap3A_192 = tpu.vector_load %arg25[%swap3A_191] {strides = array<i32>} : memref<128xf32, #tpu.memory_space<vmem>>, vector<16xf32>,
        %swap3A_193 = vector.shape_cast %swap3A_192 : vector<16xf32> to vector<16xf32>
        %swap3A_194 = vector.shape_cast %select_n3A_190 : vector<16xf32> to vector<16xf32>
        tpu.vector_store %arg25[%swap3A_191], %swap3A_194 {strides = array<i32>} : memref<128xf32, #tpu.memory_space<vmem>>, vector<16xf32>,
        %broadcast_in_dim3A_195 = vector.broadcast %squeeze3A : f32 to vector<16xf32>
        %broadcast_in_dim3A_196 = vector.broadcast %squeeze3A_102 : f32 to vector<16xf32>
        %broadcast_in_dim3A_197 = vector.broadcast %squeeze3A_107 : f32 to vector<16xf32>
        %broadcast_in_dim3A_198 = arith.constant -1.000000e+00 : f32
        %broadcast_in_dim3A_199 = vector.broadcast %broadcast_in_dim3A_198 : f32 to vector<16xf32>
        %broadcast_in_dim3A_200 = arith.constant 0 : i32
        %broadcast_in_dim3A_201 = vector.broadcast %broadcast_in_dim3A_200 : i32 to vector<16xi32>
        %scan3A_202 = arith.constant 0 : i32
        %scan3A_203 = arith.constant 16 : i32
        %scan3A_204 = arith.addi %scan3A_202, %scan3A_203 : i32
        %scan3A_205 = arith.constant 1 : i32
        %scan3A_206:2 = scf.for %scan3A_450 = %scan3A_202 to %scan3A_204 step %scan3A_205 iter_args(%scan3A_451 = %broadcast_in_dim3A_199, %scan3A_452 = %broadcast_in_dim3A_201) -> (vector<16xf32>, vector<16xi32>)  : i32 {
          %mul3A_453 = arith.constant 16 : i32
          %mul3A_454 = arith.muli %scan3A_450, %mul3A_453 : i32
          %get3A_455 = arith.index_cast %mul3A_454 : i32 to index
          %get3A_456 = tpu.vector_load %arg14[%get3A_455] {strides = array<i32>} : memref<256xf32, #tpu.memory_space<vmem>>, vector<16xf32>,
          %get3A_457 = vector.shape_cast %get3A_456 : vector<16xf32> to vector<16xf32>
          %sub3A_458 = arith.subf %get3A_457, %broadcast_in_dim3A_195 : vector<16xf32>
          %get3A_459 = arith.index_cast %mul3A_454 : i32 to index
          %get3A_460 = tpu.vector_load %arg15[%get3A_459] {strides = array<i32>} : memref<256xf32, #tpu.memory_space<vmem>>, vector<16xf32>,
          %get3A_461 = vector.shape_cast %get3A_460 : vector<16xf32> to vector<16xf32>
          %sub3A_462 = arith.subf %get3A_461, %broadcast_in_dim3A_196 : vector<16xf32>
          %get3A_463 = arith.index_cast %mul3A_454 : i32 to index
          %get3A_464 = tpu.vector_load %arg16[%get3A_463] {strides = array<i32>} : memref<256xf32, #tpu.memory_space<vmem>>, vector<16xf32>,
          %get3A_465 = vector.shape_cast %get3A_464 : vector<16xf32> to vector<16xf32>
          %sub3A_466 = arith.subf %get3A_465, %broadcast_in_dim3A_197 : vector<16xf32>
          %mul3A_467 = arith.mulf %sub3A_458, %sub3A_458 : vector<16xf32>
          %mul3A_468 = arith.mulf %sub3A_462, %sub3A_462 : vector<16xf32>
          %add3A_469 = arith.addf %mul3A_467, %mul3A_468 : vector<16xf32>
          %mul3A_470 = arith.mulf %sub3A_466, %sub3A_466 : vector<16xf32>
          %add3A_471 = arith.addf %add3A_469, %mul3A_470 : vector<16xf32>
          %get3A_472 = arith.index_cast %mul3A_454 : i32 to index
          %get3A_473 = tpu.vector_load %arg38[%get3A_472] {strides = array<i32>} : memref<1024xf32, #tpu.memory_space<vmem>>, vector<16xf32>,
          %get3A_474 = vector.shape_cast %get3A_473 : vector<16xf32> to vector<16xf32>
          %min3A = arith.minimumf %get3A_474, %add3A_471 : vector<16xf32>
          %swap3A_475 = arith.index_cast %mul3A_454 : i32 to index
          %swap3A_476 = tpu.vector_load %arg38[%swap3A_475] {strides = array<i32>} : memref<1024xf32, #tpu.memory_space<vmem>>, vector<16xf32>,
          %swap3A_477 = vector.shape_cast %swap3A_476 : vector<16xf32> to vector<16xf32>
          %swap3A_478 = vector.shape_cast %min3A : vector<16xf32> to vector<16xf32>
          tpu.vector_store %arg38[%swap3A_475], %swap3A_478 {strides = array<i32>} : memref<1024xf32, #tpu.memory_space<vmem>>, vector<16xf32>,
          %gt3A_479 = arith.cmpf ogt, %min3A, %scan3A_451 : vector<16xf32>
          %select_n3A_480 = arith.select %gt3A_479, %min3A, %scan3A_451 : vector<16xi1>, vector<16xf32>
          %broadcast_in_dim3A_481 = vector.broadcast %scan3A_450 : i32 to vector<16xi32>
          %select_n3A_482 = arith.select %gt3A_479, %broadcast_in_dim3A_481, %scan3A_452 : vector<16xi1>, vector<16xi32>
          scf.yield %select_n3A_480, %select_n3A_482 : vector<16xf32>, vector<16xi32>
        }
        %scan3A_207 = arith.constant 16 : i32
        %slice3A_208 = vector.extract_strided_slice %scan3A_206#0 {offsets = [0], sizes = [1], strides = [1]} : vector<16xf32> to vector<1xf32>
        %squeeze3A_209 = vector.extract %slice3A_208[0] : f32 from vector<1xf32>
        %slice3A_210 = vector.extract_strided_slice %scan3A_206#1 {offsets = [0], sizes = [1], strides = [1]} : vector<16xi32> to vector<1xi32>
        %squeeze3A_211 = vector.extract %slice3A_210[0] : i32 from vector<1xi32>
        %mul3A_212 = arith.constant 16 : i32
        %mul3A_213 = arith.muli %squeeze3A_211, %mul3A_212 : i32
        %add3A_214 = arith.constant 0 : i32
        %add3A_215 = arith.addi %mul3A_213, %add3A_214 : i32
        %gt3A = arith.constant -1.000000e+00 : f32
        %gt3A_216 = arith.cmpf ogt, %squeeze3A_209, %gt3A : f32
        %eq3A_217 = arith.constant -1.000000e+00 : f32
        %eq3A_218 = arith.cmpf oeq, %squeeze3A_209, %eq3A_217 : f32
        %lt3A = arith.constant 0 : i32
        %lt3A_219 = arith.cmpi slt, %add3A_215, %lt3A : i32
        %and3A_220 = arith.andi %eq3A_218, %lt3A_219 : i1
        %or3A = arith.ori %gt3A_216, %and3A_220 : i1
        %jit3A_221 = arith.constant -1.000000e+00 : f32
        %select_n3A_222 = arith.select %or3A, %squeeze3A_209, %jit3A_221 : f32
        %jit3A_223 = arith.constant 0 : i32
        %select_n3A_224 = arith.select %or3A, %add3A_215, %jit3A_223 : i32
        %slice3A_225 = vector.extract_strided_slice %scan3A_206#0 {offsets = [1], sizes = [1], strides = [1]} : vector<16xf32> to vector<1xf32>
        %squeeze3A_226 = vector.extract %slice3A_225[0] : f32 from vector<1xf32>
        %slice3A_227 = vector.extract_strided_slice %scan3A_206#1 {offsets = [1], sizes = [1], strides = [1]} : vector<16xi32> to vector<1xi32>
        %squeeze3A_228 = vector.extract %slice3A_227[0] : i32 from vector<1xi32>
        %mul3A_229 = arith.constant 16 : i32
        %mul3A_230 = arith.muli %squeeze3A_228, %mul3A_229 : i32
        %add3A_231 = arith.constant 1 : i32
        %add3A_232 = arith.addi %mul3A_230, %add3A_231 : i32
        %gt3A_233 = arith.cmpf ogt, %squeeze3A_226, %select_n3A_222 : f32
        %eq3A_234 = arith.cmpf oeq, %squeeze3A_226, %select_n3A_222 : f32
        %lt3A_235 = arith.cmpi slt, %add3A_232, %select_n3A_224 : i32
        %and3A_236 = arith.andi %eq3A_234, %lt3A_235 : i1
        %or3A_237 = arith.ori %gt3A_233, %and3A_236 : i1
        %select_n3A_238 = arith.select %or3A_237, %squeeze3A_226, %select_n3A_222 : f32
        %select_n3A_239 = arith.select %or3A_237, %add3A_232, %select_n3A_224 : i32
        %slice3A_240 = vector.extract_strided_slice %scan3A_206#0 {offsets = [2], sizes = [1], strides = [1]} : vector<16xf32> to vector<1xf32>
        %squeeze3A_241 = vector.extract %slice3A_240[0] : f32 from vector<1xf32>
        %slice3A_242 = vector.extract_strided_slice %scan3A_206#1 {offsets = [2], sizes = [1], strides = [1]} : vector<16xi32> to vector<1xi32>
        %squeeze3A_243 = vector.extract %slice3A_242[0] : i32 from vector<1xi32>
        %mul3A_244 = arith.constant 16 : i32
        %mul3A_245 = arith.muli %squeeze3A_243, %mul3A_244 : i32
        %add3A_246 = arith.constant 2 : i32
        %add3A_247 = arith.addi %mul3A_245, %add3A_246 : i32
        %gt3A_248 = arith.cmpf ogt, %squeeze3A_241, %select_n3A_238 : f32
        %eq3A_249 = arith.cmpf oeq, %squeeze3A_241, %select_n3A_238 : f32
        %lt3A_250 = arith.cmpi slt, %add3A_247, %select_n3A_239 : i32
        %and3A_251 = arith.andi %eq3A_249, %lt3A_250 : i1
        %or3A_252 = arith.ori %gt3A_248, %and3A_251 : i1
        %select_n3A_253 = arith.select %or3A_252, %squeeze3A_241, %select_n3A_238 : f32
        %select_n3A_254 = arith.select %or3A_252, %add3A_247, %select_n3A_239 : i32
        %slice3A_255 = vector.extract_strided_slice %scan3A_206#0 {offsets = [3], sizes = [1], strides = [1]} : vector<16xf32> to vector<1xf32>
        %squeeze3A_256 = vector.extract %slice3A_255[0] : f32 from vector<1xf32>
        %slice3A_257 = vector.extract_strided_slice %scan3A_206#1 {offsets = [3], sizes = [1], strides = [1]} : vector<16xi32> to vector<1xi32>
        %squeeze3A_258 = vector.extract %slice3A_257[0] : i32 from vector<1xi32>
        %mul3A_259 = arith.constant 16 : i32
        %mul3A_260 = arith.muli %squeeze3A_258, %mul3A_259 : i32
        %add3A_261 = arith.constant 3 : i32
        %add3A_262 = arith.addi %mul3A_260, %add3A_261 : i32
        %gt3A_263 = arith.cmpf ogt, %squeeze3A_256, %select_n3A_253 : f32
        %eq3A_264 = arith.cmpf oeq, %squeeze3A_256, %select_n3A_253 : f32
        %lt3A_265 = arith.cmpi slt, %add3A_262, %select_n3A_254 : i32
        %and3A_266 = arith.andi %eq3A_264, %lt3A_265 : i1
        %or3A_267 = arith.ori %gt3A_263, %and3A_266 : i1
        %select_n3A_268 = arith.select %or3A_267, %squeeze3A_256, %select_n3A_253 : f32
        %select_n3A_269 = arith.select %or3A_267, %add3A_262, %select_n3A_254 : i32
        %slice3A_270 = vector.extract_strided_slice %scan3A_206#0 {offsets = [4], sizes = [1], strides = [1]} : vector<16xf32> to vector<1xf32>
        %squeeze3A_271 = vector.extract %slice3A_270[0] : f32 from vector<1xf32>
        %slice3A_272 = vector.extract_strided_slice %scan3A_206#1 {offsets = [4], sizes = [1], strides = [1]} : vector<16xi32> to vector<1xi32>
        %squeeze3A_273 = vector.extract %slice3A_272[0] : i32 from vector<1xi32>
        %mul3A_274 = arith.constant 16 : i32
        %mul3A_275 = arith.muli %squeeze3A_273, %mul3A_274 : i32
        %add3A_276 = arith.constant 4 : i32
        %add3A_277 = arith.addi %mul3A_275, %add3A_276 : i32
        %gt3A_278 = arith.cmpf ogt, %squeeze3A_271, %select_n3A_268 : f32
        %eq3A_279 = arith.cmpf oeq, %squeeze3A_271, %select_n3A_268 : f32
        %lt3A_280 = arith.cmpi slt, %add3A_277, %select_n3A_269 : i32
        %and3A_281 = arith.andi %eq3A_279, %lt3A_280 : i1
        %or3A_282 = arith.ori %gt3A_278, %and3A_281 : i1
        %select_n3A_283 = arith.select %or3A_282, %squeeze3A_271, %select_n3A_268 : f32
        %select_n3A_284 = arith.select %or3A_282, %add3A_277, %select_n3A_269 : i32
        %slice3A_285 = vector.extract_strided_slice %scan3A_206#0 {offsets = [5], sizes = [1], strides = [1]} : vector<16xf32> to vector<1xf32>
        %squeeze3A_286 = vector.extract %slice3A_285[0] : f32 from vector<1xf32>
        %slice3A_287 = vector.extract_strided_slice %scan3A_206#1 {offsets = [5], sizes = [1], strides = [1]} : vector<16xi32> to vector<1xi32>
        %squeeze3A_288 = vector.extract %slice3A_287[0] : i32 from vector<1xi32>
        %mul3A_289 = arith.constant 16 : i32
        %mul3A_290 = arith.muli %squeeze3A_288, %mul3A_289 : i32
        %add3A_291 = arith.constant 5 : i32
        %add3A_292 = arith.addi %mul3A_290, %add3A_291 : i32
        %gt3A_293 = arith.cmpf ogt, %squeeze3A_286, %select_n3A_283 : f32
        %eq3A_294 = arith.cmpf oeq, %squeeze3A_286, %select_n3A_283 : f32
        %lt3A_295 = arith.cmpi slt, %add3A_292, %select_n3A_284 : i32
        %and3A_296 = arith.andi %eq3A_294, %lt3A_295 : i1
        %or3A_297 = arith.ori %gt3A_293, %and3A_296 : i1
        %select_n3A_298 = arith.select %or3A_297, %squeeze3A_286, %select_n3A_283 : f32
        %select_n3A_299 = arith.select %or3A_297, %add3A_292, %select_n3A_284 : i32
        %slice3A_300 = vector.extract_strided_slice %scan3A_206#0 {offsets = [6], sizes = [1], strides = [1]} : vector<16xf32> to vector<1xf32>
        %squeeze3A_301 = vector.extract %slice3A_300[0] : f32 from vector<1xf32>
        %slice3A_302 = vector.extract_strided_slice %scan3A_206#1 {offsets = [6], sizes = [1], strides = [1]} : vector<16xi32> to vector<1xi32>
        %squeeze3A_303 = vector.extract %slice3A_302[0] : i32 from vector<1xi32>
        %mul3A_304 = arith.constant 16 : i32
        %mul3A_305 = arith.muli %squeeze3A_303, %mul3A_304 : i32
        %add3A_306 = arith.constant 6 : i32
        %add3A_307 = arith.addi %mul3A_305, %add3A_306 : i32
        %gt3A_308 = arith.cmpf ogt, %squeeze3A_301, %select_n3A_298 : f32
        %eq3A_309 = arith.cmpf oeq, %squeeze3A_301, %select_n3A_298 : f32
        %lt3A_310 = arith.cmpi slt, %add3A_307, %select_n3A_299 : i32
        %and3A_311 = arith.andi %eq3A_309, %lt3A_310 : i1
        %or3A_312 = arith.ori %gt3A_308, %and3A_311 : i1
        %select_n3A_313 = arith.select %or3A_312, %squeeze3A_301, %select_n3A_298 : f32
        %select_n3A_314 = arith.select %or3A_312, %add3A_307, %select_n3A_299 : i32
        %slice3A_315 = vector.extract_strided_slice %scan3A_206#0 {offsets = [7], sizes = [1], strides = [1]} : vector<16xf32> to vector<1xf32>
        %squeeze3A_316 = vector.extract %slice3A_315[0] : f32 from vector<1xf32>
        %slice3A_317 = vector.extract_strided_slice %scan3A_206#1 {offsets = [7], sizes = [1], strides = [1]} : vector<16xi32> to vector<1xi32>
        %squeeze3A_318 = vector.extract %slice3A_317[0] : i32 from vector<1xi32>
        %mul3A_319 = arith.constant 16 : i32
        %mul3A_320 = arith.muli %squeeze3A_318, %mul3A_319 : i32
        %add3A_321 = arith.constant 7 : i32
        %add3A_322 = arith.addi %mul3A_320, %add3A_321 : i32
        %gt3A_323 = arith.cmpf ogt, %squeeze3A_316, %select_n3A_313 : f32
        %eq3A_324 = arith.cmpf oeq, %squeeze3A_316, %select_n3A_313 : f32
        %lt3A_325 = arith.cmpi slt, %add3A_322, %select_n3A_314 : i32
        %and3A_326 = arith.andi %eq3A_324, %lt3A_325 : i1
        %or3A_327 = arith.ori %gt3A_323, %and3A_326 : i1
        %select_n3A_328 = arith.select %or3A_327, %squeeze3A_316, %select_n3A_313 : f32
        %select_n3A_329 = arith.select %or3A_327, %add3A_322, %select_n3A_314 : i32
        %slice3A_330 = vector.extract_strided_slice %scan3A_206#0 {offsets = [8], sizes = [1], strides = [1]} : vector<16xf32> to vector<1xf32>
        %squeeze3A_331 = vector.extract %slice3A_330[0] : f32 from vector<1xf32>
        %slice3A_332 = vector.extract_strided_slice %scan3A_206#1 {offsets = [8], sizes = [1], strides = [1]} : vector<16xi32> to vector<1xi32>
        %squeeze3A_333 = vector.extract %slice3A_332[0] : i32 from vector<1xi32>
        %mul3A_334 = arith.constant 16 : i32
        %mul3A_335 = arith.muli %squeeze3A_333, %mul3A_334 : i32
        %add3A_336 = arith.constant 8 : i32
        %add3A_337 = arith.addi %mul3A_335, %add3A_336 : i32
        %gt3A_338 = arith.cmpf ogt, %squeeze3A_331, %select_n3A_328 : f32
        %eq3A_339 = arith.cmpf oeq, %squeeze3A_331, %select_n3A_328 : f32
        %lt3A_340 = arith.cmpi slt, %add3A_337, %select_n3A_329 : i32
        %and3A_341 = arith.andi %eq3A_339, %lt3A_340 : i1
        %or3A_342 = arith.ori %gt3A_338, %and3A_341 : i1
        %select_n3A_343 = arith.select %or3A_342, %squeeze3A_331, %select_n3A_328 : f32
        %select_n3A_344 = arith.select %or3A_342, %add3A_337, %select_n3A_329 : i32
        %slice3A_345 = vector.extract_strided_slice %scan3A_206#0 {offsets = [9], sizes = [1], strides = [1]} : vector<16xf32> to vector<1xf32>
        %squeeze3A_346 = vector.extract %slice3A_345[0] : f32 from vector<1xf32>
        %slice3A_347 = vector.extract_strided_slice %scan3A_206#1 {offsets = [9], sizes = [1], strides = [1]} : vector<16xi32> to vector<1xi32>
        %squeeze3A_348 = vector.extract %slice3A_347[0] : i32 from vector<1xi32>
        %mul3A_349 = arith.constant 16 : i32
        %mul3A_350 = arith.muli %squeeze3A_348, %mul3A_349 : i32
        %add3A_351 = arith.constant 9 : i32
        %add3A_352 = arith.addi %mul3A_350, %add3A_351 : i32
        %gt3A_353 = arith.cmpf ogt, %squeeze3A_346, %select_n3A_343 : f32
        %eq3A_354 = arith.cmpf oeq, %squeeze3A_346, %select_n3A_343 : f32
        %lt3A_355 = arith.cmpi slt, %add3A_352, %select_n3A_344 : i32
        %and3A_356 = arith.andi %eq3A_354, %lt3A_355 : i1
        %or3A_357 = arith.ori %gt3A_353, %and3A_356 : i1
        %select_n3A_358 = arith.select %or3A_357, %squeeze3A_346, %select_n3A_343 : f32
        %select_n3A_359 = arith.select %or3A_357, %add3A_352, %select_n3A_344 : i32
        %slice3A_360 = vector.extract_strided_slice %scan3A_206#0 {offsets = [10], sizes = [1], strides = [1]} : vector<16xf32> to vector<1xf32>
        %squeeze3A_361 = vector.extract %slice3A_360[0] : f32 from vector<1xf32>
        %slice3A_362 = vector.extract_strided_slice %scan3A_206#1 {offsets = [10], sizes = [1], strides = [1]} : vector<16xi32> to vector<1xi32>
        %squeeze3A_363 = vector.extract %slice3A_362[0] : i32 from vector<1xi32>
        %mul3A_364 = arith.constant 16 : i32
        %mul3A_365 = arith.muli %squeeze3A_363, %mul3A_364 : i32
        %add3A_366 = arith.constant 10 : i32
        %add3A_367 = arith.addi %mul3A_365, %add3A_366 : i32
        %gt3A_368 = arith.cmpf ogt, %squeeze3A_361, %select_n3A_358 : f32
        %eq3A_369 = arith.cmpf oeq, %squeeze3A_361, %select_n3A_358 : f32
        %lt3A_370 = arith.cmpi slt, %add3A_367, %select_n3A_359 : i32
        %and3A_371 = arith.andi %eq3A_369, %lt3A_370 : i1
        %or3A_372 = arith.ori %gt3A_368, %and3A_371 : i1
        %select_n3A_373 = arith.select %or3A_372, %squeeze3A_361, %select_n3A_358 : f32
        %select_n3A_374 = arith.select %or3A_372, %add3A_367, %select_n3A_359 : i32
        %slice3A_375 = vector.extract_strided_slice %scan3A_206#0 {offsets = [11], sizes = [1], strides = [1]} : vector<16xf32> to vector<1xf32>
        %squeeze3A_376 = vector.extract %slice3A_375[0] : f32 from vector<1xf32>
        %slice3A_377 = vector.extract_strided_slice %scan3A_206#1 {offsets = [11], sizes = [1], strides = [1]} : vector<16xi32> to vector<1xi32>
        %squeeze3A_378 = vector.extract %slice3A_377[0] : i32 from vector<1xi32>
        %mul3A_379 = arith.constant 16 : i32
        %mul3A_380 = arith.muli %squeeze3A_378, %mul3A_379 : i32
        %add3A_381 = arith.constant 11 : i32
        %add3A_382 = arith.addi %mul3A_380, %add3A_381 : i32
        %gt3A_383 = arith.cmpf ogt, %squeeze3A_376, %select_n3A_373 : f32
        %eq3A_384 = arith.cmpf oeq, %squeeze3A_376, %select_n3A_373 : f32
        %lt3A_385 = arith.cmpi slt, %add3A_382, %select_n3A_374 : i32
        %and3A_386 = arith.andi %eq3A_384, %lt3A_385 : i1
        %or3A_387 = arith.ori %gt3A_383, %and3A_386 : i1
        %select_n3A_388 = arith.select %or3A_387, %squeeze3A_376, %select_n3A_373 : f32
        %select_n3A_389 = arith.select %or3A_387, %add3A_382, %select_n3A_374 : i32
        %slice3A_390 = vector.extract_strided_slice %scan3A_206#0 {offsets = [12], sizes = [1], strides = [1]} : vector<16xf32> to vector<1xf32>
        %squeeze3A_391 = vector.extract %slice3A_390[0] : f32 from vector<1xf32>
        %slice3A_392 = vector.extract_strided_slice %scan3A_206#1 {offsets = [12], sizes = [1], strides = [1]} : vector<16xi32> to vector<1xi32>
        %squeeze3A_393 = vector.extract %slice3A_392[0] : i32 from vector<1xi32>
        %mul3A_394 = arith.constant 16 : i32
        %mul3A_395 = arith.muli %squeeze3A_393, %mul3A_394 : i32
        %add3A_396 = arith.constant 12 : i32
        %add3A_397 = arith.addi %mul3A_395, %add3A_396 : i32
        %gt3A_398 = arith.cmpf ogt, %squeeze3A_391, %select_n3A_388 : f32
        %eq3A_399 = arith.cmpf oeq, %squeeze3A_391, %select_n3A_388 : f32
        %lt3A_400 = arith.cmpi slt, %add3A_397, %select_n3A_389 : i32
        %and3A_401 = arith.andi %eq3A_399, %lt3A_400 : i1
        %or3A_402 = arith.ori %gt3A_398, %and3A_401 : i1
        %select_n3A_403 = arith.select %or3A_402, %squeeze3A_391, %select_n3A_388 : f32
        %select_n3A_404 = arith.select %or3A_402, %add3A_397, %select_n3A_389 : i32
        %slice3A_405 = vector.extract_strided_slice %scan3A_206#0 {offsets = [13], sizes = [1], strides = [1]} : vector<16xf32> to vector<1xf32>
        %squeeze3A_406 = vector.extract %slice3A_405[0] : f32 from vector<1xf32>
        %slice3A_407 = vector.extract_strided_slice %scan3A_206#1 {offsets = [13], sizes = [1], strides = [1]} : vector<16xi32> to vector<1xi32>
        %squeeze3A_408 = vector.extract %slice3A_407[0] : i32 from vector<1xi32>
        %mul3A_409 = arith.constant 16 : i32
        %mul3A_410 = arith.muli %squeeze3A_408, %mul3A_409 : i32
        %add3A_411 = arith.constant 13 : i32
        %add3A_412 = arith.addi %mul3A_410, %add3A_411 : i32
        %gt3A_413 = arith.cmpf ogt, %squeeze3A_406, %select_n3A_403 : f32
        %eq3A_414 = arith.cmpf oeq, %squeeze3A_406, %select_n3A_403 : f32
        %lt3A_415 = arith.cmpi slt, %add3A_412, %select_n3A_404 : i32
        %and3A_416 = arith.andi %eq3A_414, %lt3A_415 : i1
        %or3A_417 = arith.ori %gt3A_413, %and3A_416 : i1
        %select_n3A_418 = arith.select %or3A_417, %squeeze3A_406, %select_n3A_403 : f32
        %select_n3A_419 = arith.select %or3A_417, %add3A_412, %select_n3A_404 : i32
        %slice3A_420 = vector.extract_strided_slice %scan3A_206#0 {offsets = [14], sizes = [1], strides = [1]} : vector<16xf32> to vector<1xf32>
        %squeeze3A_421 = vector.extract %slice3A_420[0] : f32 from vector<1xf32>
        %slice3A_422 = vector.extract_strided_slice %scan3A_206#1 {offsets = [14], sizes = [1], strides = [1]} : vector<16xi32> to vector<1xi32>
        %squeeze3A_423 = vector.extract %slice3A_422[0] : i32 from vector<1xi32>
        %mul3A_424 = arith.constant 16 : i32
        %mul3A_425 = arith.muli %squeeze3A_423, %mul3A_424 : i32
        %add3A_426 = arith.constant 14 : i32
        %add3A_427 = arith.addi %mul3A_425, %add3A_426 : i32
        %gt3A_428 = arith.cmpf ogt, %squeeze3A_421, %select_n3A_418 : f32
        %eq3A_429 = arith.cmpf oeq, %squeeze3A_421, %select_n3A_418 : f32
        %lt3A_430 = arith.cmpi slt, %add3A_427, %select_n3A_419 : i32
        %and3A_431 = arith.andi %eq3A_429, %lt3A_430 : i1
        %or3A_432 = arith.ori %gt3A_428, %and3A_431 : i1
        %select_n3A_433 = arith.select %or3A_432, %squeeze3A_421, %select_n3A_418 : f32
        %select_n3A_434 = arith.select %or3A_432, %add3A_427, %select_n3A_419 : i32
        %slice3A_435 = vector.extract_strided_slice %scan3A_206#0 {offsets = [15], sizes = [1], strides = [1]} : vector<16xf32> to vector<1xf32>
        %squeeze3A_436 = vector.extract %slice3A_435[0] : f32 from vector<1xf32>
        %slice3A_437 = vector.extract_strided_slice %scan3A_206#1 {offsets = [15], sizes = [1], strides = [1]} : vector<16xi32> to vector<1xi32>
        %squeeze3A_438 = vector.extract %slice3A_437[0] : i32 from vector<1xi32>
        %mul3A_439 = arith.constant 16 : i32
        %mul3A_440 = arith.muli %squeeze3A_438, %mul3A_439 : i32
        %add3A_441 = arith.constant 15 : i32
        %add3A_442 = arith.addi %mul3A_440, %add3A_441 : i32
        %gt3A_443 = arith.cmpf ogt, %squeeze3A_436, %select_n3A_433 : f32
        %eq3A_444 = arith.cmpf oeq, %squeeze3A_436, %select_n3A_433 : f32
        %lt3A_445 = arith.cmpi slt, %add3A_442, %select_n3A_434 : i32
        %and3A_446 = arith.andi %eq3A_444, %lt3A_445 : i1
        %or3A_447 = arith.ori %gt3A_443, %and3A_446 : i1
        %select_n3A_448 = arith.select %or3A_447, %squeeze3A_436, %select_n3A_433 : f32
        %select_n3A_449 = arith.select %or3A_447, %add3A_442, %select_n3A_434 : i32
        scf.yield %select_n3A_449 : i32
      }
      %scan3A_47 = arith.constant 128 : i32
      %run_scoped3A_48 = arith.constant 0 : i32
      "tpu.region"() ({
        %run_scoped3A_94 = tpu.sem_alloc : memref<!tpu.dma_semaphore, #tpu.memory_space<semaphore_mem>>
        %dma_start3A = arith.constant 0 : i32
        %dma_start3A_95 = tpu.memref_slice %arg5[%add3A_9, %run_scoped3A_48, %dma_start3A] : memref<64x6x128xf32, #tpu.memory_space<hbm>> -> memref<1x1x128xf32, #tpu.memory_space<hbm>>
        %dma_start3A_96 = tpu.memref_squeeze %dma_start3A_95 : memref<1x1x128xf32, #tpu.memory_space<hbm>> -> memref<128xf32, #tpu.memory_space<hbm>>
        %dma_start3A_97 = arith.constant 0 : i32
        %dma_start3A_98 = tpu.memref_slice %arg5[%add3A_9, %run_scoped3A_48, %dma_start3A_97] : memref<64x6x128xf32, #tpu.memory_space<hbm>> -> memref<1x1x128xf32, #tpu.memory_space<hbm>>
        %dma_start3A_99 = tpu.memref_squeeze %dma_start3A_98 : memref<1x1x128xf32, #tpu.memory_space<hbm>> -> memref<128xf32, #tpu.memory_space<hbm>>
        tpu.enqueue_dma source(%arg20 : memref<128xf32, #tpu.memory_space<vmem>>) target(%dma_start3A_99 : memref<128xf32, #tpu.memory_space<hbm>>) target_semaphore(%run_scoped3A_94 : memref<!tpu.dma_semaphore, #tpu.memory_space<semaphore_mem>>)
        %dma_wait3A = arith.constant 0 : i32
        %dma_wait3A_100 = tpu.memref_slice %arg5[%add3A_9, %run_scoped3A_48, %dma_wait3A] : memref<64x6x128xf32, #tpu.memory_space<hbm>> -> memref<1x1x128xf32, #tpu.memory_space<hbm>>
        %dma_wait3A_101 = tpu.memref_squeeze %dma_wait3A_100 : memref<1x1x128xf32, #tpu.memory_space<hbm>> -> memref<128xf32, #tpu.memory_space<hbm>>
        %dma_wait3A_102 = arith.constant 0 : i32
        %dma_wait3A_103 = tpu.memref_slice %arg5[%add3A_9, %run_scoped3A_48, %dma_wait3A_102] : memref<64x6x128xf32, #tpu.memory_space<hbm>> -> memref<1x1x128xf32, #tpu.memory_space<hbm>>
        %dma_wait3A_104 = tpu.memref_squeeze %dma_wait3A_103 : memref<1x1x128xf32, #tpu.memory_space<hbm>> -> memref<128xf32, #tpu.memory_space<hbm>>
        tpu.wait_dma2 semaphore(%run_scoped3A_94 : memref<!tpu.dma_semaphore, #tpu.memory_space<semaphore_mem>>) src(%arg20 : memref<128xf32, #tpu.memory_space<vmem>>) dst(%dma_wait3A_104 : memref<128xf32, #tpu.memory_space<hbm>>)
        tpu.yield
      }) : () -> ()
      %run_scoped3A_49 = arith.constant 1 : i32
      "tpu.region"() ({
        %run_scoped3A_94 = tpu.sem_alloc : memref<!tpu.dma_semaphore, #tpu.memory_space<semaphore_mem>>
        %dma_start3A = arith.constant 0 : i32
        %dma_start3A_95 = tpu.memref_slice %arg5[%add3A_9, %run_scoped3A_49, %dma_start3A] : memref<64x6x128xf32, #tpu.memory_space<hbm>> -> memref<1x1x128xf32, #tpu.memory_space<hbm>>
        %dma_start3A_96 = tpu.memref_squeeze %dma_start3A_95 : memref<1x1x128xf32, #tpu.memory_space<hbm>> -> memref<128xf32, #tpu.memory_space<hbm>>
        %dma_start3A_97 = arith.constant 0 : i32
        %dma_start3A_98 = tpu.memref_slice %arg5[%add3A_9, %run_scoped3A_49, %dma_start3A_97] : memref<64x6x128xf32, #tpu.memory_space<hbm>> -> memref<1x1x128xf32, #tpu.memory_space<hbm>>
        %dma_start3A_99 = tpu.memref_squeeze %dma_start3A_98 : memref<1x1x128xf32, #tpu.memory_space<hbm>> -> memref<128xf32, #tpu.memory_space<hbm>>
        tpu.enqueue_dma source(%arg21 : memref<128xf32, #tpu.memory_space<vmem>>) target(%dma_start3A_99 : memref<128xf32, #tpu.memory_space<hbm>>) target_semaphore(%run_scoped3A_94 : memref<!tpu.dma_semaphore, #tpu.memory_space<semaphore_mem>>)
        %dma_wait3A = arith.constant 0 : i32
        %dma_wait3A_100 = tpu.memref_slice %arg5[%add3A_9, %run_scoped3A_49, %dma_wait3A] : memref<64x6x128xf32, #tpu.memory_space<hbm>> -> memref<1x1x128xf32, #tpu.memory_space<hbm>>
        %dma_wait3A_101 = tpu.memref_squeeze %dma_wait3A_100 : memref<1x1x128xf32, #tpu.memory_space<hbm>> -> memref<128xf32, #tpu.memory_space<hbm>>
        %dma_wait3A_102 = arith.constant 0 : i32
        %dma_wait3A_103 = tpu.memref_slice %arg5[%add3A_9, %run_scoped3A_49, %dma_wait3A_102] : memref<64x6x128xf32, #tpu.memory_space<hbm>> -> memref<1x1x128xf32, #tpu.memory_space<hbm>>
        %dma_wait3A_104 = tpu.memref_squeeze %dma_wait3A_103 : memref<1x1x128xf32, #tpu.memory_space<hbm>> -> memref<128xf32, #tpu.memory_space<hbm>>
        tpu.wait_dma2 semaphore(%run_scoped3A_94 : memref<!tpu.dma_semaphore, #tpu.memory_space<semaphore_mem>>) src(%arg21 : memref<128xf32, #tpu.memory_space<vmem>>) dst(%dma_wait3A_104 : memref<128xf32, #tpu.memory_space<hbm>>)
        tpu.yield
      }) : () -> ()
      %run_scoped3A_50 = arith.constant 2 : i32
      "tpu.region"() ({
        %run_scoped3A_94 = tpu.sem_alloc : memref<!tpu.dma_semaphore, #tpu.memory_space<semaphore_mem>>
        %dma_start3A = arith.constant 0 : i32
        %dma_start3A_95 = tpu.memref_slice %arg5[%add3A_9, %run_scoped3A_50, %dma_start3A] : memref<64x6x128xf32, #tpu.memory_space<hbm>> -> memref<1x1x128xf32, #tpu.memory_space<hbm>>
        %dma_start3A_96 = tpu.memref_squeeze %dma_start3A_95 : memref<1x1x128xf32, #tpu.memory_space<hbm>> -> memref<128xf32, #tpu.memory_space<hbm>>
        %dma_start3A_97 = arith.constant 0 : i32
        %dma_start3A_98 = tpu.memref_slice %arg5[%add3A_9, %run_scoped3A_50, %dma_start3A_97] : memref<64x6x128xf32, #tpu.memory_space<hbm>> -> memref<1x1x128xf32, #tpu.memory_space<hbm>>
        %dma_start3A_99 = tpu.memref_squeeze %dma_start3A_98 : memref<1x1x128xf32, #tpu.memory_space<hbm>> -> memref<128xf32, #tpu.memory_space<hbm>>
        tpu.enqueue_dma source(%arg22 : memref<128xf32, #tpu.memory_space<vmem>>) target(%dma_start3A_99 : memref<128xf32, #tpu.memory_space<hbm>>) target_semaphore(%run_scoped3A_94 : memref<!tpu.dma_semaphore, #tpu.memory_space<semaphore_mem>>)
        %dma_wait3A = arith.constant 0 : i32
        %dma_wait3A_100 = tpu.memref_slice %arg5[%add3A_9, %run_scoped3A_50, %dma_wait3A] : memref<64x6x128xf32, #tpu.memory_space<hbm>> -> memref<1x1x128xf32, #tpu.memory_space<hbm>>
        %dma_wait3A_101 = tpu.memref_squeeze %dma_wait3A_100 : memref<1x1x128xf32, #tpu.memory_space<hbm>> -> memref<128xf32, #tpu.memory_space<hbm>>
        %dma_wait3A_102 = arith.constant 0 : i32
        %dma_wait3A_103 = tpu.memref_slice %arg5[%add3A_9, %run_scoped3A_50, %dma_wait3A_102] : memref<64x6x128xf32, #tpu.memory_space<hbm>> -> memref<1x1x128xf32, #tpu.memory_space<hbm>>
        %dma_wait3A_104 = tpu.memref_squeeze %dma_wait3A_103 : memref<1x1x128xf32, #tpu.memory_space<hbm>> -> memref<128xf32, #tpu.memory_space<hbm>>
        tpu.wait_dma2 semaphore(%run_scoped3A_94 : memref<!tpu.dma_semaphore, #tpu.memory_space<semaphore_mem>>) src(%arg22 : memref<128xf32, #tpu.memory_space<vmem>>) dst(%dma_wait3A_104 : memref<128xf32, #tpu.memory_space<hbm>>)
        tpu.yield
      }) : () -> ()
      %run_scoped3A_51 = arith.constant 3 : i32
      "tpu.region"() ({
        %run_scoped3A_94 = tpu.sem_alloc : memref<!tpu.dma_semaphore, #tpu.memory_space<semaphore_mem>>
        %dma_start3A = arith.constant 0 : i32
        %dma_start3A_95 = tpu.memref_slice %arg5[%add3A_9, %run_scoped3A_51, %dma_start3A] : memref<64x6x128xf32, #tpu.memory_space<hbm>> -> memref<1x1x128xf32, #tpu.memory_space<hbm>>
        %dma_start3A_96 = tpu.memref_squeeze %dma_start3A_95 : memref<1x1x128xf32, #tpu.memory_space<hbm>> -> memref<128xf32, #tpu.memory_space<hbm>>
        %dma_start3A_97 = arith.constant 0 : i32
        %dma_start3A_98 = tpu.memref_slice %arg5[%add3A_9, %run_scoped3A_51, %dma_start3A_97] : memref<64x6x128xf32, #tpu.memory_space<hbm>> -> memref<1x1x128xf32, #tpu.memory_space<hbm>>
        %dma_start3A_99 = tpu.memref_squeeze %dma_start3A_98 : memref<1x1x128xf32, #tpu.memory_space<hbm>> -> memref<128xf32, #tpu.memory_space<hbm>>
        tpu.enqueue_dma source(%arg23 : memref<128xf32, #tpu.memory_space<vmem>>) target(%dma_start3A_99 : memref<128xf32, #tpu.memory_space<hbm>>) target_semaphore(%run_scoped3A_94 : memref<!tpu.dma_semaphore, #tpu.memory_space<semaphore_mem>>)
        %dma_wait3A = arith.constant 0 : i32
        %dma_wait3A_100 = tpu.memref_slice %arg5[%add3A_9, %run_scoped3A_51, %dma_wait3A] : memref<64x6x128xf32, #tpu.memory_space<hbm>> -> memref<1x1x128xf32, #tpu.memory_space<hbm>>
        %dma_wait3A_101 = tpu.memref_squeeze %dma_wait3A_100 : memref<1x1x128xf32, #tpu.memory_space<hbm>> -> memref<128xf32, #tpu.memory_space<hbm>>
        %dma_wait3A_102 = arith.constant 0 : i32
        %dma_wait3A_103 = tpu.memref_slice %arg5[%add3A_9, %run_scoped3A_51, %dma_wait3A_102] : memref<64x6x128xf32, #tpu.memory_space<hbm>> -> memref<1x1x128xf32, #tpu.memory_space<hbm>>
        %dma_wait3A_104 = tpu.memref_squeeze %dma_wait3A_103 : memref<1x1x128xf32, #tpu.memory_space<hbm>> -> memref<128xf32, #tpu.memory_space<hbm>>
        tpu.wait_dma2 semaphore(%run_scoped3A_94 : memref<!tpu.dma_semaphore, #tpu.memory_space<semaphore_mem>>) src(%arg23 : memref<128xf32, #tpu.memory_space<vmem>>) dst(%dma_wait3A_104 : memref<128xf32, #tpu.memory_space<hbm>>)
        tpu.yield
      }) : () -> ()
      %run_scoped3A_52 = arith.constant 4 : i32
      "tpu.region"() ({
        %run_scoped3A_94 = tpu.sem_alloc : memref<!tpu.dma_semaphore, #tpu.memory_space<semaphore_mem>>
        %dma_start3A = arith.constant 0 : i32
        %dma_start3A_95 = tpu.memref_slice %arg5[%add3A_9, %run_scoped3A_52, %dma_start3A] : memref<64x6x128xf32, #tpu.memory_space<hbm>> -> memref<1x1x128xf32, #tpu.memory_space<hbm>>
        %dma_start3A_96 = tpu.memref_squeeze %dma_start3A_95 : memref<1x1x128xf32, #tpu.memory_space<hbm>> -> memref<128xf32, #tpu.memory_space<hbm>>
        %dma_start3A_97 = arith.constant 0 : i32
        %dma_start3A_98 = tpu.memref_slice %arg5[%add3A_9, %run_scoped3A_52, %dma_start3A_97] : memref<64x6x128xf32, #tpu.memory_space<hbm>> -> memref<1x1x128xf32, #tpu.memory_space<hbm>>
        %dma_start3A_99 = tpu.memref_squeeze %dma_start3A_98 : memref<1x1x128xf32, #tpu.memory_space<hbm>> -> memref<128xf32, #tpu.memory_space<hbm>>
        tpu.enqueue_dma source(%arg24 : memref<128xf32, #tpu.memory_space<vmem>>) target(%dma_start3A_99 : memref<128xf32, #tpu.memory_space<hbm>>) target_semaphore(%run_scoped3A_94 : memref<!tpu.dma_semaphore, #tpu.memory_space<semaphore_mem>>)
        %dma_wait3A = arith.constant 0 : i32
        %dma_wait3A_100 = tpu.memref_slice %arg5[%add3A_9, %run_scoped3A_52, %dma_wait3A] : memref<64x6x128xf32, #tpu.memory_space<hbm>> -> memref<1x1x128xf32, #tpu.memory_space<hbm>>
        %dma_wait3A_101 = tpu.memref_squeeze %dma_wait3A_100 : memref<1x1x128xf32, #tpu.memory_space<hbm>> -> memref<128xf32, #tpu.memory_space<hbm>>
        %dma_wait3A_102 = arith.constant 0 : i32
        %dma_wait3A_103 = tpu.memref_slice %arg5[%add3A_9, %run_scoped3A_52, %dma_wait3A_102] : memref<64x6x128xf32, #tpu.memory_space<hbm>> -> memref<1x1x128xf32, #tpu.memory_space<hbm>>
        %dma_wait3A_104 = tpu.memref_squeeze %dma_wait3A_103 : memref<1x1x128xf32, #tpu.memory_space<hbm>> -> memref<128xf32, #tpu.memory_space<hbm>>
        tpu.wait_dma2 semaphore(%run_scoped3A_94 : memref<!tpu.dma_semaphore, #tpu.memory_space<semaphore_mem>>) src(%arg24 : memref<128xf32, #tpu.memory_space<vmem>>) dst(%dma_wait3A_104 : memref<128xf32, #tpu.memory_space<hbm>>)
        tpu.yield
      }) : () -> ()
      %run_scoped3A_53 = arith.constant 5 : i32
      "tpu.region"() ({
        %run_scoped3A_94 = tpu.sem_alloc : memref<!tpu.dma_semaphore, #tpu.memory_space<semaphore_mem>>
        %dma_start3A = arith.constant 0 : i32
        %dma_start3A_95 = tpu.memref_slice %arg5[%add3A_9, %run_scoped3A_53, %dma_start3A] : memref<64x6x128xf32, #tpu.memory_space<hbm>> -> memref<1x1x128xf32, #tpu.memory_space<hbm>>
        %dma_start3A_96 = tpu.memref_squeeze %dma_start3A_95 : memref<1x1x128xf32, #tpu.memory_space<hbm>> -> memref<128xf32, #tpu.memory_space<hbm>>
        %dma_start3A_97 = arith.constant 0 : i32
        %dma_start3A_98 = tpu.memref_slice %arg5[%add3A_9, %run_scoped3A_53, %dma_start3A_97] : memref<64x6x128xf32, #tpu.memory_space<hbm>> -> memref<1x1x128xf32, #tpu.memory_space<hbm>>
        %dma_start3A_99 = tpu.memref_squeeze %dma_start3A_98 : memref<1x1x128xf32, #tpu.memory_space<hbm>> -> memref<128xf32, #tpu.memory_space<hbm>>
        tpu.enqueue_dma source(%arg25 : memref<128xf32, #tpu.memory_space<vmem>>) target(%dma_start3A_99 : memref<128xf32, #tpu.memory_space<hbm>>) target_semaphore(%run_scoped3A_94 : memref<!tpu.dma_semaphore, #tpu.memory_space<semaphore_mem>>)
        %dma_wait3A = arith.constant 0 : i32
        %dma_wait3A_100 = tpu.memref_slice %arg5[%add3A_9, %run_scoped3A_53, %dma_wait3A] : memref<64x6x128xf32, #tpu.memory_space<hbm>> -> memref<1x1x128xf32, #tpu.memory_space<hbm>>
        %dma_wait3A_101 = tpu.memref_squeeze %dma_wait3A_100 : memref<1x1x128xf32, #tpu.memory_space<hbm>> -> memref<128xf32, #tpu.memory_space<hbm>>
        %dma_wait3A_102 = arith.constant 0 : i32
        %dma_wait3A_103 = tpu.memref_slice %arg5[%add3A_9, %run_scoped3A_53, %dma_wait3A_102] : memref<64x6x128xf32, #tpu.memory_space<hbm>> -> memref<1x1x128xf32, #tpu.memory_space<hbm>>
        %dma_wait3A_104 = tpu.memref_squeeze %dma_wait3A_103 : memref<1x1x128xf32, #tpu.memory_space<hbm>> -> memref<128xf32, #tpu.memory_space<hbm>>
        tpu.wait_dma2 semaphore(%run_scoped3A_94 : memref<!tpu.dma_semaphore, #tpu.memory_space<semaphore_mem>>) src(%arg25 : memref<128xf32, #tpu.memory_space<vmem>>) dst(%dma_wait3A_104 : memref<128xf32, #tpu.memory_space<hbm>>)
        tpu.yield
      }) : () -> ()
      %iota3A_54 = tpu.iota {dimensions = array<i32: 0>} : vector<16xi32>
      %scan3A_55 = arith.constant 0 : i32
      %scan3A_56 = arith.constant 0 : i32
      %scan3A_57 = arith.constant 8 : i32
      %scan3A_58 = arith.addi %scan3A_56, %scan3A_57 : i32
      %scan3A_59 = arith.constant 1 : i32
      scf.for %scan3A_94 = %scan3A_56 to %scan3A_58 step %scan3A_59  : i32 {
        %broadcast_in_dim3A = arith.constant 1.000000e+10 : f32
        %broadcast_in_dim3A_95 = vector.broadcast %broadcast_in_dim3A : f32 to vector<16xf32>
        %mul3A_96 = arith.constant 16 : i32
        %mul3A_97 = arith.muli %scan3A_94, %mul3A_96 : i32
        %swap3A = arith.index_cast %mul3A_97 : i32 to index
        %swap3A_98 = tpu.vector_load %arg38[%swap3A] {strides = array<i32>} : memref<1024xf32, #tpu.memory_space<vmem>>, vector<16xf32>,
        %swap3A_99 = vector.shape_cast %swap3A_98 : vector<16xf32> to vector<16xf32>
        %swap3A_100 = vector.shape_cast %broadcast_in_dim3A_95 : vector<16xf32> to vector<16xf32>
        tpu.vector_store %arg38[%swap3A], %swap3A_100 {strides = array<i32>} : memref<1024xf32, #tpu.memory_space<vmem>>, vector<16xf32>,
      }
      %scan3A_60 = arith.constant 8 : i32
      %scan3A_61 = arith.constant 0 : i32
      %scan3A_62 = arith.constant 0 : i32
      %scan3A_63 = arith.constant 64 : i32
      %scan3A_64 = arith.addi %scan3A_62, %scan3A_63 : i32
      %scan3A_65 = arith.constant 1 : i32
      %scan3A_66 = scf.for %scan3A_94 = %scan3A_62 to %scan3A_64 step %scan3A_65 iter_args(%scan3A_95 = %scan3A_61) -> (i32)  : i32 {
        %get3A = arith.index_cast %scan3A_95 : i32 to index
        %get3A_96 = tpu.vector_load %arg20[%get3A] {strides = array<i32>} : memref<128xf32, #tpu.memory_space<vmem>>, vector<16xf32>,
        %get3A_97 = vector.shape_cast %get3A_96 : vector<16xf32> to vector<16xf32>
        %slice3A = vector.extract_strided_slice %get3A_97 {offsets = [0], sizes = [1], strides = [1]} : vector<16xf32> to vector<1xf32>
        %squeeze3A = vector.extract %slice3A[0] : f32 from vector<1xf32>
        %get3A_98 = arith.index_cast %scan3A_95 : i32 to index
        %get3A_99 = tpu.vector_load %arg21[%get3A_98] {strides = array<i32>} : memref<128xf32, #tpu.memory_space<vmem>>, vector<16xf32>,
        %get3A_100 = vector.shape_cast %get3A_99 : vector<16xf32> to vector<16xf32>
        %slice3A_101 = vector.extract_strided_slice %get3A_100 {offsets = [0], sizes = [1], strides = [1]} : vector<16xf32> to vector<1xf32>
        %squeeze3A_102 = vector.extract %slice3A_101[0] : f32 from vector<1xf32>
        %get3A_103 = arith.index_cast %scan3A_95 : i32 to index
        %get3A_104 = tpu.vector_load %arg22[%get3A_103] {strides = array<i32>} : memref<128xf32, #tpu.memory_space<vmem>>, vector<16xf32>,
        %get3A_105 = vector.shape_cast %get3A_104 : vector<16xf32> to vector<16xf32>
        %slice3A_106 = vector.extract_strided_slice %get3A_105 {offsets = [0], sizes = [1], strides = [1]} : vector<16xf32> to vector<1xf32>
        %squeeze3A_107 = vector.extract %slice3A_106[0] : f32 from vector<1xf32>
        %get3A_108 = arith.index_cast %scan3A_95 : i32 to index
        %get3A_109 = tpu.vector_load %arg23[%get3A_108] {strides = array<i32>} : memref<128xf32, #tpu.memory_space<vmem>>, vector<16xf32>,
        %get3A_110 = vector.shape_cast %get3A_109 : vector<16xf32> to vector<16xf32>
        %slice3A_111 = vector.extract_strided_slice %get3A_110 {offsets = [0], sizes = [1], strides = [1]} : vector<16xf32> to vector<1xf32>
        %squeeze3A_112 = vector.extract %slice3A_111[0] : f32 from vector<1xf32>
        %get3A_113 = arith.index_cast %scan3A_95 : i32 to index
        %get3A_114 = tpu.vector_load %arg24[%get3A_113] {strides = array<i32>} : memref<128xf32, #tpu.memory_space<vmem>>, vector<16xf32>,
        %get3A_115 = vector.shape_cast %get3A_114 : vector<16xf32> to vector<16xf32>
        %slice3A_116 = vector.extract_strided_slice %get3A_115 {offsets = [0], sizes = [1], strides = [1]} : vector<16xf32> to vector<1xf32>
        %squeeze3A_117 = vector.extract %slice3A_116[0] : f32 from vector<1xf32>
        %get3A_118 = arith.index_cast %scan3A_95 : i32 to index
        %get3A_119 = tpu.vector_load %arg25[%get3A_118] {strides = array<i32>} : memref<128xf32, #tpu.memory_space<vmem>>, vector<16xf32>,
        %get3A_120 = vector.shape_cast %get3A_119 : vector<16xf32> to vector<16xf32>
        %slice3A_121 = vector.extract_strided_slice %get3A_120 {offsets = [0], sizes = [1], strides = [1]} : vector<16xf32> to vector<1xf32>
        %squeeze3A_122 = vector.extract %slice3A_121[0] : f32 from vector<1xf32>
        %jit3A = arith.constant 16 : i32
        %div3A = arith.divsi %scan3A_94, %jit3A : i32
        %sign3A = arith.constant 0 : i32
        %sign3A_123 = arith.cmpi sgt, %scan3A_94, %sign3A : i32
        %sign3A_124 = arith.extui %sign3A_123 : i1 to i32
        %sign3A_125 = arith.constant 0 : i32
        %sign3A_126 = arith.cmpi slt, %scan3A_94, %sign3A_125 : i32
        %sign3A_127 = arith.extui %sign3A_126 : i1 to i32
        %sign3A_128 = arith.subi %sign3A_124, %sign3A_127 : i32
        %sign3A_129 = arith.constant 0 : i32
        %sign3A_130 = arith.cmpi sgt, %jit3A, %sign3A_129 : i32
        %sign3A_131 = arith.extui %sign3A_130 : i1 to i32
        %sign3A_132 = arith.constant 0 : i32
        %sign3A_133 = arith.cmpi slt, %jit3A, %sign3A_132 : i32
        %sign3A_134 = arith.extui %sign3A_133 : i1 to i32
        %sign3A_135 = arith.subi %sign3A_131, %sign3A_134 : i32
        %ne3A = arith.cmpi ne, %sign3A_128, %sign3A_135 : i32
        %rem3A = arith.remsi %scan3A_94, %jit3A : i32
        %ne3A_136 = arith.constant 0 : i32
        %ne3A_137 = arith.cmpi ne, %rem3A, %ne3A_136 : i32
        %and3A = arith.andi %ne3A, %ne3A_137 : i1
        %sub3A = arith.constant 1 : i32
        %sub3A_138 = arith.subi %div3A, %sub3A : i32
        %select_n3A = arith.select %and3A, %sub3A_138, %div3A : i32
        %mul3A_139 = arith.constant 16 : i32
        %mul3A_140 = arith.muli %select_n3A, %mul3A_139 : i32
        %sub3A_141 = arith.subi %scan3A_94, %mul3A_140 : i32
        %eq3A = vector.broadcast %sub3A_141 : i32 to vector<16xi32>
        %eq3A_142 = arith.cmpi eq, %iota3A_54, %eq3A : vector<16xi32>
        %get3A_143 = arith.index_cast %mul3A_140 : i32 to index
        %get3A_144 = tpu.vector_load %arg26[%get3A_143] {strides = array<i32>} : memref<64xf32, #tpu.memory_space<vmem>>, vector<16xf32>,
        %get3A_145 = vector.shape_cast %get3A_144 : vector<16xf32> to vector<16xf32>
        %broadcast_in_dim3A = vector.broadcast %squeeze3A : f32 to vector<16xf32>
        %select_n3A_146 = arith.select %eq3A_142, %broadcast_in_dim3A, %get3A_145 : vector<16xi1>, vector<16xf32>
        %swap3A = arith.index_cast %mul3A_140 : i32 to index
        %swap3A_147 = tpu.vector_load %arg26[%swap3A] {strides = array<i32>} : memref<64xf32, #tpu.memory_space<vmem>>, vector<16xf32>,
        %swap3A_148 = vector.shape_cast %swap3A_147 : vector<16xf32> to vector<16xf32>
        %swap3A_149 = vector.shape_cast %select_n3A_146 : vector<16xf32> to vector<16xf32>
        tpu.vector_store %arg26[%swap3A], %swap3A_149 {strides = array<i32>} : memref<64xf32, #tpu.memory_space<vmem>>, vector<16xf32>,
        %get3A_150 = arith.index_cast %mul3A_140 : i32 to index
        %get3A_151 = tpu.vector_load %arg27[%get3A_150] {strides = array<i32>} : memref<64xf32, #tpu.memory_space<vmem>>, vector<16xf32>,
        %get3A_152 = vector.shape_cast %get3A_151 : vector<16xf32> to vector<16xf32>
        %broadcast_in_dim3A_153 = vector.broadcast %squeeze3A_102 : f32 to vector<16xf32>
        %select_n3A_154 = arith.select %eq3A_142, %broadcast_in_dim3A_153, %get3A_152 : vector<16xi1>, vector<16xf32>
        %swap3A_155 = arith.index_cast %mul3A_140 : i32 to index
        %swap3A_156 = tpu.vector_load %arg27[%swap3A_155] {strides = array<i32>} : memref<64xf32, #tpu.memory_space<vmem>>, vector<16xf32>,
        %swap3A_157 = vector.shape_cast %swap3A_156 : vector<16xf32> to vector<16xf32>
        %swap3A_158 = vector.shape_cast %select_n3A_154 : vector<16xf32> to vector<16xf32>
        tpu.vector_store %arg27[%swap3A_155], %swap3A_158 {strides = array<i32>} : memref<64xf32, #tpu.memory_space<vmem>>, vector<16xf32>,
        %get3A_159 = arith.index_cast %mul3A_140 : i32 to index
        %get3A_160 = tpu.vector_load %arg28[%get3A_159] {strides = array<i32>} : memref<64xf32, #tpu.memory_space<vmem>>, vector<16xf32>,
        %get3A_161 = vector.shape_cast %get3A_160 : vector<16xf32> to vector<16xf32>
        %broadcast_in_dim3A_162 = vector.broadcast %squeeze3A_107 : f32 to vector<16xf32>
        %select_n3A_163 = arith.select %eq3A_142, %broadcast_in_dim3A_162, %get3A_161 : vector<16xi1>, vector<16xf32>
        %swap3A_164 = arith.index_cast %mul3A_140 : i32 to index
        %swap3A_165 = tpu.vector_load %arg28[%swap3A_164] {strides = array<i32>} : memref<64xf32, #tpu.memory_space<vmem>>, vector<16xf32>,
        %swap3A_166 = vector.shape_cast %swap3A_165 : vector<16xf32> to vector<16xf32>
        %swap3A_167 = vector.shape_cast %select_n3A_163 : vector<16xf32> to vector<16xf32>
        tpu.vector_store %arg28[%swap3A_164], %swap3A_167 {strides = array<i32>} : memref<64xf32, #tpu.memory_space<vmem>>, vector<16xf32>,
        %get3A_168 = arith.index_cast %mul3A_140 : i32 to index
        %get3A_169 = tpu.vector_load %arg29[%get3A_168] {strides = array<i32>} : memref<64xf32, #tpu.memory_space<vmem>>, vector<16xf32>,
        %get3A_170 = vector.shape_cast %get3A_169 : vector<16xf32> to vector<16xf32>
        %broadcast_in_dim3A_171 = vector.broadcast %squeeze3A_112 : f32 to vector<16xf32>
        %select_n3A_172 = arith.select %eq3A_142, %broadcast_in_dim3A_171, %get3A_170 : vector<16xi1>, vector<16xf32>
        %swap3A_173 = arith.index_cast %mul3A_140 : i32 to index
        %swap3A_174 = tpu.vector_load %arg29[%swap3A_173] {strides = array<i32>} : memref<64xf32, #tpu.memory_space<vmem>>, vector<16xf32>,
        %swap3A_175 = vector.shape_cast %swap3A_174 : vector<16xf32> to vector<16xf32>
        %swap3A_176 = vector.shape_cast %select_n3A_172 : vector<16xf32> to vector<16xf32>
        tpu.vector_store %arg29[%swap3A_173], %swap3A_176 {strides = array<i32>} : memref<64xf32, #tpu.memory_space<vmem>>, vector<16xf32>,
        %get3A_177 = arith.index_cast %mul3A_140 : i32 to index
        %get3A_178 = tpu.vector_load %arg30[%get3A_177] {strides = array<i32>} : memref<64xf32, #tpu.memory_space<vmem>>, vector<16xf32>,
        %get3A_179 = vector.shape_cast %get3A_178 : vector<16xf32> to vector<16xf32>
        %broadcast_in_dim3A_180 = vector.broadcast %squeeze3A_117 : f32 to vector<16xf32>
        %select_n3A_181 = arith.select %eq3A_142, %broadcast_in_dim3A_180, %get3A_179 : vector<16xi1>, vector<16xf32>
        %swap3A_182 = arith.index_cast %mul3A_140 : i32 to index
        %swap3A_183 = tpu.vector_load %arg30[%swap3A_182] {strides = array<i32>} : memref<64xf32, #tpu.memory_space<vmem>>, vector<16xf32>,
        %swap3A_184 = vector.shape_cast %swap3A_183 : vector<16xf32> to vector<16xf32>
        %swap3A_185 = vector.shape_cast %select_n3A_181 : vector<16xf32> to vector<16xf32>
        tpu.vector_store %arg30[%swap3A_182], %swap3A_185 {strides = array<i32>} : memref<64xf32, #tpu.memory_space<vmem>>, vector<16xf32>,
        %get3A_186 = arith.index_cast %mul3A_140 : i32 to index
        %get3A_187 = tpu.vector_load %arg31[%get3A_186] {strides = array<i32>} : memref<64xf32, #tpu.memory_space<vmem>>, vector<16xf32>,
        %get3A_188 = vector.shape_cast %get3A_187 : vector<16xf32> to vector<16xf32>
        %broadcast_in_dim3A_189 = vector.broadcast %squeeze3A_122 : f32 to vector<16xf32>
        %select_n3A_190 = arith.select %eq3A_142, %broadcast_in_dim3A_189, %get3A_188 : vector<16xi1>, vector<16xf32>
        %swap3A_191 = arith.index_cast %mul3A_140 : i32 to index
        %swap3A_192 = tpu.vector_load %arg31[%swap3A_191] {strides = array<i32>} : memref<64xf32, #tpu.memory_space<vmem>>, vector<16xf32>,
        %swap3A_193 = vector.shape_cast %swap3A_192 : vector<16xf32> to vector<16xf32>
        %swap3A_194 = vector.shape_cast %select_n3A_190 : vector<16xf32> to vector<16xf32>
        tpu.vector_store %arg31[%swap3A_191], %swap3A_194 {strides = array<i32>} : memref<64xf32, #tpu.memory_space<vmem>>, vector<16xf32>,
        %broadcast_in_dim3A_195 = vector.broadcast %squeeze3A : f32 to vector<16xf32>
        %broadcast_in_dim3A_196 = vector.broadcast %squeeze3A_102 : f32 to vector<16xf32>
        %broadcast_in_dim3A_197 = vector.broadcast %squeeze3A_107 : f32 to vector<16xf32>
        %broadcast_in_dim3A_198 = arith.constant -1.000000e+00 : f32
        %broadcast_in_dim3A_199 = vector.broadcast %broadcast_in_dim3A_198 : f32 to vector<16xf32>
        %broadcast_in_dim3A_200 = arith.constant 0 : i32
        %broadcast_in_dim3A_201 = vector.broadcast %broadcast_in_dim3A_200 : i32 to vector<16xi32>
        %scan3A_202 = arith.constant 0 : i32
        %scan3A_203 = arith.constant 8 : i32
        %scan3A_204 = arith.addi %scan3A_202, %scan3A_203 : i32
        %scan3A_205 = arith.constant 1 : i32
        %scan3A_206:2 = scf.for %scan3A_450 = %scan3A_202 to %scan3A_204 step %scan3A_205 iter_args(%scan3A_451 = %broadcast_in_dim3A_199, %scan3A_452 = %broadcast_in_dim3A_201) -> (vector<16xf32>, vector<16xi32>)  : i32 {
          %mul3A_453 = arith.constant 16 : i32
          %mul3A_454 = arith.muli %scan3A_450, %mul3A_453 : i32
          %get3A_455 = arith.index_cast %mul3A_454 : i32 to index
          %get3A_456 = tpu.vector_load %arg20[%get3A_455] {strides = array<i32>} : memref<128xf32, #tpu.memory_space<vmem>>, vector<16xf32>,
          %get3A_457 = vector.shape_cast %get3A_456 : vector<16xf32> to vector<16xf32>
          %sub3A_458 = arith.subf %get3A_457, %broadcast_in_dim3A_195 : vector<16xf32>
          %get3A_459 = arith.index_cast %mul3A_454 : i32 to index
          %get3A_460 = tpu.vector_load %arg21[%get3A_459] {strides = array<i32>} : memref<128xf32, #tpu.memory_space<vmem>>, vector<16xf32>,
          %get3A_461 = vector.shape_cast %get3A_460 : vector<16xf32> to vector<16xf32>
          %sub3A_462 = arith.subf %get3A_461, %broadcast_in_dim3A_196 : vector<16xf32>
          %get3A_463 = arith.index_cast %mul3A_454 : i32 to index
          %get3A_464 = tpu.vector_load %arg22[%get3A_463] {strides = array<i32>} : memref<128xf32, #tpu.memory_space<vmem>>, vector<16xf32>,
          %get3A_465 = vector.shape_cast %get3A_464 : vector<16xf32> to vector<16xf32>
          %sub3A_466 = arith.subf %get3A_465, %broadcast_in_dim3A_197 : vector<16xf32>
          %mul3A_467 = arith.mulf %sub3A_458, %sub3A_458 : vector<16xf32>
          %mul3A_468 = arith.mulf %sub3A_462, %sub3A_462 : vector<16xf32>
          %add3A_469 = arith.addf %mul3A_467, %mul3A_468 : vector<16xf32>
          %mul3A_470 = arith.mulf %sub3A_466, %sub3A_466 : vector<16xf32>
          %add3A_471 = arith.addf %add3A_469, %mul3A_470 : vector<16xf32>
          %get3A_472 = arith.index_cast %mul3A_454 : i32 to index
          %get3A_473 = tpu.vector_load %arg38[%get3A_472] {strides = array<i32>} : memref<1024xf32, #tpu.memory_space<vmem>>, vector<16xf32>,
          %get3A_474 = vector.shape_cast %get3A_473 : vector<16xf32> to vector<16xf32>
          %min3A = arith.minimumf %get3A_474, %add3A_471 : vector<16xf32>
          %swap3A_475 = arith.index_cast %mul3A_454 : i32 to index
          %swap3A_476 = tpu.vector_load %arg38[%swap3A_475] {strides = array<i32>} : memref<1024xf32, #tpu.memory_space<vmem>>, vector<16xf32>,
          %swap3A_477 = vector.shape_cast %swap3A_476 : vector<16xf32> to vector<16xf32>
          %swap3A_478 = vector.shape_cast %min3A : vector<16xf32> to vector<16xf32>
          tpu.vector_store %arg38[%swap3A_475], %swap3A_478 {strides = array<i32>} : memref<1024xf32, #tpu.memory_space<vmem>>, vector<16xf32>,
          %gt3A_479 = arith.cmpf ogt, %min3A, %scan3A_451 : vector<16xf32>
          %select_n3A_480 = arith.select %gt3A_479, %min3A, %scan3A_451 : vector<16xi1>, vector<16xf32>
          %broadcast_in_dim3A_481 = vector.broadcast %scan3A_450 : i32 to vector<16xi32>
          %select_n3A_482 = arith.select %gt3A_479, %broadcast_in_dim3A_481, %scan3A_452 : vector<16xi1>, vector<16xi32>
          scf.yield %select_n3A_480, %select_n3A_482 : vector<16xf32>, vector<16xi32>
        }
        %scan3A_207 = arith.constant 8 : i32
        %slice3A_208 = vector.extract_strided_slice %scan3A_206#0 {offsets = [0], sizes = [1], strides = [1]} : vector<16xf32> to vector<1xf32>
        %squeeze3A_209 = vector.extract %slice3A_208[0] : f32 from vector<1xf32>
        %slice3A_210 = vector.extract_strided_slice %scan3A_206#1 {offsets = [0], sizes = [1], strides = [1]} : vector<16xi32> to vector<1xi32>
        %squeeze3A_211 = vector.extract %slice3A_210[0] : i32 from vector<1xi32>
        %mul3A_212 = arith.constant 16 : i32
        %mul3A_213 = arith.muli %squeeze3A_211, %mul3A_212 : i32
        %add3A_214 = arith.constant 0 : i32
        %add3A_215 = arith.addi %mul3A_213, %add3A_214 : i32
        %gt3A = arith.constant -1.000000e+00 : f32
        %gt3A_216 = arith.cmpf ogt, %squeeze3A_209, %gt3A : f32
        %eq3A_217 = arith.constant -1.000000e+00 : f32
        %eq3A_218 = arith.cmpf oeq, %squeeze3A_209, %eq3A_217 : f32
        %lt3A = arith.constant 0 : i32
        %lt3A_219 = arith.cmpi slt, %add3A_215, %lt3A : i32
        %and3A_220 = arith.andi %eq3A_218, %lt3A_219 : i1
        %or3A = arith.ori %gt3A_216, %and3A_220 : i1
        %jit3A_221 = arith.constant -1.000000e+00 : f32
        %select_n3A_222 = arith.select %or3A, %squeeze3A_209, %jit3A_221 : f32
        %jit3A_223 = arith.constant 0 : i32
        %select_n3A_224 = arith.select %or3A, %add3A_215, %jit3A_223 : i32
        %slice3A_225 = vector.extract_strided_slice %scan3A_206#0 {offsets = [1], sizes = [1], strides = [1]} : vector<16xf32> to vector<1xf32>
        %squeeze3A_226 = vector.extract %slice3A_225[0] : f32 from vector<1xf32>
        %slice3A_227 = vector.extract_strided_slice %scan3A_206#1 {offsets = [1], sizes = [1], strides = [1]} : vector<16xi32> to vector<1xi32>
        %squeeze3A_228 = vector.extract %slice3A_227[0] : i32 from vector<1xi32>
        %mul3A_229 = arith.constant 16 : i32
        %mul3A_230 = arith.muli %squeeze3A_228, %mul3A_229 : i32
        %add3A_231 = arith.constant 1 : i32
        %add3A_232 = arith.addi %mul3A_230, %add3A_231 : i32
        %gt3A_233 = arith.cmpf ogt, %squeeze3A_226, %select_n3A_222 : f32
        %eq3A_234 = arith.cmpf oeq, %squeeze3A_226, %select_n3A_222 : f32
        %lt3A_235 = arith.cmpi slt, %add3A_232, %select_n3A_224 : i32
        %and3A_236 = arith.andi %eq3A_234, %lt3A_235 : i1
        %or3A_237 = arith.ori %gt3A_233, %and3A_236 : i1
        %select_n3A_238 = arith.select %or3A_237, %squeeze3A_226, %select_n3A_222 : f32
        %select_n3A_239 = arith.select %or3A_237, %add3A_232, %select_n3A_224 : i32
        %slice3A_240 = vector.extract_strided_slice %scan3A_206#0 {offsets = [2], sizes = [1], strides = [1]} : vector<16xf32> to vector<1xf32>
        %squeeze3A_241 = vector.extract %slice3A_240[0] : f32 from vector<1xf32>
        %slice3A_242 = vector.extract_strided_slice %scan3A_206#1 {offsets = [2], sizes = [1], strides = [1]} : vector<16xi32> to vector<1xi32>
        %squeeze3A_243 = vector.extract %slice3A_242[0] : i32 from vector<1xi32>
        %mul3A_244 = arith.constant 16 : i32
        %mul3A_245 = arith.muli %squeeze3A_243, %mul3A_244 : i32
        %add3A_246 = arith.constant 2 : i32
        %add3A_247 = arith.addi %mul3A_245, %add3A_246 : i32
        %gt3A_248 = arith.cmpf ogt, %squeeze3A_241, %select_n3A_238 : f32
        %eq3A_249 = arith.cmpf oeq, %squeeze3A_241, %select_n3A_238 : f32
        %lt3A_250 = arith.cmpi slt, %add3A_247, %select_n3A_239 : i32
        %and3A_251 = arith.andi %eq3A_249, %lt3A_250 : i1
        %or3A_252 = arith.ori %gt3A_248, %and3A_251 : i1
        %select_n3A_253 = arith.select %or3A_252, %squeeze3A_241, %select_n3A_238 : f32
        %select_n3A_254 = arith.select %or3A_252, %add3A_247, %select_n3A_239 : i32
        %slice3A_255 = vector.extract_strided_slice %scan3A_206#0 {offsets = [3], sizes = [1], strides = [1]} : vector<16xf32> to vector<1xf32>
        %squeeze3A_256 = vector.extract %slice3A_255[0] : f32 from vector<1xf32>
        %slice3A_257 = vector.extract_strided_slice %scan3A_206#1 {offsets = [3], sizes = [1], strides = [1]} : vector<16xi32> to vector<1xi32>
        %squeeze3A_258 = vector.extract %slice3A_257[0] : i32 from vector<1xi32>
        %mul3A_259 = arith.constant 16 : i32
        %mul3A_260 = arith.muli %squeeze3A_258, %mul3A_259 : i32
        %add3A_261 = arith.constant 3 : i32
        %add3A_262 = arith.addi %mul3A_260, %add3A_261 : i32
        %gt3A_263 = arith.cmpf ogt, %squeeze3A_256, %select_n3A_253 : f32
        %eq3A_264 = arith.cmpf oeq, %squeeze3A_256, %select_n3A_253 : f32
        %lt3A_265 = arith.cmpi slt, %add3A_262, %select_n3A_254 : i32
        %and3A_266 = arith.andi %eq3A_264, %lt3A_265 : i1
        %or3A_267 = arith.ori %gt3A_263, %and3A_266 : i1
        %select_n3A_268 = arith.select %or3A_267, %squeeze3A_256, %select_n3A_253 : f32
        %select_n3A_269 = arith.select %or3A_267, %add3A_262, %select_n3A_254 : i32
        %slice3A_270 = vector.extract_strided_slice %scan3A_206#0 {offsets = [4], sizes = [1], strides = [1]} : vector<16xf32> to vector<1xf32>
        %squeeze3A_271 = vector.extract %slice3A_270[0] : f32 from vector<1xf32>
        %slice3A_272 = vector.extract_strided_slice %scan3A_206#1 {offsets = [4], sizes = [1], strides = [1]} : vector<16xi32> to vector<1xi32>
        %squeeze3A_273 = vector.extract %slice3A_272[0] : i32 from vector<1xi32>
        %mul3A_274 = arith.constant 16 : i32
        %mul3A_275 = arith.muli %squeeze3A_273, %mul3A_274 : i32
        %add3A_276 = arith.constant 4 : i32
        %add3A_277 = arith.addi %mul3A_275, %add3A_276 : i32
        %gt3A_278 = arith.cmpf ogt, %squeeze3A_271, %select_n3A_268 : f32
        %eq3A_279 = arith.cmpf oeq, %squeeze3A_271, %select_n3A_268 : f32
        %lt3A_280 = arith.cmpi slt, %add3A_277, %select_n3A_269 : i32
        %and3A_281 = arith.andi %eq3A_279, %lt3A_280 : i1
        %or3A_282 = arith.ori %gt3A_278, %and3A_281 : i1
        %select_n3A_283 = arith.select %or3A_282, %squeeze3A_271, %select_n3A_268 : f32
        %select_n3A_284 = arith.select %or3A_282, %add3A_277, %select_n3A_269 : i32
        %slice3A_285 = vector.extract_strided_slice %scan3A_206#0 {offsets = [5], sizes = [1], strides = [1]} : vector<16xf32> to vector<1xf32>
        %squeeze3A_286 = vector.extract %slice3A_285[0] : f32 from vector<1xf32>
        %slice3A_287 = vector.extract_strided_slice %scan3A_206#1 {offsets = [5], sizes = [1], strides = [1]} : vector<16xi32> to vector<1xi32>
        %squeeze3A_288 = vector.extract %slice3A_287[0] : i32 from vector<1xi32>
        %mul3A_289 = arith.constant 16 : i32
        %mul3A_290 = arith.muli %squeeze3A_288, %mul3A_289 : i32
        %add3A_291 = arith.constant 5 : i32
        %add3A_292 = arith.addi %mul3A_290, %add3A_291 : i32
        %gt3A_293 = arith.cmpf ogt, %squeeze3A_286, %select_n3A_283 : f32
        %eq3A_294 = arith.cmpf oeq, %squeeze3A_286, %select_n3A_283 : f32
        %lt3A_295 = arith.cmpi slt, %add3A_292, %select_n3A_284 : i32
        %and3A_296 = arith.andi %eq3A_294, %lt3A_295 : i1
        %or3A_297 = arith.ori %gt3A_293, %and3A_296 : i1
        %select_n3A_298 = arith.select %or3A_297, %squeeze3A_286, %select_n3A_283 : f32
        %select_n3A_299 = arith.select %or3A_297, %add3A_292, %select_n3A_284 : i32
        %slice3A_300 = vector.extract_strided_slice %scan3A_206#0 {offsets = [6], sizes = [1], strides = [1]} : vector<16xf32> to vector<1xf32>
        %squeeze3A_301 = vector.extract %slice3A_300[0] : f32 from vector<1xf32>
        %slice3A_302 = vector.extract_strided_slice %scan3A_206#1 {offsets = [6], sizes = [1], strides = [1]} : vector<16xi32> to vector<1xi32>
        %squeeze3A_303 = vector.extract %slice3A_302[0] : i32 from vector<1xi32>
        %mul3A_304 = arith.constant 16 : i32
        %mul3A_305 = arith.muli %squeeze3A_303, %mul3A_304 : i32
        %add3A_306 = arith.constant 6 : i32
        %add3A_307 = arith.addi %mul3A_305, %add3A_306 : i32
        %gt3A_308 = arith.cmpf ogt, %squeeze3A_301, %select_n3A_298 : f32
        %eq3A_309 = arith.cmpf oeq, %squeeze3A_301, %select_n3A_298 : f32
        %lt3A_310 = arith.cmpi slt, %add3A_307, %select_n3A_299 : i32
        %and3A_311 = arith.andi %eq3A_309, %lt3A_310 : i1
        %or3A_312 = arith.ori %gt3A_308, %and3A_311 : i1
        %select_n3A_313 = arith.select %or3A_312, %squeeze3A_301, %select_n3A_298 : f32
        %select_n3A_314 = arith.select %or3A_312, %add3A_307, %select_n3A_299 : i32
        %slice3A_315 = vector.extract_strided_slice %scan3A_206#0 {offsets = [7], sizes = [1], strides = [1]} : vector<16xf32> to vector<1xf32>
        %squeeze3A_316 = vector.extract %slice3A_315[0] : f32 from vector<1xf32>
        %slice3A_317 = vector.extract_strided_slice %scan3A_206#1 {offsets = [7], sizes = [1], strides = [1]} : vector<16xi32> to vector<1xi32>
        %squeeze3A_318 = vector.extract %slice3A_317[0] : i32 from vector<1xi32>
        %mul3A_319 = arith.constant 16 : i32
        %mul3A_320 = arith.muli %squeeze3A_318, %mul3A_319 : i32
        %add3A_321 = arith.constant 7 : i32
        %add3A_322 = arith.addi %mul3A_320, %add3A_321 : i32
        %gt3A_323 = arith.cmpf ogt, %squeeze3A_316, %select_n3A_313 : f32
        %eq3A_324 = arith.cmpf oeq, %squeeze3A_316, %select_n3A_313 : f32
        %lt3A_325 = arith.cmpi slt, %add3A_322, %select_n3A_314 : i32
        %and3A_326 = arith.andi %eq3A_324, %lt3A_325 : i1
        %or3A_327 = arith.ori %gt3A_323, %and3A_326 : i1
        %select_n3A_328 = arith.select %or3A_327, %squeeze3A_316, %select_n3A_313 : f32
        %select_n3A_329 = arith.select %or3A_327, %add3A_322, %select_n3A_314 : i32
        %slice3A_330 = vector.extract_strided_slice %scan3A_206#0 {offsets = [8], sizes = [1], strides = [1]} : vector<16xf32> to vector<1xf32>
        %squeeze3A_331 = vector.extract %slice3A_330[0] : f32 from vector<1xf32>
        %slice3A_332 = vector.extract_strided_slice %scan3A_206#1 {offsets = [8], sizes = [1], strides = [1]} : vector<16xi32> to vector<1xi32>
        %squeeze3A_333 = vector.extract %slice3A_332[0] : i32 from vector<1xi32>
        %mul3A_334 = arith.constant 16 : i32
        %mul3A_335 = arith.muli %squeeze3A_333, %mul3A_334 : i32
        %add3A_336 = arith.constant 8 : i32
        %add3A_337 = arith.addi %mul3A_335, %add3A_336 : i32
        %gt3A_338 = arith.cmpf ogt, %squeeze3A_331, %select_n3A_328 : f32
        %eq3A_339 = arith.cmpf oeq, %squeeze3A_331, %select_n3A_328 : f32
        %lt3A_340 = arith.cmpi slt, %add3A_337, %select_n3A_329 : i32
        %and3A_341 = arith.andi %eq3A_339, %lt3A_340 : i1
        %or3A_342 = arith.ori %gt3A_338, %and3A_341 : i1
        %select_n3A_343 = arith.select %or3A_342, %squeeze3A_331, %select_n3A_328 : f32
        %select_n3A_344 = arith.select %or3A_342, %add3A_337, %select_n3A_329 : i32
        %slice3A_345 = vector.extract_strided_slice %scan3A_206#0 {offsets = [9], sizes = [1], strides = [1]} : vector<16xf32> to vector<1xf32>
        %squeeze3A_346 = vector.extract %slice3A_345[0] : f32 from vector<1xf32>
        %slice3A_347 = vector.extract_strided_slice %scan3A_206#1 {offsets = [9], sizes = [1], strides = [1]} : vector<16xi32> to vector<1xi32>
        %squeeze3A_348 = vector.extract %slice3A_347[0] : i32 from vector<1xi32>
        %mul3A_349 = arith.constant 16 : i32
        %mul3A_350 = arith.muli %squeeze3A_348, %mul3A_349 : i32
        %add3A_351 = arith.constant 9 : i32
        %add3A_352 = arith.addi %mul3A_350, %add3A_351 : i32
        %gt3A_353 = arith.cmpf ogt, %squeeze3A_346, %select_n3A_343 : f32
        %eq3A_354 = arith.cmpf oeq, %squeeze3A_346, %select_n3A_343 : f32
        %lt3A_355 = arith.cmpi slt, %add3A_352, %select_n3A_344 : i32
        %and3A_356 = arith.andi %eq3A_354, %lt3A_355 : i1
        %or3A_357 = arith.ori %gt3A_353, %and3A_356 : i1
        %select_n3A_358 = arith.select %or3A_357, %squeeze3A_346, %select_n3A_343 : f32
        %select_n3A_359 = arith.select %or3A_357, %add3A_352, %select_n3A_344 : i32
        %slice3A_360 = vector.extract_strided_slice %scan3A_206#0 {offsets = [10], sizes = [1], strides = [1]} : vector<16xf32> to vector<1xf32>
        %squeeze3A_361 = vector.extract %slice3A_360[0] : f32 from vector<1xf32>
        %slice3A_362 = vector.extract_strided_slice %scan3A_206#1 {offsets = [10], sizes = [1], strides = [1]} : vector<16xi32> to vector<1xi32>
        %squeeze3A_363 = vector.extract %slice3A_362[0] : i32 from vector<1xi32>
        %mul3A_364 = arith.constant 16 : i32
        %mul3A_365 = arith.muli %squeeze3A_363, %mul3A_364 : i32
        %add3A_366 = arith.constant 10 : i32
        %add3A_367 = arith.addi %mul3A_365, %add3A_366 : i32
        %gt3A_368 = arith.cmpf ogt, %squeeze3A_361, %select_n3A_358 : f32
        %eq3A_369 = arith.cmpf oeq, %squeeze3A_361, %select_n3A_358 : f32
        %lt3A_370 = arith.cmpi slt, %add3A_367, %select_n3A_359 : i32
        %and3A_371 = arith.andi %eq3A_369, %lt3A_370 : i1
        %or3A_372 = arith.ori %gt3A_368, %and3A_371 : i1
        %select_n3A_373 = arith.select %or3A_372, %squeeze3A_361, %select_n3A_358 : f32
        %select_n3A_374 = arith.select %or3A_372, %add3A_367, %select_n3A_359 : i32
        %slice3A_375 = vector.extract_strided_slice %scan3A_206#0 {offsets = [11], sizes = [1], strides = [1]} : vector<16xf32> to vector<1xf32>
        %squeeze3A_376 = vector.extract %slice3A_375[0] : f32 from vector<1xf32>
        %slice3A_377 = vector.extract_strided_slice %scan3A_206#1 {offsets = [11], sizes = [1], strides = [1]} : vector<16xi32> to vector<1xi32>
        %squeeze3A_378 = vector.extract %slice3A_377[0] : i32 from vector<1xi32>
        %mul3A_379 = arith.constant 16 : i32
        %mul3A_380 = arith.muli %squeeze3A_378, %mul3A_379 : i32
        %add3A_381 = arith.constant 11 : i32
        %add3A_382 = arith.addi %mul3A_380, %add3A_381 : i32
        %gt3A_383 = arith.cmpf ogt, %squeeze3A_376, %select_n3A_373 : f32
        %eq3A_384 = arith.cmpf oeq, %squeeze3A_376, %select_n3A_373 : f32
        %lt3A_385 = arith.cmpi slt, %add3A_382, %select_n3A_374 : i32
        %and3A_386 = arith.andi %eq3A_384, %lt3A_385 : i1
        %or3A_387 = arith.ori %gt3A_383, %and3A_386 : i1
        %select_n3A_388 = arith.select %or3A_387, %squeeze3A_376, %select_n3A_373 : f32
        %select_n3A_389 = arith.select %or3A_387, %add3A_382, %select_n3A_374 : i32
        %slice3A_390 = vector.extract_strided_slice %scan3A_206#0 {offsets = [12], sizes = [1], strides = [1]} : vector<16xf32> to vector<1xf32>
        %squeeze3A_391 = vector.extract %slice3A_390[0] : f32 from vector<1xf32>
        %slice3A_392 = vector.extract_strided_slice %scan3A_206#1 {offsets = [12], sizes = [1], strides = [1]} : vector<16xi32> to vector<1xi32>
        %squeeze3A_393 = vector.extract %slice3A_392[0] : i32 from vector<1xi32>
        %mul3A_394 = arith.constant 16 : i32
        %mul3A_395 = arith.muli %squeeze3A_393, %mul3A_394 : i32
        %add3A_396 = arith.constant 12 : i32
        %add3A_397 = arith.addi %mul3A_395, %add3A_396 : i32
        %gt3A_398 = arith.cmpf ogt, %squeeze3A_391, %select_n3A_388 : f32
        %eq3A_399 = arith.cmpf oeq, %squeeze3A_391, %select_n3A_388 : f32
        %lt3A_400 = arith.cmpi slt, %add3A_397, %select_n3A_389 : i32
        %and3A_401 = arith.andi %eq3A_399, %lt3A_400 : i1
        %or3A_402 = arith.ori %gt3A_398, %and3A_401 : i1
        %select_n3A_403 = arith.select %or3A_402, %squeeze3A_391, %select_n3A_388 : f32
        %select_n3A_404 = arith.select %or3A_402, %add3A_397, %select_n3A_389 : i32
        %slice3A_405 = vector.extract_strided_slice %scan3A_206#0 {offsets = [13], sizes = [1], strides = [1]} : vector<16xf32> to vector<1xf32>
        %squeeze3A_406 = vector.extract %slice3A_405[0] : f32 from vector<1xf32>
        %slice3A_407 = vector.extract_strided_slice %scan3A_206#1 {offsets = [13], sizes = [1], strides = [1]} : vector<16xi32> to vector<1xi32>
        %squeeze3A_408 = vector.extract %slice3A_407[0] : i32 from vector<1xi32>
        %mul3A_409 = arith.constant 16 : i32
        %mul3A_410 = arith.muli %squeeze3A_408, %mul3A_409 : i32
        %add3A_411 = arith.constant 13 : i32
        %add3A_412 = arith.addi %mul3A_410, %add3A_411 : i32
        %gt3A_413 = arith.cmpf ogt, %squeeze3A_406, %select_n3A_403 : f32
        %eq3A_414 = arith.cmpf oeq, %squeeze3A_406, %select_n3A_403 : f32
        %lt3A_415 = arith.cmpi slt, %add3A_412, %select_n3A_404 : i32
        %and3A_416 = arith.andi %eq3A_414, %lt3A_415 : i1
        %or3A_417 = arith.ori %gt3A_413, %and3A_416 : i1
        %select_n3A_418 = arith.select %or3A_417, %squeeze3A_406, %select_n3A_403 : f32
        %select_n3A_419 = arith.select %or3A_417, %add3A_412, %select_n3A_404 : i32
        %slice3A_420 = vector.extract_strided_slice %scan3A_206#0 {offsets = [14], sizes = [1], strides = [1]} : vector<16xf32> to vector<1xf32>
        %squeeze3A_421 = vector.extract %slice3A_420[0] : f32 from vector<1xf32>
        %slice3A_422 = vector.extract_strided_slice %scan3A_206#1 {offsets = [14], sizes = [1], strides = [1]} : vector<16xi32> to vector<1xi32>
        %squeeze3A_423 = vector.extract %slice3A_422[0] : i32 from vector<1xi32>
        %mul3A_424 = arith.constant 16 : i32
        %mul3A_425 = arith.muli %squeeze3A_423, %mul3A_424 : i32
        %add3A_426 = arith.constant 14 : i32
        %add3A_427 = arith.addi %mul3A_425, %add3A_426 : i32
        %gt3A_428 = arith.cmpf ogt, %squeeze3A_421, %select_n3A_418 : f32
        %eq3A_429 = arith.cmpf oeq, %squeeze3A_421, %select_n3A_418 : f32
        %lt3A_430 = arith.cmpi slt, %add3A_427, %select_n3A_419 : i32
        %and3A_431 = arith.andi %eq3A_429, %lt3A_430 : i1
        %or3A_432 = arith.ori %gt3A_428, %and3A_431 : i1
        %select_n3A_433 = arith.select %or3A_432, %squeeze3A_421, %select_n3A_418 : f32
        %select_n3A_434 = arith.select %or3A_432, %add3A_427, %select_n3A_419 : i32
        %slice3A_435 = vector.extract_strided_slice %scan3A_206#0 {offsets = [15], sizes = [1], strides = [1]} : vector<16xf32> to vector<1xf32>
        %squeeze3A_436 = vector.extract %slice3A_435[0] : f32 from vector<1xf32>
        %slice3A_437 = vector.extract_strided_slice %scan3A_206#1 {offsets = [15], sizes = [1], strides = [1]} : vector<16xi32> to vector<1xi32>
        %squeeze3A_438 = vector.extract %slice3A_437[0] : i32 from vector<1xi32>
        %mul3A_439 = arith.constant 16 : i32
        %mul3A_440 = arith.muli %squeeze3A_438, %mul3A_439 : i32
        %add3A_441 = arith.constant 15 : i32
        %add3A_442 = arith.addi %mul3A_440, %add3A_441 : i32
        %gt3A_443 = arith.cmpf ogt, %squeeze3A_436, %select_n3A_433 : f32
        %eq3A_444 = arith.cmpf oeq, %squeeze3A_436, %select_n3A_433 : f32
        %lt3A_445 = arith.cmpi slt, %add3A_442, %select_n3A_434 : i32
        %and3A_446 = arith.andi %eq3A_444, %lt3A_445 : i1
        %or3A_447 = arith.ori %gt3A_443, %and3A_446 : i1
        %select_n3A_448 = arith.select %or3A_447, %squeeze3A_436, %select_n3A_433 : f32
        %select_n3A_449 = arith.select %or3A_447, %add3A_442, %select_n3A_434 : i32
        scf.yield %select_n3A_449 : i32
      }
      %scan3A_67 = arith.constant 64 : i32
      %run_scoped3A_68 = arith.constant 0 : i32
      "tpu.region"() ({
        %run_scoped3A_94 = tpu.sem_alloc : memref<!tpu.dma_semaphore, #tpu.memory_space<semaphore_mem>>
        %dma_start3A = arith.constant 0 : i32
        %dma_start3A_95 = tpu.memref_slice %arg6[%add3A_9, %run_scoped3A_68, %dma_start3A] : memref<64x6x64xf32, #tpu.memory_space<hbm>> -> memref<1x1x64xf32, #tpu.memory_space<hbm>>
        %dma_start3A_96 = tpu.memref_squeeze %dma_start3A_95 : memref<1x1x64xf32, #tpu.memory_space<hbm>> -> memref<64xf32, #tpu.memory_space<hbm>>
        %dma_start3A_97 = arith.constant 0 : i32
        %dma_start3A_98 = tpu.memref_slice %arg6[%add3A_9, %run_scoped3A_68, %dma_start3A_97] : memref<64x6x64xf32, #tpu.memory_space<hbm>> -> memref<1x1x64xf32, #tpu.memory_space<hbm>>
        %dma_start3A_99 = tpu.memref_squeeze %dma_start3A_98 : memref<1x1x64xf32, #tpu.memory_space<hbm>> -> memref<64xf32, #tpu.memory_space<hbm>>
        tpu.enqueue_dma source(%arg26 : memref<64xf32, #tpu.memory_space<vmem>>) target(%dma_start3A_99 : memref<64xf32, #tpu.memory_space<hbm>>) target_semaphore(%run_scoped3A_94 : memref<!tpu.dma_semaphore, #tpu.memory_space<semaphore_mem>>)
        %dma_wait3A = arith.constant 0 : i32
        %dma_wait3A_100 = tpu.memref_slice %arg6[%add3A_9, %run_scoped3A_68, %dma_wait3A] : memref<64x6x64xf32, #tpu.memory_space<hbm>> -> memref<1x1x64xf32, #tpu.memory_space<hbm>>
        %dma_wait3A_101 = tpu.memref_squeeze %dma_wait3A_100 : memref<1x1x64xf32, #tpu.memory_space<hbm>> -> memref<64xf32, #tpu.memory_space<hbm>>
        %dma_wait3A_102 = arith.constant 0 : i32
        %dma_wait3A_103 = tpu.memref_slice %arg6[%add3A_9, %run_scoped3A_68, %dma_wait3A_102] : memref<64x6x64xf32, #tpu.memory_space<hbm>> -> memref<1x1x64xf32, #tpu.memory_space<hbm>>
        %dma_wait3A_104 = tpu.memref_squeeze %dma_wait3A_103 : memref<1x1x64xf32, #tpu.memory_space<hbm>> -> memref<64xf32, #tpu.memory_space<hbm>>
        tpu.wait_dma2 semaphore(%run_scoped3A_94 : memref<!tpu.dma_semaphore, #tpu.memory_space<semaphore_mem>>) src(%arg26 : memref<64xf32, #tpu.memory_space<vmem>>) dst(%dma_wait3A_104 : memref<64xf32, #tpu.memory_space<hbm>>)
        tpu.yield
      }) : () -> ()
      %run_scoped3A_69 = arith.constant 1 : i32
      "tpu.region"() ({
        %run_scoped3A_94 = tpu.sem_alloc : memref<!tpu.dma_semaphore, #tpu.memory_space<semaphore_mem>>
        %dma_start3A = arith.constant 0 : i32
        %dma_start3A_95 = tpu.memref_slice %arg6[%add3A_9, %run_scoped3A_69, %dma_start3A] : memref<64x6x64xf32, #tpu.memory_space<hbm>> -> memref<1x1x64xf32, #tpu.memory_space<hbm>>
        %dma_start3A_96 = tpu.memref_squeeze %dma_start3A_95 : memref<1x1x64xf32, #tpu.memory_space<hbm>> -> memref<64xf32, #tpu.memory_space<hbm>>
        %dma_start3A_97 = arith.constant 0 : i32
        %dma_start3A_98 = tpu.memref_slice %arg6[%add3A_9, %run_scoped3A_69, %dma_start3A_97] : memref<64x6x64xf32, #tpu.memory_space<hbm>> -> memref<1x1x64xf32, #tpu.memory_space<hbm>>
        %dma_start3A_99 = tpu.memref_squeeze %dma_start3A_98 : memref<1x1x64xf32, #tpu.memory_space<hbm>> -> memref<64xf32, #tpu.memory_space<hbm>>
        tpu.enqueue_dma source(%arg27 : memref<64xf32, #tpu.memory_space<vmem>>) target(%dma_start3A_99 : memref<64xf32, #tpu.memory_space<hbm>>) target_semaphore(%run_scoped3A_94 : memref<!tpu.dma_semaphore, #tpu.memory_space<semaphore_mem>>)
        %dma_wait3A = arith.constant 0 : i32
        %dma_wait3A_100 = tpu.memref_slice %arg6[%add3A_9, %run_scoped3A_69, %dma_wait3A] : memref<64x6x64xf32, #tpu.memory_space<hbm>> -> memref<1x1x64xf32, #tpu.memory_space<hbm>>
        %dma_wait3A_101 = tpu.memref_squeeze %dma_wait3A_100 : memref<1x1x64xf32, #tpu.memory_space<hbm>> -> memref<64xf32, #tpu.memory_space<hbm>>
        %dma_wait3A_102 = arith.constant 0 : i32
        %dma_wait3A_103 = tpu.memref_slice %arg6[%add3A_9, %run_scoped3A_69, %dma_wait3A_102] : memref<64x6x64xf32, #tpu.memory_space<hbm>> -> memref<1x1x64xf32, #tpu.memory_space<hbm>>
        %dma_wait3A_104 = tpu.memref_squeeze %dma_wait3A_103 : memref<1x1x64xf32, #tpu.memory_space<hbm>> -> memref<64xf32, #tpu.memory_space<hbm>>
        tpu.wait_dma2 semaphore(%run_scoped3A_94 : memref<!tpu.dma_semaphore, #tpu.memory_space<semaphore_mem>>) src(%arg27 : memref<64xf32, #tpu.memory_space<vmem>>) dst(%dma_wait3A_104 : memref<64xf32, #tpu.memory_space<hbm>>)
        tpu.yield
      }) : () -> ()
      %run_scoped3A_70 = arith.constant 2 : i32
      "tpu.region"() ({
        %run_scoped3A_94 = tpu.sem_alloc : memref<!tpu.dma_semaphore, #tpu.memory_space<semaphore_mem>>
        %dma_start3A = arith.constant 0 : i32
        %dma_start3A_95 = tpu.memref_slice %arg6[%add3A_9, %run_scoped3A_70, %dma_start3A] : memref<64x6x64xf32, #tpu.memory_space<hbm>> -> memref<1x1x64xf32, #tpu.memory_space<hbm>>
        %dma_start3A_96 = tpu.memref_squeeze %dma_start3A_95 : memref<1x1x64xf32, #tpu.memory_space<hbm>> -> memref<64xf32, #tpu.memory_space<hbm>>
        %dma_start3A_97 = arith.constant 0 : i32
        %dma_start3A_98 = tpu.memref_slice %arg6[%add3A_9, %run_scoped3A_70, %dma_start3A_97] : memref<64x6x64xf32, #tpu.memory_space<hbm>> -> memref<1x1x64xf32, #tpu.memory_space<hbm>>
        %dma_start3A_99 = tpu.memref_squeeze %dma_start3A_98 : memref<1x1x64xf32, #tpu.memory_space<hbm>> -> memref<64xf32, #tpu.memory_space<hbm>>
        tpu.enqueue_dma source(%arg28 : memref<64xf32, #tpu.memory_space<vmem>>) target(%dma_start3A_99 : memref<64xf32, #tpu.memory_space<hbm>>) target_semaphore(%run_scoped3A_94 : memref<!tpu.dma_semaphore, #tpu.memory_space<semaphore_mem>>)
        %dma_wait3A = arith.constant 0 : i32
        %dma_wait3A_100 = tpu.memref_slice %arg6[%add3A_9, %run_scoped3A_70, %dma_wait3A] : memref<64x6x64xf32, #tpu.memory_space<hbm>> -> memref<1x1x64xf32, #tpu.memory_space<hbm>>
        %dma_wait3A_101 = tpu.memref_squeeze %dma_wait3A_100 : memref<1x1x64xf32, #tpu.memory_space<hbm>> -> memref<64xf32, #tpu.memory_space<hbm>>
        %dma_wait3A_102 = arith.constant 0 : i32
        %dma_wait3A_103 = tpu.memref_slice %arg6[%add3A_9, %run_scoped3A_70, %dma_wait3A_102] : memref<64x6x64xf32, #tpu.memory_space<hbm>> -> memref<1x1x64xf32, #tpu.memory_space<hbm>>
        %dma_wait3A_104 = tpu.memref_squeeze %dma_wait3A_103 : memref<1x1x64xf32, #tpu.memory_space<hbm>> -> memref<64xf32, #tpu.memory_space<hbm>>
        tpu.wait_dma2 semaphore(%run_scoped3A_94 : memref<!tpu.dma_semaphore, #tpu.memory_space<semaphore_mem>>) src(%arg28 : memref<64xf32, #tpu.memory_space<vmem>>) dst(%dma_wait3A_104 : memref<64xf32, #tpu.memory_space<hbm>>)
        tpu.yield
      }) : () -> ()
      %run_scoped3A_71 = arith.constant 3 : i32
      "tpu.region"() ({
        %run_scoped3A_94 = tpu.sem_alloc : memref<!tpu.dma_semaphore, #tpu.memory_space<semaphore_mem>>
        %dma_start3A = arith.constant 0 : i32
        %dma_start3A_95 = tpu.memref_slice %arg6[%add3A_9, %run_scoped3A_71, %dma_start3A] : memref<64x6x64xf32, #tpu.memory_space<hbm>> -> memref<1x1x64xf32, #tpu.memory_space<hbm>>
        %dma_start3A_96 = tpu.memref_squeeze %dma_start3A_95 : memref<1x1x64xf32, #tpu.memory_space<hbm>> -> memref<64xf32, #tpu.memory_space<hbm>>
        %dma_start3A_97 = arith.constant 0 : i32
        %dma_start3A_98 = tpu.memref_slice %arg6[%add3A_9, %run_scoped3A_71, %dma_start3A_97] : memref<64x6x64xf32, #tpu.memory_space<hbm>> -> memref<1x1x64xf32, #tpu.memory_space<hbm>>
        %dma_start3A_99 = tpu.memref_squeeze %dma_start3A_98 : memref<1x1x64xf32, #tpu.memory_space<hbm>> -> memref<64xf32, #tpu.memory_space<hbm>>
        tpu.enqueue_dma source(%arg29 : memref<64xf32, #tpu.memory_space<vmem>>) target(%dma_start3A_99 : memref<64xf32, #tpu.memory_space<hbm>>) target_semaphore(%run_scoped3A_94 : memref<!tpu.dma_semaphore, #tpu.memory_space<semaphore_mem>>)
        %dma_wait3A = arith.constant 0 : i32
        %dma_wait3A_100 = tpu.memref_slice %arg6[%add3A_9, %run_scoped3A_71, %dma_wait3A] : memref<64x6x64xf32, #tpu.memory_space<hbm>> -> memref<1x1x64xf32, #tpu.memory_space<hbm>>
        %dma_wait3A_101 = tpu.memref_squeeze %dma_wait3A_100 : memref<1x1x64xf32, #tpu.memory_space<hbm>> -> memref<64xf32, #tpu.memory_space<hbm>>
        %dma_wait3A_102 = arith.constant 0 : i32
        %dma_wait3A_103 = tpu.memref_slice %arg6[%add3A_9, %run_scoped3A_71, %dma_wait3A_102] : memref<64x6x64xf32, #tpu.memory_space<hbm>> -> memref<1x1x64xf32, #tpu.memory_space<hbm>>
        %dma_wait3A_104 = tpu.memref_squeeze %dma_wait3A_103 : memref<1x1x64xf32, #tpu.memory_space<hbm>> -> memref<64xf32, #tpu.memory_space<hbm>>
        tpu.wait_dma2 semaphore(%run_scoped3A_94 : memref<!tpu.dma_semaphore, #tpu.memory_space<semaphore_mem>>) src(%arg29 : memref<64xf32, #tpu.memory_space<vmem>>) dst(%dma_wait3A_104 : memref<64xf32, #tpu.memory_space<hbm>>)
        tpu.yield
      }) : () -> ()
      %run_scoped3A_72 = arith.constant 4 : i32
      "tpu.region"() ({
        %run_scoped3A_94 = tpu.sem_alloc : memref<!tpu.dma_semaphore, #tpu.memory_space<semaphore_mem>>
        %dma_start3A = arith.constant 0 : i32
        %dma_start3A_95 = tpu.memref_slice %arg6[%add3A_9, %run_scoped3A_72, %dma_start3A] : memref<64x6x64xf32, #tpu.memory_space<hbm>> -> memref<1x1x64xf32, #tpu.memory_space<hbm>>
        %dma_start3A_96 = tpu.memref_squeeze %dma_start3A_95 : memref<1x1x64xf32, #tpu.memory_space<hbm>> -> memref<64xf32, #tpu.memory_space<hbm>>
        %dma_start3A_97 = arith.constant 0 : i32
        %dma_start3A_98 = tpu.memref_slice %arg6[%add3A_9, %run_scoped3A_72, %dma_start3A_97] : memref<64x6x64xf32, #tpu.memory_space<hbm>> -> memref<1x1x64xf32, #tpu.memory_space<hbm>>
        %dma_start3A_99 = tpu.memref_squeeze %dma_start3A_98 : memref<1x1x64xf32, #tpu.memory_space<hbm>> -> memref<64xf32, #tpu.memory_space<hbm>>
        tpu.enqueue_dma source(%arg30 : memref<64xf32, #tpu.memory_space<vmem>>) target(%dma_start3A_99 : memref<64xf32, #tpu.memory_space<hbm>>) target_semaphore(%run_scoped3A_94 : memref<!tpu.dma_semaphore, #tpu.memory_space<semaphore_mem>>)
        %dma_wait3A = arith.constant 0 : i32
        %dma_wait3A_100 = tpu.memref_slice %arg6[%add3A_9, %run_scoped3A_72, %dma_wait3A] : memref<64x6x64xf32, #tpu.memory_space<hbm>> -> memref<1x1x64xf32, #tpu.memory_space<hbm>>
        %dma_wait3A_101 = tpu.memref_squeeze %dma_wait3A_100 : memref<1x1x64xf32, #tpu.memory_space<hbm>> -> memref<64xf32, #tpu.memory_space<hbm>>
        %dma_wait3A_102 = arith.constant 0 : i32
        %dma_wait3A_103 = tpu.memref_slice %arg6[%add3A_9, %run_scoped3A_72, %dma_wait3A_102] : memref<64x6x64xf32, #tpu.memory_space<hbm>> -> memref<1x1x64xf32, #tpu.memory_space<hbm>>
        %dma_wait3A_104 = tpu.memref_squeeze %dma_wait3A_103 : memref<1x1x64xf32, #tpu.memory_space<hbm>> -> memref<64xf32, #tpu.memory_space<hbm>>
        tpu.wait_dma2 semaphore(%run_scoped3A_94 : memref<!tpu.dma_semaphore, #tpu.memory_space<semaphore_mem>>) src(%arg30 : memref<64xf32, #tpu.memory_space<vmem>>) dst(%dma_wait3A_104 : memref<64xf32, #tpu.memory_space<hbm>>)
        tpu.yield
      }) : () -> ()
      %run_scoped3A_73 = arith.constant 5 : i32
      "tpu.region"() ({
        %run_scoped3A_94 = tpu.sem_alloc : memref<!tpu.dma_semaphore, #tpu.memory_space<semaphore_mem>>
        %dma_start3A = arith.constant 0 : i32
        %dma_start3A_95 = tpu.memref_slice %arg6[%add3A_9, %run_scoped3A_73, %dma_start3A] : memref<64x6x64xf32, #tpu.memory_space<hbm>> -> memref<1x1x64xf32, #tpu.memory_space<hbm>>
        %dma_start3A_96 = tpu.memref_squeeze %dma_start3A_95 : memref<1x1x64xf32, #tpu.memory_space<hbm>> -> memref<64xf32, #tpu.memory_space<hbm>>
        %dma_start3A_97 = arith.constant 0 : i32
        %dma_start3A_98 = tpu.memref_slice %arg6[%add3A_9, %run_scoped3A_73, %dma_start3A_97] : memref<64x6x64xf32, #tpu.memory_space<hbm>> -> memref<1x1x64xf32, #tpu.memory_space<hbm>>
        %dma_start3A_99 = tpu.memref_squeeze %dma_start3A_98 : memref<1x1x64xf32, #tpu.memory_space<hbm>> -> memref<64xf32, #tpu.memory_space<hbm>>
        tpu.enqueue_dma source(%arg31 : memref<64xf32, #tpu.memory_space<vmem>>) target(%dma_start3A_99 : memref<64xf32, #tpu.memory_space<hbm>>) target_semaphore(%run_scoped3A_94 : memref<!tpu.dma_semaphore, #tpu.memory_space<semaphore_mem>>)
        %dma_wait3A = arith.constant 0 : i32
        %dma_wait3A_100 = tpu.memref_slice %arg6[%add3A_9, %run_scoped3A_73, %dma_wait3A] : memref<64x6x64xf32, #tpu.memory_space<hbm>> -> memref<1x1x64xf32, #tpu.memory_space<hbm>>
        %dma_wait3A_101 = tpu.memref_squeeze %dma_wait3A_100 : memref<1x1x64xf32, #tpu.memory_space<hbm>> -> memref<64xf32, #tpu.memory_space<hbm>>
        %dma_wait3A_102 = arith.constant 0 : i32
        %dma_wait3A_103 = tpu.memref_slice %arg6[%add3A_9, %run_scoped3A_73, %dma_wait3A_102] : memref<64x6x64xf32, #tpu.memory_space<hbm>> -> memref<1x1x64xf32, #tpu.memory_space<hbm>>
        %dma_wait3A_104 = tpu.memref_squeeze %dma_wait3A_103 : memref<1x1x64xf32, #tpu.memory_space<hbm>> -> memref<64xf32, #tpu.memory_space<hbm>>
        tpu.wait_dma2 semaphore(%run_scoped3A_94 : memref<!tpu.dma_semaphore, #tpu.memory_space<semaphore_mem>>) src(%arg31 : memref<64xf32, #tpu.memory_space<vmem>>) dst(%dma_wait3A_104 : memref<64xf32, #tpu.memory_space<hbm>>)
        tpu.yield
      }) : () -> ()
      %iota3A_74 = tpu.iota {dimensions = array<i32: 0>} : vector<16xi32>
      %scan3A_75 = arith.constant 0 : i32
      %scan3A_76 = arith.constant 0 : i32
      %scan3A_77 = arith.constant 4 : i32
      %scan3A_78 = arith.addi %scan3A_76, %scan3A_77 : i32
      %scan3A_79 = arith.constant 1 : i32
      scf.for %scan3A_94 = %scan3A_76 to %scan3A_78 step %scan3A_79  : i32 {
        %broadcast_in_dim3A = arith.constant 1.000000e+10 : f32
        %broadcast_in_dim3A_95 = vector.broadcast %broadcast_in_dim3A : f32 to vector<16xf32>
        %mul3A_96 = arith.constant 16 : i32
        %mul3A_97 = arith.muli %scan3A_94, %mul3A_96 : i32
        %swap3A = arith.index_cast %mul3A_97 : i32 to index
        %swap3A_98 = tpu.vector_load %arg38[%swap3A] {strides = array<i32>} : memref<1024xf32, #tpu.memory_space<vmem>>, vector<16xf32>,
        %swap3A_99 = vector.shape_cast %swap3A_98 : vector<16xf32> to vector<16xf32>
        %swap3A_100 = vector.shape_cast %broadcast_in_dim3A_95 : vector<16xf32> to vector<16xf32>
        tpu.vector_store %arg38[%swap3A], %swap3A_100 {strides = array<i32>} : memref<1024xf32, #tpu.memory_space<vmem>>, vector<16xf32>,
      }
      %scan3A_80 = arith.constant 4 : i32
      %scan3A_81 = arith.constant 0 : i32
      %scan3A_82 = arith.constant 0 : i32
      %scan3A_83 = arith.constant 32 : i32
      %scan3A_84 = arith.addi %scan3A_82, %scan3A_83 : i32
      %scan3A_85 = arith.constant 1 : i32
      %scan3A_86 = scf.for %scan3A_94 = %scan3A_82 to %scan3A_84 step %scan3A_85 iter_args(%scan3A_95 = %scan3A_81) -> (i32)  : i32 {
        %get3A = arith.index_cast %scan3A_95 : i32 to index
        %get3A_96 = tpu.vector_load %arg26[%get3A] {strides = array<i32>} : memref<64xf32, #tpu.memory_space<vmem>>, vector<16xf32>,
        %get3A_97 = vector.shape_cast %get3A_96 : vector<16xf32> to vector<16xf32>
        %slice3A = vector.extract_strided_slice %get3A_97 {offsets = [0], sizes = [1], strides = [1]} : vector<16xf32> to vector<1xf32>
        %squeeze3A = vector.extract %slice3A[0] : f32 from vector<1xf32>
        %get3A_98 = arith.index_cast %scan3A_95 : i32 to index
        %get3A_99 = tpu.vector_load %arg27[%get3A_98] {strides = array<i32>} : memref<64xf32, #tpu.memory_space<vmem>>, vector<16xf32>,
        %get3A_100 = vector.shape_cast %get3A_99 : vector<16xf32> to vector<16xf32>
        %slice3A_101 = vector.extract_strided_slice %get3A_100 {offsets = [0], sizes = [1], strides = [1]} : vector<16xf32> to vector<1xf32>
        %squeeze3A_102 = vector.extract %slice3A_101[0] : f32 from vector<1xf32>
        %get3A_103 = arith.index_cast %scan3A_95 : i32 to index
        %get3A_104 = tpu.vector_load %arg28[%get3A_103] {strides = array<i32>} : memref<64xf32, #tpu.memory_space<vmem>>, vector<16xf32>,
        %get3A_105 = vector.shape_cast %get3A_104 : vector<16xf32> to vector<16xf32>
        %slice3A_106 = vector.extract_strided_slice %get3A_105 {offsets = [0], sizes = [1], strides = [1]} : vector<16xf32> to vector<1xf32>
        %squeeze3A_107 = vector.extract %slice3A_106[0] : f32 from vector<1xf32>
        %get3A_108 = arith.index_cast %scan3A_95 : i32 to index
        %get3A_109 = tpu.vector_load %arg29[%get3A_108] {strides = array<i32>} : memref<64xf32, #tpu.memory_space<vmem>>, vector<16xf32>,
        %get3A_110 = vector.shape_cast %get3A_109 : vector<16xf32> to vector<16xf32>
        %slice3A_111 = vector.extract_strided_slice %get3A_110 {offsets = [0], sizes = [1], strides = [1]} : vector<16xf32> to vector<1xf32>
        %squeeze3A_112 = vector.extract %slice3A_111[0] : f32 from vector<1xf32>
        %get3A_113 = arith.index_cast %scan3A_95 : i32 to index
        %get3A_114 = tpu.vector_load %arg30[%get3A_113] {strides = array<i32>} : memref<64xf32, #tpu.memory_space<vmem>>, vector<16xf32>,
        %get3A_115 = vector.shape_cast %get3A_114 : vector<16xf32> to vector<16xf32>
        %slice3A_116 = vector.extract_strided_slice %get3A_115 {offsets = [0], sizes = [1], strides = [1]} : vector<16xf32> to vector<1xf32>
        %squeeze3A_117 = vector.extract %slice3A_116[0] : f32 from vector<1xf32>
        %get3A_118 = arith.index_cast %scan3A_95 : i32 to index
        %get3A_119 = tpu.vector_load %arg31[%get3A_118] {strides = array<i32>} : memref<64xf32, #tpu.memory_space<vmem>>, vector<16xf32>,
        %get3A_120 = vector.shape_cast %get3A_119 : vector<16xf32> to vector<16xf32>
        %slice3A_121 = vector.extract_strided_slice %get3A_120 {offsets = [0], sizes = [1], strides = [1]} : vector<16xf32> to vector<1xf32>
        %squeeze3A_122 = vector.extract %slice3A_121[0] : f32 from vector<1xf32>
        %jit3A = arith.constant 16 : i32
        %div3A = arith.divsi %scan3A_94, %jit3A : i32
        %sign3A = arith.constant 0 : i32
        %sign3A_123 = arith.cmpi sgt, %scan3A_94, %sign3A : i32
        %sign3A_124 = arith.extui %sign3A_123 : i1 to i32
        %sign3A_125 = arith.constant 0 : i32
        %sign3A_126 = arith.cmpi slt, %scan3A_94, %sign3A_125 : i32
        %sign3A_127 = arith.extui %sign3A_126 : i1 to i32
        %sign3A_128 = arith.subi %sign3A_124, %sign3A_127 : i32
        %sign3A_129 = arith.constant 0 : i32
        %sign3A_130 = arith.cmpi sgt, %jit3A, %sign3A_129 : i32
        %sign3A_131 = arith.extui %sign3A_130 : i1 to i32
        %sign3A_132 = arith.constant 0 : i32
        %sign3A_133 = arith.cmpi slt, %jit3A, %sign3A_132 : i32
        %sign3A_134 = arith.extui %sign3A_133 : i1 to i32
        %sign3A_135 = arith.subi %sign3A_131, %sign3A_134 : i32
        %ne3A = arith.cmpi ne, %sign3A_128, %sign3A_135 : i32
        %rem3A = arith.remsi %scan3A_94, %jit3A : i32
        %ne3A_136 = arith.constant 0 : i32
        %ne3A_137 = arith.cmpi ne, %rem3A, %ne3A_136 : i32
        %and3A = arith.andi %ne3A, %ne3A_137 : i1
        %sub3A = arith.constant 1 : i32
        %sub3A_138 = arith.subi %div3A, %sub3A : i32
        %select_n3A = arith.select %and3A, %sub3A_138, %div3A : i32
        %mul3A_139 = arith.constant 16 : i32
        %mul3A_140 = arith.muli %select_n3A, %mul3A_139 : i32
        %sub3A_141 = arith.subi %scan3A_94, %mul3A_140 : i32
        %eq3A = vector.broadcast %sub3A_141 : i32 to vector<16xi32>
        %eq3A_142 = arith.cmpi eq, %iota3A_74, %eq3A : vector<16xi32>
        %get3A_143 = arith.index_cast %mul3A_140 : i32 to index
        %get3A_144 = tpu.vector_load %arg32[%get3A_143] {strides = array<i32>} : memref<32xf32, #tpu.memory_space<vmem>>, vector<16xf32>,
        %get3A_145 = vector.shape_cast %get3A_144 : vector<16xf32> to vector<16xf32>
        %broadcast_in_dim3A = vector.broadcast %squeeze3A : f32 to vector<16xf32>
        %select_n3A_146 = arith.select %eq3A_142, %broadcast_in_dim3A, %get3A_145 : vector<16xi1>, vector<16xf32>
        %swap3A = arith.index_cast %mul3A_140 : i32 to index
        %swap3A_147 = tpu.vector_load %arg32[%swap3A] {strides = array<i32>} : memref<32xf32, #tpu.memory_space<vmem>>, vector<16xf32>,
        %swap3A_148 = vector.shape_cast %swap3A_147 : vector<16xf32> to vector<16xf32>
        %swap3A_149 = vector.shape_cast %select_n3A_146 : vector<16xf32> to vector<16xf32>
        tpu.vector_store %arg32[%swap3A], %swap3A_149 {strides = array<i32>} : memref<32xf32, #tpu.memory_space<vmem>>, vector<16xf32>,
        %get3A_150 = arith.index_cast %mul3A_140 : i32 to index
        %get3A_151 = tpu.vector_load %arg33[%get3A_150] {strides = array<i32>} : memref<32xf32, #tpu.memory_space<vmem>>, vector<16xf32>,
        %get3A_152 = vector.shape_cast %get3A_151 : vector<16xf32> to vector<16xf32>
        %broadcast_in_dim3A_153 = vector.broadcast %squeeze3A_102 : f32 to vector<16xf32>
        %select_n3A_154 = arith.select %eq3A_142, %broadcast_in_dim3A_153, %get3A_152 : vector<16xi1>, vector<16xf32>
        %swap3A_155 = arith.index_cast %mul3A_140 : i32 to index
        %swap3A_156 = tpu.vector_load %arg33[%swap3A_155] {strides = array<i32>} : memref<32xf32, #tpu.memory_space<vmem>>, vector<16xf32>,
        %swap3A_157 = vector.shape_cast %swap3A_156 : vector<16xf32> to vector<16xf32>
        %swap3A_158 = vector.shape_cast %select_n3A_154 : vector<16xf32> to vector<16xf32>
        tpu.vector_store %arg33[%swap3A_155], %swap3A_158 {strides = array<i32>} : memref<32xf32, #tpu.memory_space<vmem>>, vector<16xf32>,
        %get3A_159 = arith.index_cast %mul3A_140 : i32 to index
        %get3A_160 = tpu.vector_load %arg34[%get3A_159] {strides = array<i32>} : memref<32xf32, #tpu.memory_space<vmem>>, vector<16xf32>,
        %get3A_161 = vector.shape_cast %get3A_160 : vector<16xf32> to vector<16xf32>
        %broadcast_in_dim3A_162 = vector.broadcast %squeeze3A_107 : f32 to vector<16xf32>
        %select_n3A_163 = arith.select %eq3A_142, %broadcast_in_dim3A_162, %get3A_161 : vector<16xi1>, vector<16xf32>
        %swap3A_164 = arith.index_cast %mul3A_140 : i32 to index
        %swap3A_165 = tpu.vector_load %arg34[%swap3A_164] {strides = array<i32>} : memref<32xf32, #tpu.memory_space<vmem>>, vector<16xf32>,
        %swap3A_166 = vector.shape_cast %swap3A_165 : vector<16xf32> to vector<16xf32>
        %swap3A_167 = vector.shape_cast %select_n3A_163 : vector<16xf32> to vector<16xf32>
        tpu.vector_store %arg34[%swap3A_164], %swap3A_167 {strides = array<i32>} : memref<32xf32, #tpu.memory_space<vmem>>, vector<16xf32>,
        %get3A_168 = arith.index_cast %mul3A_140 : i32 to index
        %get3A_169 = tpu.vector_load %arg35[%get3A_168] {strides = array<i32>} : memref<32xf32, #tpu.memory_space<vmem>>, vector<16xf32>,
        %get3A_170 = vector.shape_cast %get3A_169 : vector<16xf32> to vector<16xf32>
        %broadcast_in_dim3A_171 = vector.broadcast %squeeze3A_112 : f32 to vector<16xf32>
        %select_n3A_172 = arith.select %eq3A_142, %broadcast_in_dim3A_171, %get3A_170 : vector<16xi1>, vector<16xf32>
        %swap3A_173 = arith.index_cast %mul3A_140 : i32 to index
        %swap3A_174 = tpu.vector_load %arg35[%swap3A_173] {strides = array<i32>} : memref<32xf32, #tpu.memory_space<vmem>>, vector<16xf32>,
        %swap3A_175 = vector.shape_cast %swap3A_174 : vector<16xf32> to vector<16xf32>
        %swap3A_176 = vector.shape_cast %select_n3A_172 : vector<16xf32> to vector<16xf32>
        tpu.vector_store %arg35[%swap3A_173], %swap3A_176 {strides = array<i32>} : memref<32xf32, #tpu.memory_space<vmem>>, vector<16xf32>,
        %get3A_177 = arith.index_cast %mul3A_140 : i32 to index
        %get3A_178 = tpu.vector_load %arg36[%get3A_177] {strides = array<i32>} : memref<32xf32, #tpu.memory_space<vmem>>, vector<16xf32>,
        %get3A_179 = vector.shape_cast %get3A_178 : vector<16xf32> to vector<16xf32>
        %broadcast_in_dim3A_180 = vector.broadcast %squeeze3A_117 : f32 to vector<16xf32>
        %select_n3A_181 = arith.select %eq3A_142, %broadcast_in_dim3A_180, %get3A_179 : vector<16xi1>, vector<16xf32>
        %swap3A_182 = arith.index_cast %mul3A_140 : i32 to index
        %swap3A_183 = tpu.vector_load %arg36[%swap3A_182] {strides = array<i32>} : memref<32xf32, #tpu.memory_space<vmem>>, vector<16xf32>,
        %swap3A_184 = vector.shape_cast %swap3A_183 : vector<16xf32> to vector<16xf32>
        %swap3A_185 = vector.shape_cast %select_n3A_181 : vector<16xf32> to vector<16xf32>
        tpu.vector_store %arg36[%swap3A_182], %swap3A_185 {strides = array<i32>} : memref<32xf32, #tpu.memory_space<vmem>>, vector<16xf32>,
        %get3A_186 = arith.index_cast %mul3A_140 : i32 to index
        %get3A_187 = tpu.vector_load %arg37[%get3A_186] {strides = array<i32>} : memref<32xf32, #tpu.memory_space<vmem>>, vector<16xf32>,
        %get3A_188 = vector.shape_cast %get3A_187 : vector<16xf32> to vector<16xf32>
        %broadcast_in_dim3A_189 = vector.broadcast %squeeze3A_122 : f32 to vector<16xf32>
        %select_n3A_190 = arith.select %eq3A_142, %broadcast_in_dim3A_189, %get3A_188 : vector<16xi1>, vector<16xf32>
        %swap3A_191 = arith.index_cast %mul3A_140 : i32 to index
        %swap3A_192 = tpu.vector_load %arg37[%swap3A_191] {strides = array<i32>} : memref<32xf32, #tpu.memory_space<vmem>>, vector<16xf32>,
        %swap3A_193 = vector.shape_cast %swap3A_192 : vector<16xf32> to vector<16xf32>
        %swap3A_194 = vector.shape_cast %select_n3A_190 : vector<16xf32> to vector<16xf32>
        tpu.vector_store %arg37[%swap3A_191], %swap3A_194 {strides = array<i32>} : memref<32xf32, #tpu.memory_space<vmem>>, vector<16xf32>,
        %broadcast_in_dim3A_195 = vector.broadcast %squeeze3A : f32 to vector<16xf32>
        %broadcast_in_dim3A_196 = vector.broadcast %squeeze3A_102 : f32 to vector<16xf32>
        %broadcast_in_dim3A_197 = vector.broadcast %squeeze3A_107 : f32 to vector<16xf32>
        %broadcast_in_dim3A_198 = arith.constant -1.000000e+00 : f32
        %broadcast_in_dim3A_199 = vector.broadcast %broadcast_in_dim3A_198 : f32 to vector<16xf32>
        %broadcast_in_dim3A_200 = arith.constant 0 : i32
        %broadcast_in_dim3A_201 = vector.broadcast %broadcast_in_dim3A_200 : i32 to vector<16xi32>
        %scan3A_202 = arith.constant 0 : i32
        %scan3A_203 = arith.constant 4 : i32
        %scan3A_204 = arith.addi %scan3A_202, %scan3A_203 : i32
        %scan3A_205 = arith.constant 1 : i32
        %scan3A_206:2 = scf.for %scan3A_450 = %scan3A_202 to %scan3A_204 step %scan3A_205 iter_args(%scan3A_451 = %broadcast_in_dim3A_199, %scan3A_452 = %broadcast_in_dim3A_201) -> (vector<16xf32>, vector<16xi32>)  : i32 {
          %mul3A_453 = arith.constant 16 : i32
          %mul3A_454 = arith.muli %scan3A_450, %mul3A_453 : i32
          %get3A_455 = arith.index_cast %mul3A_454 : i32 to index
          %get3A_456 = tpu.vector_load %arg26[%get3A_455] {strides = array<i32>} : memref<64xf32, #tpu.memory_space<vmem>>, vector<16xf32>,
          %get3A_457 = vector.shape_cast %get3A_456 : vector<16xf32> to vector<16xf32>
          %sub3A_458 = arith.subf %get3A_457, %broadcast_in_dim3A_195 : vector<16xf32>
          %get3A_459 = arith.index_cast %mul3A_454 : i32 to index
          %get3A_460 = tpu.vector_load %arg27[%get3A_459] {strides = array<i32>} : memref<64xf32, #tpu.memory_space<vmem>>, vector<16xf32>,
          %get3A_461 = vector.shape_cast %get3A_460 : vector<16xf32> to vector<16xf32>
          %sub3A_462 = arith.subf %get3A_461, %broadcast_in_dim3A_196 : vector<16xf32>
          %get3A_463 = arith.index_cast %mul3A_454 : i32 to index
          %get3A_464 = tpu.vector_load %arg28[%get3A_463] {strides = array<i32>} : memref<64xf32, #tpu.memory_space<vmem>>, vector<16xf32>,
          %get3A_465 = vector.shape_cast %get3A_464 : vector<16xf32> to vector<16xf32>
          %sub3A_466 = arith.subf %get3A_465, %broadcast_in_dim3A_197 : vector<16xf32>
          %mul3A_467 = arith.mulf %sub3A_458, %sub3A_458 : vector<16xf32>
          %mul3A_468 = arith.mulf %sub3A_462, %sub3A_462 : vector<16xf32>
          %add3A_469 = arith.addf %mul3A_467, %mul3A_468 : vector<16xf32>
          %mul3A_470 = arith.mulf %sub3A_466, %sub3A_466 : vector<16xf32>
          %add3A_471 = arith.addf %add3A_469, %mul3A_470 : vector<16xf32>
          %get3A_472 = arith.index_cast %mul3A_454 : i32 to index
          %get3A_473 = tpu.vector_load %arg38[%get3A_472] {strides = array<i32>} : memref<1024xf32, #tpu.memory_space<vmem>>, vector<16xf32>,
          %get3A_474 = vector.shape_cast %get3A_473 : vector<16xf32> to vector<16xf32>
          %min3A = arith.minimumf %get3A_474, %add3A_471 : vector<16xf32>
          %swap3A_475 = arith.index_cast %mul3A_454 : i32 to index
          %swap3A_476 = tpu.vector_load %arg38[%swap3A_475] {strides = array<i32>} : memref<1024xf32, #tpu.memory_space<vmem>>, vector<16xf32>,
          %swap3A_477 = vector.shape_cast %swap3A_476 : vector<16xf32> to vector<16xf32>
          %swap3A_478 = vector.shape_cast %min3A : vector<16xf32> to vector<16xf32>
          tpu.vector_store %arg38[%swap3A_475], %swap3A_478 {strides = array<i32>} : memref<1024xf32, #tpu.memory_space<vmem>>, vector<16xf32>,
          %gt3A_479 = arith.cmpf ogt, %min3A, %scan3A_451 : vector<16xf32>
          %select_n3A_480 = arith.select %gt3A_479, %min3A, %scan3A_451 : vector<16xi1>, vector<16xf32>
          %broadcast_in_dim3A_481 = vector.broadcast %scan3A_450 : i32 to vector<16xi32>
          %select_n3A_482 = arith.select %gt3A_479, %broadcast_in_dim3A_481, %scan3A_452 : vector<16xi1>, vector<16xi32>
          scf.yield %select_n3A_480, %select_n3A_482 : vector<16xf32>, vector<16xi32>
        }
        %scan3A_207 = arith.constant 4 : i32
        %slice3A_208 = vector.extract_strided_slice %scan3A_206#0 {offsets = [0], sizes = [1], strides = [1]} : vector<16xf32> to vector<1xf32>
        %squeeze3A_209 = vector.extract %slice3A_208[0] : f32 from vector<1xf32>
        %slice3A_210 = vector.extract_strided_slice %scan3A_206#1 {offsets = [0], sizes = [1], strides = [1]} : vector<16xi32> to vector<1xi32>
        %squeeze3A_211 = vector.extract %slice3A_210[0] : i32 from vector<1xi32>
        %mul3A_212 = arith.constant 16 : i32
        %mul3A_213 = arith.muli %squeeze3A_211, %mul3A_212 : i32
        %add3A_214 = arith.constant 0 : i32
        %add3A_215 = arith.addi %mul3A_213, %add3A_214 : i32
        %gt3A = arith.constant -1.000000e+00 : f32
        %gt3A_216 = arith.cmpf ogt, %squeeze3A_209, %gt3A : f32
        %eq3A_217 = arith.constant -1.000000e+00 : f32
        %eq3A_218 = arith.cmpf oeq, %squeeze3A_209, %eq3A_217 : f32
        %lt3A = arith.constant 0 : i32
        %lt3A_219 = arith.cmpi slt, %add3A_215, %lt3A : i32
        %and3A_220 = arith.andi %eq3A_218, %lt3A_219 : i1
        %or3A = arith.ori %gt3A_216, %and3A_220 : i1
        %jit3A_221 = arith.constant -1.000000e+00 : f32
        %select_n3A_222 = arith.select %or3A, %squeeze3A_209, %jit3A_221 : f32
        %jit3A_223 = arith.constant 0 : i32
        %select_n3A_224 = arith.select %or3A, %add3A_215, %jit3A_223 : i32
        %slice3A_225 = vector.extract_strided_slice %scan3A_206#0 {offsets = [1], sizes = [1], strides = [1]} : vector<16xf32> to vector<1xf32>
        %squeeze3A_226 = vector.extract %slice3A_225[0] : f32 from vector<1xf32>
        %slice3A_227 = vector.extract_strided_slice %scan3A_206#1 {offsets = [1], sizes = [1], strides = [1]} : vector<16xi32> to vector<1xi32>
        %squeeze3A_228 = vector.extract %slice3A_227[0] : i32 from vector<1xi32>
        %mul3A_229 = arith.constant 16 : i32
        %mul3A_230 = arith.muli %squeeze3A_228, %mul3A_229 : i32
        %add3A_231 = arith.constant 1 : i32
        %add3A_232 = arith.addi %mul3A_230, %add3A_231 : i32
        %gt3A_233 = arith.cmpf ogt, %squeeze3A_226, %select_n3A_222 : f32
        %eq3A_234 = arith.cmpf oeq, %squeeze3A_226, %select_n3A_222 : f32
        %lt3A_235 = arith.cmpi slt, %add3A_232, %select_n3A_224 : i32
        %and3A_236 = arith.andi %eq3A_234, %lt3A_235 : i1
        %or3A_237 = arith.ori %gt3A_233, %and3A_236 : i1
        %select_n3A_238 = arith.select %or3A_237, %squeeze3A_226, %select_n3A_222 : f32
        %select_n3A_239 = arith.select %or3A_237, %add3A_232, %select_n3A_224 : i32
        %slice3A_240 = vector.extract_strided_slice %scan3A_206#0 {offsets = [2], sizes = [1], strides = [1]} : vector<16xf32> to vector<1xf32>
        %squeeze3A_241 = vector.extract %slice3A_240[0] : f32 from vector<1xf32>
        %slice3A_242 = vector.extract_strided_slice %scan3A_206#1 {offsets = [2], sizes = [1], strides = [1]} : vector<16xi32> to vector<1xi32>
        %squeeze3A_243 = vector.extract %slice3A_242[0] : i32 from vector<1xi32>
        %mul3A_244 = arith.constant 16 : i32
        %mul3A_245 = arith.muli %squeeze3A_243, %mul3A_244 : i32
        %add3A_246 = arith.constant 2 : i32
        %add3A_247 = arith.addi %mul3A_245, %add3A_246 : i32
        %gt3A_248 = arith.cmpf ogt, %squeeze3A_241, %select_n3A_238 : f32
        %eq3A_249 = arith.cmpf oeq, %squeeze3A_241, %select_n3A_238 : f32
        %lt3A_250 = arith.cmpi slt, %add3A_247, %select_n3A_239 : i32
        %and3A_251 = arith.andi %eq3A_249, %lt3A_250 : i1
        %or3A_252 = arith.ori %gt3A_248, %and3A_251 : i1
        %select_n3A_253 = arith.select %or3A_252, %squeeze3A_241, %select_n3A_238 : f32
        %select_n3A_254 = arith.select %or3A_252, %add3A_247, %select_n3A_239 : i32
        %slice3A_255 = vector.extract_strided_slice %scan3A_206#0 {offsets = [3], sizes = [1], strides = [1]} : vector<16xf32> to vector<1xf32>
        %squeeze3A_256 = vector.extract %slice3A_255[0] : f32 from vector<1xf32>
        %slice3A_257 = vector.extract_strided_slice %scan3A_206#1 {offsets = [3], sizes = [1], strides = [1]} : vector<16xi32> to vector<1xi32>
        %squeeze3A_258 = vector.extract %slice3A_257[0] : i32 from vector<1xi32>
        %mul3A_259 = arith.constant 16 : i32
        %mul3A_260 = arith.muli %squeeze3A_258, %mul3A_259 : i32
        %add3A_261 = arith.constant 3 : i32
        %add3A_262 = arith.addi %mul3A_260, %add3A_261 : i32
        %gt3A_263 = arith.cmpf ogt, %squeeze3A_256, %select_n3A_253 : f32
        %eq3A_264 = arith.cmpf oeq, %squeeze3A_256, %select_n3A_253 : f32
        %lt3A_265 = arith.cmpi slt, %add3A_262, %select_n3A_254 : i32
        %and3A_266 = arith.andi %eq3A_264, %lt3A_265 : i1
        %or3A_267 = arith.ori %gt3A_263, %and3A_266 : i1
        %select_n3A_268 = arith.select %or3A_267, %squeeze3A_256, %select_n3A_253 : f32
        %select_n3A_269 = arith.select %or3A_267, %add3A_262, %select_n3A_254 : i32
        %slice3A_270 = vector.extract_strided_slice %scan3A_206#0 {offsets = [4], sizes = [1], strides = [1]} : vector<16xf32> to vector<1xf32>
        %squeeze3A_271 = vector.extract %slice3A_270[0] : f32 from vector<1xf32>
        %slice3A_272 = vector.extract_strided_slice %scan3A_206#1 {offsets = [4], sizes = [1], strides = [1]} : vector<16xi32> to vector<1xi32>
        %squeeze3A_273 = vector.extract %slice3A_272[0] : i32 from vector<1xi32>
        %mul3A_274 = arith.constant 16 : i32
        %mul3A_275 = arith.muli %squeeze3A_273, %mul3A_274 : i32
        %add3A_276 = arith.constant 4 : i32
        %add3A_277 = arith.addi %mul3A_275, %add3A_276 : i32
        %gt3A_278 = arith.cmpf ogt, %squeeze3A_271, %select_n3A_268 : f32
        %eq3A_279 = arith.cmpf oeq, %squeeze3A_271, %select_n3A_268 : f32
        %lt3A_280 = arith.cmpi slt, %add3A_277, %select_n3A_269 : i32
        %and3A_281 = arith.andi %eq3A_279, %lt3A_280 : i1
        %or3A_282 = arith.ori %gt3A_278, %and3A_281 : i1
        %select_n3A_283 = arith.select %or3A_282, %squeeze3A_271, %select_n3A_268 : f32
        %select_n3A_284 = arith.select %or3A_282, %add3A_277, %select_n3A_269 : i32
        %slice3A_285 = vector.extract_strided_slice %scan3A_206#0 {offsets = [5], sizes = [1], strides = [1]} : vector<16xf32> to vector<1xf32>
        %squeeze3A_286 = vector.extract %slice3A_285[0] : f32 from vector<1xf32>
        %slice3A_287 = vector.extract_strided_slice %scan3A_206#1 {offsets = [5], sizes = [1], strides = [1]} : vector<16xi32> to vector<1xi32>
        %squeeze3A_288 = vector.extract %slice3A_287[0] : i32 from vector<1xi32>
        %mul3A_289 = arith.constant 16 : i32
        %mul3A_290 = arith.muli %squeeze3A_288, %mul3A_289 : i32
        %add3A_291 = arith.constant 5 : i32
        %add3A_292 = arith.addi %mul3A_290, %add3A_291 : i32
        %gt3A_293 = arith.cmpf ogt, %squeeze3A_286, %select_n3A_283 : f32
        %eq3A_294 = arith.cmpf oeq, %squeeze3A_286, %select_n3A_283 : f32
        %lt3A_295 = arith.cmpi slt, %add3A_292, %select_n3A_284 : i32
        %and3A_296 = arith.andi %eq3A_294, %lt3A_295 : i1
        %or3A_297 = arith.ori %gt3A_293, %and3A_296 : i1
        %select_n3A_298 = arith.select %or3A_297, %squeeze3A_286, %select_n3A_283 : f32
        %select_n3A_299 = arith.select %or3A_297, %add3A_292, %select_n3A_284 : i32
        %slice3A_300 = vector.extract_strided_slice %scan3A_206#0 {offsets = [6], sizes = [1], strides = [1]} : vector<16xf32> to vector<1xf32>
        %squeeze3A_301 = vector.extract %slice3A_300[0] : f32 from vector<1xf32>
        %slice3A_302 = vector.extract_strided_slice %scan3A_206#1 {offsets = [6], sizes = [1], strides = [1]} : vector<16xi32> to vector<1xi32>
        %squeeze3A_303 = vector.extract %slice3A_302[0] : i32 from vector<1xi32>
        %mul3A_304 = arith.constant 16 : i32
        %mul3A_305 = arith.muli %squeeze3A_303, %mul3A_304 : i32
        %add3A_306 = arith.constant 6 : i32
        %add3A_307 = arith.addi %mul3A_305, %add3A_306 : i32
        %gt3A_308 = arith.cmpf ogt, %squeeze3A_301, %select_n3A_298 : f32
        %eq3A_309 = arith.cmpf oeq, %squeeze3A_301, %select_n3A_298 : f32
        %lt3A_310 = arith.cmpi slt, %add3A_307, %select_n3A_299 : i32
        %and3A_311 = arith.andi %eq3A_309, %lt3A_310 : i1
        %or3A_312 = arith.ori %gt3A_308, %and3A_311 : i1
        %select_n3A_313 = arith.select %or3A_312, %squeeze3A_301, %select_n3A_298 : f32
        %select_n3A_314 = arith.select %or3A_312, %add3A_307, %select_n3A_299 : i32
        %slice3A_315 = vector.extract_strided_slice %scan3A_206#0 {offsets = [7], sizes = [1], strides = [1]} : vector<16xf32> to vector<1xf32>
        %squeeze3A_316 = vector.extract %slice3A_315[0] : f32 from vector<1xf32>
        %slice3A_317 = vector.extract_strided_slice %scan3A_206#1 {offsets = [7], sizes = [1], strides = [1]} : vector<16xi32> to vector<1xi32>
        %squeeze3A_318 = vector.extract %slice3A_317[0] : i32 from vector<1xi32>
        %mul3A_319 = arith.constant 16 : i32
        %mul3A_320 = arith.muli %squeeze3A_318, %mul3A_319 : i32
        %add3A_321 = arith.constant 7 : i32
        %add3A_322 = arith.addi %mul3A_320, %add3A_321 : i32
        %gt3A_323 = arith.cmpf ogt, %squeeze3A_316, %select_n3A_313 : f32
        %eq3A_324 = arith.cmpf oeq, %squeeze3A_316, %select_n3A_313 : f32
        %lt3A_325 = arith.cmpi slt, %add3A_322, %select_n3A_314 : i32
        %and3A_326 = arith.andi %eq3A_324, %lt3A_325 : i1
        %or3A_327 = arith.ori %gt3A_323, %and3A_326 : i1
        %select_n3A_328 = arith.select %or3A_327, %squeeze3A_316, %select_n3A_313 : f32
        %select_n3A_329 = arith.select %or3A_327, %add3A_322, %select_n3A_314 : i32
        %slice3A_330 = vector.extract_strided_slice %scan3A_206#0 {offsets = [8], sizes = [1], strides = [1]} : vector<16xf32> to vector<1xf32>
        %squeeze3A_331 = vector.extract %slice3A_330[0] : f32 from vector<1xf32>
        %slice3A_332 = vector.extract_strided_slice %scan3A_206#1 {offsets = [8], sizes = [1], strides = [1]} : vector<16xi32> to vector<1xi32>
        %squeeze3A_333 = vector.extract %slice3A_332[0] : i32 from vector<1xi32>
        %mul3A_334 = arith.constant 16 : i32
        %mul3A_335 = arith.muli %squeeze3A_333, %mul3A_334 : i32
        %add3A_336 = arith.constant 8 : i32
        %add3A_337 = arith.addi %mul3A_335, %add3A_336 : i32
        %gt3A_338 = arith.cmpf ogt, %squeeze3A_331, %select_n3A_328 : f32
        %eq3A_339 = arith.cmpf oeq, %squeeze3A_331, %select_n3A_328 : f32
        %lt3A_340 = arith.cmpi slt, %add3A_337, %select_n3A_329 : i32
        %and3A_341 = arith.andi %eq3A_339, %lt3A_340 : i1
        %or3A_342 = arith.ori %gt3A_338, %and3A_341 : i1
        %select_n3A_343 = arith.select %or3A_342, %squeeze3A_331, %select_n3A_328 : f32
        %select_n3A_344 = arith.select %or3A_342, %add3A_337, %select_n3A_329 : i32
        %slice3A_345 = vector.extract_strided_slice %scan3A_206#0 {offsets = [9], sizes = [1], strides = [1]} : vector<16xf32> to vector<1xf32>
        %squeeze3A_346 = vector.extract %slice3A_345[0] : f32 from vector<1xf32>
        %slice3A_347 = vector.extract_strided_slice %scan3A_206#1 {offsets = [9], sizes = [1], strides = [1]} : vector<16xi32> to vector<1xi32>
        %squeeze3A_348 = vector.extract %slice3A_347[0] : i32 from vector<1xi32>
        %mul3A_349 = arith.constant 16 : i32
        %mul3A_350 = arith.muli %squeeze3A_348, %mul3A_349 : i32
        %add3A_351 = arith.constant 9 : i32
        %add3A_352 = arith.addi %mul3A_350, %add3A_351 : i32
        %gt3A_353 = arith.cmpf ogt, %squeeze3A_346, %select_n3A_343 : f32
        %eq3A_354 = arith.cmpf oeq, %squeeze3A_346, %select_n3A_343 : f32
        %lt3A_355 = arith.cmpi slt, %add3A_352, %select_n3A_344 : i32
        %and3A_356 = arith.andi %eq3A_354, %lt3A_355 : i1
        %or3A_357 = arith.ori %gt3A_353, %and3A_356 : i1
        %select_n3A_358 = arith.select %or3A_357, %squeeze3A_346, %select_n3A_343 : f32
        %select_n3A_359 = arith.select %or3A_357, %add3A_352, %select_n3A_344 : i32
        %slice3A_360 = vector.extract_strided_slice %scan3A_206#0 {offsets = [10], sizes = [1], strides = [1]} : vector<16xf32> to vector<1xf32>
        %squeeze3A_361 = vector.extract %slice3A_360[0] : f32 from vector<1xf32>
        %slice3A_362 = vector.extract_strided_slice %scan3A_206#1 {offsets = [10], sizes = [1], strides = [1]} : vector<16xi32> to vector<1xi32>
        %squeeze3A_363 = vector.extract %slice3A_362[0] : i32 from vector<1xi32>
        %mul3A_364 = arith.constant 16 : i32
        %mul3A_365 = arith.muli %squeeze3A_363, %mul3A_364 : i32
        %add3A_366 = arith.constant 10 : i32
        %add3A_367 = arith.addi %mul3A_365, %add3A_366 : i32
        %gt3A_368 = arith.cmpf ogt, %squeeze3A_361, %select_n3A_358 : f32
        %eq3A_369 = arith.cmpf oeq, %squeeze3A_361, %select_n3A_358 : f32
        %lt3A_370 = arith.cmpi slt, %add3A_367, %select_n3A_359 : i32
        %and3A_371 = arith.andi %eq3A_369, %lt3A_370 : i1
        %or3A_372 = arith.ori %gt3A_368, %and3A_371 : i1
        %select_n3A_373 = arith.select %or3A_372, %squeeze3A_361, %select_n3A_358 : f32
        %select_n3A_374 = arith.select %or3A_372, %add3A_367, %select_n3A_359 : i32
        %slice3A_375 = vector.extract_strided_slice %scan3A_206#0 {offsets = [11], sizes = [1], strides = [1]} : vector<16xf32> to vector<1xf32>
        %squeeze3A_376 = vector.extract %slice3A_375[0] : f32 from vector<1xf32>
        %slice3A_377 = vector.extract_strided_slice %scan3A_206#1 {offsets = [11], sizes = [1], strides = [1]} : vector<16xi32> to vector<1xi32>
        %squeeze3A_378 = vector.extract %slice3A_377[0] : i32 from vector<1xi32>
        %mul3A_379 = arith.constant 16 : i32
        %mul3A_380 = arith.muli %squeeze3A_378, %mul3A_379 : i32
        %add3A_381 = arith.constant 11 : i32
        %add3A_382 = arith.addi %mul3A_380, %add3A_381 : i32
        %gt3A_383 = arith.cmpf ogt, %squeeze3A_376, %select_n3A_373 : f32
        %eq3A_384 = arith.cmpf oeq, %squeeze3A_376, %select_n3A_373 : f32
        %lt3A_385 = arith.cmpi slt, %add3A_382, %select_n3A_374 : i32
        %and3A_386 = arith.andi %eq3A_384, %lt3A_385 : i1
        %or3A_387 = arith.ori %gt3A_383, %and3A_386 : i1
        %select_n3A_388 = arith.select %or3A_387, %squeeze3A_376, %select_n3A_373 : f32
        %select_n3A_389 = arith.select %or3A_387, %add3A_382, %select_n3A_374 : i32
        %slice3A_390 = vector.extract_strided_slice %scan3A_206#0 {offsets = [12], sizes = [1], strides = [1]} : vector<16xf32> to vector<1xf32>
        %squeeze3A_391 = vector.extract %slice3A_390[0] : f32 from vector<1xf32>
        %slice3A_392 = vector.extract_strided_slice %scan3A_206#1 {offsets = [12], sizes = [1], strides = [1]} : vector<16xi32> to vector<1xi32>
        %squeeze3A_393 = vector.extract %slice3A_392[0] : i32 from vector<1xi32>
        %mul3A_394 = arith.constant 16 : i32
        %mul3A_395 = arith.muli %squeeze3A_393, %mul3A_394 : i32
        %add3A_396 = arith.constant 12 : i32
        %add3A_397 = arith.addi %mul3A_395, %add3A_396 : i32
        %gt3A_398 = arith.cmpf ogt, %squeeze3A_391, %select_n3A_388 : f32
        %eq3A_399 = arith.cmpf oeq, %squeeze3A_391, %select_n3A_388 : f32
        %lt3A_400 = arith.cmpi slt, %add3A_397, %select_n3A_389 : i32
        %and3A_401 = arith.andi %eq3A_399, %lt3A_400 : i1
        %or3A_402 = arith.ori %gt3A_398, %and3A_401 : i1
        %select_n3A_403 = arith.select %or3A_402, %squeeze3A_391, %select_n3A_388 : f32
        %select_n3A_404 = arith.select %or3A_402, %add3A_397, %select_n3A_389 : i32
        %slice3A_405 = vector.extract_strided_slice %scan3A_206#0 {offsets = [13], sizes = [1], strides = [1]} : vector<16xf32> to vector<1xf32>
        %squeeze3A_406 = vector.extract %slice3A_405[0] : f32 from vector<1xf32>
        %slice3A_407 = vector.extract_strided_slice %scan3A_206#1 {offsets = [13], sizes = [1], strides = [1]} : vector<16xi32> to vector<1xi32>
        %squeeze3A_408 = vector.extract %slice3A_407[0] : i32 from vector<1xi32>
        %mul3A_409 = arith.constant 16 : i32
        %mul3A_410 = arith.muli %squeeze3A_408, %mul3A_409 : i32
        %add3A_411 = arith.constant 13 : i32
        %add3A_412 = arith.addi %mul3A_410, %add3A_411 : i32
        %gt3A_413 = arith.cmpf ogt, %squeeze3A_406, %select_n3A_403 : f32
        %eq3A_414 = arith.cmpf oeq, %squeeze3A_406, %select_n3A_403 : f32
        %lt3A_415 = arith.cmpi slt, %add3A_412, %select_n3A_404 : i32
        %and3A_416 = arith.andi %eq3A_414, %lt3A_415 : i1
        %or3A_417 = arith.ori %gt3A_413, %and3A_416 : i1
        %select_n3A_418 = arith.select %or3A_417, %squeeze3A_406, %select_n3A_403 : f32
        %select_n3A_419 = arith.select %or3A_417, %add3A_412, %select_n3A_404 : i32
        %slice3A_420 = vector.extract_strided_slice %scan3A_206#0 {offsets = [14], sizes = [1], strides = [1]} : vector<16xf32> to vector<1xf32>
        %squeeze3A_421 = vector.extract %slice3A_420[0] : f32 from vector<1xf32>
        %slice3A_422 = vector.extract_strided_slice %scan3A_206#1 {offsets = [14], sizes = [1], strides = [1]} : vector<16xi32> to vector<1xi32>
        %squeeze3A_423 = vector.extract %slice3A_422[0] : i32 from vector<1xi32>
        %mul3A_424 = arith.constant 16 : i32
        %mul3A_425 = arith.muli %squeeze3A_423, %mul3A_424 : i32
        %add3A_426 = arith.constant 14 : i32
        %add3A_427 = arith.addi %mul3A_425, %add3A_426 : i32
        %gt3A_428 = arith.cmpf ogt, %squeeze3A_421, %select_n3A_418 : f32
        %eq3A_429 = arith.cmpf oeq, %squeeze3A_421, %select_n3A_418 : f32
        %lt3A_430 = arith.cmpi slt, %add3A_427, %select_n3A_419 : i32
        %and3A_431 = arith.andi %eq3A_429, %lt3A_430 : i1
        %or3A_432 = arith.ori %gt3A_428, %and3A_431 : i1
        %select_n3A_433 = arith.select %or3A_432, %squeeze3A_421, %select_n3A_418 : f32
        %select_n3A_434 = arith.select %or3A_432, %add3A_427, %select_n3A_419 : i32
        %slice3A_435 = vector.extract_strided_slice %scan3A_206#0 {offsets = [15], sizes = [1], strides = [1]} : vector<16xf32> to vector<1xf32>
        %squeeze3A_436 = vector.extract %slice3A_435[0] : f32 from vector<1xf32>
        %slice3A_437 = vector.extract_strided_slice %scan3A_206#1 {offsets = [15], sizes = [1], strides = [1]} : vector<16xi32> to vector<1xi32>
        %squeeze3A_438 = vector.extract %slice3A_437[0] : i32 from vector<1xi32>
        %mul3A_439 = arith.constant 16 : i32
        %mul3A_440 = arith.muli %squeeze3A_438, %mul3A_439 : i32
        %add3A_441 = arith.constant 15 : i32
        %add3A_442 = arith.addi %mul3A_440, %add3A_441 : i32
        %gt3A_443 = arith.cmpf ogt, %squeeze3A_436, %select_n3A_433 : f32
        %eq3A_444 = arith.cmpf oeq, %squeeze3A_436, %select_n3A_433 : f32
        %lt3A_445 = arith.cmpi slt, %add3A_442, %select_n3A_434 : i32
        %and3A_446 = arith.andi %eq3A_444, %lt3A_445 : i1
        %or3A_447 = arith.ori %gt3A_443, %and3A_446 : i1
        %select_n3A_448 = arith.select %or3A_447, %squeeze3A_436, %select_n3A_433 : f32
        %select_n3A_449 = arith.select %or3A_447, %add3A_442, %select_n3A_434 : i32
        scf.yield %select_n3A_449 : i32
      }
      %scan3A_87 = arith.constant 32 : i32
      %run_scoped3A_88 = arith.constant 0 : i32
      "tpu.region"() ({
        %run_scoped3A_94 = tpu.sem_alloc : memref<!tpu.dma_semaphore, #tpu.memory_space<semaphore_mem>>
        %dma_start3A = arith.constant 0 : i32
        %dma_start3A_95 = tpu.memref_slice %arg7[%add3A_9, %run_scoped3A_88, %dma_start3A] : memref<64x6x32xf32, #tpu.memory_space<hbm>> -> memref<1x1x32xf32, #tpu.memory_space<hbm>>
        %dma_start3A_96 = tpu.memref_squeeze %dma_start3A_95 : memref<1x1x32xf32, #tpu.memory_space<hbm>> -> memref<32xf32, #tpu.memory_space<hbm>>
        %dma_start3A_97 = arith.constant 0 : i32
        %dma_start3A_98 = tpu.memref_slice %arg7[%add3A_9, %run_scoped3A_88, %dma_start3A_97] : memref<64x6x32xf32, #tpu.memory_space<hbm>> -> memref<1x1x32xf32, #tpu.memory_space<hbm>>
        %dma_start3A_99 = tpu.memref_squeeze %dma_start3A_98 : memref<1x1x32xf32, #tpu.memory_space<hbm>> -> memref<32xf32, #tpu.memory_space<hbm>>
        tpu.enqueue_dma source(%arg32 : memref<32xf32, #tpu.memory_space<vmem>>) target(%dma_start3A_99 : memref<32xf32, #tpu.memory_space<hbm>>) target_semaphore(%run_scoped3A_94 : memref<!tpu.dma_semaphore, #tpu.memory_space<semaphore_mem>>)
        %dma_wait3A = arith.constant 0 : i32
        %dma_wait3A_100 = tpu.memref_slice %arg7[%add3A_9, %run_scoped3A_88, %dma_wait3A] : memref<64x6x32xf32, #tpu.memory_space<hbm>> -> memref<1x1x32xf32, #tpu.memory_space<hbm>>
        %dma_wait3A_101 = tpu.memref_squeeze %dma_wait3A_100 : memref<1x1x32xf32, #tpu.memory_space<hbm>> -> memref<32xf32, #tpu.memory_space<hbm>>
        %dma_wait3A_102 = arith.constant 0 : i32
        %dma_wait3A_103 = tpu.memref_slice %arg7[%add3A_9, %run_scoped3A_88, %dma_wait3A_102] : memref<64x6x32xf32, #tpu.memory_space<hbm>> -> memref<1x1x32xf32, #tpu.memory_space<hbm>>
        %dma_wait3A_104 = tpu.memref_squeeze %dma_wait3A_103 : memref<1x1x32xf32, #tpu.memory_space<hbm>> -> memref<32xf32, #tpu.memory_space<hbm>>
        tpu.wait_dma2 semaphore(%run_scoped3A_94 : memref<!tpu.dma_semaphore, #tpu.memory_space<semaphore_mem>>) src(%arg32 : memref<32xf32, #tpu.memory_space<vmem>>) dst(%dma_wait3A_104 : memref<32xf32, #tpu.memory_space<hbm>>)
        tpu.yield
      }) : () -> ()
      %run_scoped3A_89 = arith.constant 1 : i32
      "tpu.region"() ({
        %run_scoped3A_94 = tpu.sem_alloc : memref<!tpu.dma_semaphore, #tpu.memory_space<semaphore_mem>>
        %dma_start3A = arith.constant 0 : i32
        %dma_start3A_95 = tpu.memref_slice %arg7[%add3A_9, %run_scoped3A_89, %dma_start3A] : memref<64x6x32xf32, #tpu.memory_space<hbm>> -> memref<1x1x32xf32, #tpu.memory_space<hbm>>
        %dma_start3A_96 = tpu.memref_squeeze %dma_start3A_95 : memref<1x1x32xf32, #tpu.memory_space<hbm>> -> memref<32xf32, #tpu.memory_space<hbm>>
        %dma_start3A_97 = arith.constant 0 : i32
        %dma_start3A_98 = tpu.memref_slice %arg7[%add3A_9, %run_scoped3A_89, %dma_start3A_97] : memref<64x6x32xf32, #tpu.memory_space<hbm>> -> memref<1x1x32xf32, #tpu.memory_space<hbm>>
        %dma_start3A_99 = tpu.memref_squeeze %dma_start3A_98 : memref<1x1x32xf32, #tpu.memory_space<hbm>> -> memref<32xf32, #tpu.memory_space<hbm>>
        tpu.enqueue_dma source(%arg33 : memref<32xf32, #tpu.memory_space<vmem>>) target(%dma_start3A_99 : memref<32xf32, #tpu.memory_space<hbm>>) target_semaphore(%run_scoped3A_94 : memref<!tpu.dma_semaphore, #tpu.memory_space<semaphore_mem>>)
        %dma_wait3A = arith.constant 0 : i32
        %dma_wait3A_100 = tpu.memref_slice %arg7[%add3A_9, %run_scoped3A_89, %dma_wait3A] : memref<64x6x32xf32, #tpu.memory_space<hbm>> -> memref<1x1x32xf32, #tpu.memory_space<hbm>>
        %dma_wait3A_101 = tpu.memref_squeeze %dma_wait3A_100 : memref<1x1x32xf32, #tpu.memory_space<hbm>> -> memref<32xf32, #tpu.memory_space<hbm>>
        %dma_wait3A_102 = arith.constant 0 : i32
        %dma_wait3A_103 = tpu.memref_slice %arg7[%add3A_9, %run_scoped3A_89, %dma_wait3A_102] : memref<64x6x32xf32, #tpu.memory_space<hbm>> -> memref<1x1x32xf32, #tpu.memory_space<hbm>>
        %dma_wait3A_104 = tpu.memref_squeeze %dma_wait3A_103 : memref<1x1x32xf32, #tpu.memory_space<hbm>> -> memref<32xf32, #tpu.memory_space<hbm>>
        tpu.wait_dma2 semaphore(%run_scoped3A_94 : memref<!tpu.dma_semaphore, #tpu.memory_space<semaphore_mem>>) src(%arg33 : memref<32xf32, #tpu.memory_space<vmem>>) dst(%dma_wait3A_104 : memref<32xf32, #tpu.memory_space<hbm>>)
        tpu.yield
      }) : () -> ()
      %run_scoped3A_90 = arith.constant 2 : i32
      "tpu.region"() ({
        %run_scoped3A_94 = tpu.sem_alloc : memref<!tpu.dma_semaphore, #tpu.memory_space<semaphore_mem>>
        %dma_start3A = arith.constant 0 : i32
        %dma_start3A_95 = tpu.memref_slice %arg7[%add3A_9, %run_scoped3A_90, %dma_start3A] : memref<64x6x32xf32, #tpu.memory_space<hbm>> -> memref<1x1x32xf32, #tpu.memory_space<hbm>>
        %dma_start3A_96 = tpu.memref_squeeze %dma_start3A_95 : memref<1x1x32xf32, #tpu.memory_space<hbm>> -> memref<32xf32, #tpu.memory_space<hbm>>
        %dma_start3A_97 = arith.constant 0 : i32
        %dma_start3A_98 = tpu.memref_slice %arg7[%add3A_9, %run_scoped3A_90, %dma_start3A_97] : memref<64x6x32xf32, #tpu.memory_space<hbm>> -> memref<1x1x32xf32, #tpu.memory_space<hbm>>
        %dma_start3A_99 = tpu.memref_squeeze %dma_start3A_98 : memref<1x1x32xf32, #tpu.memory_space<hbm>> -> memref<32xf32, #tpu.memory_space<hbm>>
        tpu.enqueue_dma source(%arg34 : memref<32xf32, #tpu.memory_space<vmem>>) target(%dma_start3A_99 : memref<32xf32, #tpu.memory_space<hbm>>) target_semaphore(%run_scoped3A_94 : memref<!tpu.dma_semaphore, #tpu.memory_space<semaphore_mem>>)
        %dma_wait3A = arith.constant 0 : i32
        %dma_wait3A_100 = tpu.memref_slice %arg7[%add3A_9, %run_scoped3A_90, %dma_wait3A] : memref<64x6x32xf32, #tpu.memory_space<hbm>> -> memref<1x1x32xf32, #tpu.memory_space<hbm>>
        %dma_wait3A_101 = tpu.memref_squeeze %dma_wait3A_100 : memref<1x1x32xf32, #tpu.memory_space<hbm>> -> memref<32xf32, #tpu.memory_space<hbm>>
        %dma_wait3A_102 = arith.constant 0 : i32
        %dma_wait3A_103 = tpu.memref_slice %arg7[%add3A_9, %run_scoped3A_90, %dma_wait3A_102] : memref<64x6x32xf32, #tpu.memory_space<hbm>> -> memref<1x1x32xf32, #tpu.memory_space<hbm>>
        %dma_wait3A_104 = tpu.memref_squeeze %dma_wait3A_103 : memref<1x1x32xf32, #tpu.memory_space<hbm>> -> memref<32xf32, #tpu.memory_space<hbm>>
        tpu.wait_dma2 semaphore(%run_scoped3A_94 : memref<!tpu.dma_semaphore, #tpu.memory_space<semaphore_mem>>) src(%arg34 : memref<32xf32, #tpu.memory_space<vmem>>) dst(%dma_wait3A_104 : memref<32xf32, #tpu.memory_space<hbm>>)
        tpu.yield
      }) : () -> ()
      %run_scoped3A_91 = arith.constant 3 : i32
      "tpu.region"() ({
        %run_scoped3A_94 = tpu.sem_alloc : memref<!tpu.dma_semaphore, #tpu.memory_space<semaphore_mem>>
        %dma_start3A = arith.constant 0 : i32
        %dma_start3A_95 = tpu.memref_slice %arg7[%add3A_9, %run_scoped3A_91, %dma_start3A] : memref<64x6x32xf32, #tpu.memory_space<hbm>> -> memref<1x1x32xf32, #tpu.memory_space<hbm>>
        %dma_start3A_96 = tpu.memref_squeeze %dma_start3A_95 : memref<1x1x32xf32, #tpu.memory_space<hbm>> -> memref<32xf32, #tpu.memory_space<hbm>>
        %dma_start3A_97 = arith.constant 0 : i32
        %dma_start3A_98 = tpu.memref_slice %arg7[%add3A_9, %run_scoped3A_91, %dma_start3A_97] : memref<64x6x32xf32, #tpu.memory_space<hbm>> -> memref<1x1x32xf32, #tpu.memory_space<hbm>>
        %dma_start3A_99 = tpu.memref_squeeze %dma_start3A_98 : memref<1x1x32xf32, #tpu.memory_space<hbm>> -> memref<32xf32, #tpu.memory_space<hbm>>
        tpu.enqueue_dma source(%arg35 : memref<32xf32, #tpu.memory_space<vmem>>) target(%dma_start3A_99 : memref<32xf32, #tpu.memory_space<hbm>>) target_semaphore(%run_scoped3A_94 : memref<!tpu.dma_semaphore, #tpu.memory_space<semaphore_mem>>)
        %dma_wait3A = arith.constant 0 : i32
        %dma_wait3A_100 = tpu.memref_slice %arg7[%add3A_9, %run_scoped3A_91, %dma_wait3A] : memref<64x6x32xf32, #tpu.memory_space<hbm>> -> memref<1x1x32xf32, #tpu.memory_space<hbm>>
        %dma_wait3A_101 = tpu.memref_squeeze %dma_wait3A_100 : memref<1x1x32xf32, #tpu.memory_space<hbm>> -> memref<32xf32, #tpu.memory_space<hbm>>
        %dma_wait3A_102 = arith.constant 0 : i32
        %dma_wait3A_103 = tpu.memref_slice %arg7[%add3A_9, %run_scoped3A_91, %dma_wait3A_102] : memref<64x6x32xf32, #tpu.memory_space<hbm>> -> memref<1x1x32xf32, #tpu.memory_space<hbm>>
        %dma_wait3A_104 = tpu.memref_squeeze %dma_wait3A_103 : memref<1x1x32xf32, #tpu.memory_space<hbm>> -> memref<32xf32, #tpu.memory_space<hbm>>
        tpu.wait_dma2 semaphore(%run_scoped3A_94 : memref<!tpu.dma_semaphore, #tpu.memory_space<semaphore_mem>>) src(%arg35 : memref<32xf32, #tpu.memory_space<vmem>>) dst(%dma_wait3A_104 : memref<32xf32, #tpu.memory_space<hbm>>)
        tpu.yield
      }) : () -> ()
      %run_scoped3A_92 = arith.constant 4 : i32
      "tpu.region"() ({
        %run_scoped3A_94 = tpu.sem_alloc : memref<!tpu.dma_semaphore, #tpu.memory_space<semaphore_mem>>
        %dma_start3A = arith.constant 0 : i32
        %dma_start3A_95 = tpu.memref_slice %arg7[%add3A_9, %run_scoped3A_92, %dma_start3A] : memref<64x6x32xf32, #tpu.memory_space<hbm>> -> memref<1x1x32xf32, #tpu.memory_space<hbm>>
        %dma_start3A_96 = tpu.memref_squeeze %dma_start3A_95 : memref<1x1x32xf32, #tpu.memory_space<hbm>> -> memref<32xf32, #tpu.memory_space<hbm>>
        %dma_start3A_97 = arith.constant 0 : i32
        %dma_start3A_98 = tpu.memref_slice %arg7[%add3A_9, %run_scoped3A_92, %dma_start3A_97] : memref<64x6x32xf32, #tpu.memory_space<hbm>> -> memref<1x1x32xf32, #tpu.memory_space<hbm>>
        %dma_start3A_99 = tpu.memref_squeeze %dma_start3A_98 : memref<1x1x32xf32, #tpu.memory_space<hbm>> -> memref<32xf32, #tpu.memory_space<hbm>>
        tpu.enqueue_dma source(%arg36 : memref<32xf32, #tpu.memory_space<vmem>>) target(%dma_start3A_99 : memref<32xf32, #tpu.memory_space<hbm>>) target_semaphore(%run_scoped3A_94 : memref<!tpu.dma_semaphore, #tpu.memory_space<semaphore_mem>>)
        %dma_wait3A = arith.constant 0 : i32
        %dma_wait3A_100 = tpu.memref_slice %arg7[%add3A_9, %run_scoped3A_92, %dma_wait3A] : memref<64x6x32xf32, #tpu.memory_space<hbm>> -> memref<1x1x32xf32, #tpu.memory_space<hbm>>
        %dma_wait3A_101 = tpu.memref_squeeze %dma_wait3A_100 : memref<1x1x32xf32, #tpu.memory_space<hbm>> -> memref<32xf32, #tpu.memory_space<hbm>>
        %dma_wait3A_102 = arith.constant 0 : i32
        %dma_wait3A_103 = tpu.memref_slice %arg7[%add3A_9, %run_scoped3A_92, %dma_wait3A_102] : memref<64x6x32xf32, #tpu.memory_space<hbm>> -> memref<1x1x32xf32, #tpu.memory_space<hbm>>
        %dma_wait3A_104 = tpu.memref_squeeze %dma_wait3A_103 : memref<1x1x32xf32, #tpu.memory_space<hbm>> -> memref<32xf32, #tpu.memory_space<hbm>>
        tpu.wait_dma2 semaphore(%run_scoped3A_94 : memref<!tpu.dma_semaphore, #tpu.memory_space<semaphore_mem>>) src(%arg36 : memref<32xf32, #tpu.memory_space<vmem>>) dst(%dma_wait3A_104 : memref<32xf32, #tpu.memory_space<hbm>>)
        tpu.yield
      }) : () -> ()
      %run_scoped3A_93 = arith.constant 5 : i32
      "tpu.region"() ({
        %run_scoped3A_94 = tpu.sem_alloc : memref<!tpu.dma_semaphore, #tpu.memory_space<semaphore_mem>>
        %dma_start3A = arith.constant 0 : i32
        %dma_start3A_95 = tpu.memref_slice %arg7[%add3A_9, %run_scoped3A_93, %dma_start3A] : memref<64x6x32xf32, #tpu.memory_space<hbm>> -> memref<1x1x32xf32, #tpu.memory_space<hbm>>
        %dma_start3A_96 = tpu.memref_squeeze %dma_start3A_95 : memref<1x1x32xf32, #tpu.memory_space<hbm>> -> memref<32xf32, #tpu.memory_space<hbm>>
        %dma_start3A_97 = arith.constant 0 : i32
        %dma_start3A_98 = tpu.memref_slice %arg7[%add3A_9, %run_scoped3A_93, %dma_start3A_97] : memref<64x6x32xf32, #tpu.memory_space<hbm>> -> memref<1x1x32xf32, #tpu.memory_space<hbm>>
        %dma_start3A_99 = tpu.memref_squeeze %dma_start3A_98 : memref<1x1x32xf32, #tpu.memory_space<hbm>> -> memref<32xf32, #tpu.memory_space<hbm>>
        tpu.enqueue_dma source(%arg37 : memref<32xf32, #tpu.memory_space<vmem>>) target(%dma_start3A_99 : memref<32xf32, #tpu.memory_space<hbm>>) target_semaphore(%run_scoped3A_94 : memref<!tpu.dma_semaphore, #tpu.memory_space<semaphore_mem>>)
        %dma_wait3A = arith.constant 0 : i32
        %dma_wait3A_100 = tpu.memref_slice %arg7[%add3A_9, %run_scoped3A_93, %dma_wait3A] : memref<64x6x32xf32, #tpu.memory_space<hbm>> -> memref<1x1x32xf32, #tpu.memory_space<hbm>>
        %dma_wait3A_101 = tpu.memref_squeeze %dma_wait3A_100 : memref<1x1x32xf32, #tpu.memory_space<hbm>> -> memref<32xf32, #tpu.memory_space<hbm>>
        %dma_wait3A_102 = arith.constant 0 : i32
        %dma_wait3A_103 = tpu.memref_slice %arg7[%add3A_9, %run_scoped3A_93, %dma_wait3A_102] : memref<64x6x32xf32, #tpu.memory_space<hbm>> -> memref<1x1x32xf32, #tpu.memory_space<hbm>>
        %dma_wait3A_104 = tpu.memref_squeeze %dma_wait3A_103 : memref<1x1x32xf32, #tpu.memory_space<hbm>> -> memref<32xf32, #tpu.memory_space<hbm>>
        tpu.wait_dma2 semaphore(%run_scoped3A_94 : memref<!tpu.dma_semaphore, #tpu.memory_space<semaphore_mem>>) src(%arg37 : memref<32xf32, #tpu.memory_space<vmem>>) dst(%dma_wait3A_104 : memref<32xf32, #tpu.memory_space<hbm>>)
        tpu.yield
      }) : () -> ()
    }
    %scan3A_5 = arith.constant 2 : i32
    return
  }
}

module attributes {stable_mosaic.version = 14 : i64} {
  func.func @_loa_body(%arg0: i32, %arg1: memref<1x1024x3xf32, #tpu.memory_space<vmem>>, %arg2: memref<1x3x1024xf32, #tpu.memory_space<vmem>>, %arg3: memref<1x1024x3xf32, #tpu.memory_space<vmem>>, %arg4: memref<1024x1024xf32, #tpu.memory_space<vmem>>) attributes {dimension_semantics = [#tpu.dimension_semantics<parallel>], iteration_bounds = array<i64: 64>, scalar_prefetch = 0 : i64, scratch_operands = 1 : i64, tpu.core_type = #tpu.core_type<tc>, window_params = [{transform_indices = @transform_0, window_bounds = array<i64: 1, 1024, 3>}, {transform_indices = @transform_1, window_bounds = array<i64: 1, 3, 1024>}, {transform_indices = @transform_2, window_bounds = array<i64: 1, 1024, 3>}]} {
    %get3A = arith.constant 0 : index
    %get3A_0 = arith.constant 0 : index
    %get3A_1 = arith.constant 0 : index
    %get3A_2 = vector.load %arg1[%get3A, %get3A_0, %get3A_1] : memref<1x1024x3xf32, #tpu.memory_space<vmem>>, vector<1x1024x3xf32>
    %get3A_3 = vector.shape_cast %get3A_2 : vector<1x1024x3xf32> to vector<1024x3xf32>
    %get3A_4 = arith.constant 0 : index
    %get3A_5 = arith.constant 0 : index
    %get3A_6 = arith.constant 0 : index
    %get3A_7 = vector.load %arg2[%get3A_4, %get3A_5, %get3A_6] : memref<1x3x1024xf32, #tpu.memory_space<vmem>>, vector<1x3x1024xf32>
    %get3A_8 = vector.shape_cast %get3A_7 : vector<1x3x1024xf32> to vector<3x1024xf32>
    %broadcast_in_dim3A = arith.constant 0.000000e+00 : f32
    %broadcast_in_dim3A_9 = vector.broadcast %broadcast_in_dim3A : f32 to vector<1024x1024xf32>
    %slice3A = vector.extract_strided_slice %get3A_3 {offsets = [0, 0], sizes = [1024, 1], strides = [1, 1]} : vector<1024x3xf32> to vector<1024x1xf32>
    %slice3A_10 = vector.extract_strided_slice %get3A_8 {offsets = [0, 0], sizes = [1, 1024], strides = [1, 1]} : vector<3x1024xf32> to vector<1x1024xf32>
    %sub3A = vector.broadcast %slice3A : vector<1024x1xf32> to vector<1024x1024xf32>
    %sub3A_11 = vector.broadcast %slice3A_10 : vector<1x1024xf32> to vector<1024x1024xf32>
    %sub3A_12 = arith.subf %sub3A, %sub3A_11 : vector<1024x1024xf32>
    %mul3A = arith.mulf %sub3A_12, %sub3A_12 : vector<1024x1024xf32>
    %add3A = arith.addf %broadcast_in_dim3A_9, %mul3A : vector<1024x1024xf32>
    %slice3A_13 = vector.extract_strided_slice %get3A_3 {offsets = [0, 1], sizes = [1024, 1], strides = [1, 1]} : vector<1024x3xf32> to vector<1024x1xf32>
    %slice3A_14 = vector.extract_strided_slice %get3A_8 {offsets = [1, 0], sizes = [1, 1024], strides = [1, 1]} : vector<3x1024xf32> to vector<1x1024xf32>
    %sub3A_15 = vector.broadcast %slice3A_13 : vector<1024x1xf32> to vector<1024x1024xf32>
    %sub3A_16 = vector.broadcast %slice3A_14 : vector<1x1024xf32> to vector<1024x1024xf32>
    %sub3A_17 = arith.subf %sub3A_15, %sub3A_16 : vector<1024x1024xf32>
    %mul3A_18 = arith.mulf %sub3A_17, %sub3A_17 : vector<1024x1024xf32>
    %add3A_19 = arith.addf %add3A, %mul3A_18 : vector<1024x1024xf32>
    %slice3A_20 = vector.extract_strided_slice %get3A_3 {offsets = [0, 2], sizes = [1024, 1], strides = [1, 1]} : vector<1024x3xf32> to vector<1024x1xf32>
    %slice3A_21 = vector.extract_strided_slice %get3A_8 {offsets = [2, 0], sizes = [1, 1024], strides = [1, 1]} : vector<3x1024xf32> to vector<1x1024xf32>
    %sub3A_22 = vector.broadcast %slice3A_20 : vector<1024x1xf32> to vector<1024x1024xf32>
    %sub3A_23 = vector.broadcast %slice3A_21 : vector<1x1024xf32> to vector<1024x1024xf32>
    %sub3A_24 = arith.subf %sub3A_22, %sub3A_23 : vector<1024x1024xf32>
    %mul3A_25 = arith.mulf %sub3A_24, %sub3A_24 : vector<1024x1024xf32>
    %add3A_26 = arith.addf %add3A_19, %mul3A_25 : vector<1024x1024xf32>
    %sqrt3A = math.sqrt %add3A_26 : vector<1024x1024xf32>
    %swap3A = arith.constant 0 : index
    %swap3A_27 = arith.constant 0 : index
    %swap3A_28 = vector.load %arg4[%swap3A, %swap3A_27] : memref<1024x1024xf32, #tpu.memory_space<vmem>>, vector<1024x1024xf32>
    tpu.vector_store %arg4[%swap3A, %swap3A_27], %sqrt3A {strides = array<i32>} : memref<1024x1024xf32, #tpu.memory_space<vmem>>, vector<1024x1024xf32>,
    %mul3A_29 = arith.mulf %get3A_3, %get3A_3 : vector<1024x3xf32>
    %reduce_sum3A = arith.constant dense<0.000000e+00> : vector<1024xf32>
    %reduce_sum3A_30 = vector.multi_reduction <add>, %mul3A_29, %reduce_sum3A [1] : vector<1024x3xf32> to vector<1024xf32>
    %broadcast_in_dim3A_31 = vector.shape_cast %reduce_sum3A_30 : vector<1024xf32> to vector<1024x1xf32>
    %slice3A_32 = vector.extract_strided_slice %get3A_8 {offsets = [0, 0], sizes = [1, 1024], strides = [1, 1]} : vector<3x1024xf32> to vector<1x1024xf32>
    %slice3A_33 = vector.extract_strided_slice %get3A_8 {offsets = [0, 0], sizes = [1, 1024], strides = [1, 1]} : vector<3x1024xf32> to vector<1x1024xf32>
    %mul3A_34 = arith.mulf %slice3A_32, %slice3A_33 : vector<1x1024xf32>
    %slice3A_35 = vector.extract_strided_slice %get3A_8 {offsets = [1, 0], sizes = [1, 1024], strides = [1, 1]} : vector<3x1024xf32> to vector<1x1024xf32>
    %slice3A_36 = vector.extract_strided_slice %get3A_8 {offsets = [1, 0], sizes = [1, 1024], strides = [1, 1]} : vector<3x1024xf32> to vector<1x1024xf32>
    %mul3A_37 = arith.mulf %slice3A_35, %slice3A_36 : vector<1x1024xf32>
    %add3A_38 = arith.addf %mul3A_34, %mul3A_37 : vector<1x1024xf32>
    %slice3A_39 = vector.extract_strided_slice %get3A_8 {offsets = [2, 0], sizes = [1, 1024], strides = [1, 1]} : vector<3x1024xf32> to vector<1x1024xf32>
    %slice3A_40 = vector.extract_strided_slice %get3A_8 {offsets = [2, 0], sizes = [1, 1024], strides = [1, 1]} : vector<3x1024xf32> to vector<1x1024xf32>
    %mul3A_41 = arith.mulf %slice3A_39, %slice3A_40 : vector<1x1024xf32>
    %add3A_42 = arith.addf %add3A_38, %mul3A_41 : vector<1x1024xf32>
    %dot_general3A = arith.constant dense<0.000000e+00> : vector<1024x1024xf32>
    %dot_general3A_43 = tpu.matmul %get3A_3, %get3A_8, %dot_general3A {dimension_numbers = #tpu.dot_dimension_numbers<[1], [0], [0], [1], [0, 0, 1, 1], [], []>, transpose_lhs_hint = false} : vector<1024x3xf32>, vector<3x1024xf32>, vector<1024x1024xf32> -> vector<1024x1024xf32>
    %add3A_44 = vector.broadcast %broadcast_in_dim3A_31 : vector<1024x1xf32> to vector<1024x1024xf32>
    %add3A_45 = vector.broadcast %add3A_42 : vector<1x1024xf32> to vector<1024x1024xf32>
    %add3A_46 = arith.addf %add3A_44, %add3A_45 : vector<1024x1024xf32>
    %mul3A_47 = arith.constant 2.000000e+00 : f32
    %mul3A_48 = vector.broadcast %mul3A_47 : f32 to vector<1024x1024xf32>
    %mul3A_49 = arith.mulf %mul3A_48, %dot_general3A_43 : vector<1024x1024xf32>
    %sub3A_50 = arith.subf %add3A_46, %mul3A_49 : vector<1024x1024xf32>
    %scan3A = arith.constant 0 : i32
    %scan3A_51 = arith.constant 32 : i32
    %scan3A_52 = arith.addi %scan3A, %scan3A_51 : i32
    %scan3A_53 = arith.constant 1 : i32
    %scan3A_54 = scf.for %scan3A_90 = %scan3A to %scan3A_52 step %scan3A_53 iter_args(%scan3A_91 = %sub3A_50) -> (vector<1024x1024xf32>)  : i32 {
      %reduce_min3A = arith.constant dense<0x7F800000> : vector<1024xf32>
      %reduce_min3A_92 = vector.multi_reduction <minimumf>, %scan3A_91, %reduce_min3A [1] : vector<1024x1024xf32> to vector<1024xf32>
      %broadcast_in_dim3A_93 = vector.shape_cast %reduce_min3A_92 : vector<1024xf32> to vector<1024x1xf32>
      %le3A = vector.broadcast %broadcast_in_dim3A_93 : vector<1024x1xf32> to vector<1024x1024xf32>
      %le3A_94 = arith.cmpf ole, %scan3A_91, %le3A : vector<1024x1024xf32>
      %jit3A = arith.constant 3.000000e+38 : f32
      %broadcast_in_dim3A_95 = vector.broadcast %jit3A : f32 to vector<1024x1024xf32>
      %select_n3A = arith.select %le3A_94, %broadcast_in_dim3A_95, %scan3A_91 : vector<1024x1024xi1>, vector<1024x1024xf32>
      scf.yield %select_n3A : vector<1024x1024xf32>
    }
    %eq3A = arith.constant 3.000000e+38 : f32
    %eq3A_55 = vector.broadcast %eq3A : f32 to vector<1024x1024xf32>
    %eq3A_56 = arith.cmpf oeq, %scan3A_54, %eq3A_55 : vector<1024x1024xf32>
    %convert_element_type3A = arith.extui %eq3A_56 : vector<1024x1024xi1> to vector<1024x1024xi32>
    %convert_element_type3A_57 = arith.sitofp %convert_element_type3A : vector<1024x1024xi32> to vector<1024x1024xf32>
    %get3A_58 = arith.constant 0 : index
    %get3A_59 = arith.constant 0 : index
    %get3A_60 = vector.load %arg4[%get3A_58, %get3A_59] : memref<1024x1024xf32, #tpu.memory_space<vmem>>, vector<1024x1024xf32>
    %mul3A_61 = arith.mulf %convert_element_type3A_57, %get3A_60 : vector<1024x1024xf32>
    %reduce_max3A = arith.constant dense<0xFF800000> : vector<1024xf32>
    %reduce_max3A_62 = vector.multi_reduction <maximumf>, %mul3A_61, %reduce_max3A [1] : vector<1024x1024xf32> to vector<1024xf32>
    %broadcast_in_dim3A_63 = vector.shape_cast %reduce_max3A_62 : vector<1024xf32> to vector<1024x1xf32>
    %sub3A_64 = vector.broadcast %broadcast_in_dim3A_63 : vector<1024x1xf32> to vector<1024x1024xf32>
    %sub3A_65 = arith.subf %sub3A_64, %get3A_60 : vector<1024x1024xf32>
    %mul3A_66 = arith.mulf %convert_element_type3A_57, %sub3A_65 : vector<1024x1024xf32>
    %dot_general3A_67 = arith.constant dense<0.000000e+00> : vector<1024x3xf32>
    %dot_general3A_68 = tpu.matmul %mul3A_66, %get3A_3, %dot_general3A_67 {dimension_numbers = #tpu.dot_dimension_numbers<[1], [0], [0], [1], [0, 0, 1, 1], [], []>, precision = #tpu.contract_precision<fp32>, transpose_lhs_hint = false} : vector<1024x1024xf32>, vector<1024x3xf32>, vector<1024x3xf32> -> vector<1024x3xf32>
    %reduce_sum3A_69 = arith.constant dense<0.000000e+00> : vector<1024xf32>
    %reduce_sum3A_70 = vector.multi_reduction <add>, %mul3A_66, %reduce_sum3A_69 [1] : vector<1024x1024xf32> to vector<1024xf32>
    %broadcast_in_dim3A_71 = vector.shape_cast %reduce_sum3A_70 : vector<1024xf32> to vector<1024x1xf32>
    %mul3A_72 = vector.broadcast %broadcast_in_dim3A_71 : vector<1024x1xf32> to vector<1024x3xf32>
    %mul3A_73 = arith.mulf %mul3A_72, %get3A_3 : vector<1024x3xf32>
    %sub3A_74 = arith.subf %dot_general3A_68, %mul3A_73 : vector<1024x3xf32>
    %mul3A_75 = arith.mulf %sub3A_74, %sub3A_74 : vector<1024x3xf32>
    %reduce_sum3A_76 = arith.constant dense<0.000000e+00> : vector<1024xf32>
    %reduce_sum3A_77 = vector.multi_reduction <add>, %mul3A_75, %reduce_sum3A_76 [1] : vector<1024x3xf32> to vector<1024xf32>
    %broadcast_in_dim3A_78 = vector.shape_cast %reduce_sum3A_77 : vector<1024xf32> to vector<1024x1xf32>
    %sqrt3A_79 = math.sqrt %broadcast_in_dim3A_78 : vector<1024x1xf32>
    %add3A_80 = arith.constant 9.99999993E-9 : f32
    %add3A_81 = vector.broadcast %add3A_80 : f32 to vector<1024x1xf32>
    %add3A_82 = arith.addf %sqrt3A_79, %add3A_81 : vector<1024x1xf32>
    %div3A = vector.broadcast %add3A_82 : vector<1024x1xf32> to vector<1024x3xf32>
    %div3A_83 = arith.divf %sub3A_74, %div3A : vector<1024x3xf32>
    %swap3A_84 = arith.constant 0 : index
    %swap3A_85 = arith.constant 0 : index
    %swap3A_86 = arith.constant 0 : index
    %swap3A_87 = vector.load %arg3[%swap3A_84, %swap3A_85, %swap3A_86] : memref<1x1024x3xf32, #tpu.memory_space<vmem>>, vector<1x1024x3xf32>
    %swap3A_88 = vector.shape_cast %swap3A_87 : vector<1x1024x3xf32> to vector<1024x3xf32>
    %swap3A_89 = vector.shape_cast %div3A_83 : vector<1024x3xf32> to vector<1x1024x3xf32>
    tpu.vector_store %arg3[%swap3A_84, %swap3A_85, %swap3A_86], %swap3A_89 {strides = array<i32>} : memref<1x1024x3xf32, #tpu.memory_space<vmem>>, vector<1x1024x3xf32>,
    return
  }
  func.func @transform_0(%arg0: i32) -> (i32, i32, i32) {
    %c0_i32 = arith.constant 0 : i32
    %c0_i32_0 = arith.constant 0 : i32
    %c0_i32_1 = arith.constant 0 : i32
    return %arg0, %c0_i32, %c0_i32_0 : i32, i32, i32
  }
  func.func @transform_1(%arg0: i32) -> (i32, i32, i32) {
    %c0_i32 = arith.constant 0 : i32
    %c0_i32_0 = arith.constant 0 : i32
    %c0_i32_1 = arith.constant 0 : i32
    return %arg0, %c0_i32, %c0_i32_0 : i32, i32, i32
  }
  func.func @transform_2(%arg0: i32) -> (i32, i32, i32) {
    %c0_i32 = arith.constant 0 : i32
    %c0_i32_0 = arith.constant 0 : i32
    %c0_i32_1 = arith.constant 0 : i32
    return %arg0, %c0_i32, %c0_i32_0 : i32, i32, i32
  }
}

module attributes {stable_mosaic.version = 14 : i64} {
  func.func @body(%arg0: i32, %arg1: memref<2x128x3xf32, #tpu.memory_space<vmem>>, %arg2: memref<2x6x256xf32, #tpu.memory_space<vmem>>, %arg3: memref<2x2048x1xi32, #tpu.memory_space<vmem>>) attributes {dimension_semantics = [#tpu.dimension_semantics<parallel>], iteration_bounds = array<i64: 32>, scalar_prefetch = 0 : i64, scratch_operands = 0 : i64, tpu.core_type = #tpu.core_type<tc>, window_params = [{transform_indices = @transform_0, window_bounds = array<i64: 2, 128, 3>}, {transform_indices = @transform_1, window_bounds = array<i64: 2, 6, 256>}, {transform_indices = @transform_2, window_bounds = array<i64: 2, 2048, 1>}]} {
    %get3A = arith.constant 0 : index
    %get3A_0 = arith.constant 0 : index
    %get3A_1 = arith.constant 0 : index
    %get3A_2 = vector.load %arg1[%get3A, %get3A_0, %get3A_1] : memref<2x128x3xf32, #tpu.memory_space<vmem>>, vector<1x128x3xf32>
    %get3A_3 = vector.shape_cast %get3A_2 : vector<1x128x3xf32> to vector<128x3xf32>
    %get3A_4 = arith.constant 0 : index
    %get3A_5 = arith.constant 0 : index
    %get3A_6 = arith.constant 0 : index
    %get3A_7 = vector.load %arg2[%get3A_4, %get3A_5, %get3A_6] : memref<2x6x256xf32, #tpu.memory_space<vmem>>, vector<1x6x256xf32>
    %get3A_8 = vector.shape_cast %get3A_7 : vector<1x6x256xf32> to vector<6x256xf32>
    %mul3A = arith.mulf %get3A_3, %get3A_3 : vector<128x3xf32>
    %reduce_sum3A = arith.constant dense<0.000000e+00> : vector<128xf32>
    %reduce_sum3A_9 = vector.multi_reduction <add>, %mul3A, %reduce_sum3A [1] : vector<128x3xf32> to vector<128xf32>
    %broadcast_in_dim3A = vector.shape_cast %reduce_sum3A_9 : vector<128xf32> to vector<128x1xf32>
    %slice3A = vector.extract_strided_slice %get3A_8 {offsets = [0, 0], sizes = [1, 256], strides = [1, 1]} : vector<6x256xf32> to vector<1x256xf32>
    %slice3A_10 = vector.extract_strided_slice %get3A_8 {offsets = [0, 0], sizes = [1, 256], strides = [1, 1]} : vector<6x256xf32> to vector<1x256xf32>
    %mul3A_11 = arith.mulf %slice3A, %slice3A_10 : vector<1x256xf32>
    %slice3A_12 = vector.extract_strided_slice %get3A_8 {offsets = [1, 0], sizes = [1, 256], strides = [1, 1]} : vector<6x256xf32> to vector<1x256xf32>
    %slice3A_13 = vector.extract_strided_slice %get3A_8 {offsets = [1, 0], sizes = [1, 256], strides = [1, 1]} : vector<6x256xf32> to vector<1x256xf32>
    %mul3A_14 = arith.mulf %slice3A_12, %slice3A_13 : vector<1x256xf32>
    %add3A = arith.addf %mul3A_11, %mul3A_14 : vector<1x256xf32>
    %slice3A_15 = vector.extract_strided_slice %get3A_8 {offsets = [2, 0], sizes = [1, 256], strides = [1, 1]} : vector<6x256xf32> to vector<1x256xf32>
    %slice3A_16 = vector.extract_strided_slice %get3A_8 {offsets = [2, 0], sizes = [1, 256], strides = [1, 1]} : vector<6x256xf32> to vector<1x256xf32>
    %mul3A_17 = arith.mulf %slice3A_15, %slice3A_16 : vector<1x256xf32>
    %add3A_18 = arith.addf %add3A, %mul3A_17 : vector<1x256xf32>
    %slice3A_19 = vector.extract_strided_slice %get3A_8 {offsets = [0, 0], sizes = [3, 256], strides = [1, 1]} : vector<6x256xf32> to vector<3x256xf32>
    %dot_general3A = arith.constant dense<0.000000e+00> : vector<128x256xf32>
    %dot_general3A_20 = tpu.matmul %get3A_3, %slice3A_19, %dot_general3A {dimension_numbers = #tpu.dot_dimension_numbers<[1], [0], [0], [1], [0, 0, 1, 1], [], []>, transpose_lhs_hint = false} : vector<128x3xf32>, vector<3x256xf32>, vector<128x256xf32> -> vector<128x256xf32>
    %add3A_21 = vector.broadcast %broadcast_in_dim3A : vector<128x1xf32> to vector<128x256xf32>
    %add3A_22 = vector.broadcast %add3A_18 : vector<1x256xf32> to vector<128x256xf32>
    %add3A_23 = arith.addf %add3A_21, %add3A_22 : vector<128x256xf32>
    %mul3A_24 = arith.constant 2.000000e+00 : f32
    %mul3A_25 = vector.broadcast %mul3A_24 : f32 to vector<128x256xf32>
    %mul3A_26 = arith.mulf %mul3A_25, %dot_general3A_20 : vector<128x256xf32>
    %sub3A = arith.subf %add3A_23, %mul3A_26 : vector<128x256xf32>
    %get3A_27 = arith.constant 1 : index
    %get3A_28 = arith.constant 0 : index
    %get3A_29 = arith.constant 0 : index
    %get3A_30 = vector.load %arg1[%get3A_27, %get3A_28, %get3A_29] : memref<2x128x3xf32, #tpu.memory_space<vmem>>, vector<1x128x3xf32>
    %get3A_31 = vector.shape_cast %get3A_30 : vector<1x128x3xf32> to vector<128x3xf32>
    %get3A_32 = arith.constant 1 : index
    %get3A_33 = arith.constant 0 : index
    %get3A_34 = arith.constant 0 : index
    %get3A_35 = vector.load %arg2[%get3A_32, %get3A_33, %get3A_34] : memref<2x6x256xf32, #tpu.memory_space<vmem>>, vector<1x6x256xf32>
    %get3A_36 = vector.shape_cast %get3A_35 : vector<1x6x256xf32> to vector<6x256xf32>
    %mul3A_37 = arith.mulf %get3A_31, %get3A_31 : vector<128x3xf32>
    %reduce_sum3A_38 = arith.constant dense<0.000000e+00> : vector<128xf32>
    %reduce_sum3A_39 = vector.multi_reduction <add>, %mul3A_37, %reduce_sum3A_38 [1] : vector<128x3xf32> to vector<128xf32>
    %broadcast_in_dim3A_40 = vector.shape_cast %reduce_sum3A_39 : vector<128xf32> to vector<128x1xf32>
    %slice3A_41 = vector.extract_strided_slice %get3A_36 {offsets = [0, 0], sizes = [1, 256], strides = [1, 1]} : vector<6x256xf32> to vector<1x256xf32>
    %slice3A_42 = vector.extract_strided_slice %get3A_36 {offsets = [0, 0], sizes = [1, 256], strides = [1, 1]} : vector<6x256xf32> to vector<1x256xf32>
    %mul3A_43 = arith.mulf %slice3A_41, %slice3A_42 : vector<1x256xf32>
    %slice3A_44 = vector.extract_strided_slice %get3A_36 {offsets = [1, 0], sizes = [1, 256], strides = [1, 1]} : vector<6x256xf32> to vector<1x256xf32>
    %slice3A_45 = vector.extract_strided_slice %get3A_36 {offsets = [1, 0], sizes = [1, 256], strides = [1, 1]} : vector<6x256xf32> to vector<1x256xf32>
    %mul3A_46 = arith.mulf %slice3A_44, %slice3A_45 : vector<1x256xf32>
    %add3A_47 = arith.addf %mul3A_43, %mul3A_46 : vector<1x256xf32>
    %slice3A_48 = vector.extract_strided_slice %get3A_36 {offsets = [2, 0], sizes = [1, 256], strides = [1, 1]} : vector<6x256xf32> to vector<1x256xf32>
    %slice3A_49 = vector.extract_strided_slice %get3A_36 {offsets = [2, 0], sizes = [1, 256], strides = [1, 1]} : vector<6x256xf32> to vector<1x256xf32>
    %mul3A_50 = arith.mulf %slice3A_48, %slice3A_49 : vector<1x256xf32>
    %add3A_51 = arith.addf %add3A_47, %mul3A_50 : vector<1x256xf32>
    %slice3A_52 = vector.extract_strided_slice %get3A_36 {offsets = [0, 0], sizes = [3, 256], strides = [1, 1]} : vector<6x256xf32> to vector<3x256xf32>
    %dot_general3A_53 = arith.constant dense<0.000000e+00> : vector<128x256xf32>
    %dot_general3A_54 = tpu.matmul %get3A_31, %slice3A_52, %dot_general3A_53 {dimension_numbers = #tpu.dot_dimension_numbers<[1], [0], [0], [1], [0, 0, 1, 1], [], []>, transpose_lhs_hint = false} : vector<128x3xf32>, vector<3x256xf32>, vector<128x256xf32> -> vector<128x256xf32>
    %add3A_55 = vector.broadcast %broadcast_in_dim3A_40 : vector<128x1xf32> to vector<128x256xf32>
    %add3A_56 = vector.broadcast %add3A_51 : vector<1x256xf32> to vector<128x256xf32>
    %add3A_57 = arith.addf %add3A_55, %add3A_56 : vector<128x256xf32>
    %mul3A_58 = arith.constant 2.000000e+00 : f32
    %mul3A_59 = vector.broadcast %mul3A_58 : f32 to vector<128x256xf32>
    %mul3A_60 = arith.mulf %mul3A_59, %dot_general3A_54 : vector<128x256xf32>
    %sub3A_61 = arith.subf %add3A_57, %mul3A_60 : vector<128x256xf32>
    %concatenate3A = tpu.concatenate %sub3A, %sub3A_61 in 0 : vector<128x256xf32>, vector<128x256xf32> -> vector<256x256xf32>
    %iota3A = tpu.iota {dimensions = array<i32: 1>} : vector<256x256xi32>
    %scan3A = arith.constant 0 : i32
    %scan3A_62 = arith.constant 16 : i32
    %scan3A_63 = arith.addi %scan3A, %scan3A_62 : i32
    %scan3A_64 = arith.constant 1 : i32
    %scan3A_65 = scf.for %scan3A_67 = %scan3A to %scan3A_63 step %scan3A_64 iter_args(%scan3A_68 = %concatenate3A) -> (vector<256x256xf32>)  : i32 {
      %reduce_min3A = arith.constant dense<0x7F800000> : vector<256xf32>
      %reduce_min3A_69 = vector.multi_reduction <minimumf>, %scan3A_68, %reduce_min3A [1] : vector<256x256xf32> to vector<256xf32>
      %broadcast_in_dim3A_70 = vector.shape_cast %reduce_min3A_69 : vector<256xf32> to vector<256x1xf32>
      %eq3A = vector.broadcast %broadcast_in_dim3A_70 : vector<256x1xf32> to vector<256x256xf32>
      %eq3A_71 = arith.cmpf oeq, %scan3A_68, %eq3A : vector<256x256xf32>
      %jit3A = arith.constant 256 : i32
      %broadcast_in_dim3A_72 = vector.broadcast %jit3A : i32 to vector<256x256xi32>
      %select_n3A = arith.select %eq3A_71, %iota3A, %broadcast_in_dim3A_72 : vector<256x256xi1>, vector<256x256xi32>
      %reduce_min3A_73 = arith.constant dense<2147483647> : vector<256xi32>
      %reduce_min3A_74 = vector.multi_reduction <minsi>, %select_n3A, %reduce_min3A_73 [1] : vector<256x256xi32> to vector<256xi32>
      %broadcast_in_dim3A_75 = vector.shape_cast %reduce_min3A_74 : vector<256xi32> to vector<256x1xi32>
      %slice3A_76 = vector.extract_strided_slice %broadcast_in_dim3A_75 {offsets = [0, 0], sizes = [128, 1], strides = [1, 1]} : vector<256x1xi32> to vector<128x1xi32>
      %mul3A_77 = arith.constant 128 : i32
      %mul3A_78 = arith.muli %scan3A_67, %mul3A_77 : i32
      %swap3A = arith.constant 0 : index
      %swap3A_79 = arith.index_cast %mul3A_78 : i32 to index
      %swap3A_80 = arith.constant 0 : index
      %swap3A_81 = vector.load %arg3[%swap3A, %swap3A_79, %swap3A_80] : memref<2x2048x1xi32, #tpu.memory_space<vmem>>, vector<1x128x1xi32>
      %swap3A_82 = vector.shape_cast %swap3A_81 : vector<1x128x1xi32> to vector<128x1xi32>
      %swap3A_83 = vector.shape_cast %slice3A_76 : vector<128x1xi32> to vector<1x128x1xi32>
      tpu.vector_store %arg3[%swap3A, %swap3A_79, %swap3A_80], %swap3A_83 {strides = array<i32>} : memref<2x2048x1xi32, #tpu.memory_space<vmem>>, vector<1x128x1xi32>,
      %slice3A_84 = vector.extract_strided_slice %broadcast_in_dim3A_75 {offsets = [128, 0], sizes = [128, 1], strides = [1, 1]} : vector<256x1xi32> to vector<128x1xi32>
      %mul3A_85 = arith.constant 128 : i32
      %mul3A_86 = arith.muli %scan3A_67, %mul3A_85 : i32
      %swap3A_87 = arith.constant 1 : index
      %swap3A_88 = arith.index_cast %mul3A_86 : i32 to index
      %swap3A_89 = arith.constant 0 : index
      %swap3A_90 = vector.load %arg3[%swap3A_87, %swap3A_88, %swap3A_89] : memref<2x2048x1xi32, #tpu.memory_space<vmem>>, vector<1x128x1xi32>
      %swap3A_91 = vector.shape_cast %swap3A_90 : vector<1x128x1xi32> to vector<128x1xi32>
      %swap3A_92 = vector.shape_cast %slice3A_84 : vector<128x1xi32> to vector<1x128x1xi32>
      tpu.vector_store %arg3[%swap3A_87, %swap3A_88, %swap3A_89], %swap3A_92 {strides = array<i32>} : memref<2x2048x1xi32, #tpu.memory_space<vmem>>, vector<1x128x1xi32>,
      %eq3A_93 = vector.broadcast %broadcast_in_dim3A_75 : vector<256x1xi32> to vector<256x256xi32>
      %eq3A_94 = arith.cmpi eq, %iota3A, %eq3A_93 : vector<256x256xi32>
      %jit3A_95 = arith.constant 3.000000e+38 : f32
      %broadcast_in_dim3A_96 = vector.broadcast %jit3A_95 : f32 to vector<256x256xf32>
      %select_n3A_97 = arith.select %eq3A_94, %broadcast_in_dim3A_96, %scan3A_68 : vector<256x256xi1>, vector<256x256xf32>
      scf.yield %select_n3A_97 : vector<256x256xf32>
    }
    %scan3A_66 = arith.constant 16 : i32
    return
  }
  func.func @transform_0(%arg0: i32) -> (i32, i32, i32) {
    %c0_i32 = arith.constant 0 : i32
    %c0_i32_0 = arith.constant 0 : i32
    %c0_i32_1 = arith.constant 0 : i32
    return %arg0, %c0_i32, %c0_i32_0 : i32, i32, i32
  }
  func.func @transform_1(%arg0: i32) -> (i32, i32, i32) {
    %c0_i32 = arith.constant 0 : i32
    %c0_i32_0 = arith.constant 0 : i32
    %c0_i32_1 = arith.constant 0 : i32
    return %arg0, %c0_i32, %c0_i32_0 : i32, i32, i32
  }
  func.func @transform_2(%arg0: i32) -> (i32, i32, i32) {
    %c0_i32 = arith.constant 0 : i32
    %c0_i32_0 = arith.constant 0 : i32
    %c0_i32_1 = arith.constant 0 : i32
    return %arg0, %c0_i32, %c0_i32_0 : i32, i32, i32
  }
}

module attributes {stable_mosaic.version = 14 : i64} {
  func.func @body(%arg0: i32, %arg1: memref<2x64x3xf32, #tpu.memory_space<vmem>>, %arg2: memref<2x6x128xf32, #tpu.memory_space<vmem>>, %arg3: memref<2x2048x1xi32, #tpu.memory_space<vmem>>) attributes {dimension_semantics = [#tpu.dimension_semantics<parallel>], iteration_bounds = array<i64: 32>, scalar_prefetch = 0 : i64, scratch_operands = 0 : i64, tpu.core_type = #tpu.core_type<tc>, window_params = [{transform_indices = @transform_0, window_bounds = array<i64: 2, 64, 3>}, {transform_indices = @transform_1, window_bounds = array<i64: 2, 6, 128>}, {transform_indices = @transform_2, window_bounds = array<i64: 2, 2048, 1>}]} {
    %get3A = arith.constant 0 : index
    %get3A_0 = arith.constant 0 : index
    %get3A_1 = arith.constant 0 : index
    %get3A_2 = vector.load %arg1[%get3A, %get3A_0, %get3A_1] : memref<2x64x3xf32, #tpu.memory_space<vmem>>, vector<1x64x3xf32>
    %get3A_3 = vector.shape_cast %get3A_2 : vector<1x64x3xf32> to vector<64x3xf32>
    %get3A_4 = arith.constant 0 : index
    %get3A_5 = arith.constant 0 : index
    %get3A_6 = arith.constant 0 : index
    %get3A_7 = vector.load %arg2[%get3A_4, %get3A_5, %get3A_6] : memref<2x6x128xf32, #tpu.memory_space<vmem>>, vector<1x6x128xf32>
    %get3A_8 = vector.shape_cast %get3A_7 : vector<1x6x128xf32> to vector<6x128xf32>
    %mul3A = arith.mulf %get3A_3, %get3A_3 : vector<64x3xf32>
    %reduce_sum3A = arith.constant dense<0.000000e+00> : vector<64xf32>
    %reduce_sum3A_9 = vector.multi_reduction <add>, %mul3A, %reduce_sum3A [1] : vector<64x3xf32> to vector<64xf32>
    %broadcast_in_dim3A = vector.shape_cast %reduce_sum3A_9 : vector<64xf32> to vector<64x1xf32>
    %slice3A = vector.extract_strided_slice %get3A_8 {offsets = [0, 0], sizes = [1, 128], strides = [1, 1]} : vector<6x128xf32> to vector<1x128xf32>
    %slice3A_10 = vector.extract_strided_slice %get3A_8 {offsets = [0, 0], sizes = [1, 128], strides = [1, 1]} : vector<6x128xf32> to vector<1x128xf32>
    %mul3A_11 = arith.mulf %slice3A, %slice3A_10 : vector<1x128xf32>
    %slice3A_12 = vector.extract_strided_slice %get3A_8 {offsets = [1, 0], sizes = [1, 128], strides = [1, 1]} : vector<6x128xf32> to vector<1x128xf32>
    %slice3A_13 = vector.extract_strided_slice %get3A_8 {offsets = [1, 0], sizes = [1, 128], strides = [1, 1]} : vector<6x128xf32> to vector<1x128xf32>
    %mul3A_14 = arith.mulf %slice3A_12, %slice3A_13 : vector<1x128xf32>
    %add3A = arith.addf %mul3A_11, %mul3A_14 : vector<1x128xf32>
    %slice3A_15 = vector.extract_strided_slice %get3A_8 {offsets = [2, 0], sizes = [1, 128], strides = [1, 1]} : vector<6x128xf32> to vector<1x128xf32>
    %slice3A_16 = vector.extract_strided_slice %get3A_8 {offsets = [2, 0], sizes = [1, 128], strides = [1, 1]} : vector<6x128xf32> to vector<1x128xf32>
    %mul3A_17 = arith.mulf %slice3A_15, %slice3A_16 : vector<1x128xf32>
    %add3A_18 = arith.addf %add3A, %mul3A_17 : vector<1x128xf32>
    %slice3A_19 = vector.extract_strided_slice %get3A_8 {offsets = [0, 0], sizes = [3, 128], strides = [1, 1]} : vector<6x128xf32> to vector<3x128xf32>
    %dot_general3A = arith.constant dense<0.000000e+00> : vector<64x128xf32>
    %dot_general3A_20 = tpu.matmul %get3A_3, %slice3A_19, %dot_general3A {dimension_numbers = #tpu.dot_dimension_numbers<[1], [0], [0], [1], [0, 0, 1, 1], [], []>, transpose_lhs_hint = false} : vector<64x3xf32>, vector<3x128xf32>, vector<64x128xf32> -> vector<64x128xf32>
    %add3A_21 = vector.broadcast %broadcast_in_dim3A : vector<64x1xf32> to vector<64x128xf32>
    %add3A_22 = vector.broadcast %add3A_18 : vector<1x128xf32> to vector<64x128xf32>
    %add3A_23 = arith.addf %add3A_21, %add3A_22 : vector<64x128xf32>
    %mul3A_24 = arith.constant 2.000000e+00 : f32
    %mul3A_25 = vector.broadcast %mul3A_24 : f32 to vector<64x128xf32>
    %mul3A_26 = arith.mulf %mul3A_25, %dot_general3A_20 : vector<64x128xf32>
    %sub3A = arith.subf %add3A_23, %mul3A_26 : vector<64x128xf32>
    %get3A_27 = arith.constant 1 : index
    %get3A_28 = arith.constant 0 : index
    %get3A_29 = arith.constant 0 : index
    %get3A_30 = vector.load %arg1[%get3A_27, %get3A_28, %get3A_29] : memref<2x64x3xf32, #tpu.memory_space<vmem>>, vector<1x64x3xf32>
    %get3A_31 = vector.shape_cast %get3A_30 : vector<1x64x3xf32> to vector<64x3xf32>
    %get3A_32 = arith.constant 1 : index
    %get3A_33 = arith.constant 0 : index
    %get3A_34 = arith.constant 0 : index
    %get3A_35 = vector.load %arg2[%get3A_32, %get3A_33, %get3A_34] : memref<2x6x128xf32, #tpu.memory_space<vmem>>, vector<1x6x128xf32>
    %get3A_36 = vector.shape_cast %get3A_35 : vector<1x6x128xf32> to vector<6x128xf32>
    %mul3A_37 = arith.mulf %get3A_31, %get3A_31 : vector<64x3xf32>
    %reduce_sum3A_38 = arith.constant dense<0.000000e+00> : vector<64xf32>
    %reduce_sum3A_39 = vector.multi_reduction <add>, %mul3A_37, %reduce_sum3A_38 [1] : vector<64x3xf32> to vector<64xf32>
    %broadcast_in_dim3A_40 = vector.shape_cast %reduce_sum3A_39 : vector<64xf32> to vector<64x1xf32>
    %slice3A_41 = vector.extract_strided_slice %get3A_36 {offsets = [0, 0], sizes = [1, 128], strides = [1, 1]} : vector<6x128xf32> to vector<1x128xf32>
    %slice3A_42 = vector.extract_strided_slice %get3A_36 {offsets = [0, 0], sizes = [1, 128], strides = [1, 1]} : vector<6x128xf32> to vector<1x128xf32>
    %mul3A_43 = arith.mulf %slice3A_41, %slice3A_42 : vector<1x128xf32>
    %slice3A_44 = vector.extract_strided_slice %get3A_36 {offsets = [1, 0], sizes = [1, 128], strides = [1, 1]} : vector<6x128xf32> to vector<1x128xf32>
    %slice3A_45 = vector.extract_strided_slice %get3A_36 {offsets = [1, 0], sizes = [1, 128], strides = [1, 1]} : vector<6x128xf32> to vector<1x128xf32>
    %mul3A_46 = arith.mulf %slice3A_44, %slice3A_45 : vector<1x128xf32>
    %add3A_47 = arith.addf %mul3A_43, %mul3A_46 : vector<1x128xf32>
    %slice3A_48 = vector.extract_strided_slice %get3A_36 {offsets = [2, 0], sizes = [1, 128], strides = [1, 1]} : vector<6x128xf32> to vector<1x128xf32>
    %slice3A_49 = vector.extract_strided_slice %get3A_36 {offsets = [2, 0], sizes = [1, 128], strides = [1, 1]} : vector<6x128xf32> to vector<1x128xf32>
    %mul3A_50 = arith.mulf %slice3A_48, %slice3A_49 : vector<1x128xf32>
    %add3A_51 = arith.addf %add3A_47, %mul3A_50 : vector<1x128xf32>
    %slice3A_52 = vector.extract_strided_slice %get3A_36 {offsets = [0, 0], sizes = [3, 128], strides = [1, 1]} : vector<6x128xf32> to vector<3x128xf32>
    %dot_general3A_53 = arith.constant dense<0.000000e+00> : vector<64x128xf32>
    %dot_general3A_54 = tpu.matmul %get3A_31, %slice3A_52, %dot_general3A_53 {dimension_numbers = #tpu.dot_dimension_numbers<[1], [0], [0], [1], [0, 0, 1, 1], [], []>, transpose_lhs_hint = false} : vector<64x3xf32>, vector<3x128xf32>, vector<64x128xf32> -> vector<64x128xf32>
    %add3A_55 = vector.broadcast %broadcast_in_dim3A_40 : vector<64x1xf32> to vector<64x128xf32>
    %add3A_56 = vector.broadcast %add3A_51 : vector<1x128xf32> to vector<64x128xf32>
    %add3A_57 = arith.addf %add3A_55, %add3A_56 : vector<64x128xf32>
    %mul3A_58 = arith.constant 2.000000e+00 : f32
    %mul3A_59 = vector.broadcast %mul3A_58 : f32 to vector<64x128xf32>
    %mul3A_60 = arith.mulf %mul3A_59, %dot_general3A_54 : vector<64x128xf32>
    %sub3A_61 = arith.subf %add3A_57, %mul3A_60 : vector<64x128xf32>
    %concatenate3A = tpu.concatenate %sub3A, %sub3A_61 in 0 : vector<64x128xf32>, vector<64x128xf32> -> vector<128x128xf32>
    %iota3A = tpu.iota {dimensions = array<i32: 1>} : vector<128x128xi32>
    %scan3A = arith.constant 0 : i32
    %scan3A_62 = arith.constant 32 : i32
    %scan3A_63 = arith.addi %scan3A, %scan3A_62 : i32
    %scan3A_64 = arith.constant 1 : i32
    %scan3A_65 = scf.for %scan3A_67 = %scan3A to %scan3A_63 step %scan3A_64 iter_args(%scan3A_68 = %concatenate3A) -> (vector<128x128xf32>)  : i32 {
      %reduce_min3A = arith.constant dense<0x7F800000> : vector<128xf32>
      %reduce_min3A_69 = vector.multi_reduction <minimumf>, %scan3A_68, %reduce_min3A [1] : vector<128x128xf32> to vector<128xf32>
      %broadcast_in_dim3A_70 = vector.shape_cast %reduce_min3A_69 : vector<128xf32> to vector<128x1xf32>
      %eq3A = vector.broadcast %broadcast_in_dim3A_70 : vector<128x1xf32> to vector<128x128xf32>
      %eq3A_71 = arith.cmpf oeq, %scan3A_68, %eq3A : vector<128x128xf32>
      %jit3A = arith.constant 128 : i32
      %broadcast_in_dim3A_72 = vector.broadcast %jit3A : i32 to vector<128x128xi32>
      %select_n3A = arith.select %eq3A_71, %iota3A, %broadcast_in_dim3A_72 : vector<128x128xi1>, vector<128x128xi32>
      %reduce_min3A_73 = arith.constant dense<2147483647> : vector<128xi32>
      %reduce_min3A_74 = vector.multi_reduction <minsi>, %select_n3A, %reduce_min3A_73 [1] : vector<128x128xi32> to vector<128xi32>
      %broadcast_in_dim3A_75 = vector.shape_cast %reduce_min3A_74 : vector<128xi32> to vector<128x1xi32>
      %slice3A_76 = vector.extract_strided_slice %broadcast_in_dim3A_75 {offsets = [0, 0], sizes = [64, 1], strides = [1, 1]} : vector<128x1xi32> to vector<64x1xi32>
      %mul3A_77 = arith.constant 64 : i32
      %mul3A_78 = arith.muli %scan3A_67, %mul3A_77 : i32
      %swap3A = arith.constant 0 : index
      %swap3A_79 = arith.index_cast %mul3A_78 : i32 to index
      %swap3A_80 = arith.constant 0 : index
      %swap3A_81 = vector.load %arg3[%swap3A, %swap3A_79, %swap3A_80] : memref<2x2048x1xi32, #tpu.memory_space<vmem>>, vector<1x64x1xi32>
      %swap3A_82 = vector.shape_cast %swap3A_81 : vector<1x64x1xi32> to vector<64x1xi32>
      %swap3A_83 = vector.shape_cast %slice3A_76 : vector<64x1xi32> to vector<1x64x1xi32>
      tpu.vector_store %arg3[%swap3A, %swap3A_79, %swap3A_80], %swap3A_83 {strides = array<i32>} : memref<2x2048x1xi32, #tpu.memory_space<vmem>>, vector<1x64x1xi32>,
      %slice3A_84 = vector.extract_strided_slice %broadcast_in_dim3A_75 {offsets = [64, 0], sizes = [64, 1], strides = [1, 1]} : vector<128x1xi32> to vector<64x1xi32>
      %mul3A_85 = arith.constant 64 : i32
      %mul3A_86 = arith.muli %scan3A_67, %mul3A_85 : i32
      %swap3A_87 = arith.constant 1 : index
      %swap3A_88 = arith.index_cast %mul3A_86 : i32 to index
      %swap3A_89 = arith.constant 0 : index
      %swap3A_90 = vector.load %arg3[%swap3A_87, %swap3A_88, %swap3A_89] : memref<2x2048x1xi32, #tpu.memory_space<vmem>>, vector<1x64x1xi32>
      %swap3A_91 = vector.shape_cast %swap3A_90 : vector<1x64x1xi32> to vector<64x1xi32>
      %swap3A_92 = vector.shape_cast %slice3A_84 : vector<64x1xi32> to vector<1x64x1xi32>
      tpu.vector_store %arg3[%swap3A_87, %swap3A_88, %swap3A_89], %swap3A_92 {strides = array<i32>} : memref<2x2048x1xi32, #tpu.memory_space<vmem>>, vector<1x64x1xi32>,
      %eq3A_93 = vector.broadcast %broadcast_in_dim3A_75 : vector<128x1xi32> to vector<128x128xi32>
      %eq3A_94 = arith.cmpi eq, %iota3A, %eq3A_93 : vector<128x128xi32>
      %jit3A_95 = arith.constant 3.000000e+38 : f32
      %broadcast_in_dim3A_96 = vector.broadcast %jit3A_95 : f32 to vector<128x128xf32>
      %select_n3A_97 = arith.select %eq3A_94, %broadcast_in_dim3A_96, %scan3A_68 : vector<128x128xi1>, vector<128x128xf32>
      scf.yield %select_n3A_97 : vector<128x128xf32>
    }
    %scan3A_66 = arith.constant 32 : i32
    return
  }
  func.func @transform_0(%arg0: i32) -> (i32, i32, i32) {
    %c0_i32 = arith.constant 0 : i32
    %c0_i32_0 = arith.constant 0 : i32
    %c0_i32_1 = arith.constant 0 : i32
    return %arg0, %c0_i32, %c0_i32_0 : i32, i32, i32
  }
  func.func @transform_1(%arg0: i32) -> (i32, i32, i32) {
    %c0_i32 = arith.constant 0 : i32
    %c0_i32_0 = arith.constant 0 : i32
    %c0_i32_1 = arith.constant 0 : i32
    return %arg0, %c0_i32, %c0_i32_0 : i32, i32, i32
  }
  func.func @transform_2(%arg0: i32) -> (i32, i32, i32) {
    %c0_i32 = arith.constant 0 : i32
    %c0_i32_0 = arith.constant 0 : i32
    %c0_i32_1 = arith.constant 0 : i32
    return %arg0, %c0_i32, %c0_i32_0 : i32, i32, i32
  }
}

module attributes {stable_mosaic.version = 14 : i64} {
  func.func @body(%arg0: i32, %arg1: memref<2x32x3xf32, #tpu.memory_space<vmem>>, %arg2: memref<2x6x64xf32, #tpu.memory_space<vmem>>, %arg3: memref<2x1024x1xi32, #tpu.memory_space<vmem>>) attributes {dimension_semantics = [#tpu.dimension_semantics<parallel>], iteration_bounds = array<i64: 32>, scalar_prefetch = 0 : i64, scratch_operands = 0 : i64, tpu.core_type = #tpu.core_type<tc>, window_params = [{transform_indices = @transform_0, window_bounds = array<i64: 2, 32, 3>}, {transform_indices = @transform_1, window_bounds = array<i64: 2, 6, 64>}, {transform_indices = @transform_2, window_bounds = array<i64: 2, 1024, 1>}]} {
    %get3A = arith.constant 0 : index
    %get3A_0 = arith.constant 0 : index
    %get3A_1 = arith.constant 0 : index
    %get3A_2 = vector.load %arg1[%get3A, %get3A_0, %get3A_1] : memref<2x32x3xf32, #tpu.memory_space<vmem>>, vector<1x32x3xf32>
    %get3A_3 = vector.shape_cast %get3A_2 : vector<1x32x3xf32> to vector<32x3xf32>
    %get3A_4 = arith.constant 0 : index
    %get3A_5 = arith.constant 0 : index
    %get3A_6 = arith.constant 0 : index
    %get3A_7 = vector.load %arg2[%get3A_4, %get3A_5, %get3A_6] : memref<2x6x64xf32, #tpu.memory_space<vmem>>, vector<1x6x64xf32>
    %get3A_8 = vector.shape_cast %get3A_7 : vector<1x6x64xf32> to vector<6x64xf32>
    %mul3A = arith.mulf %get3A_3, %get3A_3 : vector<32x3xf32>
    %reduce_sum3A = arith.constant dense<0.000000e+00> : vector<32xf32>
    %reduce_sum3A_9 = vector.multi_reduction <add>, %mul3A, %reduce_sum3A [1] : vector<32x3xf32> to vector<32xf32>
    %broadcast_in_dim3A = vector.shape_cast %reduce_sum3A_9 : vector<32xf32> to vector<32x1xf32>
    %slice3A = vector.extract_strided_slice %get3A_8 {offsets = [0, 0], sizes = [1, 64], strides = [1, 1]} : vector<6x64xf32> to vector<1x64xf32>
    %slice3A_10 = vector.extract_strided_slice %get3A_8 {offsets = [0, 0], sizes = [1, 64], strides = [1, 1]} : vector<6x64xf32> to vector<1x64xf32>
    %mul3A_11 = arith.mulf %slice3A, %slice3A_10 : vector<1x64xf32>
    %slice3A_12 = vector.extract_strided_slice %get3A_8 {offsets = [1, 0], sizes = [1, 64], strides = [1, 1]} : vector<6x64xf32> to vector<1x64xf32>
    %slice3A_13 = vector.extract_strided_slice %get3A_8 {offsets = [1, 0], sizes = [1, 64], strides = [1, 1]} : vector<6x64xf32> to vector<1x64xf32>
    %mul3A_14 = arith.mulf %slice3A_12, %slice3A_13 : vector<1x64xf32>
    %add3A = arith.addf %mul3A_11, %mul3A_14 : vector<1x64xf32>
    %slice3A_15 = vector.extract_strided_slice %get3A_8 {offsets = [2, 0], sizes = [1, 64], strides = [1, 1]} : vector<6x64xf32> to vector<1x64xf32>
    %slice3A_16 = vector.extract_strided_slice %get3A_8 {offsets = [2, 0], sizes = [1, 64], strides = [1, 1]} : vector<6x64xf32> to vector<1x64xf32>
    %mul3A_17 = arith.mulf %slice3A_15, %slice3A_16 : vector<1x64xf32>
    %add3A_18 = arith.addf %add3A, %mul3A_17 : vector<1x64xf32>
    %slice3A_19 = vector.extract_strided_slice %get3A_8 {offsets = [0, 0], sizes = [3, 64], strides = [1, 1]} : vector<6x64xf32> to vector<3x64xf32>
    %dot_general3A = arith.constant dense<0.000000e+00> : vector<32x64xf32>
    %dot_general3A_20 = tpu.matmul %get3A_3, %slice3A_19, %dot_general3A {dimension_numbers = #tpu.dot_dimension_numbers<[1], [0], [0], [1], [0, 0, 1, 1], [], []>, transpose_lhs_hint = false} : vector<32x3xf32>, vector<3x64xf32>, vector<32x64xf32> -> vector<32x64xf32>
    %add3A_21 = vector.broadcast %broadcast_in_dim3A : vector<32x1xf32> to vector<32x64xf32>
    %add3A_22 = vector.broadcast %add3A_18 : vector<1x64xf32> to vector<32x64xf32>
    %add3A_23 = arith.addf %add3A_21, %add3A_22 : vector<32x64xf32>
    %mul3A_24 = arith.constant 2.000000e+00 : f32
    %mul3A_25 = vector.broadcast %mul3A_24 : f32 to vector<32x64xf32>
    %mul3A_26 = arith.mulf %mul3A_25, %dot_general3A_20 : vector<32x64xf32>
    %sub3A = arith.subf %add3A_23, %mul3A_26 : vector<32x64xf32>
    %get3A_27 = arith.constant 1 : index
    %get3A_28 = arith.constant 0 : index
    %get3A_29 = arith.constant 0 : index
    %get3A_30 = vector.load %arg1[%get3A_27, %get3A_28, %get3A_29] : memref<2x32x3xf32, #tpu.memory_space<vmem>>, vector<1x32x3xf32>
    %get3A_31 = vector.shape_cast %get3A_30 : vector<1x32x3xf32> to vector<32x3xf32>
    %get3A_32 = arith.constant 1 : index
    %get3A_33 = arith.constant 0 : index
    %get3A_34 = arith.constant 0 : index
    %get3A_35 = vector.load %arg2[%get3A_32, %get3A_33, %get3A_34] : memref<2x6x64xf32, #tpu.memory_space<vmem>>, vector<1x6x64xf32>
    %get3A_36 = vector.shape_cast %get3A_35 : vector<1x6x64xf32> to vector<6x64xf32>
    %mul3A_37 = arith.mulf %get3A_31, %get3A_31 : vector<32x3xf32>
    %reduce_sum3A_38 = arith.constant dense<0.000000e+00> : vector<32xf32>
    %reduce_sum3A_39 = vector.multi_reduction <add>, %mul3A_37, %reduce_sum3A_38 [1] : vector<32x3xf32> to vector<32xf32>
    %broadcast_in_dim3A_40 = vector.shape_cast %reduce_sum3A_39 : vector<32xf32> to vector<32x1xf32>
    %slice3A_41 = vector.extract_strided_slice %get3A_36 {offsets = [0, 0], sizes = [1, 64], strides = [1, 1]} : vector<6x64xf32> to vector<1x64xf32>
    %slice3A_42 = vector.extract_strided_slice %get3A_36 {offsets = [0, 0], sizes = [1, 64], strides = [1, 1]} : vector<6x64xf32> to vector<1x64xf32>
    %mul3A_43 = arith.mulf %slice3A_41, %slice3A_42 : vector<1x64xf32>
    %slice3A_44 = vector.extract_strided_slice %get3A_36 {offsets = [1, 0], sizes = [1, 64], strides = [1, 1]} : vector<6x64xf32> to vector<1x64xf32>
    %slice3A_45 = vector.extract_strided_slice %get3A_36 {offsets = [1, 0], sizes = [1, 64], strides = [1, 1]} : vector<6x64xf32> to vector<1x64xf32>
    %mul3A_46 = arith.mulf %slice3A_44, %slice3A_45 : vector<1x64xf32>
    %add3A_47 = arith.addf %mul3A_43, %mul3A_46 : vector<1x64xf32>
    %slice3A_48 = vector.extract_strided_slice %get3A_36 {offsets = [2, 0], sizes = [1, 64], strides = [1, 1]} : vector<6x64xf32> to vector<1x64xf32>
    %slice3A_49 = vector.extract_strided_slice %get3A_36 {offsets = [2, 0], sizes = [1, 64], strides = [1, 1]} : vector<6x64xf32> to vector<1x64xf32>
    %mul3A_50 = arith.mulf %slice3A_48, %slice3A_49 : vector<1x64xf32>
    %add3A_51 = arith.addf %add3A_47, %mul3A_50 : vector<1x64xf32>
    %slice3A_52 = vector.extract_strided_slice %get3A_36 {offsets = [0, 0], sizes = [3, 64], strides = [1, 1]} : vector<6x64xf32> to vector<3x64xf32>
    %dot_general3A_53 = arith.constant dense<0.000000e+00> : vector<32x64xf32>
    %dot_general3A_54 = tpu.matmul %get3A_31, %slice3A_52, %dot_general3A_53 {dimension_numbers = #tpu.dot_dimension_numbers<[1], [0], [0], [1], [0, 0, 1, 1], [], []>, transpose_lhs_hint = false} : vector<32x3xf32>, vector<3x64xf32>, vector<32x64xf32> -> vector<32x64xf32>
    %add3A_55 = vector.broadcast %broadcast_in_dim3A_40 : vector<32x1xf32> to vector<32x64xf32>
    %add3A_56 = vector.broadcast %add3A_51 : vector<1x64xf32> to vector<32x64xf32>
    %add3A_57 = arith.addf %add3A_55, %add3A_56 : vector<32x64xf32>
    %mul3A_58 = arith.constant 2.000000e+00 : f32
    %mul3A_59 = vector.broadcast %mul3A_58 : f32 to vector<32x64xf32>
    %mul3A_60 = arith.mulf %mul3A_59, %dot_general3A_54 : vector<32x64xf32>
    %sub3A_61 = arith.subf %add3A_57, %mul3A_60 : vector<32x64xf32>
    %concatenate3A = tpu.concatenate %sub3A, %sub3A_61 in 0 : vector<32x64xf32>, vector<32x64xf32> -> vector<64x64xf32>
    %iota3A = tpu.iota {dimensions = array<i32: 1>} : vector<64x64xi32>
    %scan3A = arith.constant 0 : i32
    %scan3A_62 = arith.constant 32 : i32
    %scan3A_63 = arith.addi %scan3A, %scan3A_62 : i32
    %scan3A_64 = arith.constant 1 : i32
    %scan3A_65 = scf.for %scan3A_67 = %scan3A to %scan3A_63 step %scan3A_64 iter_args(%scan3A_68 = %concatenate3A) -> (vector<64x64xf32>)  : i32 {
      %reduce_min3A = arith.constant dense<0x7F800000> : vector<64xf32>
      %reduce_min3A_69 = vector.multi_reduction <minimumf>, %scan3A_68, %reduce_min3A [1] : vector<64x64xf32> to vector<64xf32>
      %broadcast_in_dim3A_70 = vector.shape_cast %reduce_min3A_69 : vector<64xf32> to vector<64x1xf32>
      %eq3A = vector.broadcast %broadcast_in_dim3A_70 : vector<64x1xf32> to vector<64x64xf32>
      %eq3A_71 = arith.cmpf oeq, %scan3A_68, %eq3A : vector<64x64xf32>
      %jit3A = arith.constant 64 : i32
      %broadcast_in_dim3A_72 = vector.broadcast %jit3A : i32 to vector<64x64xi32>
      %select_n3A = arith.select %eq3A_71, %iota3A, %broadcast_in_dim3A_72 : vector<64x64xi1>, vector<64x64xi32>
      %reduce_min3A_73 = arith.constant dense<2147483647> : vector<64xi32>
      %reduce_min3A_74 = vector.multi_reduction <minsi>, %select_n3A, %reduce_min3A_73 [1] : vector<64x64xi32> to vector<64xi32>
      %broadcast_in_dim3A_75 = vector.shape_cast %reduce_min3A_74 : vector<64xi32> to vector<64x1xi32>
      %slice3A_76 = vector.extract_strided_slice %broadcast_in_dim3A_75 {offsets = [0, 0], sizes = [32, 1], strides = [1, 1]} : vector<64x1xi32> to vector<32x1xi32>
      %mul3A_77 = arith.constant 32 : i32
      %mul3A_78 = arith.muli %scan3A_67, %mul3A_77 : i32
      %swap3A = arith.constant 0 : index
      %swap3A_79 = arith.index_cast %mul3A_78 : i32 to index
      %swap3A_80 = arith.constant 0 : index
      %swap3A_81 = vector.load %arg3[%swap3A, %swap3A_79, %swap3A_80] : memref<2x1024x1xi32, #tpu.memory_space<vmem>>, vector<1x32x1xi32>
      %swap3A_82 = vector.shape_cast %swap3A_81 : vector<1x32x1xi32> to vector<32x1xi32>
      %swap3A_83 = vector.shape_cast %slice3A_76 : vector<32x1xi32> to vector<1x32x1xi32>
      tpu.vector_store %arg3[%swap3A, %swap3A_79, %swap3A_80], %swap3A_83 {strides = array<i32>} : memref<2x1024x1xi32, #tpu.memory_space<vmem>>, vector<1x32x1xi32>,
      %slice3A_84 = vector.extract_strided_slice %broadcast_in_dim3A_75 {offsets = [32, 0], sizes = [32, 1], strides = [1, 1]} : vector<64x1xi32> to vector<32x1xi32>
      %mul3A_85 = arith.constant 32 : i32
      %mul3A_86 = arith.muli %scan3A_67, %mul3A_85 : i32
      %swap3A_87 = arith.constant 1 : index
      %swap3A_88 = arith.index_cast %mul3A_86 : i32 to index
      %swap3A_89 = arith.constant 0 : index
      %swap3A_90 = vector.load %arg3[%swap3A_87, %swap3A_88, %swap3A_89] : memref<2x1024x1xi32, #tpu.memory_space<vmem>>, vector<1x32x1xi32>
      %swap3A_91 = vector.shape_cast %swap3A_90 : vector<1x32x1xi32> to vector<32x1xi32>
      %swap3A_92 = vector.shape_cast %slice3A_84 : vector<32x1xi32> to vector<1x32x1xi32>
      tpu.vector_store %arg3[%swap3A_87, %swap3A_88, %swap3A_89], %swap3A_92 {strides = array<i32>} : memref<2x1024x1xi32, #tpu.memory_space<vmem>>, vector<1x32x1xi32>,
      %eq3A_93 = vector.broadcast %broadcast_in_dim3A_75 : vector<64x1xi32> to vector<64x64xi32>
      %eq3A_94 = arith.cmpi eq, %iota3A, %eq3A_93 : vector<64x64xi32>
      %jit3A_95 = arith.constant 3.000000e+38 : f32
      %broadcast_in_dim3A_96 = vector.broadcast %jit3A_95 : f32 to vector<64x64xf32>
      %select_n3A_97 = arith.select %eq3A_94, %broadcast_in_dim3A_96, %scan3A_68 : vector<64x64xi1>, vector<64x64xf32>
      scf.yield %select_n3A_97 : vector<64x64xf32>
    }
    %scan3A_66 = arith.constant 32 : i32
    return
  }
  func.func @transform_0(%arg0: i32) -> (i32, i32, i32) {
    %c0_i32 = arith.constant 0 : i32
    %c0_i32_0 = arith.constant 0 : i32
    %c0_i32_1 = arith.constant 0 : i32
    return %arg0, %c0_i32, %c0_i32_0 : i32, i32, i32
  }
  func.func @transform_1(%arg0: i32) -> (i32, i32, i32) {
    %c0_i32 = arith.constant 0 : i32
    %c0_i32_0 = arith.constant 0 : i32
    %c0_i32_1 = arith.constant 0 : i32
    return %arg0, %c0_i32, %c0_i32_0 : i32, i32, i32
  }
  func.func @transform_2(%arg0: i32) -> (i32, i32, i32) {
    %c0_i32 = arith.constant 0 : i32
    %c0_i32_0 = arith.constant 0 : i32
    %c0_i32_1 = arith.constant 0 : i32
    return %arg0, %c0_i32, %c0_i32_0 : i32, i32, i32
  }
}

module attributes {stable_mosaic.version = 14 : i64} {
  func.func @body(%arg0: i32, %arg1: memref<2x256x3xf32, #tpu.memory_space<vmem>>, %arg2: memref<2x3x1024xf32, #tpu.memory_space<vmem>>, %arg3: memref<2x2048x1xi32, #tpu.memory_space<vmem>>) attributes {dimension_semantics = [#tpu.dimension_semantics<parallel>], iteration_bounds = array<i64: 32>, scalar_prefetch = 0 : i64, scratch_operands = 0 : i64, tpu.core_type = #tpu.core_type<tc>, window_params = [{transform_indices = @transform_0, window_bounds = array<i64: 2, 256, 3>}, {transform_indices = @transform_1, window_bounds = array<i64: 2, 3, 1024>}, {transform_indices = @transform_2, window_bounds = array<i64: 2, 2048, 1>}]} {
    %get3A = arith.constant 0 : index
    %get3A_0 = arith.constant 0 : index
    %get3A_1 = arith.constant 0 : index
    %get3A_2 = vector.load %arg1[%get3A, %get3A_0, %get3A_1] : memref<2x256x3xf32, #tpu.memory_space<vmem>>, vector<1x256x3xf32>
    %get3A_3 = vector.shape_cast %get3A_2 : vector<1x256x3xf32> to vector<256x3xf32>
    %get3A_4 = arith.constant 0 : index
    %get3A_5 = arith.constant 0 : index
    %get3A_6 = arith.constant 0 : index
    %get3A_7 = vector.load %arg2[%get3A_4, %get3A_5, %get3A_6] : memref<2x3x1024xf32, #tpu.memory_space<vmem>>, vector<1x3x1024xf32>
    %get3A_8 = vector.shape_cast %get3A_7 : vector<1x3x1024xf32> to vector<3x1024xf32>
    %mul3A = arith.mulf %get3A_3, %get3A_3 : vector<256x3xf32>
    %reduce_sum3A = arith.constant dense<0.000000e+00> : vector<256xf32>
    %reduce_sum3A_9 = vector.multi_reduction <add>, %mul3A, %reduce_sum3A [1] : vector<256x3xf32> to vector<256xf32>
    %broadcast_in_dim3A = vector.shape_cast %reduce_sum3A_9 : vector<256xf32> to vector<256x1xf32>
    %slice3A = vector.extract_strided_slice %get3A_8 {offsets = [0, 0], sizes = [1, 1024], strides = [1, 1]} : vector<3x1024xf32> to vector<1x1024xf32>
    %slice3A_10 = vector.extract_strided_slice %get3A_8 {offsets = [0, 0], sizes = [1, 1024], strides = [1, 1]} : vector<3x1024xf32> to vector<1x1024xf32>
    %mul3A_11 = arith.mulf %slice3A, %slice3A_10 : vector<1x1024xf32>
    %slice3A_12 = vector.extract_strided_slice %get3A_8 {offsets = [1, 0], sizes = [1, 1024], strides = [1, 1]} : vector<3x1024xf32> to vector<1x1024xf32>
    %slice3A_13 = vector.extract_strided_slice %get3A_8 {offsets = [1, 0], sizes = [1, 1024], strides = [1, 1]} : vector<3x1024xf32> to vector<1x1024xf32>
    %mul3A_14 = arith.mulf %slice3A_12, %slice3A_13 : vector<1x1024xf32>
    %add3A = arith.addf %mul3A_11, %mul3A_14 : vector<1x1024xf32>
    %slice3A_15 = vector.extract_strided_slice %get3A_8 {offsets = [2, 0], sizes = [1, 1024], strides = [1, 1]} : vector<3x1024xf32> to vector<1x1024xf32>
    %slice3A_16 = vector.extract_strided_slice %get3A_8 {offsets = [2, 0], sizes = [1, 1024], strides = [1, 1]} : vector<3x1024xf32> to vector<1x1024xf32>
    %mul3A_17 = arith.mulf %slice3A_15, %slice3A_16 : vector<1x1024xf32>
    %add3A_18 = arith.addf %add3A, %mul3A_17 : vector<1x1024xf32>
    %dot_general3A = arith.constant dense<0.000000e+00> : vector<256x1024xf32>
    %dot_general3A_19 = tpu.matmul %get3A_3, %get3A_8, %dot_general3A {dimension_numbers = #tpu.dot_dimension_numbers<[1], [0], [0], [1], [0, 0, 1, 1], [], []>, transpose_lhs_hint = false} : vector<256x3xf32>, vector<3x1024xf32>, vector<256x1024xf32> -> vector<256x1024xf32>
    %add3A_20 = vector.broadcast %broadcast_in_dim3A : vector<256x1xf32> to vector<256x1024xf32>
    %add3A_21 = vector.broadcast %add3A_18 : vector<1x1024xf32> to vector<256x1024xf32>
    %add3A_22 = arith.addf %add3A_20, %add3A_21 : vector<256x1024xf32>
    %mul3A_23 = arith.constant 2.000000e+00 : f32
    %mul3A_24 = vector.broadcast %mul3A_23 : f32 to vector<256x1024xf32>
    %mul3A_25 = arith.mulf %mul3A_24, %dot_general3A_19 : vector<256x1024xf32>
    %sub3A = arith.subf %add3A_22, %mul3A_25 : vector<256x1024xf32>
    %get3A_26 = arith.constant 1 : index
    %get3A_27 = arith.constant 0 : index
    %get3A_28 = arith.constant 0 : index
    %get3A_29 = vector.load %arg1[%get3A_26, %get3A_27, %get3A_28] : memref<2x256x3xf32, #tpu.memory_space<vmem>>, vector<1x256x3xf32>
    %get3A_30 = vector.shape_cast %get3A_29 : vector<1x256x3xf32> to vector<256x3xf32>
    %get3A_31 = arith.constant 1 : index
    %get3A_32 = arith.constant 0 : index
    %get3A_33 = arith.constant 0 : index
    %get3A_34 = vector.load %arg2[%get3A_31, %get3A_32, %get3A_33] : memref<2x3x1024xf32, #tpu.memory_space<vmem>>, vector<1x3x1024xf32>
    %get3A_35 = vector.shape_cast %get3A_34 : vector<1x3x1024xf32> to vector<3x1024xf32>
    %mul3A_36 = arith.mulf %get3A_30, %get3A_30 : vector<256x3xf32>
    %reduce_sum3A_37 = arith.constant dense<0.000000e+00> : vector<256xf32>
    %reduce_sum3A_38 = vector.multi_reduction <add>, %mul3A_36, %reduce_sum3A_37 [1] : vector<256x3xf32> to vector<256xf32>
    %broadcast_in_dim3A_39 = vector.shape_cast %reduce_sum3A_38 : vector<256xf32> to vector<256x1xf32>
    %slice3A_40 = vector.extract_strided_slice %get3A_35 {offsets = [0, 0], sizes = [1, 1024], strides = [1, 1]} : vector<3x1024xf32> to vector<1x1024xf32>
    %slice3A_41 = vector.extract_strided_slice %get3A_35 {offsets = [0, 0], sizes = [1, 1024], strides = [1, 1]} : vector<3x1024xf32> to vector<1x1024xf32>
    %mul3A_42 = arith.mulf %slice3A_40, %slice3A_41 : vector<1x1024xf32>
    %slice3A_43 = vector.extract_strided_slice %get3A_35 {offsets = [1, 0], sizes = [1, 1024], strides = [1, 1]} : vector<3x1024xf32> to vector<1x1024xf32>
    %slice3A_44 = vector.extract_strided_slice %get3A_35 {offsets = [1, 0], sizes = [1, 1024], strides = [1, 1]} : vector<3x1024xf32> to vector<1x1024xf32>
    %mul3A_45 = arith.mulf %slice3A_43, %slice3A_44 : vector<1x1024xf32>
    %add3A_46 = arith.addf %mul3A_42, %mul3A_45 : vector<1x1024xf32>
    %slice3A_47 = vector.extract_strided_slice %get3A_35 {offsets = [2, 0], sizes = [1, 1024], strides = [1, 1]} : vector<3x1024xf32> to vector<1x1024xf32>
    %slice3A_48 = vector.extract_strided_slice %get3A_35 {offsets = [2, 0], sizes = [1, 1024], strides = [1, 1]} : vector<3x1024xf32> to vector<1x1024xf32>
    %mul3A_49 = arith.mulf %slice3A_47, %slice3A_48 : vector<1x1024xf32>
    %add3A_50 = arith.addf %add3A_46, %mul3A_49 : vector<1x1024xf32>
    %dot_general3A_51 = arith.constant dense<0.000000e+00> : vector<256x1024xf32>
    %dot_general3A_52 = tpu.matmul %get3A_30, %get3A_35, %dot_general3A_51 {dimension_numbers = #tpu.dot_dimension_numbers<[1], [0], [0], [1], [0, 0, 1, 1], [], []>, transpose_lhs_hint = false} : vector<256x3xf32>, vector<3x1024xf32>, vector<256x1024xf32> -> vector<256x1024xf32>
    %add3A_53 = vector.broadcast %broadcast_in_dim3A_39 : vector<256x1xf32> to vector<256x1024xf32>
    %add3A_54 = vector.broadcast %add3A_50 : vector<1x1024xf32> to vector<256x1024xf32>
    %add3A_55 = arith.addf %add3A_53, %add3A_54 : vector<256x1024xf32>
    %mul3A_56 = arith.constant 2.000000e+00 : f32
    %mul3A_57 = vector.broadcast %mul3A_56 : f32 to vector<256x1024xf32>
    %mul3A_58 = arith.mulf %mul3A_57, %dot_general3A_52 : vector<256x1024xf32>
    %sub3A_59 = arith.subf %add3A_55, %mul3A_58 : vector<256x1024xf32>
    %concatenate3A = tpu.concatenate %sub3A, %sub3A_59 in 0 : vector<256x1024xf32>, vector<256x1024xf32> -> vector<512x1024xf32>
    %iota3A = tpu.iota {dimensions = array<i32: 1>} : vector<512x1024xi32>
    %scan3A = arith.constant 0 : i32
    %scan3A_60 = arith.constant 8 : i32
    %scan3A_61 = arith.addi %scan3A, %scan3A_60 : i32
    %scan3A_62 = arith.constant 1 : i32
    %scan3A_63 = scf.for %scan3A_65 = %scan3A to %scan3A_61 step %scan3A_62 iter_args(%scan3A_66 = %concatenate3A) -> (vector<512x1024xf32>)  : i32 {
      %reduce_min3A = arith.constant dense<0x7F800000> : vector<512xf32>
      %reduce_min3A_67 = vector.multi_reduction <minimumf>, %scan3A_66, %reduce_min3A [1] : vector<512x1024xf32> to vector<512xf32>
      %broadcast_in_dim3A_68 = vector.shape_cast %reduce_min3A_67 : vector<512xf32> to vector<512x1xf32>
      %eq3A = vector.broadcast %broadcast_in_dim3A_68 : vector<512x1xf32> to vector<512x1024xf32>
      %eq3A_69 = arith.cmpf oeq, %scan3A_66, %eq3A : vector<512x1024xf32>
      %jit3A = arith.constant 1024 : i32
      %broadcast_in_dim3A_70 = vector.broadcast %jit3A : i32 to vector<512x1024xi32>
      %select_n3A = arith.select %eq3A_69, %iota3A, %broadcast_in_dim3A_70 : vector<512x1024xi1>, vector<512x1024xi32>
      %reduce_min3A_71 = arith.constant dense<2147483647> : vector<512xi32>
      %reduce_min3A_72 = vector.multi_reduction <minsi>, %select_n3A, %reduce_min3A_71 [1] : vector<512x1024xi32> to vector<512xi32>
      %broadcast_in_dim3A_73 = vector.shape_cast %reduce_min3A_72 : vector<512xi32> to vector<512x1xi32>
      %slice3A_74 = vector.extract_strided_slice %broadcast_in_dim3A_73 {offsets = [0, 0], sizes = [256, 1], strides = [1, 1]} : vector<512x1xi32> to vector<256x1xi32>
      %mul3A_75 = arith.constant 256 : i32
      %mul3A_76 = arith.muli %scan3A_65, %mul3A_75 : i32
      %swap3A = arith.constant 0 : index
      %swap3A_77 = arith.index_cast %mul3A_76 : i32 to index
      %swap3A_78 = arith.constant 0 : index
      %swap3A_79 = vector.load %arg3[%swap3A, %swap3A_77, %swap3A_78] : memref<2x2048x1xi32, #tpu.memory_space<vmem>>, vector<1x256x1xi32>
      %swap3A_80 = vector.shape_cast %swap3A_79 : vector<1x256x1xi32> to vector<256x1xi32>
      %swap3A_81 = vector.shape_cast %slice3A_74 : vector<256x1xi32> to vector<1x256x1xi32>
      tpu.vector_store %arg3[%swap3A, %swap3A_77, %swap3A_78], %swap3A_81 {strides = array<i32>} : memref<2x2048x1xi32, #tpu.memory_space<vmem>>, vector<1x256x1xi32>,
      %slice3A_82 = vector.extract_strided_slice %broadcast_in_dim3A_73 {offsets = [256, 0], sizes = [256, 1], strides = [1, 1]} : vector<512x1xi32> to vector<256x1xi32>
      %mul3A_83 = arith.constant 256 : i32
      %mul3A_84 = arith.muli %scan3A_65, %mul3A_83 : i32
      %swap3A_85 = arith.constant 1 : index
      %swap3A_86 = arith.index_cast %mul3A_84 : i32 to index
      %swap3A_87 = arith.constant 0 : index
      %swap3A_88 = vector.load %arg3[%swap3A_85, %swap3A_86, %swap3A_87] : memref<2x2048x1xi32, #tpu.memory_space<vmem>>, vector<1x256x1xi32>
      %swap3A_89 = vector.shape_cast %swap3A_88 : vector<1x256x1xi32> to vector<256x1xi32>
      %swap3A_90 = vector.shape_cast %slice3A_82 : vector<256x1xi32> to vector<1x256x1xi32>
      tpu.vector_store %arg3[%swap3A_85, %swap3A_86, %swap3A_87], %swap3A_90 {strides = array<i32>} : memref<2x2048x1xi32, #tpu.memory_space<vmem>>, vector<1x256x1xi32>,
      %eq3A_91 = vector.broadcast %broadcast_in_dim3A_73 : vector<512x1xi32> to vector<512x1024xi32>
      %eq3A_92 = arith.cmpi eq, %iota3A, %eq3A_91 : vector<512x1024xi32>
      %jit3A_93 = arith.constant 3.000000e+38 : f32
      %broadcast_in_dim3A_94 = vector.broadcast %jit3A_93 : f32 to vector<512x1024xf32>
      %select_n3A_95 = arith.select %eq3A_92, %broadcast_in_dim3A_94, %scan3A_66 : vector<512x1024xi1>, vector<512x1024xf32>
      scf.yield %select_n3A_95 : vector<512x1024xf32>
    }
    %scan3A_64 = arith.constant 8 : i32
    return
  }
  func.func @transform_0(%arg0: i32) -> (i32, i32, i32) {
    %c0_i32 = arith.constant 0 : i32
    %c0_i32_0 = arith.constant 0 : i32
    %c0_i32_1 = arith.constant 0 : i32
    return %arg0, %c0_i32, %c0_i32_0 : i32, i32, i32
  }
  func.func @transform_1(%arg0: i32) -> (i32, i32, i32) {
    %c0_i32 = arith.constant 0 : i32
    %c0_i32_0 = arith.constant 0 : i32
    %c0_i32_1 = arith.constant 0 : i32
    return %arg0, %c0_i32, %c0_i32_0 : i32, i32, i32
  }
  func.func @transform_2(%arg0: i32) -> (i32, i32, i32) {
    %c0_i32 = arith.constant 0 : i32
    %c0_i32_0 = arith.constant 0 : i32
    %c0_i32_1 = arith.constant 0 : i32
    return %arg0, %c0_i32, %c0_i32_0 : i32, i32, i32
  }
}

module attributes {stable_mosaic.version = 14 : i64} {
  func.func @_modules_body(%arg0: i32, %arg1: memref<1x1024x3xf32, #tpu.memory_space<vmem>>, %arg2: memref<1x1024x3xf32, #tpu.memory_space<vmem>>, %arg3: memref<1x256x3xf32, #tpu.memory_space<vmem>>, %arg4: memref<1x256x3xf32, #tpu.memory_space<vmem>>, %arg5: memref<1x128x3xf32, #tpu.memory_space<vmem>>, %arg6: memref<1x128x3xf32, #tpu.memory_space<vmem>>, %arg7: memref<1x64x3xf32, #tpu.memory_space<vmem>>, %arg8: memref<1x64x3xf32, #tpu.memory_space<vmem>>, %arg9: memref<1x32x3xf32, #tpu.memory_space<vmem>>, %arg10: memref<1x32x3xf32, #tpu.memory_space<vmem>>, %arg11: memref<1x2048x1xi32, #tpu.memory_space<vmem>>, %arg12: memref<1x2048x1xi32, #tpu.memory_space<vmem>>, %arg13: memref<1x2048x1xi32, #tpu.memory_space<vmem>>, %arg14: memref<1x1024x1xi32, #tpu.memory_space<vmem>>, %arg15: memref<4x64xf32, #tpu.memory_space<vmem>>, %arg16: memref<1x64xf32, #tpu.memory_space<vmem>>, %arg17: memref<64x32xf32, #tpu.memory_space<vmem>>, %arg18: memref<1x32xf32, #tpu.memory_space<vmem>>, %arg19: memref<4x64xf32, #tpu.memory_space<vmem>>, %arg20: memref<1x64xf32, #tpu.memory_space<vmem>>, %arg21: memref<96x64xf32, #tpu.memory_space<vmem>>, %arg22: memref<1x64xf32, #tpu.memory_space<vmem>>, %arg23: memref<4x64xf32, #tpu.memory_space<vmem>>, %arg24: memref<1x64xf32, #tpu.memory_space<vmem>>, %arg25: memref<128x128xf32, #tpu.memory_space<vmem>>, %arg26: memref<1x128xf32, #tpu.memory_space<vmem>>, %arg27: memref<4x64xf32, #tpu.memory_space<vmem>>, %arg28: memref<1x64xf32, #tpu.memory_space<vmem>>, %arg29: memref<192x256xf32, #tpu.memory_space<vmem>>, %arg30: memref<1x256xf32, #tpu.memory_space<vmem>>, %arg31: memref<4x64xf32, #tpu.memory_space<vmem>>, %arg32: memref<1x64xf32, #tpu.memory_space<vmem>>, %arg33: memref<320x512xf32, #tpu.memory_space<vmem>>, %arg34: memref<1x512xf32, #tpu.memory_space<vmem>>, %arg35: memref<1x1x512xf32, #tpu.memory_space<vmem>>) attributes {dimension_semantics = [#tpu.dimension_semantics<parallel>], iteration_bounds = array<i64: 64>, scalar_prefetch = 0 : i64, scratch_operands = 0 : i64, tpu.core_type = #tpu.core_type<tc>, window_params = [{transform_indices = @transform_0, window_bounds = array<i64: 1, 1024, 3>}, {transform_indices = @transform_1, window_bounds = array<i64: 1, 1024, 3>}, {transform_indices = @transform_2, window_bounds = array<i64: 1, 256, 3>}, {transform_indices = @transform_3, window_bounds = array<i64: 1, 256, 3>}, {transform_indices = @transform_4, window_bounds = array<i64: 1, 128, 3>}, {transform_indices = @transform_5, window_bounds = array<i64: 1, 128, 3>}, {transform_indices = @transform_6, window_bounds = array<i64: 1, 64, 3>}, {transform_indices = @transform_7, window_bounds = array<i64: 1, 64, 3>}, {transform_indices = @transform_8, window_bounds = array<i64: 1, 32, 3>}, {transform_indices = @transform_9, window_bounds = array<i64: 1, 32, 3>}, {transform_indices = @transform_10, window_bounds = array<i64: 1, 2048, 1>}, {transform_indices = @transform_11, window_bounds = array<i64: 1, 2048, 1>}, {transform_indices = @transform_12, window_bounds = array<i64: 1, 2048, 1>}, {transform_indices = @transform_13, window_bounds = array<i64: 1, 1024, 1>}, {pipeline_mode = #tpu.pipeline_mode<synchronous>, transform_indices = @transform_14, window_bounds = array<i64: 4, 64>}, {pipeline_mode = #tpu.pipeline_mode<synchronous>, transform_indices = @transform_15, window_bounds = array<i64: 1, 64>}, {pipeline_mode = #tpu.pipeline_mode<synchronous>, transform_indices = @transform_16, window_bounds = array<i64: 64, 32>}, {pipeline_mode = #tpu.pipeline_mode<synchronous>, transform_indices = @transform_17, window_bounds = array<i64: 1, 32>}, {pipeline_mode = #tpu.pipeline_mode<synchronous>, transform_indices = @transform_18, window_bounds = array<i64: 4, 64>}, {pipeline_mode = #tpu.pipeline_mode<synchronous>, transform_indices = @transform_19, window_bounds = array<i64: 1, 64>}, {pipeline_mode = #tpu.pipeline_mode<synchronous>, transform_indices = @transform_20, window_bounds = array<i64: 96, 64>}, {pipeline_mode = #tpu.pipeline_mode<synchronous>, transform_indices = @transform_21, window_bounds = array<i64: 1, 64>}, {pipeline_mode = #tpu.pipeline_mode<synchronous>, transform_indices = @transform_22, window_bounds = array<i64: 4, 64>}, {pipeline_mode = #tpu.pipeline_mode<synchronous>, transform_indices = @transform_23, window_bounds = array<i64: 1, 64>}, {pipeline_mode = #tpu.pipeline_mode<synchronous>, transform_indices = @transform_24, window_bounds = array<i64: 128, 128>}, {pipeline_mode = #tpu.pipeline_mode<synchronous>, transform_indices = @transform_25, window_bounds = array<i64: 1, 128>}, {pipeline_mode = #tpu.pipeline_mode<synchronous>, transform_indices = @transform_26, window_bounds = array<i64: 4, 64>}, {pipeline_mode = #tpu.pipeline_mode<synchronous>, transform_indices = @transform_27, window_bounds = array<i64: 1, 64>}, {pipeline_mode = #tpu.pipeline_mode<synchronous>, transform_indices = @transform_28, window_bounds = array<i64: 192, 256>}, {pipeline_mode = #tpu.pipeline_mode<synchronous>, transform_indices = @transform_29, window_bounds = array<i64: 1, 256>}, {pipeline_mode = #tpu.pipeline_mode<synchronous>, transform_indices = @transform_30, window_bounds = array<i64: 4, 64>}, {pipeline_mode = #tpu.pipeline_mode<synchronous>, transform_indices = @transform_31, window_bounds = array<i64: 1, 64>}, {pipeline_mode = #tpu.pipeline_mode<synchronous>, transform_indices = @transform_32, window_bounds = array<i64: 320, 512>}, {pipeline_mode = #tpu.pipeline_mode<synchronous>, transform_indices = @transform_33, window_bounds = array<i64: 1, 512>}, {transform_indices = @transform_34, window_bounds = array<i64: 1, 1, 512>}]} {
    %get3A = arith.constant 0 : index
    %get3A_0 = arith.constant 0 : index
    %get3A_1 = arith.constant 0 : index
    %get3A_2 = vector.load %arg1[%get3A, %get3A_0, %get3A_1] : memref<1x1024x3xf32, #tpu.memory_space<vmem>>, vector<1x1024x3xf32>
    %get3A_3 = vector.shape_cast %get3A_2 : vector<1x1024x3xf32> to vector<1024x3xf32>
    %get3A_4 = arith.constant 0 : index
    %get3A_5 = arith.constant 0 : index
    %get3A_6 = arith.constant 0 : index
    %get3A_7 = vector.load %arg2[%get3A_4, %get3A_5, %get3A_6] : memref<1x1024x3xf32, #tpu.memory_space<vmem>>, vector<1x1024x3xf32>
    %get3A_8 = vector.shape_cast %get3A_7 : vector<1x1024x3xf32> to vector<1024x3xf32>
    %get3A_9 = arith.constant 0 : index
    %get3A_10 = arith.constant 0 : index
    %get3A_11 = arith.constant 0 : index
    %get3A_12 = vector.load %arg3[%get3A_9, %get3A_10, %get3A_11] : memref<1x256x3xf32, #tpu.memory_space<vmem>>, vector<1x256x3xf32>
    %get3A_13 = vector.shape_cast %get3A_12 : vector<1x256x3xf32> to vector<256x3xf32>
    %get3A_14 = arith.constant 0 : index
    %get3A_15 = arith.constant 0 : index
    %get3A_16 = arith.constant 0 : index
    %get3A_17 = vector.load %arg5[%get3A_14, %get3A_15, %get3A_16] : memref<1x128x3xf32, #tpu.memory_space<vmem>>, vector<1x128x3xf32>
    %get3A_18 = vector.shape_cast %get3A_17 : vector<1x128x3xf32> to vector<128x3xf32>
    %get3A_19 = arith.constant 0 : index
    %get3A_20 = arith.constant 0 : index
    %get3A_21 = arith.constant 0 : index
    %get3A_22 = vector.load %arg7[%get3A_19, %get3A_20, %get3A_21] : memref<1x64x3xf32, #tpu.memory_space<vmem>>, vector<1x64x3xf32>
    %get3A_23 = vector.shape_cast %get3A_22 : vector<1x64x3xf32> to vector<64x3xf32>
    %get3A_24 = arith.constant 0 : index
    %get3A_25 = arith.constant 0 : index
    %get3A_26 = arith.constant 0 : index
    %get3A_27 = vector.load %arg9[%get3A_24, %get3A_25, %get3A_26] : memref<1x32x3xf32, #tpu.memory_space<vmem>>, vector<1x32x3xf32>
    %get3A_28 = vector.shape_cast %get3A_27 : vector<1x32x3xf32> to vector<32x3xf32>
    %get3A_29 = arith.constant 0 : index
    %get3A_30 = arith.constant 0 : index
    %get3A_31 = arith.constant 0 : index
    %get3A_32 = vector.load %arg4[%get3A_29, %get3A_30, %get3A_31] : memref<1x256x3xf32, #tpu.memory_space<vmem>>, vector<1x256x3xf32>
    %get3A_33 = vector.shape_cast %get3A_32 : vector<1x256x3xf32> to vector<256x3xf32>
    %get3A_34 = arith.constant 0 : index
    %get3A_35 = arith.constant 0 : index
    %get3A_36 = arith.constant 0 : index
    %get3A_37 = vector.load %arg6[%get3A_34, %get3A_35, %get3A_36] : memref<1x128x3xf32, #tpu.memory_space<vmem>>, vector<1x128x3xf32>
    %get3A_38 = vector.shape_cast %get3A_37 : vector<1x128x3xf32> to vector<128x3xf32>
    %get3A_39 = arith.constant 0 : index
    %get3A_40 = arith.constant 0 : index
    %get3A_41 = arith.constant 0 : index
    %get3A_42 = vector.load %arg8[%get3A_39, %get3A_40, %get3A_41] : memref<1x64x3xf32, #tpu.memory_space<vmem>>, vector<1x64x3xf32>
    %get3A_43 = vector.shape_cast %get3A_42 : vector<1x64x3xf32> to vector<64x3xf32>
    %get3A_44 = arith.constant 0 : index
    %get3A_45 = arith.constant 0 : index
    %get3A_46 = arith.constant 0 : index
    %get3A_47 = vector.load %arg10[%get3A_44, %get3A_45, %get3A_46] : memref<1x32x3xf32, #tpu.memory_space<vmem>>, vector<1x32x3xf32>
    %get3A_48 = vector.shape_cast %get3A_47 : vector<1x32x3xf32> to vector<32x3xf32>
    %get3A_49 = arith.constant 0 : index
    %get3A_50 = arith.constant 0 : index
    %get3A_51 = arith.constant 0 : index
    %get3A_52 = vector.load %arg11[%get3A_49, %get3A_50, %get3A_51] : memref<1x2048x1xi32, #tpu.memory_space<vmem>>, vector<1x2048x1xi32>
    %get3A_53 = vector.shape_cast %get3A_52 : vector<1x2048x1xi32> to vector<2048x1xi32>
    %get3A_54 = arith.constant 0 : index
    %get3A_55 = arith.constant 0 : index
    %get3A_56 = arith.constant 0 : index
    %get3A_57 = vector.load %arg12[%get3A_54, %get3A_55, %get3A_56] : memref<1x2048x1xi32, #tpu.memory_space<vmem>>, vector<1x2048x1xi32>
    %get3A_58 = vector.shape_cast %get3A_57 : vector<1x2048x1xi32> to vector<2048x1xi32>
    %get3A_59 = arith.constant 0 : index
    %get3A_60 = arith.constant 0 : index
    %get3A_61 = arith.constant 0 : index
    %get3A_62 = vector.load %arg13[%get3A_59, %get3A_60, %get3A_61] : memref<1x2048x1xi32, #tpu.memory_space<vmem>>, vector<1x2048x1xi32>
    %get3A_63 = vector.shape_cast %get3A_62 : vector<1x2048x1xi32> to vector<2048x1xi32>
    %get3A_64 = arith.constant 0 : index
    %get3A_65 = arith.constant 0 : index
    %get3A_66 = arith.constant 0 : index
    %get3A_67 = vector.load %arg14[%get3A_64, %get3A_65, %get3A_66] : memref<1x1024x1xi32, #tpu.memory_space<vmem>>, vector<1x1024x1xi32>
    %get3A_68 = vector.shape_cast %get3A_67 : vector<1x1024x1xi32> to vector<1024x1xi32>
    %get3A_69 = arith.constant 0 : index
    %get3A_70 = arith.constant 0 : index
    %get3A_71 = vector.load %arg15[%get3A_69, %get3A_70] : memref<4x64xf32, #tpu.memory_space<vmem>>, vector<4x64xf32>
    %get3A_72 = arith.constant 0 : index
    %get3A_73 = arith.constant 0 : index
    %get3A_74 = vector.load %arg16[%get3A_72, %get3A_73] : memref<1x64xf32, #tpu.memory_space<vmem>>, vector<1x64xf32>
    %get3A_75 = arith.constant 0 : index
    %get3A_76 = arith.constant 0 : index
    %get3A_77 = vector.load %arg17[%get3A_75, %get3A_76] : memref<64x32xf32, #tpu.memory_space<vmem>>, vector<64x32xf32>
    %get3A_78 = arith.constant 0 : index
    %get3A_79 = arith.constant 0 : index
    %get3A_80 = vector.load %arg18[%get3A_78, %get3A_79] : memref<1x32xf32, #tpu.memory_space<vmem>>, vector<1x32xf32>
    %iota3A = tpu.iota {dimensions = array<i32: 1>} : vector<2048x1024xi32>
    %eq3A = vector.broadcast %get3A_53 : vector<2048x1xi32> to vector<2048x1024xi32>
    %eq3A_81 = arith.cmpi eq, %iota3A, %eq3A : vector<2048x1024xi32>
    %convert_element_type3A = arith.extui %eq3A_81 : vector<2048x1024xi1> to vector<2048x1024xi32>
    %convert_element_type3A_82 = arith.sitofp %convert_element_type3A : vector<2048x1024xi32> to vector<2048x1024xf32>
    %dot_general3A = arith.constant dense<0.000000e+00> : vector<2048x3xf32>
    %dot_general3A_83 = tpu.matmul %convert_element_type3A_82, %get3A_3, %dot_general3A {dimension_numbers = #tpu.dot_dimension_numbers<[1], [0], [0], [1], [0, 0, 1, 1], [], []>, precision = #tpu.contract_precision<fp32>, transpose_lhs_hint = false} : vector<2048x1024xf32>, vector<1024x3xf32>, vector<2048x3xf32> -> vector<2048x3xf32>
    %reshape3A = vector.shape_cast %dot_general3A_83 : vector<2048x3xf32> to vector<8x256x3xf32>
    %dot_general3A_84 = arith.constant dense<0.000000e+00> : vector<2048x3xf32>
    %dot_general3A_85 = tpu.matmul %convert_element_type3A_82, %get3A_8, %dot_general3A_84 {dimension_numbers = #tpu.dot_dimension_numbers<[1], [0], [0], [1], [0, 0, 1, 1], [], []>, precision = #tpu.contract_precision<fp32>, transpose_lhs_hint = false} : vector<2048x1024xf32>, vector<1024x3xf32>, vector<2048x3xf32> -> vector<2048x3xf32>
    %reshape3A_86 = vector.shape_cast %dot_general3A_85 : vector<2048x3xf32> to vector<8x256x3xf32>
    %broadcast_in_dim3A = vector.shape_cast %get3A_13 : vector<256x3xf32> to vector<1x256x3xf32>
    %sub3A = vector.broadcast %broadcast_in_dim3A : vector<1x256x3xf32> to vector<8x256x3xf32>
    %sub3A_87 = arith.subf %reshape3A, %sub3A : vector<8x256x3xf32>
    %mul3A = arith.mulf %sub3A_87, %sub3A_87 : vector<8x256x3xf32>
    %reduce_sum3A = arith.constant dense<0.000000e+00> : vector<8x256xf32>
    %reduce_sum3A_88 = vector.multi_reduction <add>, %mul3A, %reduce_sum3A [2] : vector<8x256x3xf32> to vector<8x256xf32>
    %broadcast_in_dim3A_89 = vector.shape_cast %reduce_sum3A_88 : vector<8x256xf32> to vector<8x256x1xf32>
    %sqrt3A = math.sqrt %broadcast_in_dim3A_89 : vector<8x256x1xf32>
    %add3A = arith.constant 9.99999993E-9 : f32
    %add3A_90 = vector.broadcast %add3A : f32 to vector<8x256x1xf32>
    %add3A_91 = arith.addf %sqrt3A, %add3A_90 : vector<8x256x1xf32>
    %div3A = vector.broadcast %add3A_91 : vector<8x256x1xf32> to vector<8x256x3xf32>
    %div3A_92 = arith.divf %sub3A_87, %div3A : vector<8x256x3xf32>
    %broadcast_in_dim3A_93 = vector.shape_cast %get3A_33 : vector<256x3xf32> to vector<1x256x3xf32>
    %mul3A_94 = vector.broadcast %broadcast_in_dim3A_93 : vector<1x256x3xf32> to vector<8x256x3xf32>
    %mul3A_95 = arith.mulf %div3A_92, %mul3A_94 : vector<8x256x3xf32>
    %reduce_sum3A_96 = arith.constant dense<0.000000e+00> : vector<8x256xf32>
    %reduce_sum3A_97 = vector.multi_reduction <add>, %mul3A_95, %reduce_sum3A_96 [2] : vector<8x256x3xf32> to vector<8x256xf32>
    %broadcast_in_dim3A_98 = vector.shape_cast %reduce_sum3A_97 : vector<8x256xf32> to vector<8x256x1xf32>
    %mul3A_99 = arith.mulf %div3A_92, %reshape3A_86 : vector<8x256x3xf32>
    %reduce_sum3A_100 = arith.constant dense<0.000000e+00> : vector<8x256xf32>
    %reduce_sum3A_101 = vector.multi_reduction <add>, %mul3A_99, %reduce_sum3A_100 [2] : vector<8x256x3xf32> to vector<8x256xf32>
    %broadcast_in_dim3A_102 = vector.shape_cast %reduce_sum3A_101 : vector<8x256xf32> to vector<8x256x1xf32>
    %broadcast_in_dim3A_103 = vector.shape_cast %get3A_33 : vector<256x3xf32> to vector<1x256x3xf32>
    %mul3A_104 = vector.broadcast %broadcast_in_dim3A_103 : vector<1x256x3xf32> to vector<8x256x3xf32>
    %mul3A_105 = arith.mulf %mul3A_104, %reshape3A_86 : vector<8x256x3xf32>
    %reduce_sum3A_106 = arith.constant dense<0.000000e+00> : vector<8x256xf32>
    %reduce_sum3A_107 = vector.multi_reduction <add>, %mul3A_105, %reduce_sum3A_106 [2] : vector<8x256x3xf32> to vector<8x256xf32>
    %broadcast_in_dim3A_108 = vector.shape_cast %reduce_sum3A_107 : vector<8x256xf32> to vector<8x256x1xf32>
    %concatenate3A = tpu.concatenate %sqrt3A, %broadcast_in_dim3A_98, %broadcast_in_dim3A_102, %broadcast_in_dim3A_108 in 2 : vector<8x256x1xf32>, vector<8x256x1xf32>, vector<8x256x1xf32>, vector<8x256x1xf32> -> vector<8x256x4xf32>
    %reshape3A_109 = vector.shape_cast %concatenate3A : vector<8x256x4xf32> to vector<2048x4xf32>
    %dot_general3A_110 = arith.constant dense<0.000000e+00> : vector<2048x64xf32>
    %dot_general3A_111 = tpu.matmul %reshape3A_109, %get3A_71, %dot_general3A_110 {dimension_numbers = #tpu.dot_dimension_numbers<[1], [0], [0], [1], [0, 0, 1, 1], [], []>, precision = #tpu.contract_precision<fp32>, transpose_lhs_hint = false} : vector<2048x4xf32>, vector<4x64xf32>, vector<2048x64xf32> -> vector<2048x64xf32>
    %add3A_112 = vector.broadcast %get3A_74 : vector<1x64xf32> to vector<2048x64xf32>
    %add3A_113 = arith.addf %dot_general3A_111, %add3A_112 : vector<2048x64xf32>
    %max3A = arith.constant 0.000000e+00 : f32
    %max3A_114 = vector.broadcast %max3A : f32 to vector<2048x64xf32>
    %max3A_115 = arith.maximumf %add3A_113, %max3A_114 : vector<2048x64xf32>
    %dot_general3A_116 = arith.constant dense<0.000000e+00> : vector<2048x32xf32>
    %dot_general3A_117 = tpu.matmul %max3A_115, %get3A_77, %dot_general3A_116 {dimension_numbers = #tpu.dot_dimension_numbers<[1], [0], [0], [1], [0, 0, 1, 1], [], []>, precision = #tpu.contract_precision<fp32>, transpose_lhs_hint = false} : vector<2048x64xf32>, vector<64x32xf32>, vector<2048x32xf32> -> vector<2048x32xf32>
    %add3A_118 = vector.broadcast %get3A_80 : vector<1x32xf32> to vector<2048x32xf32>
    %add3A_119 = arith.addf %dot_general3A_117, %add3A_118 : vector<2048x32xf32>
    %max3A_120 = arith.constant 0.000000e+00 : f32
    %max3A_121 = vector.broadcast %max3A_120 : f32 to vector<2048x32xf32>
    %max3A_122 = arith.maximumf %add3A_119, %max3A_121 : vector<2048x32xf32>
    %reshape3A_123 = vector.shape_cast %max3A_122 : vector<2048x32xf32> to vector<8x256x32xf32>
    %reduce_max3A = arith.constant dense<0xFF800000> : vector<256x32xf32>
    %reduce_max3A_124 = vector.multi_reduction <maximumf>, %reshape3A_123, %reduce_max3A [0] : vector<8x256x32xf32> to vector<256x32xf32>
    %get3A_125 = arith.constant 0 : index
    %get3A_126 = arith.constant 0 : index
    %get3A_127 = vector.load %arg19[%get3A_125, %get3A_126] : memref<4x64xf32, #tpu.memory_space<vmem>>, vector<4x64xf32>
    %get3A_128 = arith.constant 0 : index
    %get3A_129 = arith.constant 0 : index
    %get3A_130 = vector.load %arg20[%get3A_128, %get3A_129] : memref<1x64xf32, #tpu.memory_space<vmem>>, vector<1x64xf32>
    %get3A_131 = arith.constant 0 : index
    %get3A_132 = arith.constant 0 : index
    %get3A_133 = vector.load %arg21[%get3A_131, %get3A_132] : memref<96x64xf32, #tpu.memory_space<vmem>>, vector<96x64xf32>
    %get3A_134 = arith.constant 0 : index
    %get3A_135 = arith.constant 0 : index
    %get3A_136 = vector.load %arg22[%get3A_134, %get3A_135] : memref<1x64xf32, #tpu.memory_space<vmem>>, vector<1x64xf32>
    %iota3A_137 = tpu.iota {dimensions = array<i32: 1>} : vector<2048x256xi32>
    %eq3A_138 = vector.broadcast %get3A_58 : vector<2048x1xi32> to vector<2048x256xi32>
    %eq3A_139 = arith.cmpi eq, %iota3A_137, %eq3A_138 : vector<2048x256xi32>
    %convert_element_type3A_140 = arith.extui %eq3A_139 : vector<2048x256xi1> to vector<2048x256xi32>
    %convert_element_type3A_141 = arith.sitofp %convert_element_type3A_140 : vector<2048x256xi32> to vector<2048x256xf32>
    %dot_general3A_142 = arith.constant dense<0.000000e+00> : vector<2048x3xf32>
    %dot_general3A_143 = tpu.matmul %convert_element_type3A_141, %get3A_13, %dot_general3A_142 {dimension_numbers = #tpu.dot_dimension_numbers<[1], [0], [0], [1], [0, 0, 1, 1], [], []>, precision = #tpu.contract_precision<fp32>, transpose_lhs_hint = false} : vector<2048x256xf32>, vector<256x3xf32>, vector<2048x3xf32> -> vector<2048x3xf32>
    %reshape3A_144 = vector.shape_cast %dot_general3A_143 : vector<2048x3xf32> to vector<16x128x3xf32>
    %dot_general3A_145 = arith.constant dense<0.000000e+00> : vector<2048x3xf32>
    %dot_general3A_146 = tpu.matmul %convert_element_type3A_141, %get3A_33, %dot_general3A_145 {dimension_numbers = #tpu.dot_dimension_numbers<[1], [0], [0], [1], [0, 0, 1, 1], [], []>, precision = #tpu.contract_precision<fp32>, transpose_lhs_hint = false} : vector<2048x256xf32>, vector<256x3xf32>, vector<2048x3xf32> -> vector<2048x3xf32>
    %reshape3A_147 = vector.shape_cast %dot_general3A_146 : vector<2048x3xf32> to vector<16x128x3xf32>
    %dot_general3A_148 = arith.constant dense<0.000000e+00> : vector<2048x32xf32>
    %dot_general3A_149 = tpu.matmul %convert_element_type3A_141, %reduce_max3A_124, %dot_general3A_148 {dimension_numbers = #tpu.dot_dimension_numbers<[1], [0], [0], [1], [0, 0, 1, 1], [], []>, precision = #tpu.contract_precision<fp32>, transpose_lhs_hint = false} : vector<2048x256xf32>, vector<256x32xf32>, vector<2048x32xf32> -> vector<2048x32xf32>
    %broadcast_in_dim3A_150 = vector.shape_cast %get3A_18 : vector<128x3xf32> to vector<1x128x3xf32>
    %sub3A_151 = vector.broadcast %broadcast_in_dim3A_150 : vector<1x128x3xf32> to vector<16x128x3xf32>
    %sub3A_152 = arith.subf %reshape3A_144, %sub3A_151 : vector<16x128x3xf32>
    %mul3A_153 = arith.mulf %sub3A_152, %sub3A_152 : vector<16x128x3xf32>
    %reduce_sum3A_154 = arith.constant dense<0.000000e+00> : vector<16x128xf32>
    %reduce_sum3A_155 = vector.multi_reduction <add>, %mul3A_153, %reduce_sum3A_154 [2] : vector<16x128x3xf32> to vector<16x128xf32>
    %broadcast_in_dim3A_156 = vector.shape_cast %reduce_sum3A_155 : vector<16x128xf32> to vector<16x128x1xf32>
    %sqrt3A_157 = math.sqrt %broadcast_in_dim3A_156 : vector<16x128x1xf32>
    %add3A_158 = arith.constant 9.99999993E-9 : f32
    %add3A_159 = vector.broadcast %add3A_158 : f32 to vector<16x128x1xf32>
    %add3A_160 = arith.addf %sqrt3A_157, %add3A_159 : vector<16x128x1xf32>
    %div3A_161 = vector.broadcast %add3A_160 : vector<16x128x1xf32> to vector<16x128x3xf32>
    %div3A_162 = arith.divf %sub3A_152, %div3A_161 : vector<16x128x3xf32>
    %broadcast_in_dim3A_163 = vector.shape_cast %get3A_38 : vector<128x3xf32> to vector<1x128x3xf32>
    %mul3A_164 = vector.broadcast %broadcast_in_dim3A_163 : vector<1x128x3xf32> to vector<16x128x3xf32>
    %mul3A_165 = arith.mulf %div3A_162, %mul3A_164 : vector<16x128x3xf32>
    %reduce_sum3A_166 = arith.constant dense<0.000000e+00> : vector<16x128xf32>
    %reduce_sum3A_167 = vector.multi_reduction <add>, %mul3A_165, %reduce_sum3A_166 [2] : vector<16x128x3xf32> to vector<16x128xf32>
    %broadcast_in_dim3A_168 = vector.shape_cast %reduce_sum3A_167 : vector<16x128xf32> to vector<16x128x1xf32>
    %mul3A_169 = arith.mulf %div3A_162, %reshape3A_147 : vector<16x128x3xf32>
    %reduce_sum3A_170 = arith.constant dense<0.000000e+00> : vector<16x128xf32>
    %reduce_sum3A_171 = vector.multi_reduction <add>, %mul3A_169, %reduce_sum3A_170 [2] : vector<16x128x3xf32> to vector<16x128xf32>
    %broadcast_in_dim3A_172 = vector.shape_cast %reduce_sum3A_171 : vector<16x128xf32> to vector<16x128x1xf32>
    %broadcast_in_dim3A_173 = vector.shape_cast %get3A_38 : vector<128x3xf32> to vector<1x128x3xf32>
    %mul3A_174 = vector.broadcast %broadcast_in_dim3A_173 : vector<1x128x3xf32> to vector<16x128x3xf32>
    %mul3A_175 = arith.mulf %mul3A_174, %reshape3A_147 : vector<16x128x3xf32>
    %reduce_sum3A_176 = arith.constant dense<0.000000e+00> : vector<16x128xf32>
    %reduce_sum3A_177 = vector.multi_reduction <add>, %mul3A_175, %reduce_sum3A_176 [2] : vector<16x128x3xf32> to vector<16x128xf32>
    %broadcast_in_dim3A_178 = vector.shape_cast %reduce_sum3A_177 : vector<16x128xf32> to vector<16x128x1xf32>
    %concatenate3A_179 = tpu.concatenate %sqrt3A_157, %broadcast_in_dim3A_168, %broadcast_in_dim3A_172, %broadcast_in_dim3A_178 in 2 : vector<16x128x1xf32>, vector<16x128x1xf32>, vector<16x128x1xf32>, vector<16x128x1xf32> -> vector<16x128x4xf32>
    %reshape3A_180 = vector.shape_cast %concatenate3A_179 : vector<16x128x4xf32> to vector<2048x4xf32>
    %dot_general3A_181 = arith.constant dense<0.000000e+00> : vector<2048x64xf32>
    %dot_general3A_182 = tpu.matmul %reshape3A_180, %get3A_127, %dot_general3A_181 {dimension_numbers = #tpu.dot_dimension_numbers<[1], [0], [0], [1], [0, 0, 1, 1], [], []>, precision = #tpu.contract_precision<fp32>, transpose_lhs_hint = false} : vector<2048x4xf32>, vector<4x64xf32>, vector<2048x64xf32> -> vector<2048x64xf32>
    %add3A_183 = vector.broadcast %get3A_130 : vector<1x64xf32> to vector<2048x64xf32>
    %add3A_184 = arith.addf %dot_general3A_182, %add3A_183 : vector<2048x64xf32>
    %max3A_185 = arith.constant 0.000000e+00 : f32
    %max3A_186 = vector.broadcast %max3A_185 : f32 to vector<2048x64xf32>
    %max3A_187 = arith.maximumf %add3A_184, %max3A_186 : vector<2048x64xf32>
    %slice3A = vector.extract_strided_slice %get3A_133 {offsets = [0, 0], sizes = [64, 64], strides = [1, 1]} : vector<96x64xf32> to vector<64x64xf32>
    %dot_general3A_188 = arith.constant dense<0.000000e+00> : vector<2048x64xf32>
    %dot_general3A_189 = tpu.matmul %max3A_187, %slice3A, %dot_general3A_188 {dimension_numbers = #tpu.dot_dimension_numbers<[1], [0], [0], [1], [0, 0, 1, 1], [], []>, precision = #tpu.contract_precision<fp32>, transpose_lhs_hint = false} : vector<2048x64xf32>, vector<64x64xf32>, vector<2048x64xf32> -> vector<2048x64xf32>
    %slice3A_190 = vector.extract_strided_slice %get3A_133 {offsets = [64, 0], sizes = [32, 64], strides = [1, 1]} : vector<96x64xf32> to vector<32x64xf32>
    %dot_general3A_191 = arith.constant dense<0.000000e+00> : vector<2048x64xf32>
    %dot_general3A_192 = tpu.matmul %dot_general3A_149, %slice3A_190, %dot_general3A_191 {dimension_numbers = #tpu.dot_dimension_numbers<[1], [0], [0], [1], [0, 0, 1, 1], [], []>, precision = #tpu.contract_precision<fp32>, transpose_lhs_hint = false} : vector<2048x32xf32>, vector<32x64xf32>, vector<2048x64xf32> -> vector<2048x64xf32>
    %add3A_193 = arith.addf %dot_general3A_189, %dot_general3A_192 : vector<2048x64xf32>
    %add3A_194 = vector.broadcast %get3A_136 : vector<1x64xf32> to vector<2048x64xf32>
    %add3A_195 = arith.addf %add3A_193, %add3A_194 : vector<2048x64xf32>
    %max3A_196 = arith.constant 0.000000e+00 : f32
    %max3A_197 = vector.broadcast %max3A_196 : f32 to vector<2048x64xf32>
    %max3A_198 = arith.maximumf %add3A_195, %max3A_197 : vector<2048x64xf32>
    %reshape3A_199 = vector.shape_cast %max3A_198 : vector<2048x64xf32> to vector<16x128x64xf32>
    %reduce_max3A_200 = arith.constant dense<0xFF800000> : vector<128x64xf32>
    %reduce_max3A_201 = vector.multi_reduction <maximumf>, %reshape3A_199, %reduce_max3A_200 [0] : vector<16x128x64xf32> to vector<128x64xf32>
    %get3A_202 = arith.constant 0 : index
    %get3A_203 = arith.constant 0 : index
    %get3A_204 = vector.load %arg23[%get3A_202, %get3A_203] : memref<4x64xf32, #tpu.memory_space<vmem>>, vector<4x64xf32>
    %get3A_205 = arith.constant 0 : index
    %get3A_206 = arith.constant 0 : index
    %get3A_207 = vector.load %arg24[%get3A_205, %get3A_206] : memref<1x64xf32, #tpu.memory_space<vmem>>, vector<1x64xf32>
    %get3A_208 = arith.constant 0 : index
    %get3A_209 = arith.constant 0 : index
    %get3A_210 = vector.load %arg25[%get3A_208, %get3A_209] : memref<128x128xf32, #tpu.memory_space<vmem>>, vector<128x128xf32>
    %get3A_211 = arith.constant 0 : index
    %get3A_212 = arith.constant 0 : index
    %get3A_213 = vector.load %arg26[%get3A_211, %get3A_212] : memref<1x128xf32, #tpu.memory_space<vmem>>, vector<1x128xf32>
    %iota3A_214 = tpu.iota {dimensions = array<i32: 1>} : vector<2048x128xi32>
    %eq3A_215 = vector.broadcast %get3A_63 : vector<2048x1xi32> to vector<2048x128xi32>
    %eq3A_216 = arith.cmpi eq, %iota3A_214, %eq3A_215 : vector<2048x128xi32>
    %convert_element_type3A_217 = arith.extui %eq3A_216 : vector<2048x128xi1> to vector<2048x128xi32>
    %convert_element_type3A_218 = arith.sitofp %convert_element_type3A_217 : vector<2048x128xi32> to vector<2048x128xf32>
    %dot_general3A_219 = arith.constant dense<0.000000e+00> : vector<2048x3xf32>
    %dot_general3A_220 = tpu.matmul %convert_element_type3A_218, %get3A_18, %dot_general3A_219 {dimension_numbers = #tpu.dot_dimension_numbers<[1], [0], [0], [1], [0, 0, 1, 1], [], []>, precision = #tpu.contract_precision<fp32>, transpose_lhs_hint = false} : vector<2048x128xf32>, vector<128x3xf32>, vector<2048x3xf32> -> vector<2048x3xf32>
    %reshape3A_221 = vector.shape_cast %dot_general3A_220 : vector<2048x3xf32> to vector<32x64x3xf32>
    %dot_general3A_222 = arith.constant dense<0.000000e+00> : vector<2048x3xf32>
    %dot_general3A_223 = tpu.matmul %convert_element_type3A_218, %get3A_38, %dot_general3A_222 {dimension_numbers = #tpu.dot_dimension_numbers<[1], [0], [0], [1], [0, 0, 1, 1], [], []>, precision = #tpu.contract_precision<fp32>, transpose_lhs_hint = false} : vector<2048x128xf32>, vector<128x3xf32>, vector<2048x3xf32> -> vector<2048x3xf32>
    %reshape3A_224 = vector.shape_cast %dot_general3A_223 : vector<2048x3xf32> to vector<32x64x3xf32>
    %dot_general3A_225 = arith.constant dense<0.000000e+00> : vector<2048x64xf32>
    %dot_general3A_226 = tpu.matmul %convert_element_type3A_218, %reduce_max3A_201, %dot_general3A_225 {dimension_numbers = #tpu.dot_dimension_numbers<[1], [0], [0], [1], [0, 0, 1, 1], [], []>, precision = #tpu.contract_precision<fp32>, transpose_lhs_hint = false} : vector<2048x128xf32>, vector<128x64xf32>, vector<2048x64xf32> -> vector<2048x64xf32>
    %broadcast_in_dim3A_227 = vector.shape_cast %get3A_23 : vector<64x3xf32> to vector<1x64x3xf32>
    %sub3A_228 = vector.broadcast %broadcast_in_dim3A_227 : vector<1x64x3xf32> to vector<32x64x3xf32>
    %sub3A_229 = arith.subf %reshape3A_221, %sub3A_228 : vector<32x64x3xf32>
    %mul3A_230 = arith.mulf %sub3A_229, %sub3A_229 : vector<32x64x3xf32>
    %reduce_sum3A_231 = arith.constant dense<0.000000e+00> : vector<32x64xf32>
    %reduce_sum3A_232 = vector.multi_reduction <add>, %mul3A_230, %reduce_sum3A_231 [2] : vector<32x64x3xf32> to vector<32x64xf32>
    %broadcast_in_dim3A_233 = vector.shape_cast %reduce_sum3A_232 : vector<32x64xf32> to vector<32x64x1xf32>
    %sqrt3A_234 = math.sqrt %broadcast_in_dim3A_233 : vector<32x64x1xf32>
    %add3A_235 = arith.constant 9.99999993E-9 : f32
    %add3A_236 = vector.broadcast %add3A_235 : f32 to vector<32x64x1xf32>
    %add3A_237 = arith.addf %sqrt3A_234, %add3A_236 : vector<32x64x1xf32>
    %div3A_238 = vector.broadcast %add3A_237 : vector<32x64x1xf32> to vector<32x64x3xf32>
    %div3A_239 = arith.divf %sub3A_229, %div3A_238 : vector<32x64x3xf32>
    %broadcast_in_dim3A_240 = vector.shape_cast %get3A_43 : vector<64x3xf32> to vector<1x64x3xf32>
    %mul3A_241 = vector.broadcast %broadcast_in_dim3A_240 : vector<1x64x3xf32> to vector<32x64x3xf32>
    %mul3A_242 = arith.mulf %div3A_239, %mul3A_241 : vector<32x64x3xf32>
    %reduce_sum3A_243 = arith.constant dense<0.000000e+00> : vector<32x64xf32>
    %reduce_sum3A_244 = vector.multi_reduction <add>, %mul3A_242, %reduce_sum3A_243 [2] : vector<32x64x3xf32> to vector<32x64xf32>
    %broadcast_in_dim3A_245 = vector.shape_cast %reduce_sum3A_244 : vector<32x64xf32> to vector<32x64x1xf32>
    %mul3A_246 = arith.mulf %div3A_239, %reshape3A_224 : vector<32x64x3xf32>
    %reduce_sum3A_247 = arith.constant dense<0.000000e+00> : vector<32x64xf32>
    %reduce_sum3A_248 = vector.multi_reduction <add>, %mul3A_246, %reduce_sum3A_247 [2] : vector<32x64x3xf32> to vector<32x64xf32>
    %broadcast_in_dim3A_249 = vector.shape_cast %reduce_sum3A_248 : vector<32x64xf32> to vector<32x64x1xf32>
    %broadcast_in_dim3A_250 = vector.shape_cast %get3A_43 : vector<64x3xf32> to vector<1x64x3xf32>
    %mul3A_251 = vector.broadcast %broadcast_in_dim3A_250 : vector<1x64x3xf32> to vector<32x64x3xf32>
    %mul3A_252 = arith.mulf %mul3A_251, %reshape3A_224 : vector<32x64x3xf32>
    %reduce_sum3A_253 = arith.constant dense<0.000000e+00> : vector<32x64xf32>
    %reduce_sum3A_254 = vector.multi_reduction <add>, %mul3A_252, %reduce_sum3A_253 [2] : vector<32x64x3xf32> to vector<32x64xf32>
    %broadcast_in_dim3A_255 = vector.shape_cast %reduce_sum3A_254 : vector<32x64xf32> to vector<32x64x1xf32>
    %concatenate3A_256 = tpu.concatenate %sqrt3A_234, %broadcast_in_dim3A_245, %broadcast_in_dim3A_249, %broadcast_in_dim3A_255 in 2 : vector<32x64x1xf32>, vector<32x64x1xf32>, vector<32x64x1xf32>, vector<32x64x1xf32> -> vector<32x64x4xf32>
    %reshape3A_257 = vector.shape_cast %concatenate3A_256 : vector<32x64x4xf32> to vector<2048x4xf32>
    %dot_general3A_258 = arith.constant dense<0.000000e+00> : vector<2048x64xf32>
    %dot_general3A_259 = tpu.matmul %reshape3A_257, %get3A_204, %dot_general3A_258 {dimension_numbers = #tpu.dot_dimension_numbers<[1], [0], [0], [1], [0, 0, 1, 1], [], []>, precision = #tpu.contract_precision<fp32>, transpose_lhs_hint = false} : vector<2048x4xf32>, vector<4x64xf32>, vector<2048x64xf32> -> vector<2048x64xf32>
    %add3A_260 = vector.broadcast %get3A_207 : vector<1x64xf32> to vector<2048x64xf32>
    %add3A_261 = arith.addf %dot_general3A_259, %add3A_260 : vector<2048x64xf32>
    %max3A_262 = arith.constant 0.000000e+00 : f32
    %max3A_263 = vector.broadcast %max3A_262 : f32 to vector<2048x64xf32>
    %max3A_264 = arith.maximumf %add3A_261, %max3A_263 : vector<2048x64xf32>
    %slice3A_265 = vector.extract_strided_slice %get3A_210 {offsets = [0, 0], sizes = [64, 128], strides = [1, 1]} : vector<128x128xf32> to vector<64x128xf32>
    %dot_general3A_266 = arith.constant dense<0.000000e+00> : vector<2048x128xf32>
    %dot_general3A_267 = tpu.matmul %max3A_264, %slice3A_265, %dot_general3A_266 {dimension_numbers = #tpu.dot_dimension_numbers<[1], [0], [0], [1], [0, 0, 1, 1], [], []>, precision = #tpu.contract_precision<fp32>, transpose_lhs_hint = false} : vector<2048x64xf32>, vector<64x128xf32>, vector<2048x128xf32> -> vector<2048x128xf32>
    %slice3A_268 = vector.extract_strided_slice %get3A_210 {offsets = [64, 0], sizes = [64, 128], strides = [1, 1]} : vector<128x128xf32> to vector<64x128xf32>
    %dot_general3A_269 = arith.constant dense<0.000000e+00> : vector<2048x128xf32>
    %dot_general3A_270 = tpu.matmul %dot_general3A_226, %slice3A_268, %dot_general3A_269 {dimension_numbers = #tpu.dot_dimension_numbers<[1], [0], [0], [1], [0, 0, 1, 1], [], []>, precision = #tpu.contract_precision<fp32>, transpose_lhs_hint = false} : vector<2048x64xf32>, vector<64x128xf32>, vector<2048x128xf32> -> vector<2048x128xf32>
    %add3A_271 = arith.addf %dot_general3A_267, %dot_general3A_270 : vector<2048x128xf32>
    %add3A_272 = vector.broadcast %get3A_213 : vector<1x128xf32> to vector<2048x128xf32>
    %add3A_273 = arith.addf %add3A_271, %add3A_272 : vector<2048x128xf32>
    %max3A_274 = arith.constant 0.000000e+00 : f32
    %max3A_275 = vector.broadcast %max3A_274 : f32 to vector<2048x128xf32>
    %max3A_276 = arith.maximumf %add3A_273, %max3A_275 : vector<2048x128xf32>
    %reshape3A_277 = vector.shape_cast %max3A_276 : vector<2048x128xf32> to vector<32x64x128xf32>
    %reduce_max3A_278 = arith.constant dense<0xFF800000> : vector<64x128xf32>
    %reduce_max3A_279 = vector.multi_reduction <maximumf>, %reshape3A_277, %reduce_max3A_278 [0] : vector<32x64x128xf32> to vector<64x128xf32>
    %get3A_280 = arith.constant 0 : index
    %get3A_281 = arith.constant 0 : index
    %get3A_282 = vector.load %arg27[%get3A_280, %get3A_281] : memref<4x64xf32, #tpu.memory_space<vmem>>, vector<4x64xf32>
    %get3A_283 = arith.constant 0 : index
    %get3A_284 = arith.constant 0 : index
    %get3A_285 = vector.load %arg28[%get3A_283, %get3A_284] : memref<1x64xf32, #tpu.memory_space<vmem>>, vector<1x64xf32>
    %get3A_286 = arith.constant 0 : index
    %get3A_287 = arith.constant 0 : index
    %get3A_288 = vector.load %arg29[%get3A_286, %get3A_287] : memref<192x256xf32, #tpu.memory_space<vmem>>, vector<192x256xf32>
    %get3A_289 = arith.constant 0 : index
    %get3A_290 = arith.constant 0 : index
    %get3A_291 = vector.load %arg30[%get3A_289, %get3A_290] : memref<1x256xf32, #tpu.memory_space<vmem>>, vector<1x256xf32>
    %iota3A_292 = tpu.iota {dimensions = array<i32: 1>} : vector<1024x64xi32>
    %eq3A_293 = vector.broadcast %get3A_68 : vector<1024x1xi32> to vector<1024x64xi32>
    %eq3A_294 = arith.cmpi eq, %iota3A_292, %eq3A_293 : vector<1024x64xi32>
    %convert_element_type3A_295 = arith.extui %eq3A_294 : vector<1024x64xi1> to vector<1024x64xi32>
    %convert_element_type3A_296 = arith.sitofp %convert_element_type3A_295 : vector<1024x64xi32> to vector<1024x64xf32>
    %dot_general3A_297 = arith.constant dense<0.000000e+00> : vector<1024x3xf32>
    %dot_general3A_298 = tpu.matmul %convert_element_type3A_296, %get3A_23, %dot_general3A_297 {dimension_numbers = #tpu.dot_dimension_numbers<[1], [0], [0], [1], [0, 0, 1, 1], [], []>, precision = #tpu.contract_precision<fp32>, transpose_lhs_hint = false} : vector<1024x64xf32>, vector<64x3xf32>, vector<1024x3xf32> -> vector<1024x3xf32>
    %reshape3A_299 = vector.shape_cast %dot_general3A_298 : vector<1024x3xf32> to vector<32x32x3xf32>
    %dot_general3A_300 = arith.constant dense<0.000000e+00> : vector<1024x3xf32>
    %dot_general3A_301 = tpu.matmul %convert_element_type3A_296, %get3A_43, %dot_general3A_300 {dimension_numbers = #tpu.dot_dimension_numbers<[1], [0], [0], [1], [0, 0, 1, 1], [], []>, precision = #tpu.contract_precision<fp32>, transpose_lhs_hint = false} : vector<1024x64xf32>, vector<64x3xf32>, vector<1024x3xf32> -> vector<1024x3xf32>
    %reshape3A_302 = vector.shape_cast %dot_general3A_301 : vector<1024x3xf32> to vector<32x32x3xf32>
    %dot_general3A_303 = arith.constant dense<0.000000e+00> : vector<1024x128xf32>
    %dot_general3A_304 = tpu.matmul %convert_element_type3A_296, %reduce_max3A_279, %dot_general3A_303 {dimension_numbers = #tpu.dot_dimension_numbers<[1], [0], [0], [1], [0, 0, 1, 1], [], []>, precision = #tpu.contract_precision<fp32>, transpose_lhs_hint = false} : vector<1024x64xf32>, vector<64x128xf32>, vector<1024x128xf32> -> vector<1024x128xf32>
    %broadcast_in_dim3A_305 = vector.shape_cast %get3A_28 : vector<32x3xf32> to vector<1x32x3xf32>
    %sub3A_306 = vector.broadcast %broadcast_in_dim3A_305 : vector<1x32x3xf32> to vector<32x32x3xf32>
    %sub3A_307 = arith.subf %reshape3A_299, %sub3A_306 : vector<32x32x3xf32>
    %mul3A_308 = arith.mulf %sub3A_307, %sub3A_307 : vector<32x32x3xf32>
    %reduce_sum3A_309 = arith.constant dense<0.000000e+00> : vector<32x32xf32>
    %reduce_sum3A_310 = vector.multi_reduction <add>, %mul3A_308, %reduce_sum3A_309 [2] : vector<32x32x3xf32> to vector<32x32xf32>
    %broadcast_in_dim3A_311 = vector.shape_cast %reduce_sum3A_310 : vector<32x32xf32> to vector<32x32x1xf32>
    %sqrt3A_312 = math.sqrt %broadcast_in_dim3A_311 : vector<32x32x1xf32>
    %add3A_313 = arith.constant 9.99999993E-9 : f32
    %add3A_314 = vector.broadcast %add3A_313 : f32 to vector<32x32x1xf32>
    %add3A_315 = arith.addf %sqrt3A_312, %add3A_314 : vector<32x32x1xf32>
    %div3A_316 = vector.broadcast %add3A_315 : vector<32x32x1xf32> to vector<32x32x3xf32>
    %div3A_317 = arith.divf %sub3A_307, %div3A_316 : vector<32x32x3xf32>
    %broadcast_in_dim3A_318 = vector.shape_cast %get3A_48 : vector<32x3xf32> to vector<1x32x3xf32>
    %mul3A_319 = vector.broadcast %broadcast_in_dim3A_318 : vector<1x32x3xf32> to vector<32x32x3xf32>
    %mul3A_320 = arith.mulf %div3A_317, %mul3A_319 : vector<32x32x3xf32>
    %reduce_sum3A_321 = arith.constant dense<0.000000e+00> : vector<32x32xf32>
    %reduce_sum3A_322 = vector.multi_reduction <add>, %mul3A_320, %reduce_sum3A_321 [2] : vector<32x32x3xf32> to vector<32x32xf32>
    %broadcast_in_dim3A_323 = vector.shape_cast %reduce_sum3A_322 : vector<32x32xf32> to vector<32x32x1xf32>
    %mul3A_324 = arith.mulf %div3A_317, %reshape3A_302 : vector<32x32x3xf32>
    %reduce_sum3A_325 = arith.constant dense<0.000000e+00> : vector<32x32xf32>
    %reduce_sum3A_326 = vector.multi_reduction <add>, %mul3A_324, %reduce_sum3A_325 [2] : vector<32x32x3xf32> to vector<32x32xf32>
    %broadcast_in_dim3A_327 = vector.shape_cast %reduce_sum3A_326 : vector<32x32xf32> to vector<32x32x1xf32>
    %broadcast_in_dim3A_328 = vector.shape_cast %get3A_48 : vector<32x3xf32> to vector<1x32x3xf32>
    %mul3A_329 = vector.broadcast %broadcast_in_dim3A_328 : vector<1x32x3xf32> to vector<32x32x3xf32>
    %mul3A_330 = arith.mulf %mul3A_329, %reshape3A_302 : vector<32x32x3xf32>
    %reduce_sum3A_331 = arith.constant dense<0.000000e+00> : vector<32x32xf32>
    %reduce_sum3A_332 = vector.multi_reduction <add>, %mul3A_330, %reduce_sum3A_331 [2] : vector<32x32x3xf32> to vector<32x32xf32>
    %broadcast_in_dim3A_333 = vector.shape_cast %reduce_sum3A_332 : vector<32x32xf32> to vector<32x32x1xf32>
    %concatenate3A_334 = tpu.concatenate %sqrt3A_312, %broadcast_in_dim3A_323, %broadcast_in_dim3A_327, %broadcast_in_dim3A_333 in 2 : vector<32x32x1xf32>, vector<32x32x1xf32>, vector<32x32x1xf32>, vector<32x32x1xf32> -> vector<32x32x4xf32>
    %reshape3A_335 = vector.shape_cast %concatenate3A_334 : vector<32x32x4xf32> to vector<1024x4xf32>
    %dot_general3A_336 = arith.constant dense<0.000000e+00> : vector<1024x64xf32>
    %dot_general3A_337 = tpu.matmul %reshape3A_335, %get3A_282, %dot_general3A_336 {dimension_numbers = #tpu.dot_dimension_numbers<[1], [0], [0], [1], [0, 0, 1, 1], [], []>, precision = #tpu.contract_precision<fp32>, transpose_lhs_hint = false} : vector<1024x4xf32>, vector<4x64xf32>, vector<1024x64xf32> -> vector<1024x64xf32>
    %add3A_338 = vector.broadcast %get3A_285 : vector<1x64xf32> to vector<1024x64xf32>
    %add3A_339 = arith.addf %dot_general3A_337, %add3A_338 : vector<1024x64xf32>
    %max3A_340 = arith.constant 0.000000e+00 : f32
    %max3A_341 = vector.broadcast %max3A_340 : f32 to vector<1024x64xf32>
    %max3A_342 = arith.maximumf %add3A_339, %max3A_341 : vector<1024x64xf32>
    %slice3A_343 = vector.extract_strided_slice %get3A_288 {offsets = [0, 0], sizes = [64, 256], strides = [1, 1]} : vector<192x256xf32> to vector<64x256xf32>
    %dot_general3A_344 = arith.constant dense<0.000000e+00> : vector<1024x256xf32>
    %dot_general3A_345 = tpu.matmul %max3A_342, %slice3A_343, %dot_general3A_344 {dimension_numbers = #tpu.dot_dimension_numbers<[1], [0], [0], [1], [0, 0, 1, 1], [], []>, precision = #tpu.contract_precision<fp32>, transpose_lhs_hint = false} : vector<1024x64xf32>, vector<64x256xf32>, vector<1024x256xf32> -> vector<1024x256xf32>
    %slice3A_346 = vector.extract_strided_slice %get3A_288 {offsets = [64, 0], sizes = [128, 256], strides = [1, 1]} : vector<192x256xf32> to vector<128x256xf32>
    %dot_general3A_347 = arith.constant dense<0.000000e+00> : vector<1024x256xf32>
    %dot_general3A_348 = tpu.matmul %dot_general3A_304, %slice3A_346, %dot_general3A_347 {dimension_numbers = #tpu.dot_dimension_numbers<[1], [0], [0], [1], [0, 0, 1, 1], [], []>, precision = #tpu.contract_precision<fp32>, transpose_lhs_hint = false} : vector<1024x128xf32>, vector<128x256xf32>, vector<1024x256xf32> -> vector<1024x256xf32>
    %add3A_349 = arith.addf %dot_general3A_345, %dot_general3A_348 : vector<1024x256xf32>
    %add3A_350 = vector.broadcast %get3A_291 : vector<1x256xf32> to vector<1024x256xf32>
    %add3A_351 = arith.addf %add3A_349, %add3A_350 : vector<1024x256xf32>
    %max3A_352 = arith.constant 0.000000e+00 : f32
    %max3A_353 = vector.broadcast %max3A_352 : f32 to vector<1024x256xf32>
    %max3A_354 = arith.maximumf %add3A_351, %max3A_353 : vector<1024x256xf32>
    %reshape3A_355 = vector.shape_cast %max3A_354 : vector<1024x256xf32> to vector<32x32x256xf32>
    %reduce_max3A_356 = arith.constant dense<0xFF800000> : vector<32x256xf32>
    %reduce_max3A_357 = vector.multi_reduction <maximumf>, %reshape3A_355, %reduce_max3A_356 [0] : vector<32x32x256xf32> to vector<32x256xf32>
    %reduce_sum3A_358 = arith.constant dense<0.000000e+00> : vector<3xf32>
    %reduce_sum3A_359 = vector.multi_reduction <add>, %get3A_28, %reduce_sum3A_358 [0] : vector<32x3xf32> to vector<3xf32>
    %broadcast_in_dim3A_360 = vector.shape_cast %reduce_sum3A_359 : vector<3xf32> to vector<1x3xf32>
    %div3A_361 = arith.constant 3.200000e+01 : f32
    %div3A_362 = vector.broadcast %div3A_361 : f32 to vector<1x3xf32>
    %div3A_363 = arith.divf %broadcast_in_dim3A_360, %div3A_362 : vector<1x3xf32>
    %reduce_sum3A_364 = arith.constant dense<0.000000e+00> : vector<3xf32>
    %reduce_sum3A_365 = vector.multi_reduction <add>, %get3A_48, %reduce_sum3A_364 [0] : vector<32x3xf32> to vector<3xf32>
    %broadcast_in_dim3A_366 = vector.shape_cast %reduce_sum3A_365 : vector<3xf32> to vector<1x3xf32>
    %mul3A_367 = arith.mulf %broadcast_in_dim3A_366, %broadcast_in_dim3A_366 : vector<1x3xf32>
    %reduce_sum3A_368 = arith.constant dense<0.000000e+00> : vector<1xf32>
    %reduce_sum3A_369 = vector.multi_reduction <add>, %mul3A_367, %reduce_sum3A_368 [1] : vector<1x3xf32> to vector<1xf32>
    %broadcast_in_dim3A_370 = vector.shape_cast %reduce_sum3A_369 : vector<1xf32> to vector<1x1xf32>
    %sqrt3A_371 = math.sqrt %broadcast_in_dim3A_370 : vector<1x1xf32>
    %add3A_372 = arith.constant 9.99999993E-9 : f32
    %add3A_373 = vector.broadcast %add3A_372 : f32 to vector<1x1xf32>
    %add3A_374 = arith.addf %sqrt3A_371, %add3A_373 : vector<1x1xf32>
    %div3A_375 = vector.broadcast %add3A_374 : vector<1x1xf32> to vector<1x3xf32>
    %div3A_376 = arith.divf %broadcast_in_dim3A_366, %div3A_375 : vector<1x3xf32>
    %sub3A_377 = vector.broadcast %div3A_363 : vector<1x3xf32> to vector<32x3xf32>
    %sub3A_378 = arith.subf %get3A_28, %sub3A_377 : vector<32x3xf32>
    %mul3A_379 = arith.mulf %sub3A_378, %sub3A_378 : vector<32x3xf32>
    %reduce_sum3A_380 = arith.constant dense<0.000000e+00> : vector<32xf32>
    %reduce_sum3A_381 = vector.multi_reduction <add>, %mul3A_379, %reduce_sum3A_380 [1] : vector<32x3xf32> to vector<32xf32>
    %broadcast_in_dim3A_382 = vector.shape_cast %reduce_sum3A_381 : vector<32xf32> to vector<32x1xf32>
    %sqrt3A_383 = math.sqrt %broadcast_in_dim3A_382 : vector<32x1xf32>
    %add3A_384 = arith.constant 9.99999993E-9 : f32
    %add3A_385 = vector.broadcast %add3A_384 : f32 to vector<32x1xf32>
    %add3A_386 = arith.addf %sqrt3A_383, %add3A_385 : vector<32x1xf32>
    %div3A_387 = vector.broadcast %add3A_386 : vector<32x1xf32> to vector<32x3xf32>
    %div3A_388 = arith.divf %sub3A_378, %div3A_387 : vector<32x3xf32>
    %mul3A_389 = vector.broadcast %div3A_376 : vector<1x3xf32> to vector<32x3xf32>
    %mul3A_390 = arith.mulf %div3A_388, %mul3A_389 : vector<32x3xf32>
    %reduce_sum3A_391 = arith.constant dense<0.000000e+00> : vector<32xf32>
    %reduce_sum3A_392 = vector.multi_reduction <add>, %mul3A_390, %reduce_sum3A_391 [1] : vector<32x3xf32> to vector<32xf32>
    %broadcast_in_dim3A_393 = vector.shape_cast %reduce_sum3A_392 : vector<32xf32> to vector<32x1xf32>
    %mul3A_394 = arith.mulf %div3A_388, %get3A_48 : vector<32x3xf32>
    %reduce_sum3A_395 = arith.constant dense<0.000000e+00> : vector<32xf32>
    %reduce_sum3A_396 = vector.multi_reduction <add>, %mul3A_394, %reduce_sum3A_395 [1] : vector<32x3xf32> to vector<32xf32>
    %broadcast_in_dim3A_397 = vector.shape_cast %reduce_sum3A_396 : vector<32xf32> to vector<32x1xf32>
    %mul3A_398 = vector.broadcast %div3A_376 : vector<1x3xf32> to vector<32x3xf32>
    %mul3A_399 = arith.mulf %mul3A_398, %get3A_48 : vector<32x3xf32>
    %reduce_sum3A_400 = arith.constant dense<0.000000e+00> : vector<32xf32>
    %reduce_sum3A_401 = vector.multi_reduction <add>, %mul3A_399, %reduce_sum3A_400 [1] : vector<32x3xf32> to vector<32xf32>
    %broadcast_in_dim3A_402 = vector.shape_cast %reduce_sum3A_401 : vector<32xf32> to vector<32x1xf32>
    %concatenate3A_403 = tpu.concatenate %sqrt3A_383, %broadcast_in_dim3A_393, %broadcast_in_dim3A_397, %broadcast_in_dim3A_402 in 1 : vector<32x1xf32>, vector<32x1xf32>, vector<32x1xf32>, vector<32x1xf32> -> vector<32x4xf32>
    %get3A_404 = arith.constant 0 : index
    %get3A_405 = arith.constant 0 : index
    %get3A_406 = vector.load %arg31[%get3A_404, %get3A_405] : memref<4x64xf32, #tpu.memory_space<vmem>>, vector<4x64xf32>
    %dot_general3A_407 = arith.constant dense<0.000000e+00> : vector<32x64xf32>
    %dot_general3A_408 = tpu.matmul %concatenate3A_403, %get3A_406, %dot_general3A_407 {dimension_numbers = #tpu.dot_dimension_numbers<[1], [0], [0], [1], [0, 0, 1, 1], [], []>, precision = #tpu.contract_precision<fp32>, transpose_lhs_hint = false} : vector<32x4xf32>, vector<4x64xf32>, vector<32x64xf32> -> vector<32x64xf32>
    %get3A_409 = arith.constant 0 : index
    %get3A_410 = arith.constant 0 : index
    %get3A_411 = vector.load %arg32[%get3A_409, %get3A_410] : memref<1x64xf32, #tpu.memory_space<vmem>>, vector<1x64xf32>
    %add3A_412 = vector.broadcast %get3A_411 : vector<1x64xf32> to vector<32x64xf32>
    %add3A_413 = arith.addf %dot_general3A_408, %add3A_412 : vector<32x64xf32>
    %max3A_414 = arith.constant 0.000000e+00 : f32
    %max3A_415 = vector.broadcast %max3A_414 : f32 to vector<32x64xf32>
    %max3A_416 = arith.maximumf %add3A_413, %max3A_415 : vector<32x64xf32>
    %get3A_417 = arith.constant 0 : index
    %get3A_418 = arith.constant 0 : index
    %get3A_419 = vector.load %arg33[%get3A_417, %get3A_418] : memref<320x512xf32, #tpu.memory_space<vmem>>, vector<64x512xf32>
    %dot_general3A_420 = arith.constant dense<0.000000e+00> : vector<32x512xf32>
    %dot_general3A_421 = tpu.matmul %max3A_416, %get3A_419, %dot_general3A_420 {dimension_numbers = #tpu.dot_dimension_numbers<[1], [0], [0], [1], [0, 0, 1, 1], [], []>, precision = #tpu.contract_precision<fp32>, transpose_lhs_hint = false} : vector<32x64xf32>, vector<64x512xf32>, vector<32x512xf32> -> vector<32x512xf32>
    %get3A_422 = arith.constant 64 : index
    %get3A_423 = arith.constant 0 : index
    %get3A_424 = vector.load %arg33[%get3A_422, %get3A_423] : memref<320x512xf32, #tpu.memory_space<vmem>>, vector<256x512xf32>
    %dot_general3A_425 = arith.constant dense<0.000000e+00> : vector<32x512xf32>
    %dot_general3A_426 = tpu.matmul %reduce_max3A_357, %get3A_424, %dot_general3A_425 {dimension_numbers = #tpu.dot_dimension_numbers<[1], [0], [0], [1], [0, 0, 1, 1], [], []>, precision = #tpu.contract_precision<fp32>, transpose_lhs_hint = false} : vector<32x256xf32>, vector<256x512xf32>, vector<32x512xf32> -> vector<32x512xf32>
    %add3A_427 = arith.addf %dot_general3A_421, %dot_general3A_426 : vector<32x512xf32>
    %get3A_428 = arith.constant 0 : index
    %get3A_429 = arith.constant 0 : index
    %get3A_430 = vector.load %arg34[%get3A_428, %get3A_429] : memref<1x512xf32, #tpu.memory_space<vmem>>, vector<1x512xf32>
    %add3A_431 = vector.broadcast %get3A_430 : vector<1x512xf32> to vector<32x512xf32>
    %add3A_432 = arith.addf %add3A_427, %add3A_431 : vector<32x512xf32>
    %max3A_433 = arith.constant 0.000000e+00 : f32
    %max3A_434 = vector.broadcast %max3A_433 : f32 to vector<32x512xf32>
    %max3A_435 = arith.maximumf %add3A_432, %max3A_434 : vector<32x512xf32>
    %reduce_max3A_436 = arith.constant dense<0xFF800000> : vector<512xf32>
    %reduce_max3A_437 = vector.multi_reduction <maximumf>, %max3A_435, %reduce_max3A_436 [0] : vector<32x512xf32> to vector<512xf32>
    %broadcast_in_dim3A_438 = vector.shape_cast %reduce_max3A_437 : vector<512xf32> to vector<1x512xf32>
    %swap3A = arith.constant 0 : index
    %swap3A_439 = arith.constant 0 : index
    %swap3A_440 = arith.constant 0 : index
    %swap3A_441 = vector.load %arg35[%swap3A, %swap3A_439, %swap3A_440] : memref<1x1x512xf32, #tpu.memory_space<vmem>>, vector<1x1x512xf32>
    %swap3A_442 = vector.shape_cast %swap3A_441 : vector<1x1x512xf32> to vector<1x512xf32>
    %swap3A_443 = vector.shape_cast %broadcast_in_dim3A_438 : vector<1x512xf32> to vector<1x1x512xf32>
    tpu.vector_store %arg35[%swap3A, %swap3A_439, %swap3A_440], %swap3A_443 {strides = array<i32>} : memref<1x1x512xf32, #tpu.memory_space<vmem>>, vector<1x1x512xf32>,
    return
  }
  func.func @transform_0(%arg0: i32) -> (i32, i32, i32) {
    %c0_i32 = arith.constant 0 : i32
    %c0_i32_0 = arith.constant 0 : i32
    %c0_i32_1 = arith.constant 0 : i32
    return %arg0, %c0_i32, %c0_i32_0 : i32, i32, i32
  }
  func.func @transform_1(%arg0: i32) -> (i32, i32, i32) {
    %c0_i32 = arith.constant 0 : i32
    %c0_i32_0 = arith.constant 0 : i32
    %c0_i32_1 = arith.constant 0 : i32
    return %arg0, %c0_i32, %c0_i32_0 : i32, i32, i32
  }
  func.func @transform_2(%arg0: i32) -> (i32, i32, i32) {
    %c0_i32 = arith.constant 0 : i32
    %c0_i32_0 = arith.constant 0 : i32
    %c0_i32_1 = arith.constant 0 : i32
    return %arg0, %c0_i32, %c0_i32_0 : i32, i32, i32
  }
  func.func @transform_3(%arg0: i32) -> (i32, i32, i32) {
    %c0_i32 = arith.constant 0 : i32
    %c0_i32_0 = arith.constant 0 : i32
    %c0_i32_1 = arith.constant 0 : i32
    return %arg0, %c0_i32, %c0_i32_0 : i32, i32, i32
  }
  func.func @transform_4(%arg0: i32) -> (i32, i32, i32) {
    %c0_i32 = arith.constant 0 : i32
    %c0_i32_0 = arith.constant 0 : i32
    %c0_i32_1 = arith.constant 0 : i32
    return %arg0, %c0_i32, %c0_i32_0 : i32, i32, i32
  }
  func.func @transform_5(%arg0: i32) -> (i32, i32, i32) {
    %c0_i32 = arith.constant 0 : i32
    %c0_i32_0 = arith.constant 0 : i32
    %c0_i32_1 = arith.constant 0 : i32
    return %arg0, %c0_i32, %c0_i32_0 : i32, i32, i32
  }
  func.func @transform_6(%arg0: i32) -> (i32, i32, i32) {
    %c0_i32 = arith.constant 0 : i32
    %c0_i32_0 = arith.constant 0 : i32
    %c0_i32_1 = arith.constant 0 : i32
    return %arg0, %c0_i32, %c0_i32_0 : i32, i32, i32
  }
  func.func @transform_7(%arg0: i32) -> (i32, i32, i32) {
    %c0_i32 = arith.constant 0 : i32
    %c0_i32_0 = arith.constant 0 : i32
    %c0_i32_1 = arith.constant 0 : i32
    return %arg0, %c0_i32, %c0_i32_0 : i32, i32, i32
  }
  func.func @transform_8(%arg0: i32) -> (i32, i32, i32) {
    %c0_i32 = arith.constant 0 : i32
    %c0_i32_0 = arith.constant 0 : i32
    %c0_i32_1 = arith.constant 0 : i32
    return %arg0, %c0_i32, %c0_i32_0 : i32, i32, i32
  }
  func.func @transform_9(%arg0: i32) -> (i32, i32, i32) {
    %c0_i32 = arith.constant 0 : i32
    %c0_i32_0 = arith.constant 0 : i32
    %c0_i32_1 = arith.constant 0 : i32
    return %arg0, %c0_i32, %c0_i32_0 : i32, i32, i32
  }
  func.func @transform_10(%arg0: i32) -> (i32, i32, i32) {
    %c0_i32 = arith.constant 0 : i32
    %c0_i32_0 = arith.constant 0 : i32
    %c0_i32_1 = arith.constant 0 : i32
    return %arg0, %c0_i32, %c0_i32_0 : i32, i32, i32
  }
  func.func @transform_11(%arg0: i32) -> (i32, i32, i32) {
    %c0_i32 = arith.constant 0 : i32
    %c0_i32_0 = arith.constant 0 : i32
    %c0_i32_1 = arith.constant 0 : i32
    return %arg0, %c0_i32, %c0_i32_0 : i32, i32, i32
  }
  func.func @transform_12(%arg0: i32) -> (i32, i32, i32) {
    %c0_i32 = arith.constant 0 : i32
    %c0_i32_0 = arith.constant 0 : i32
    %c0_i32_1 = arith.constant 0 : i32
    return %arg0, %c0_i32, %c0_i32_0 : i32, i32, i32
  }
  func.func @transform_13(%arg0: i32) -> (i32, i32, i32) {
    %c0_i32 = arith.constant 0 : i32
    %c0_i32_0 = arith.constant 0 : i32
    %c0_i32_1 = arith.constant 0 : i32
    return %arg0, %c0_i32, %c0_i32_0 : i32, i32, i32
  }
  func.func @transform_14(%arg0: i32) -> (i32, i32) {
    %c0_i32 = arith.constant 0 : i32
    %c0_i32_0 = arith.constant 0 : i32
    %c0_i32_1 = arith.constant 0 : i32
    return %c0_i32, %c0_i32_0 : i32, i32
  }
  func.func @transform_15(%arg0: i32) -> (i32, i32) {
    %c0_i32 = arith.constant 0 : i32
    %c0_i32_0 = arith.constant 0 : i32
    %c0_i32_1 = arith.constant 0 : i32
    return %c0_i32, %c0_i32_0 : i32, i32
  }
  func.func @transform_16(%arg0: i32) -> (i32, i32) {
    %c0_i32 = arith.constant 0 : i32
    %c0_i32_0 = arith.constant 0 : i32
    %c0_i32_1 = arith.constant 0 : i32
    return %c0_i32, %c0_i32_0 : i32, i32
  }
  func.func @transform_17(%arg0: i32) -> (i32, i32) {
    %c0_i32 = arith.constant 0 : i32
    %c0_i32_0 = arith.constant 0 : i32
    %c0_i32_1 = arith.constant 0 : i32
    return %c0_i32, %c0_i32_0 : i32, i32
  }
  func.func @transform_18(%arg0: i32) -> (i32, i32) {
    %c0_i32 = arith.constant 0 : i32
    %c0_i32_0 = arith.constant 0 : i32
    %c0_i32_1 = arith.constant 0 : i32
    return %c0_i32, %c0_i32_0 : i32, i32
  }
  func.func @transform_19(%arg0: i32) -> (i32, i32) {
    %c0_i32 = arith.constant 0 : i32
    %c0_i32_0 = arith.constant 0 : i32
    %c0_i32_1 = arith.constant 0 : i32
    return %c0_i32, %c0_i32_0 : i32, i32
  }
  func.func @transform_20(%arg0: i32) -> (i32, i32) {
    %c0_i32 = arith.constant 0 : i32
    %c0_i32_0 = arith.constant 0 : i32
    %c0_i32_1 = arith.constant 0 : i32
    return %c0_i32, %c0_i32_0 : i32, i32
  }
  func.func @transform_21(%arg0: i32) -> (i32, i32) {
    %c0_i32 = arith.constant 0 : i32
    %c0_i32_0 = arith.constant 0 : i32
    %c0_i32_1 = arith.constant 0 : i32
    return %c0_i32, %c0_i32_0 : i32, i32
  }
  func.func @transform_22(%arg0: i32) -> (i32, i32) {
    %c0_i32 = arith.constant 0 : i32
    %c0_i32_0 = arith.constant 0 : i32
    %c0_i32_1 = arith.constant 0 : i32
    return %c0_i32, %c0_i32_0 : i32, i32
  }
  func.func @transform_23(%arg0: i32) -> (i32, i32) {
    %c0_i32 = arith.constant 0 : i32
    %c0_i32_0 = arith.constant 0 : i32
    %c0_i32_1 = arith.constant 0 : i32
    return %c0_i32, %c0_i32_0 : i32, i32
  }
  func.func @transform_24(%arg0: i32) -> (i32, i32) {
    %c0_i32 = arith.constant 0 : i32
    %c0_i32_0 = arith.constant 0 : i32
    %c0_i32_1 = arith.constant 0 : i32
    return %c0_i32, %c0_i32_0 : i32, i32
  }
  func.func @transform_25(%arg0: i32) -> (i32, i32) {
    %c0_i32 = arith.constant 0 : i32
    %c0_i32_0 = arith.constant 0 : i32
    %c0_i32_1 = arith.constant 0 : i32
    return %c0_i32, %c0_i32_0 : i32, i32
  }
  func.func @transform_26(%arg0: i32) -> (i32, i32) {
    %c0_i32 = arith.constant 0 : i32
    %c0_i32_0 = arith.constant 0 : i32
    %c0_i32_1 = arith.constant 0 : i32
    return %c0_i32, %c0_i32_0 : i32, i32
  }
  func.func @transform_27(%arg0: i32) -> (i32, i32) {
    %c0_i32 = arith.constant 0 : i32
    %c0_i32_0 = arith.constant 0 : i32
    %c0_i32_1 = arith.constant 0 : i32
    return %c0_i32, %c0_i32_0 : i32, i32
  }
  func.func @transform_28(%arg0: i32) -> (i32, i32) {
    %c0_i32 = arith.constant 0 : i32
    %c0_i32_0 = arith.constant 0 : i32
    %c0_i32_1 = arith.constant 0 : i32
    return %c0_i32, %c0_i32_0 : i32, i32
  }
  func.func @transform_29(%arg0: i32) -> (i32, i32) {
    %c0_i32 = arith.constant 0 : i32
    %c0_i32_0 = arith.constant 0 : i32
    %c0_i32_1 = arith.constant 0 : i32
    return %c0_i32, %c0_i32_0 : i32, i32
  }
  func.func @transform_30(%arg0: i32) -> (i32, i32) {
    %c0_i32 = arith.constant 0 : i32
    %c0_i32_0 = arith.constant 0 : i32
    %c0_i32_1 = arith.constant 0 : i32
    return %c0_i32, %c0_i32_0 : i32, i32
  }
  func.func @transform_31(%arg0: i32) -> (i32, i32) {
    %c0_i32 = arith.constant 0 : i32
    %c0_i32_0 = arith.constant 0 : i32
    %c0_i32_1 = arith.constant 0 : i32
    return %c0_i32, %c0_i32_0 : i32, i32
  }
  func.func @transform_32(%arg0: i32) -> (i32, i32) {
    %c0_i32 = arith.constant 0 : i32
    %c0_i32_0 = arith.constant 0 : i32
    %c0_i32_1 = arith.constant 0 : i32
    return %c0_i32, %c0_i32_0 : i32, i32
  }
  func.func @transform_33(%arg0: i32) -> (i32, i32) {
    %c0_i32 = arith.constant 0 : i32
    %c0_i32_0 = arith.constant 0 : i32
    %c0_i32_1 = arith.constant 0 : i32
    return %c0_i32, %c0_i32_0 : i32, i32
  }
  func.func @transform_34(%arg0: i32) -> (i32, i32, i32) {
    %c0_i32 = arith.constant 0 : i32
    %c0_i32_0 = arith.constant 0 : i32
    %c0_i32_1 = arith.constant 0 : i32
    return %arg0, %c0_i32, %c0_i32_0 : i32, i32, i32
  }
}

module attributes {stable_mosaic.version = 14 : i64} {
  func.func @_head_body(%arg0: memref<64x512xf32, #tpu.memory_space<vmem>>, %arg1: memref<512x256xf32, #tpu.memory_space<vmem>>, %arg2: memref<1x256xf32, #tpu.memory_space<vmem>>, %arg3: memref<1x256xf32, #tpu.memory_space<vmem>>, %arg4: memref<1x256xf32, #tpu.memory_space<vmem>>, %arg5: memref<256x128xf32, #tpu.memory_space<vmem>>, %arg6: memref<1x128xf32, #tpu.memory_space<vmem>>, %arg7: memref<1x128xf32, #tpu.memory_space<vmem>>, %arg8: memref<1x128xf32, #tpu.memory_space<vmem>>, %arg9: memref<128x40xf32, #tpu.memory_space<vmem>>, %arg10: memref<1x40xf32, #tpu.memory_space<vmem>>, %arg11: memref<64x40xf32, #tpu.memory_space<vmem>>) attributes {dimension_semantics = [], scalar_prefetch = 0 : i64, scratch_operands = 0 : i64, tpu.core_type = #tpu.core_type<tc>} {
    %get3A = arith.constant 0 : index
    %get3A_0 = arith.constant 0 : index
    %get3A_1 = vector.load %arg0[%get3A, %get3A_0] : memref<64x512xf32, #tpu.memory_space<vmem>>, vector<64x512xf32>
    %get3A_2 = arith.constant 0 : index
    %get3A_3 = arith.constant 0 : index
    %get3A_4 = vector.load %arg3[%get3A_2, %get3A_3] : memref<1x256xf32, #tpu.memory_space<vmem>>, vector<1x256xf32>
    %get3A_5 = arith.constant 0 : index
    %get3A_6 = arith.constant 0 : index
    %get3A_7 = vector.load %arg1[%get3A_5, %get3A_6] : memref<512x256xf32, #tpu.memory_space<vmem>>, vector<512x256xf32>
    %dot_general3A = arith.constant dense<0.000000e+00> : vector<64x256xf32>
    %dot_general3A_8 = tpu.matmul %get3A_1, %get3A_7, %dot_general3A {dimension_numbers = #tpu.dot_dimension_numbers<[1], [0], [0], [1], [0, 0, 1, 1], [], []>, precision = #tpu.contract_precision<fp32>, transpose_lhs_hint = false} : vector<64x512xf32>, vector<512x256xf32>, vector<64x256xf32> -> vector<64x256xf32>
    %get3A_9 = arith.constant 0 : index
    %get3A_10 = arith.constant 0 : index
    %get3A_11 = vector.load %arg2[%get3A_9, %get3A_10] : memref<1x256xf32, #tpu.memory_space<vmem>>, vector<1x256xf32>
    %add3A = vector.broadcast %get3A_11 : vector<1x256xf32> to vector<64x256xf32>
    %add3A_12 = arith.addf %dot_general3A_8, %add3A : vector<64x256xf32>
    %mul3A = vector.broadcast %get3A_4 : vector<1x256xf32> to vector<64x256xf32>
    %mul3A_13 = arith.mulf %mul3A, %add3A_12 : vector<64x256xf32>
    %get3A_14 = arith.constant 0 : index
    %get3A_15 = arith.constant 0 : index
    %get3A_16 = vector.load %arg4[%get3A_14, %get3A_15] : memref<1x256xf32, #tpu.memory_space<vmem>>, vector<1x256xf32>
    %add3A_17 = vector.broadcast %get3A_16 : vector<1x256xf32> to vector<64x256xf32>
    %add3A_18 = arith.addf %mul3A_13, %add3A_17 : vector<64x256xf32>
    %max3A = arith.constant 0.000000e+00 : f32
    %max3A_19 = vector.broadcast %max3A : f32 to vector<64x256xf32>
    %max3A_20 = arith.maximumf %add3A_18, %max3A_19 : vector<64x256xf32>
    %get3A_21 = arith.constant 0 : index
    %get3A_22 = arith.constant 0 : index
    %get3A_23 = vector.load %arg7[%get3A_21, %get3A_22] : memref<1x128xf32, #tpu.memory_space<vmem>>, vector<1x128xf32>
    %get3A_24 = arith.constant 0 : index
    %get3A_25 = arith.constant 0 : index
    %get3A_26 = vector.load %arg5[%get3A_24, %get3A_25] : memref<256x128xf32, #tpu.memory_space<vmem>>, vector<256x128xf32>
    %dot_general3A_27 = arith.constant dense<0.000000e+00> : vector<64x128xf32>
    %dot_general3A_28 = tpu.matmul %max3A_20, %get3A_26, %dot_general3A_27 {dimension_numbers = #tpu.dot_dimension_numbers<[1], [0], [0], [1], [0, 0, 1, 1], [], []>, precision = #tpu.contract_precision<fp32>, transpose_lhs_hint = false} : vector<64x256xf32>, vector<256x128xf32>, vector<64x128xf32> -> vector<64x128xf32>
    %get3A_29 = arith.constant 0 : index
    %get3A_30 = arith.constant 0 : index
    %get3A_31 = vector.load %arg6[%get3A_29, %get3A_30] : memref<1x128xf32, #tpu.memory_space<vmem>>, vector<1x128xf32>
    %add3A_32 = vector.broadcast %get3A_31 : vector<1x128xf32> to vector<64x128xf32>
    %add3A_33 = arith.addf %dot_general3A_28, %add3A_32 : vector<64x128xf32>
    %mul3A_34 = vector.broadcast %get3A_23 : vector<1x128xf32> to vector<64x128xf32>
    %mul3A_35 = arith.mulf %mul3A_34, %add3A_33 : vector<64x128xf32>
    %get3A_36 = arith.constant 0 : index
    %get3A_37 = arith.constant 0 : index
    %get3A_38 = vector.load %arg8[%get3A_36, %get3A_37] : memref<1x128xf32, #tpu.memory_space<vmem>>, vector<1x128xf32>
    %add3A_39 = vector.broadcast %get3A_38 : vector<1x128xf32> to vector<64x128xf32>
    %add3A_40 = arith.addf %mul3A_35, %add3A_39 : vector<64x128xf32>
    %max3A_41 = arith.constant 0.000000e+00 : f32
    %max3A_42 = vector.broadcast %max3A_41 : f32 to vector<64x128xf32>
    %max3A_43 = arith.maximumf %add3A_40, %max3A_42 : vector<64x128xf32>
    %get3A_44 = arith.constant 0 : index
    %get3A_45 = arith.constant 0 : index
    %get3A_46 = vector.load %arg9[%get3A_44, %get3A_45] : memref<128x40xf32, #tpu.memory_space<vmem>>, vector<128x40xf32>
    %dot_general3A_47 = arith.constant dense<0.000000e+00> : vector<64x40xf32>
    %dot_general3A_48 = tpu.matmul %max3A_43, %get3A_46, %dot_general3A_47 {dimension_numbers = #tpu.dot_dimension_numbers<[1], [0], [0], [1], [0, 0, 1, 1], [], []>, precision = #tpu.contract_precision<fp32>, transpose_lhs_hint = false} : vector<64x128xf32>, vector<128x40xf32>, vector<64x40xf32> -> vector<64x40xf32>
    %get3A_49 = arith.constant 0 : index
    %get3A_50 = arith.constant 0 : index
    %get3A_51 = vector.load %arg10[%get3A_49, %get3A_50] : memref<1x40xf32, #tpu.memory_space<vmem>>, vector<1x40xf32>
    %add3A_52 = vector.broadcast %get3A_51 : vector<1x40xf32> to vector<64x40xf32>
    %add3A_53 = arith.addf %dot_general3A_48, %add3A_52 : vector<64x40xf32>
    %reduce_max3A = arith.constant dense<0xFF800000> : vector<64xf32>
    %reduce_max3A_54 = vector.multi_reduction <maximumf>, %add3A_53, %reduce_max3A [1] : vector<64x40xf32> to vector<64xf32>
    %broadcast_in_dim3A = vector.shape_cast %reduce_max3A_54 : vector<64xf32> to vector<64x1xf32>
    %sub3A = vector.broadcast %broadcast_in_dim3A : vector<64x1xf32> to vector<64x40xf32>
    %sub3A_55 = arith.subf %add3A_53, %sub3A : vector<64x40xf32>
    %exp3A = math.exp %sub3A_55 : vector<64x40xf32>
    %reduce_sum3A = arith.constant dense<0.000000e+00> : vector<64xf32>
    %reduce_sum3A_56 = vector.multi_reduction <add>, %exp3A, %reduce_sum3A [1] : vector<64x40xf32> to vector<64xf32>
    %broadcast_in_dim3A_57 = vector.shape_cast %reduce_sum3A_56 : vector<64xf32> to vector<64x1xf32>
    %log3A = math.log %broadcast_in_dim3A_57 : vector<64x1xf32>
    %sub3A_58 = vector.broadcast %broadcast_in_dim3A : vector<64x1xf32> to vector<64x40xf32>
    %sub3A_59 = arith.subf %add3A_53, %sub3A_58 : vector<64x40xf32>
    %sub3A_60 = vector.broadcast %log3A : vector<64x1xf32> to vector<64x40xf32>
    %sub3A_61 = arith.subf %sub3A_59, %sub3A_60 : vector<64x40xf32>
    %swap3A = arith.constant 0 : index
    %swap3A_62 = arith.constant 0 : index
    %swap3A_63 = vector.load %arg11[%swap3A, %swap3A_62] : memref<64x40xf32, #tpu.memory_space<vmem>>, vector<64x40xf32>
    tpu.vector_store %arg11[%swap3A, %swap3A_62], %sub3A_61 {strides = array<i32>} : memref<64x40xf32, #tpu.memory_space<vmem>>, vector<64x40xf32>,
    return
  }
}

</mosaic_0001>

<sc_bundles>
// kernel: kernel.10.cloned.1.call-start
scs
__scs_entry_jumppad:
0x0: {  	(pc) =	sbr.rel $0x88, $3  }
0x1: {  	(tag) =	ssettag $0x0;
	lr =	simm.s32 $0x1  }
0x2: {  	[smem:$0x3F82] =	sst lr;
	_ =	strace $0xD0000000  }
0x3: {  	_ = 	snop  }
0x4: {  	_ = 	snop  }
0x5: {  	_ = 	snop  }
0x6: {  	_ = 	snop  }
0x7: {  	_ = 	snop  }
__scs_overlays_trampoline_lowered:
0x8: {  	[smem:$0x3F91] =	sst s0  }
0x9: {  	[smem:$0x3F92] =	sst s1  }
0xa: {  	[smem:$0x3F93] =	sst s2  }
0xb: {  	[smem:$0x3F94] =	sst s3  }
0xc: {  	[smem:$0x3F95] =	sst s4  }
0xd: {  	[smem:$0x3F96] =	sst s5  }
0xe: {  	[smem:$0x3F97] =	sst s6  }
0xf: {  	[smem:$0x3F98] =	sst s7  }
0x10: {  	[smem:$0x3F99] =	sst s8  }
0x11: {  	[smem:$0x3F9A] =	sst s9;
	s0 =	simm.s32 @!p0 $0x0  }
0x12: {  	s1 =	sld [smem:$0x3F80];
	s0 =	simm.s32 @p0 $0x1  }
0x13: {  	[smem:$0x3F9B] =	sst s0;
	s0 =	simm.s32 @!p1 $0x0  }
0x14: {  	s2 =	sld [smem:$0x3F7F];
	s0 =	simm.s32 @p1 $0x1  }
0x15: {  	[smem:$0x3F9C] =	sst s0;
	s0 =	simm.s32 @!p2 $0x0  }
0x16: {  	s3 =	sld [smem:$0x3FDB];
	s0 =	simm.s32 @p2 $0x1  }
0x17: {  	s4 =	simm.s32 $0x1BF5;
	[smem:$0x3F9E] =	sst s0  }
0x18: {  	s0 =	sld [smem:$0x3F81];
	_ =	swait.ge [sflag:s4], $0x0  }
0x19: {  	s7 =	sld [smem:$0x3F82]  }
0x1a: {  	s8 =	sadd.s32 $0xFFFFE003, lr  }
0x1b: {  	s9 =	sadd.s32 $0xFFFFFEF7, lr;
	s5 =	simm.s32 $0xFFFFFFFF;
	p2 =	slt.u32 s8, $0xFFFFF086  }
0x1c: {  	p1 =	slt.u32 s9, $0xF7A;
	s5 =	simm.s32 @!p2 $0x0  }
0x1d: {  	s5 =	simm.s32 @p1 $0x1;
	p0 =	seq.s32 s7, s2  }
0x1e: {  	s7 =	smul.u32 @!p0 $0xF7A, s2;
	p2 =	seq.s32 @!p0 s5, $0x0  }
0x1f: {  	s9 =	smul.u32 $0xF7A, s1;
	s8 =	simm.s32 @!p0 $0x1BF5;
	p2 =	por !p2, p0  }
0x20: {  	[sflag:s8] =	ssyncset.s32 @!p0 $0xFFFFF086;
	s6 =	sadd.s32 @!p0 s3, s7;
	s7 =	simm.s32 @!p0 $0x108  }
0x21: {  	s3 =	sadd.s32 s3, s9;
	s6 =	sadd.s32 @!p0 $0x88, s6;
	s7 =	simm.s32 @p2 $0x1082  }
0x22: {  	[simem:s7], [sflag:s8] =	dma.local @!p0 [hbm:s6], $0xF7A  }
0x23: {  	s9 =	sor.u32 $0xD0000000, s2;
	s6 =	simm.s32 $0x108;
	_ =	swait.ge @!p0 [sflag:s8], $0x0  }
0x24: {  	s3 =	sadd.s32 $0x88, s3;
	s6 =	simm.s32 @!p1 $0x1082;
	[sflag:s4] =	ssyncset.s32 $0xFFFFF086  }
0x25: {  	[simem:s6], [sflag:s4] =	dma.local [hbm:s3], $0xF7A  }
0x26: {  	[smem:$0x3F82] =	sst s1;
	(tag) =	ssettag s2;
	_ =	strace s9  }
0x27: {  	s1 =	sld [smem:$0x3F92]  }
0x28: {  	s2 =	sld [smem:$0x3F93]  }
0x29: {  	s4 =	sld [smem:$0x3F95]  }
0x2a: {  	p0 =	seq.s32 s5, $0x0;
	s5 =	sld [smem:$0x3F96]  }
0x2b: {  	s6 =	sld [smem:$0x3F97]  }
0x2c: {  	s7 =	sld [smem:$0x3F98]  }
0x2d: {  	s3 =	simm.s32 $0x108;
	s8 =	sld [smem:$0x3F99]  }
0x2e: {  	s3 =	simm.s32 @!p0 $0x1082;
	s9 =	sld [smem:$0x3F9A]  }
0x2f: {  	lr =	sadd.s32 s0, s3;
	s0 =	sld [smem:$0x3F91]  }
0x30: {  	s3 =	sld [smem:$0x3F94]  }
0x31: {  	[smem:$0x3F9D] =	sst s10  }
0x32: {  	s10 =	sld [smem:$0x3F9B];
	_ =	sdelay $0x3  }
0x33: {  	p0 =	seq.s32 s10, $0x1;
	s10 =	sld [smem:$0x3F9D];
	_ =	sdelay $0x3  }
0x34: {  	[smem:$0x3F9D] =	sst s10  }
0x35: {  	s10 =	sld [smem:$0x3F9C];
	_ =	sdelay $0x3  }
0x36: {  	p1 =	seq.s32 s10, $0x1;
	s10 =	sld [smem:$0x3F9D];
	_ =	sdelay $0x3  }
0x37: {  	[smem:$0x3F9D] =	sst s10  }
0x38: {  	s10 =	sld [smem:$0x3F9E]  }
0x39: {  	_ = 	snop;
	(pc) =	sbr.ind lr, $3  }
0x3a: {  	_ = 	snop  }
0x3b: {  	_ = 	snop  }
0x3c: {  	p2 =	seq.s32 s10, $0x1;
	s10 =	sld [smem:$0x3F9D]  }
0x3d: {  	_ =	shalt  }
0x3e: {  	_ =	shalt  }
0x3f: {  	_ =	shalt  }
0x40: {  	_ =	shalt  }
0x41: {  	_ =	shalt  }
0x42: {  	_ =	shalt  }
0x43: {  	_ =	shalt  }
0x44: {  	_ =	shalt  }
0x45: {  	_ =	shalt  }
0x46: {  	_ =	shalt  }
0x47: {  	_ =	shalt  }
0x48: {  	_ =	shalt  }
0x49: {  	_ =	shalt  }
0x4a: {  	_ =	shalt  }
0x4b: {  	_ =	shalt  }
0x4c: {  	_ =	shalt  }
0x4d: {  	_ =	shalt  }
0x4e: {  	_ =	shalt  }
0x4f: {  	_ =	shalt  }
0x50: {  	_ =	shalt  }
0x51: {  	_ =	shalt  }
0x52: {  	_ =	shalt  }
0x53: {  	_ =	shalt  }
0x54: {  	_ =	shalt  }
0x55: {  	_ =	shalt  }
0x56: {  	_ =	shalt  }
0x57: {  	_ =	shalt  }
0x58: {  	_ =	shalt  }
0x59: {  	_ =	shalt  }
0x5a: {  	_ =	shalt  }
0x5b: {  	_ =	shalt  }
0x5c: {  	_ =	shalt  }
0x5d: {  	_ =	shalt  }
0x5e: {  	_ =	shalt  }
0x5f: {  	_ =	shalt  }
0x60: {  	_ =	shalt  }
0x61: {  	_ =	shalt  }
0x62: {  	_ =	shalt  }
0x63: {  	_ =	shalt  }
0x64: {  	_ =	shalt  }
0x65: {  	_ =	shalt  }
0x66: {  	_ =	shalt  }
0x67: {  	_ =	shalt  }
0x68: {  	_ =	shalt  }
0x69: {  	_ =	shalt  }
0x6a: {  	_ =	shalt  }
0x6b: {  	_ =	shalt  }
0x6c: {  	_ =	shalt  }
0x6d: {  	_ =	shalt  }
0x6e: {  	_ =	shalt  }
0x6f: {  	_ =	shalt  }
0x70: {  	_ =	shalt  }
0x71: {  	_ =	shalt  }
0x72: {  	_ =	shalt  }
0x73: {  	_ =	shalt  }
0x74: {  	_ =	shalt  }
0x75: {  	_ =	shalt  }
0x76: {  	_ =	shalt  }
0x77: {  	_ =	shalt  }
0x78: {  	_ =	shalt  }
0x79: {  	_ =	shalt  }
0x7a: {  	_ =	shalt  }
0x7b: {  	_ =	shalt  }
0x7c: {  	_ =	shalt  }
0x7d: {  	_ =	shalt  }
0x7e: {  	_ =	shalt  }
0x7f: {  	_ =	shalt  }
0x80: {  	_ =	shalt  }
0x81: {  	_ =	shalt  }
0x82: {  	_ =	shalt  }
0x83: {  	_ =	shalt  }
0x84: {  	_ =	shalt  }
0x85: {  	_ =	shalt  }
0x86: {  	_ =	shalt  }
0x87: {  	_ =	shalt  }
.Lfunc_end0:
.L_simem_size_0:
called_computation_lowered:
.L_overlay_start_0:
0x88: {  	s2 =	sld [smem:$0x3FD9]  }
0x89: {  	s3 =	sld [smem:$0x3FFE];
	_ =	sdelay $0x1  }
0x8a: {  	s1 =	srdreg.scid  }
0x8b: {  	s0 =	sand.u32 $0x1, s1  }
0x8c: {  	s17 =	sshll.u32 s0, $0xA;
	s2 =	sadd.s32 s3, s2  }
0x8d: {  	s2 =	sadd.s32 s2, s17  }
0x8e: {  	[smem:$0x3FA9] =	sst s2  }
0x8f: {  	_ = 	snop  }
0x90: {  	s2 =	sld [smem:$0x3FC9];
	(tm) =	ssettm $0x1  }
0x91: {  	s18 =	sld [smem:$0x3FFB];
	_ =	sdelay $0x3  }
0x92: {  	_ =	strace s18  }
0x93: {  	s3 =	sld [smem:$0x3FFC];
	_ =	sdelay $0x3  }
0x94: {  	_ =	strace s3  }
0x95: {  	s3 =	sld [smem:$0x3FFD];
	_ =	sdelay $0x3  }
0x96: {  	_ =	strace s3  }
0x97: {  	_ =	strace $0x8FFFFFFF  }
0x98: {  	s19 =	sld [smem:$0x3FDB];
	_ =	sdelay $0x1  }
0x99: {  	s4 =	simm.s32 $_scs_section_size  }
0x9a: {  	s5 =	simm.s32 $_size__tile_overlayer_lowered;
	s6 =	simm.s32 $_tile_overlayer_lowered  }
0x9b: {  	s22 =	simm.s32 $0x1BFF;
	s21 =	sshll.u32 s6, $0x1;
	s3 =	sadd.s32 s4, s19  }
0x9c: {  	s7 =	simm.s32 $0x0;
	s20 =	sshll.u32 s5, $0x1;
	s5 =	sadd.s32 s21, s3  }
0x9d: {  	[timem:s7], [sflag:s22] =	dma.local [hbm:s5], s20  }
0x9e: {  	_ =	swait.ge [sflag:s22], s20  }
0x9f: {  	s4 =	ssub.s32 $0x0, s20;
	[sflag:s22] =	ssyncset.done $0x0  }
0xa0: {  	[sflag:s22] =	ssyncadd.s32 s4;
	_ =	sdelay $0x1  }
0xa1: {  	s23 =	simm.s32 $0x1B8B  }
0xa2: {  	_ =	swait.ge [sflag:s23], $0x1  }
0xa3: {  	[sflag:s23] =	ssyncset.done $0x0  }
0xa4: {  	s25 =	simm.s32 $0x1B8E;
	s24 =	sld [smem:$0x3FFE];
	[sflag:s23] =	ssyncadd.s32 $0xFFFFFFFF  }
0xa5: {  	s26 =	simm.s32 $execute0_lowered;
	[smem:$0x3FD2] =	sst s25  }
0xa6: {  	s5 =	sshll.u32 s26, $0x1;
	_ =	strace $0x80000046;
	[dreg:$0x1] =	wrdreg $0xFFFFFFFF  }
0xa7: {  	s28 =	simm.s32 $_size_execute0_lowered;
	s3 =	sadd.s32 s3, s5;
	[dreg:$0x0] =	wrdreg $0x0  }
0xa8: {  	s5 =	sshll.u32 s28, $0x1;
	[dreg:$0x2] =	wrdreg s3  }
0xa9: {  	[dreg:$0x3] =	wrdreg s5  }
0xaa: {  	[dreg:$0x4] =	wrdreg $0xC0  }
0xab: {  	_ =	task [dreg:s7], $0x5FFFF  }
0xac: {  	[dreg:$0x1] =	wrdreg $0xFFFFFFFF  }
0xad: {  	[dreg:$0x0] =	wrdreg $0x60  }
0xae: {  	[dreg:$0x2] =	wrdreg s2  }
0xaf: {  	[dreg:$0x3] =	wrdreg s24  }
0xb0: {  	[dreg:$0x4] =	wrdreg $0x9  }
0xb1: {  	_ =	task.clear_ibuf [dreg:s7], $0x5FFFF;
	_ =	strace $0x90000046  }
0xb2: {  	s29 =	simm.s32 $0x9;
	_ =	strace $0x80000048  }
0xb3: {  	_ =	swait.ge [sflag:s29], $0x1  }
0xb4: {  	[sflag:s29] =	ssyncadd.s32 $0xFFFFFFFF  }
0xb5: {  	_ =	strace $0x90000048  }
0xb6: {  	_ =	sfence  }
0xb7: {  	s30 =	sld [smem:$0x0];
	_ =	sdelay $0x2  }
0xb8: {  	s31 =	sshll.u32 s1, $0xD;
	s1 =	sshrl.u32 s1, $0x2  }
0xb9: {  	s3 =	sand.u32 $0x4000, s31;
	s1 =	sadd.s32 s1, s30  }
0xba: {  	s0 =	sor.u32 s3, s0;
	s1 =	sshll.u32 s1, $0x11  }
0xbb: {  	s0 =	sor.u32 s1, s0  }
0xbc: {  	s0 =	sadd.s32 $0x8F2B, s0  }
0xbd: {  	[sflag:s0] =	ssyncadd.remote.s32 $0x1  }
0xbe: {  	_ =	sfence.sel $0xFFFF  }
0xbf: {  	[dreg:$0x0] =	wrdreg $0xFFFFFFFF;
	(pc) =	sbr.abs _section_cstart, $3  }
0xc0: {  	[dreg:$0x1] =	wrdreg $0xFFFFFFFF  }
0xc1: {  	_ =	task.clear_ibuf [dreg:s7], $0x2FFFF;
	_ =	strace $0x9FFFFFFF  }
0xc2: {  	(tm) =	ssettm $0x7FFFFFFF  }
0xc3: {  	_ =	shalt  }
tec
execute0_lowered:
.L_overlay_start_1:
0x0: {  	(tag) =	ssettag $0x1  }
0x1: {  	s0 =	rddreg [dreg:$0x1];
	s2 =	simm.s32 $0x0;
	s4 =	srdreg.scid  }
0x2: {  	s22 =	stileid.u32;
	[smem:$0x7FF] =	sst s2;
	s3 =	sadd.s32 $0x205A00, s0  }
0x3: {  	s17 =	simm.s32 $0x80;
	s1 =	sadd.s32 $0x20BA00, s0;
	s6 =	sadd.s32 $0x211A00, s0  }
0x4: {  	s4 =	sand.u32 $0x1, s4;
	s7 =	sadd.s32 $0x20FA00, s0;
	s8 =	sadd.s32 $0x213A00, s0  }
0x5: {  	s25 =	sadd.s32 $0x20BA10, s0;
	_ =	strace $0x80000047;
	[dreg:$0x3] =	wrdreg s1  }
0x6: {  	s23 =	sshll.u32 s22, $0xC;
	s26 =	sadd.s32 $0x20BA20, s0;
	[dreg:$0x5] =	wrdreg s25  }
0x7: {  	s10 =	sshll.u32 s22, $0x2;
	s28 =	sadd.s32 $0x20BA30, s0;
	[dreg:$0x6] =	wrdreg s26  }
0x8: {  	s30 =	sadd.s32 $0x20BA40, s0;
	s0 =	sadd.s32 $0x20BA50, s0;
	[dreg:$0x7] =	wrdreg s28  }
0x9: {  	s5 =	ssub.s32 $0x2, s4;
	s24 =	sand.u32 $0xE000, s23;
	[dreg:$0x9] =	wrdreg s30  }
0xa: {  	s4 =	sshll.u32 s4, $0x1;
	[dreg:$0xa] =	wrdreg s0;
	s9 =	sshrl.u32 s5, $0x1  }
0xb: {  	[dreg:$0x4] =	wrdreg s24;
	s29 =	sor.u32 s4, s10;
	s5 =	ssub.s32 s5, s9  }
0xc: {  	s18 =	simm.s32 $0x400;
	[dreg:$0x8] =	wrdreg s29;
	s31 =	smax.u32 s5, $0x1  }
0xd: {  	s19 =	simm.s32 $0x1;
	v0 =	vimm.f32 $1.000000000e+10;
	v1 =	vlaneseq.u32;
	v2 =	vimm.s32 $0x0;
	s1 =	simm.s32 $0x0;
	[dreg:$0xb] =	wrdreg s31  }
.LBB2_1:
0xe: {  	[dreg:$0xc] =	wrdreg s1;
	p1 =	por $0x1, $0x1;
	s0 =	simm.s32 $0x0  }
.LBB2_2:
0xf: {  	s1 =	rddreg [dreg:$0x8]  }
0x10: {  	s21 =	sor.u32 s1, s0  }
0x11: {  	s20 =	sshll.u32 s21, $0x7  }
0x12: {  	s16 =	rddreg [dreg:$0x4];
	s15 =	sand.u32 $0x380, s20  }
0x13: {  	s0 =	sor.u32 s16, s15  }
0x14: {  	s22 =	rddreg [dreg:$0x0];
	s0 =	sshrl.u32 s0, $0x3  }
0x15: {  	s23 =	simm.s32 $0x0;
	s4 =	sadd.s32 s22, s0  }
0x16: {  	[tilespmem:s23], [sflag:$0x1] =	stream.strided.gather [hbm4b:s4+s17], $0x400, s18, s17, $0x38;
	[tilespmem:$0x2B00] =	vst v63  }
0x17: {  	_ =	swait.ge [sflag:s19], $0x400  }
0x18: {  	[sflag:s19] =	ssyncset.done $0x0  }
0x19: {  	s5 =	simm.s32 $0xC00;
	s24 =	sadd.s32 s3, s0;
	[sflag:s19] =	ssyncadd.s32 $0xFFFFFC00  }
0x1a: {  	[tilespmem:s5], [sflag:$0x1] =	stream.strided.gather [hbm4b:s24+s17], $0x400, s18, s17, $0x38;
	[tilespmem:$0x2B00] =	vst v63  }
0x1b: {  	_ =	swait.ge [sflag:s19], $0x400  }
0x1c: {  	s25 =	sor.u32 $0x2000, s0;
	[sflag:s19] =	ssyncset.done $0x0  }
0x1d: {  	s26 =	sadd.s32 s22, s25;
	[sflag:s19] =	ssyncadd.s32 $0xFFFFFC00  }
0x1e: {  	[tilespmem:s18], [sflag:$0x1] =	stream.strided.gather [hbm4b:s26+s17], $0x400, s18, s17, $0x38;
	[tilespmem:$0x2B00] =	vst v63  }
0x1f: {  	_ =	swait.ge [sflag:s19], $0x400  }
0x20: {  	[sflag:s19] =	ssyncset.done $0x0  }
0x21: {  	s28 =	simm.s32 $0x1000;
	s4 =	sadd.s32 s3, s25;
	[sflag:s19] =	ssyncadd.s32 $0xFFFFFC00  }
0x22: {  	[tilespmem:s28], [sflag:$0x1] =	stream.strided.gather [hbm4b:s4+s17], $0x400, s18, s17, $0x38;
	[tilespmem:$0x2B00] =	vst v63  }
0x23: {  	_ =	swait.ge [sflag:s19], $0x400  }
0x24: {  	s0 =	sor.u32 $0x4000, s0;
	[sflag:s19] =	ssyncset.done $0x0  }
0x25: {  	s30 =	simm.s32 $0x800;
	s29 =	sadd.s32 s22, s0;
	[sflag:s19] =	ssyncadd.s32 $0xFFFFFC00  }
0x26: {  	[tilespmem:s30], [sflag:$0x1] =	stream.strided.gather [hbm4b:s29+s17], $0x400, s18, s17, $0x38;
	[tilespmem:$0x2B00] =	vst v63  }
0x27: {  	_ =	swait.ge [sflag:s19], $0x400  }
0x28: {  	[sflag:s19] =	ssyncset.done $0x0  }
0x29: {  	s31 =	simm.s32 $0x1400;
	s0 =	sadd.s32 s3, s0;
	[sflag:s19] =	ssyncadd.s32 $0xFFFFFC00  }
0x2a: {  	[tilespmem:s31], [sflag:$0x1] =	stream.strided.gather [hbm4b:s0+s17], $0x400, s18, s17, $0x38;
	[tilespmem:$0x2B00] =	vst v63  }
0x2b: {  	_ =	swait.ge [sflag:s19], $0x400  }
0x2c: {  	p0 =	por p1, p1;
	[sflag:s19] =	ssyncset.done $0x0  }
0x2d: {  	s4 =	simm.s32 $0x0;
	s0 =	simm.s32 $0x40;
	[sflag:s19] =	ssyncadd.s32 $0xFFFFFC00  }
.LBB2_3:
0x2e: {  	p1 =	sne.s32 s0, $0xFC0;
	[tilespmem:s4+$0x2700] =	vst v0;
	s4 =	smov.u32 s0;
	s0 =	sadd.s32 $0x40, s0  }
.Ltmp0:
0x2f: {  	(pc) =	sbr.rel @p1 .LBB2_3-.Ltmp0, $2  }
0x30: {  	_ =	sdelay $0x2  }
0x31: {  	s4 =	sshra.s32 s4, $0x2  }
0x32: {  	[tilespmem:s4+$0x2700] =	vst v0;
	s22 =	simm.s32 $0x0  }
.LBB2_5:
0x33: {  	v3 =	vld.msk [tilespmem:s23+$0x0 ss:$0x0], $0xffff  }
0x34: {  	v4 =	vld.msk [tilespmem:s23+$0x400 ss:$0x0], $0xffff  }
0x35: {  	v5 =	vld.msk [tilespmem:s23+$0x800 ss:$0x0], $0xffff  }
0x36: {  	v7 =	vld.msk [tilespmem:s23+$0xC00 ss:$0x0], $0xffff  }
0x37: {  	v8 =	vld.msk [tilespmem:s23+$0x1000 ss:$0x0], $0xffff  }
0x38: {  	s0 =	sand.u32 $0xF0, s22;
	v9 =	vld.msk [tilespmem:s23+$0x1400 ss:$0x0], $0xffff  }
0x39: {  	v6 =	vld [tilespmem:s0+$0x1800]  }
0x3a: {  	v10 =	vld [tilespmem:s0+$0x1900]  }
0x3b: {  	s4 =	sand.u32 $0xF, s22;
	v11 =	vld [tilespmem:s0+$0x1A00]  }
0x3c: {  	v12 =	vmov s4;
	v13 =	vld [tilespmem:s0+$0x1B00]  }
0x3d: {  	v63 =	vld [tilespmem:s0+$0x1C00];
	vm0 =	veq.s32 v12, v1  }
0x3e: {  	v14 =	vld [tilespmem:s0+$0x1D00];
	v6 =	vsel vm0, v3, v6  }
0x3f: {  	[tilespmem:s0+$0x1800] =	vst v6;
	v6 =	vsel vm0, v4, v10  }
0x40: {  	[tilespmem:s0+$0x1900] =	vst v6;
	v6 =	vsel vm0, v5, v11  }
0x41: {  	[tilespmem:s0+$0x1A00] =	vst v6;
	v6 =	vsel vm0, v7, v13  }
0x42: {  	[tilespmem:s0+$0x1B00] =	vst v6;
	v6 =	vsel vm0, v8, v63  }
0x43: {  	[tilespmem:s0+$0x1C00] =	vst v6;
	v6 =	vsel vm0, v9, v14  }
0x44: {  	s11 =	simm.s32 $0x0;
	[tilespmem:s0+$0x1D00] =	vst v6  }
0x45: {  	s31 =	simm.s32 $0x400;
	v6 =	vld [tilespmem:s11+$0x0]  }
0x46: {  	v7 =	vld [tilespmem:s31+$0x0]  }
0x47: {  	s4 =	simm.s32 $0x800  }
0x48: {  	v8 =	vld [tilespmem:s4+$0x0];
	_ =	sdelay $0x2  }
0x49: {  	v6 =	vsub.f32 v6, v3;
	v7 =	vsub.f32 v7, v4;
	_ =	sdelay $0x1  }
0x4a: {  	s0 =	simm.s32 $0x2700;
	v8 =	vsub.f32 v8, v5;
	v6 =	vmul.f32 v6, v6;
	v7 =	vmul.f32 v7, v7  }
0x4b: {  	v9 =	vld [tilespmem:s0+$0x0]  }
0x4c: {  	v6 =	vadd.f32 v7, v6;
	v7 =	vmul.f32 v8, v8;
	_ =	sdelay $0x1  }
0x4d: {  	v6 =	vadd.f32 v7, v6;
	_ =	sdelay $0x1  }
0x4e: {  	v7 =	vimm.f32 $-1.000000000e+00;
	v6 =	vmin.f32 v9, v6  }
0x4f: {  	s9 =	simm.s32 $0x10;
	v9 =	vimm.s32 $0x0;
	[tilespmem:s0+$0x0] =	vst v6;
	vm15 =	vgt.f32 v6, v7  }
0x50: {  	s5 =	simm.s32 $0x1;
	s10 =	simm.s32 $0x2;
	v8 =	vld [tilespmem:s9+$0x0];
	v6 =	vsel vm15, v6, v7;
	v7 =	vsel vm15, s11, v9;
	s11 =	simm.s32 $0x410  }
.LBB2_6:
0x51: {  	p1 =	sne.s32 s10, $0x3F;
	v9 =	vld [tilespmem:s11+$0x0]  }
0x52: {  	s4 =	sadd.s32 $0x10, s4  }
0x53: {  	v10 =	vld [tilespmem:s4+$0x0];
	_ =	sdelay $0x2  }
0x54: {  	v8 =	vsub.f32 v8, v3;
	v9 =	vsub.f32 v9, v4;
	_ =	sdelay $0x1  }
0x55: {  	s0 =	sadd.s32 $0x10, s0;
	v8 =	vmul.f32 v8, v8;
	v10 =	vsub.f32 v10, v5;
	v9 =	vmul.f32 v9, v9  }
0x56: {  	v11 =	vld [tilespmem:s0+$0x0]  }
0x57: {  	v8 =	vadd.f32 v9, v8;
	v9 =	vmul.f32 v10, v10;
	_ =	sdelay $0x1  }
.Ltmp1:
0x58: {  	v8 =	vadd.f32 v9, v8;
	(pc) =	sbr.rel @p1 .LBB2_6-.Ltmp1, $4  }
0x59: {  	_ = 	snop  }
0x5a: {  	v9 =	vmin.f32 v11, v8  }
0x5b: {  	s9 =	sadd.s32 $0x10, s9;
	[tilespmem:s0+$0x0] =	vst v9;
	vm0 =	vgt.f32 v9, v6  }
0x5c: {  	s11 =	sadd.s32 $0x10, s11;
	v8 =	vld [tilespmem:s9+$0x0];
	v6 =	vsel vm0, v9, v6;
	v7 =	vsel vm0, s5, v7;
	s5 =	smov.u32 s10;
	s10 =	sadd.s32 $0x1, s10  }
0x5d: {  	v9 =	vld [tilespmem:s11+$0x0]  }
0x5e: {  	s4 =	sadd.s32 $0x10, s4  }
0x5f: {  	v10 =	vld [tilespmem:s4+$0x0];
	_ =	sdelay $0x2  }
0x60: {  	v3 =	vsub.f32 v8, v3;
	v4 =	vsub.f32 v9, v4;
	_ =	sdelay $0x1  }
0x61: {  	s0 =	sadd.s32 $0x10, s0;
	v5 =	vsub.f32 v10, v5;
	v3 =	vmul.f32 v3, v3;
	v4 =	vmul.f32 v4, v4  }
0x62: {  	v60 =	vld [tilespmem:s0+$0x0]  }
0x63: {  	v61 =	vmul.f32 v5, v5;
	v3 =	vadd.f32 v4, v3;
	_ =	sdelay $0x1  }
0x64: {  	v3 =	vadd.f32 v61, v3;
	_ =	sdelay $0x1  }
0x65: {  	v3 =	vmin.f32 v60, v3  }
0x66: {  	vm0 =	vgt.f32 v3, v6  }
0x67: {  	v62 =	vsel vm0, v3, v6;
	v63 =	vsel vm0, s5, v7  }
0x68: {  	(v2sf) =	vpush v62, $0x0;
	v5 =	vshll.u32 v63, $0x4  }
0x69: {  	(v2sf) =	vpush v5, $0x0;
	_ =	sdelay $0x3  }
0x6a: {  	(v2sf) =	vpush v62, $0x1  }
0x6b: {  	(v2sf) =	vpush v5, $0x1;
	_ =	sdelay $0x4  }
0x6c: {  	(v2sf) =	vpush v62, $0x2  }
0x6d: {  	(v2sf) =	vpush v5, $0x2;
	_ =	sdelay $0x2  }
0x6e: {  	s24 =	spop (v2sf)  }
0x6f: {  	p1 =	seq.f32 s24, $-1.000000000e+00;
	s23 =	spop (v2sf)  }
0x70: {  	(v2sf) =	vpush v62, $0x3;
	p2 =	slt.s32 s23, $0x0  }
0x71: {  	p3 =	sgt.f32 s24, $-1.000000000e+00;
	(v2sf) =	vpush v5, $0x3;
	p1 =	por !p1, !p2  }
0x72: {  	p1 =	por !p1, !p1  }
0x73: {  	s4 =	spop (v2sf);
	p1 =	por p3, p1  }
0x74: {  	s31 =	spop (v2sf);
	s24 =	simm.s32 @!p1 $0xBF800000  }
0x75: {  	s5 =	sor.u32 $0x1, s31;
	s23 =	simm.s32 @!p1 $0x0;
	p4 =	seq.f32 s4, s24  }
0x76: {  	(v2sf) =	vpush v62, $0x4;
	p5 =	slt.s32 s5, s23  }
0x77: {  	(v2sf) =	vpush v5, $0x4;
	p6 =	sgt.f32 s4, s24;
	p1 =	por !p4, !p5  }
0x78: {  	p1 =	por !p1, !p1  }
0x79: {  	s9 =	spop (v2sf);
	p1 =	por p6, p1  }
0x7a: {  	s1 =	spop (v2sf);
	s24 =	smov.u32 @p1 s4  }
0x7b: {  	s23 =	smov.u32 @p1 s5;
	s4 =	sor.u32 $0x2, s1;
	p4 =	seq.f32 s9, s24  }
0x7c: {  	(v2sf) =	vpush v62, $0x5;
	p5 =	slt.s32 s4, s23  }
0x7d: {  	(v2sf) =	vpush v5, $0x5;
	p6 =	sgt.f32 s9, s24;
	p1 =	por !p4, !p5  }
0x7e: {  	p1 =	por !p1, !p1  }
0x7f: {  	s5 =	spop (v2sf);
	p1 =	por p6, p1  }
0x80: {  	s10 =	spop (v2sf);
	s24 =	smov.u32 @p1 s9  }
0x81: {  	s23 =	smov.u32 @p1 s4;
	s4 =	sor.u32 $0x3, s10;
	p4 =	seq.f32 s5, s24  }
0x82: {  	(v2sf) =	vpush v62, $0x6;
	p5 =	slt.s32 s4, s23  }
0x83: {  	(v2sf) =	vpush v5, $0x6;
	p6 =	sgt.f32 s5, s24;
	p1 =	por !p4, !p5  }
0x84: {  	p1 =	por !p1, !p1  }
0x85: {  	s9 =	spop (v2sf);
	p1 =	por p6, p1  }
0x86: {  	s11 =	spop (v2sf);
	s24 =	smov.u32 @p1 s5  }
0x87: {  	s23 =	smov.u32 @p1 s4;
	s4 =	sor.u32 $0x4, s11;
	p4 =	seq.f32 s9, s24  }
0x88: {  	(v2sf) =	vpush v62, $0x7;
	p5 =	slt.s32 s4, s23  }
0x89: {  	(v2sf) =	vpush v5, $0x7;
	p6 =	sgt.f32 s9, s24;
	p1 =	por !p4, !p5  }
0x8a: {  	p1 =	por !p1, !p1  }
0x8b: {  	s5 =	spop (v2sf);
	p1 =	por p6, p1  }
0x8c: {  	s12 =	spop (v2sf);
	s24 =	smov.u32 @p1 s9  }
0x8d: {  	s23 =	smov.u32 @p1 s4;
	s4 =	sor.u32 $0x5, s12;
	p4 =	seq.f32 s5, s24  }
0x8e: {  	(v2sf) =	vpush v62, $0x8;
	p5 =	slt.s32 s4, s23  }
0x8f: {  	(v2sf) =	vpush v5, $0x8;
	p6 =	sgt.f32 s5, s24;
	p1 =	por !p4, !p5  }
0x90: {  	p1 =	por !p1, !p1  }
0x91: {  	s9 =	spop (v2sf);
	p1 =	por p6, p1  }
0x92: {  	s13 =	spop (v2sf);
	s24 =	smov.u32 @p1 s5  }
0x93: {  	s23 =	smov.u32 @p1 s4;
	s4 =	sor.u32 $0x6, s13;
	p4 =	seq.f32 s9, s24  }
0x94: {  	(v2sf) =	vpush v62, $0x9;
	p5 =	slt.s32 s4, s23  }
0x95: {  	(v2sf) =	vpush v5, $0x9;
	p6 =	sgt.f32 s9, s24;
	p1 =	por !p4, !p5  }
0x96: {  	p1 =	por !p1, !p1  }
0x97: {  	s5 =	spop (v2sf);
	p1 =	por p6, p1  }
0x98: {  	s14 =	spop (v2sf);
	s24 =	smov.u32 @p1 s9  }
0x99: {  	s23 =	smov.u32 @p1 s4;
	s4 =	sor.u32 $0x7, s14;
	p4 =	seq.f32 s5, s24  }
0x9a: {  	(v2sf) =	vpush v62, $0xA;
	p5 =	slt.s32 s4, s23  }
0x9b: {  	(v2sf) =	vpush v5, $0xA;
	p6 =	sgt.f32 s5, s24;
	p1 =	por !p4, !p5  }
0x9c: {  	p1 =	por !p1, !p1  }
0x9d: {  	s9 =	spop (v2sf);
	p1 =	por p6, p1  }
0x9e: {  	s15 =	spop (v2sf);
	s24 =	smov.u32 @p1 s5  }
0x9f: {  	s23 =	smov.u32 @p1 s4;
	s4 =	sor.u32 $0x8, s15;
	p4 =	seq.f32 s9, s24  }
0xa0: {  	(v2sf) =	vpush v62, $0xB;
	p5 =	slt.s32 s4, s23  }
0xa1: {  	(v2sf) =	vpush v5, $0xB;
	p6 =	sgt.f32 s9, s24;
	p1 =	por !p4, !p5  }
0xa2: {  	p1 =	por !p1, !p1  }
0xa3: {  	s5 =	spop (v2sf);
	p1 =	por p6, p1  }
0xa4: {  	s16 =	spop (v2sf);
	s24 =	smov.u32 @p1 s9  }
0xa5: {  	s23 =	smov.u32 @p1 s4;
	s4 =	sor.u32 $0x9, s16;
	p4 =	seq.f32 s5, s24  }
0xa6: {  	(v2sf) =	vpush v62, $0xC;
	p5 =	slt.s32 s4, s23  }
0xa7: {  	(v2sf) =	vpush v5, $0xC;
	p6 =	sgt.f32 s5, s24;
	p1 =	por !p4, !p5  }
0xa8: {  	p1 =	por !p1, !p1  }
0xa9: {  	s9 =	spop (v2sf);
	p1 =	por p6, p1  }
0xaa: {  	s25 =	spop (v2sf);
	s24 =	smov.u32 @p1 s5  }
0xab: {  	s23 =	smov.u32 @p1 s4;
	s4 =	sor.u32 $0xA, s25;
	p4 =	seq.f32 s9, s24  }
0xac: {  	(v2sf) =	vpush v62, $0xD;
	p5 =	slt.s32 s4, s23  }
0xad: {  	(v2sf) =	vpush v5, $0xD;
	p6 =	sgt.f32 s9, s24;
	p1 =	por !p4, !p5  }
0xae: {  	p1 =	por !p1, !p1  }
0xaf: {  	s5 =	spop (v2sf);
	p1 =	por p6, p1  }
0xb0: {  	s26 =	spop (v2sf);
	s24 =	smov.u32 @p1 s9  }
0xb1: {  	s23 =	smov.u32 @p1 s4;
	s4 =	sor.u32 $0xB, s26;
	p4 =	seq.f32 s5, s24  }
0xb2: {  	(v2sf) =	vpush v62, $0xE;
	p5 =	slt.s32 s4, s23  }
0xb3: {  	(v2sf) =	vpush v5, $0xE;
	p6 =	sgt.f32 s5, s24;
	p1 =	por !p4, !p5  }
0xb4: {  	p1 =	por !p1, !p1  }
0xb5: {  	s9 =	spop (v2sf);
	p1 =	por p6, p1  }
0xb6: {  	s28 =	spop (v2sf);
	s24 =	smov.u32 @p1 s5  }
0xb7: {  	(v2sf) =	vpush v62, $0xF;
	s23 =	smov.u32 @p1 s4;
	s4 =	sor.u32 $0xC, s28;
	p4 =	seq.f32 s9, s24  }
0xb8: {  	(v2sf) =	vpush v5, $0xF;
	p5 =	slt.s32 s4, s23  }
0xb9: {  	p6 =	sgt.f32 s9, s24;
	p1 =	por !p4, !p5  }
0xba: {  	p1 =	por !p1, !p1  }
0xbb: {  	s5 =	spop (v2sf);
	p1 =	por p6, p1  }
0xbc: {  	s10 =	spop (v2sf);
	s24 =	smov.u32 @p1 s9  }
0xbd: {  	s23 =	smov.u32 @p1 s4;
	s4 =	sor.u32 $0xD, s10;
	p4 =	seq.f32 s5, s24  }
0xbe: {  	p5 =	slt.s32 s4, s23  }
0xbf: {  	p6 =	sgt.f32 s5, s24;
	p1 =	por !p4, !p5  }
0xc0: {  	p1 =	por !p1, !p1  }
0xc1: {  	s9 =	spop (v2sf);
	p1 =	por p6, p1  }
0xc2: {  	s29 =	spop (v2sf);
	s24 =	smov.u32 @p1 s5  }
0xc3: {  	s23 =	smov.u32 @p1 s4;
	s4 =	sor.u32 $0xE, s29;
	p4 =	seq.f32 s9, s24  }
0xc4: {  	p5 =	slt.s32 s4, s23  }
0xc5: {  	p6 =	sgt.f32 s9, s24;
	p1 =	por !p4, !p5  }
0xc6: {  	s30 =	spop (v2sf);
	p1 =	por !p1, !p1  }
0xc7: {  	s31 =	spop (v2sf);
	p1 =	por p6, p1  }
0xc8: {  	s24 =	smov.u32 @p1 s9;
	s23 =	smov.u32 @p1 s4;
	s4 =	sor.u32 $0xF, s31  }
0xc9: {  	p1 =	seq.f32 s30, s24;
	p2 =	slt.s32 s4, s23;
	s9 =	smov.u32 s23  }
0xca: {  	s22 =	sadd.s32 $0x1, s22;
	s9 =	smov.u32 @p2 s4  }
0xcb: {  	s23 =	smov.u32 @p1 s9;
	p1 =	sne.s32 s22, $0x100  }
.Ltmp2:
0xcc: {  	_ = 	snop;
	(pc) =	sbr.rel @p1 .LBB2_5-.Ltmp2, $3  }
0xcd: {  	_ = 	snop  }
0xce: {  	p3 =	sgt.f32 s30, s24;
	_ =	sdelay $0x1  }
0xcf: {  	[tilespmem:s0+$0x0] =	vst v3;
	s23 =	smov.u32 @p3 s4  }
0xd0: {  	s0 =	sshll.u32 s21, $0x8;
	s1 =	rddreg [dreg:$0x3]  }
0xd1: {  	s12 =	simm.s32 $0x1800;
	s4 =	sadd.s32 s1, s0  }
0xd2: {  	[hbm4b:s4+s17] =	stream.strided.scatter [tilespmem:s12], [sflag:$0x1], $0x100, s18, s17, $0x38;
	[tilespmem:$0x2B00] =	vst v63  }
0xd3: {  	_ =	swait.ge [sflag:s19], $0x100  }
0xd4: {  	[sflag:s19] =	ssyncset.done $0x0;
	s13 =	rddreg [dreg:$0x5]  }
0xd5: {  	s15 =	simm.s32 $0x1900;
	[sflag:s19] =	ssyncadd.s32 $0xFFFFFF00;
	s14 =	sadd.s32 s0, s13  }
0xd6: {  	[hbm4b:s14+s17] =	stream.strided.scatter [tilespmem:s15], [sflag:$0x1], $0x100, s18, s17, $0x38;
	[tilespmem:$0x2B00] =	vst v63  }
0xd7: {  	_ =	swait.ge [sflag:s19], $0x100  }
0xd8: {  	[sflag:s19] =	ssyncset.done $0x0;
	s16 =	rddreg [dreg:$0x6]  }
0xd9: {  	s22 =	simm.s32 $0x1A00;
	[sflag:s19] =	ssyncadd.s32 $0xFFFFFF00;
	s21 =	sadd.s32 s0, s16  }
0xda: {  	[hbm4b:s21+s17] =	stream.strided.scatter [tilespmem:s22], [sflag:$0x1], $0x100, s18, s17, $0x38;
	[tilespmem:$0x2B00] =	vst v63  }
0xdb: {  	_ =	swait.ge [sflag:s19], $0x100  }
0xdc: {  	[sflag:s19] =	ssyncset.done $0x0;
	s23 =	rddreg [dreg:$0x7]  }
0xdd: {  	s25 =	simm.s32 $0x1B00;
	[sflag:s19] =	ssyncadd.s32 $0xFFFFFF00;
	s24 =	sadd.s32 s0, s23  }
0xde: {  	[hbm4b:s24+s17] =	stream.strided.scatter [tilespmem:s25], [sflag:$0x1], $0x100, s18, s17, $0x38;
	[tilespmem:$0x2B00] =	vst v63  }
0xdf: {  	_ =	swait.ge [sflag:s19], $0x100  }
0xe0: {  	[sflag:s19] =	ssyncset.done $0x0;
	s26 =	rddreg [dreg:$0x9]  }
0xe1: {  	s29 =	simm.s32 $0x1C00;
	[sflag:s19] =	ssyncadd.s32 $0xFFFFFF00;
	s28 =	sadd.s32 s0, s26  }
0xe2: {  	[hbm4b:s28+s17] =	stream.strided.scatter [tilespmem:s29], [sflag:$0x1], $0x100, s18, s17, $0x38;
	[tilespmem:$0x2B00] =	vst v63  }
0xe3: {  	_ =	swait.ge [sflag:s19], $0x100  }
0xe4: {  	[sflag:s19] =	ssyncset.done $0x0;
	s30 =	rddreg [dreg:$0xa]  }
0xe5: {  	s31 =	simm.s32 $0x1D00;
	[sflag:s19] =	ssyncadd.s32 $0xFFFFFF00;
	s0 =	sadd.s32 s0, s30  }
0xe6: {  	[hbm4b:s0+s17] =	stream.strided.scatter [tilespmem:s31], [sflag:$0x1], $0x100, s18, s17, $0x38;
	[tilespmem:$0x2B00] =	vst v63  }
0xe7: {  	_ =	swait.ge [sflag:s19], $0x100  }
0xe8: {  	[sflag:s19] =	ssyncset.done $0x0  }
0xe9: {  	[sflag:s19] =	ssyncadd.s32 $0xFFFFFF00  }
0xea: {  	[tilespmem:$0x2700] =	vst v0  }
0xeb: {  	[tilespmem:$0x2710] =	vst v0  }
0xec: {  	[tilespmem:$0x2720] =	vst v0  }
0xed: {  	[tilespmem:$0x2730] =	vst v0  }
0xee: {  	[tilespmem:$0x2740] =	vst v0  }
0xef: {  	[tilespmem:$0x2750] =	vst v0  }
0xf0: {  	[tilespmem:$0x2760] =	vst v0  }
0xf1: {  	[tilespmem:$0x2770] =	vst v0  }
0xf2: {  	[tilespmem:$0x2780] =	vst v0  }
0xf3: {  	[tilespmem:$0x2790] =	vst v0  }
0xf4: {  	[tilespmem:$0x27A0] =	vst v0  }
0xf5: {  	[tilespmem:$0x27B0] =	vst v0  }
0xf6: {  	[tilespmem:$0x27C0] =	vst v0  }
0xf7: {  	[tilespmem:$0x27D0] =	vst v0  }
0xf8: {  	[tilespmem:$0x27E0] =	vst v0  }
0xf9: {  	s21 =	simm.s32 $0x0;
	s22 =	simm.s32 $0x0;
	s23 =	simm.s32 $0x0;
	[tilespmem:$0x27F0] =	vst v0  }
.LBB2_9:
0xfa: {  	v3 =	vld.msk [tilespmem:s23+$0x1800 ss:$0x0], $0xffff  }
0xfb: {  	v4 =	vld.msk [tilespmem:s23+$0x1900 ss:$0x0], $0xffff  }
0xfc: {  	v5 =	vld.msk [tilespmem:s23+$0x1A00 ss:$0x0], $0xffff  }
0xfd: {  	v7 =	vld.msk [tilespmem:s23+$0x1B00 ss:$0x0], $0xffff  }
0xfe: {  	v8 =	vld.msk [tilespmem:s23+$0x1C00 ss:$0x0], $0xffff  }
0xff: {  	s0 =	sand.u32 $0x70, s22;
	v9 =	vld.msk [tilespmem:s23+$0x1D00 ss:$0x0], $0xffff  }
0x100: {  	v6 =	vld [tilespmem:s0+$0x1E00]  }
0x101: {  	v10 =	vld [tilespmem:s0+$0x1E80]  }
0x102: {  	s4 =	sand.u32 $0xF, s22;
	v11 =	vld [tilespmem:s0+$0x1F00]  }
0x103: {  	v12 =	vmov s4;
	v13 =	vld [tilespmem:s0+$0x1F80]  }
0x104: {  	v63 =	vld [tilespmem:s0+$0x2000];
	vm0 =	veq.s32 v12, v1  }
0x105: {  	v14 =	vld [tilespmem:s0+$0x2080];
	v6 =	vsel vm0, v3, v6  }
0x106: {  	[tilespmem:s0+$0x1E00] =	vst v6;
	v6 =	vsel vm0, v4, v10  }
0x107: {  	[tilespmem:s0+$0x1E80] =	vst v6;
	v6 =	vsel vm0, v5, v11  }
0x108: {  	[tilespmem:s0+$0x1F00] =	vst v6;
	v6 =	vsel vm0, v7, v13  }
0x109: {  	[tilespmem:s0+$0x1F80] =	vst v6;
	v6 =	vsel vm0, v8, v63  }
0x10a: {  	[tilespmem:s0+$0x2000] =	vst v6;
	v6 =	vsel vm0, v9, v14  }
0x10b: {  	s30 =	simm.s32 $0x1800;
	[tilespmem:s0+$0x2080] =	vst v6  }
0x10c: {  	s31 =	simm.s32 $0x1900;
	v6 =	vld [tilespmem:s30+$0x0]  }
0x10d: {  	v7 =	vld [tilespmem:s31+$0x0]  }
0x10e: {  	s4 =	simm.s32 $0x1A00  }
0x10f: {  	v8 =	vld [tilespmem:s4+$0x0];
	_ =	sdelay $0x2  }
0x110: {  	v6 =	vsub.f32 v6, v3;
	v7 =	vsub.f32 v7, v4;
	_ =	sdelay $0x1  }
0x111: {  	s0 =	simm.s32 $0x2700;
	v8 =	vsub.f32 v8, v5;
	v6 =	vmul.f32 v6, v6;
	v7 =	vmul.f32 v7, v7  }
0x112: {  	v9 =	vld [tilespmem:s0+$0x0]  }
0x113: {  	v6 =	vadd.f32 v7, v6;
	v7 =	vmul.f32 v8, v8;
	_ =	sdelay $0x1  }
0x114: {  	v6 =	vadd.f32 v7, v6;
	_ =	sdelay $0x1  }
0x115: {  	v7 =	vimm.f32 $-1.000000000e+00;
	v6 =	vmin.f32 v9, v6  }
0x116: {  	s9 =	simm.s32 $0x1810;
	v9 =	vimm.s32 $0x0;
	[tilespmem:s0+$0x0] =	vst v6;
	vm15 =	vgt.f32 v6, v7  }
0x117: {  	s5 =	simm.s32 $0x1;
	s10 =	simm.s32 $0x2;
	s11 =	simm.s32 $0x1910;
	v8 =	vld [tilespmem:s9+$0x0];
	v6 =	vsel vm15, v6, v7;
	v7 =	vsel vm15, s21, v9  }
.LBB2_10:
0x118: {  	p1 =	sne.s32 s10, $0xF;
	v9 =	vld [tilespmem:s11+$0x0]  }
0x119: {  	s4 =	sadd.s32 $0x10, s4  }
0x11a: {  	v10 =	vld [tilespmem:s4+$0x0];
	_ =	sdelay $0x2  }
0x11b: {  	v8 =	vsub.f32 v8, v3;
	v9 =	vsub.f32 v9, v4;
	_ =	sdelay $0x1  }
0x11c: {  	s0 =	sadd.s32 $0x10, s0;
	v8 =	vmul.f32 v8, v8;
	v10 =	vsub.f32 v10, v5;
	v9 =	vmul.f32 v9, v9  }
0x11d: {  	v11 =	vld [tilespmem:s0+$0x0]  }
0x11e: {  	v8 =	vadd.f32 v9, v8;
	v9 =	vmul.f32 v10, v10;
	_ =	sdelay $0x1  }
.Ltmp3:
0x11f: {  	v8 =	vadd.f32 v9, v8;
	(pc) =	sbr.rel @p1 .LBB2_10-.Ltmp3, $4  }
0x120: {  	_ = 	snop  }
0x121: {  	v9 =	vmin.f32 v11, v8  }
0x122: {  	s9 =	sadd.s32 $0x10, s9;
	[tilespmem:s0+$0x0] =	vst v9;
	vm0 =	vgt.f32 v9, v6  }
0x123: {  	s11 =	sadd.s32 $0x10, s11;
	v8 =	vld [tilespmem:s9+$0x0];
	v6 =	vsel vm0, v9, v6;
	v7 =	vsel vm0, s5, v7;
	s5 =	smov.u32 s10;
	s10 =	sadd.s32 $0x1, s10  }
0x124: {  	v9 =	vld [tilespmem:s11+$0x0]  }
0x125: {  	s4 =	sadd.s32 $0x10, s4  }
0x126: {  	v10 =	vld [tilespmem:s4+$0x0];
	_ =	sdelay $0x2  }
0x127: {  	v3 =	vsub.f32 v8, v3;
	v4 =	vsub.f32 v9, v4;
	_ =	sdelay $0x1  }
0x128: {  	s0 =	sadd.s32 $0x10, s0;
	v5 =	vsub.f32 v10, v5;
	v3 =	vmul.f32 v3, v3;
	v4 =	vmul.f32 v4, v4  }
0x129: {  	v60 =	vld [tilespmem:s0+$0x0]  }
0x12a: {  	v61 =	vmul.f32 v5, v5;
	v3 =	vadd.f32 v4, v3;
	_ =	sdelay $0x1  }
0x12b: {  	v3 =	vadd.f32 v61, v3;
	_ =	sdelay $0x1  }
0x12c: {  	v3 =	vmin.f32 v60, v3  }
0x12d: {  	vm0 =	vgt.f32 v3, v6  }
0x12e: {  	v62 =	vsel vm0, v3, v6;
	v63 =	vsel vm0, s5, v7  }
0x12f: {  	(v2sf) =	vpush v62, $0x0;
	v5 =	vshll.u32 v63, $0x4  }
0x130: {  	(v2sf) =	vpush v5, $0x0;
	_ =	sdelay $0x3  }
0x131: {  	(v2sf) =	vpush v62, $0x1  }
0x132: {  	(v2sf) =	vpush v5, $0x1;
	_ =	sdelay $0x4  }
0x133: {  	(v2sf) =	vpush v62, $0x2  }
0x134: {  	(v2sf) =	vpush v5, $0x2;
	_ =	sdelay $0x2  }
0x135: {  	s24 =	spop (v2sf)  }
0x136: {  	p1 =	seq.f32 s24, $-1.000000000e+00;
	s23 =	spop (v2sf)  }
0x137: {  	(v2sf) =	vpush v62, $0x3;
	p2 =	slt.s32 s23, $0x0  }
0x138: {  	p3 =	sgt.f32 s24, $-1.000000000e+00;
	(v2sf) =	vpush v5, $0x3;
	p1 =	por !p1, !p2  }
0x139: {  	p1 =	por !p1, !p1  }
0x13a: {  	s4 =	spop (v2sf);
	p1 =	por p3, p1  }
0x13b: {  	s31 =	spop (v2sf);
	s24 =	simm.s32 @!p1 $0xBF800000  }
0x13c: {  	s5 =	sor.u32 $0x1, s31;
	s23 =	simm.s32 @!p1 $0x0;
	p4 =	seq.f32 s4, s24  }
0x13d: {  	(v2sf) =	vpush v62, $0x4;
	p5 =	slt.s32 s5, s23  }
0x13e: {  	(v2sf) =	vpush v5, $0x4;
	p6 =	sgt.f32 s4, s24;
	p1 =	por !p4, !p5  }
0x13f: {  	p1 =	por !p1, !p1  }
0x140: {  	s9 =	spop (v2sf);
	p1 =	por p6, p1  }
0x141: {  	s1 =	spop (v2sf);
	s24 =	smov.u32 @p1 s4  }
0x142: {  	s23 =	smov.u32 @p1 s5;
	s4 =	sor.u32 $0x2, s1;
	p4 =	seq.f32 s9, s24  }
0x143: {  	(v2sf) =	vpush v62, $0x5;
	p5 =	slt.s32 s4, s23  }
0x144: {  	(v2sf) =	vpush v5, $0x5;
	p6 =	sgt.f32 s9, s24;
	p1 =	por !p4, !p5  }
0x145: {  	p1 =	por !p1, !p1  }
0x146: {  	s5 =	spop (v2sf);
	p1 =	por p6, p1  }
0x147: {  	s10 =	spop (v2sf);
	s24 =	smov.u32 @p1 s9  }
0x148: {  	s23 =	smov.u32 @p1 s4;
	s4 =	sor.u32 $0x3, s10;
	p4 =	seq.f32 s5, s24  }
0x149: {  	(v2sf) =	vpush v62, $0x6;
	p5 =	slt.s32 s4, s23  }
0x14a: {  	(v2sf) =	vpush v5, $0x6;
	p6 =	sgt.f32 s5, s24;
	p1 =	por !p4, !p5  }
0x14b: {  	p1 =	por !p1, !p1  }
0x14c: {  	s9 =	spop (v2sf);
	p1 =	por p6, p1  }
0x14d: {  	s11 =	spop (v2sf);
	s24 =	smov.u32 @p1 s5  }
0x14e: {  	s23 =	smov.u32 @p1 s4;
	s4 =	sor.u32 $0x4, s11;
	p4 =	seq.f32 s9, s24  }
0x14f: {  	(v2sf) =	vpush v62, $0x7;
	p5 =	slt.s32 s4, s23  }
0x150: {  	(v2sf) =	vpush v5, $0x7;
	p6 =	sgt.f32 s9, s24;
	p1 =	por !p4, !p5  }
0x151: {  	p1 =	por !p1, !p1  }
0x152: {  	s5 =	spop (v2sf);
	p1 =	por p6, p1  }
0x153: {  	s12 =	spop (v2sf);
	s24 =	smov.u32 @p1 s9  }
0x154: {  	s23 =	smov.u32 @p1 s4;
	s4 =	sor.u32 $0x5, s12;
	p4 =	seq.f32 s5, s24  }
0x155: {  	(v2sf) =	vpush v62, $0x8;
	p5 =	slt.s32 s4, s23  }
0x156: {  	(v2sf) =	vpush v5, $0x8;
	p6 =	sgt.f32 s5, s24;
	p1 =	por !p4, !p5  }
0x157: {  	p1 =	por !p1, !p1  }
0x158: {  	s9 =	spop (v2sf);
	p1 =	por p6, p1  }
0x159: {  	s13 =	spop (v2sf);
	s24 =	smov.u32 @p1 s5  }
0x15a: {  	s23 =	smov.u32 @p1 s4;
	s4 =	sor.u32 $0x6, s13;
	p4 =	seq.f32 s9, s24  }
0x15b: {  	(v2sf) =	vpush v62, $0x9;
	p5 =	slt.s32 s4, s23  }
0x15c: {  	(v2sf) =	vpush v5, $0x9;
	p6 =	sgt.f32 s9, s24;
	p1 =	por !p4, !p5  }
0x15d: {  	p1 =	por !p1, !p1  }
0x15e: {  	s5 =	spop (v2sf);
	p1 =	por p6, p1  }
0x15f: {  	s14 =	spop (v2sf);
	s24 =	smov.u32 @p1 s9  }
0x160: {  	s23 =	smov.u32 @p1 s4;
	s4 =	sor.u32 $0x7, s14;
	p4 =	seq.f32 s5, s24  }
0x161: {  	(v2sf) =	vpush v62, $0xA;
	p5 =	slt.s32 s4, s23  }
0x162: {  	(v2sf) =	vpush v5, $0xA;
	p6 =	sgt.f32 s5, s24;
	p1 =	por !p4, !p5  }
0x163: {  	p1 =	por !p1, !p1  }
0x164: {  	s9 =	spop (v2sf);
	p1 =	por p6, p1  }
0x165: {  	s15 =	spop (v2sf);
	s24 =	smov.u32 @p1 s5  }
0x166: {  	s23 =	smov.u32 @p1 s4;
	s4 =	sor.u32 $0x8, s15;
	p4 =	seq.f32 s9, s24  }
0x167: {  	(v2sf) =	vpush v62, $0xB;
	p5 =	slt.s32 s4, s23  }
0x168: {  	(v2sf) =	vpush v5, $0xB;
	p6 =	sgt.f32 s9, s24;
	p1 =	por !p4, !p5  }
0x169: {  	p1 =	por !p1, !p1  }
0x16a: {  	s5 =	spop (v2sf);
	p1 =	por p6, p1  }
0x16b: {  	s16 =	spop (v2sf);
	s24 =	smov.u32 @p1 s9  }
0x16c: {  	s23 =	smov.u32 @p1 s4;
	s4 =	sor.u32 $0x9, s16;
	p4 =	seq.f32 s5, s24  }
0x16d: {  	(v2sf) =	vpush v62, $0xC;
	p5 =	slt.s32 s4, s23  }
0x16e: {  	(v2sf) =	vpush v5, $0xC;
	p6 =	sgt.f32 s5, s24;
	p1 =	por !p4, !p5  }
0x16f: {  	p1 =	por !p1, !p1  }
0x170: {  	s9 =	spop (v2sf);
	p1 =	por p6, p1  }
0x171: {  	s25 =	spop (v2sf);
	s24 =	smov.u32 @p1 s5  }
0x172: {  	s23 =	smov.u32 @p1 s4;
	s4 =	sor.u32 $0xA, s25;
	p4 =	seq.f32 s9, s24  }
0x173: {  	(v2sf) =	vpush v62, $0xD;
	p5 =	slt.s32 s4, s23  }
0x174: {  	(v2sf) =	vpush v5, $0xD;
	p6 =	sgt.f32 s9, s24;
	p1 =	por !p4, !p5  }
0x175: {  	p1 =	por !p1, !p1  }
0x176: {  	s5 =	spop (v2sf);
	p1 =	por p6, p1  }
0x177: {  	s26 =	spop (v2sf);
	s24 =	smov.u32 @p1 s9  }
0x178: {  	s23 =	smov.u32 @p1 s4;
	s4 =	sor.u32 $0xB, s26;
	p4 =	seq.f32 s5, s24  }
0x179: {  	(v2sf) =	vpush v62, $0xE;
	p5 =	slt.s32 s4, s23  }
0x17a: {  	(v2sf) =	vpush v5, $0xE;
	p6 =	sgt.f32 s5, s24;
	p1 =	por !p4, !p5  }
0x17b: {  	p1 =	por !p1, !p1  }
0x17c: {  	s9 =	spop (v2sf);
	p1 =	por p6, p1  }
0x17d: {  	s28 =	spop (v2sf);
	s24 =	smov.u32 @p1 s5  }
0x17e: {  	(v2sf) =	vpush v62, $0xF;
	s23 =	smov.u32 @p1 s4;
	s4 =	sor.u32 $0xC, s28;
	p4 =	seq.f32 s9, s24  }
0x17f: {  	(v2sf) =	vpush v5, $0xF;
	p5 =	slt.s32 s4, s23  }
0x180: {  	p6 =	sgt.f32 s9, s24;
	p1 =	por !p4, !p5  }
0x181: {  	p1 =	por !p1, !p1  }
0x182: {  	s5 =	spop (v2sf);
	p1 =	por p6, p1  }
0x183: {  	s10 =	spop (v2sf);
	s24 =	smov.u32 @p1 s9  }
0x184: {  	s23 =	smov.u32 @p1 s4;
	s4 =	sor.u32 $0xD, s10;
	p4 =	seq.f32 s5, s24  }
0x185: {  	p5 =	slt.s32 s4, s23  }
0x186: {  	p6 =	sgt.f32 s5, s24;
	p1 =	por !p4, !p5  }
0x187: {  	p1 =	por !p1, !p1  }
0x188: {  	s9 =	spop (v2sf);
	p1 =	por p6, p1  }
0x189: {  	s29 =	spop (v2sf);
	s24 =	smov.u32 @p1 s5  }
0x18a: {  	s23 =	smov.u32 @p1 s4;
	s4 =	sor.u32 $0xE, s29;
	p4 =	seq.f32 s9, s24  }
0x18b: {  	p5 =	slt.s32 s4, s23  }
0x18c: {  	p6 =	sgt.f32 s9, s24;
	p1 =	por !p4, !p5  }
0x18d: {  	s30 =	spop (v2sf);
	p1 =	por !p1, !p1  }
0x18e: {  	s31 =	spop (v2sf);
	p1 =	por p6, p1  }
0x18f: {  	s24 =	smov.u32 @p1 s9;
	s23 =	smov.u32 @p1 s4;
	s4 =	sor.u32 $0xF, s31  }
0x190: {  	p1 =	seq.f32 s30, s24;
	p2 =	slt.s32 s4, s23;
	s9 =	smov.u32 s23  }
0x191: {  	s22 =	sadd.s32 $0x1, s22;
	s9 =	smov.u32 @p2 s4  }
0x192: {  	s23 =	smov.u32 @p1 s9;
	p1 =	sne.s32 s22, $0x80  }
.Ltmp4:
0x193: {  	_ = 	snop;
	(pc) =	sbr.rel @p1 .LBB2_9-.Ltmp4, $3  }
0x194: {  	_ = 	snop  }
0x195: {  	p3 =	sgt.f32 s30, s24;
	_ =	sdelay $0x1  }
0x196: {  	[tilespmem:s0+$0x0] =	vst v3;
	s23 =	smov.u32 @p3 s4  }
0x197: {  	s0 =	sadd.s32 s6, s20;
	s26 =	simm.s32 $0x0;
	s1 =	simm.s32 $0x1E00  }
0x198: {  	[hbm4b:s0+s26] =	stream.linear.scatter [tilespmem:s1], [sflag:$0x1], $0x80, $0x38;
	[tilespmem:$0x2B00] =	vst v63  }
0x199: {  	_ =	swait.ge [sflag:s19], $0x80  }
0x19a: {  	s21 =	sor.u32 $0x10, s20;
	[sflag:s19] =	ssyncset.done $0x0  }
0x19b: {  	s11 =	simm.s32 $0x1E80;
	s10 =	sadd.s32 s6, s21;
	[sflag:s19] =	ssyncadd.s32 $0xFFFFFF80  }
0x19c: {  	[hbm4b:s10+s26] =	stream.linear.scatter [tilespmem:s11], [sflag:$0x1], $0x80, $0x38;
	[tilespmem:$0x2B00] =	vst v63  }
0x19d: {  	_ =	swait.ge [sflag:s19], $0x80  }
0x19e: {  	s22 =	sor.u32 $0x20, s20;
	[sflag:s19] =	ssyncset.done $0x0  }
0x19f: {  	s13 =	simm.s32 $0x1F00;
	s12 =	sadd.s32 s6, s22;
	[sflag:s19] =	ssyncadd.s32 $0xFFFFFF80  }
0x1a0: {  	[hbm4b:s12+s26] =	stream.linear.scatter [tilespmem:s13], [sflag:$0x1], $0x80, $0x38;
	[tilespmem:$0x2B00] =	vst v63  }
0x1a1: {  	_ =	swait.ge [sflag:s19], $0x80  }
0x1a2: {  	s23 =	sor.u32 $0x30, s20;
	[sflag:s19] =	ssyncset.done $0x0  }
0x1a3: {  	s15 =	simm.s32 $0x1F80;
	s14 =	sadd.s32 s6, s23;
	[sflag:s19] =	ssyncadd.s32 $0xFFFFFF80  }
0x1a4: {  	[hbm4b:s14+s26] =	stream.linear.scatter [tilespmem:s15], [sflag:$0x1], $0x80, $0x38;
	[tilespmem:$0x2B00] =	vst v63  }
0x1a5: {  	_ =	swait.ge [sflag:s19], $0x80  }
0x1a6: {  	s24 =	sor.u32 $0x40, s20;
	[sflag:s19] =	ssyncset.done $0x0  }
0x1a7: {  	s25 =	simm.s32 $0x2000;
	s16 =	sadd.s32 s6, s24;
	[sflag:s19] =	ssyncadd.s32 $0xFFFFFF80  }
0x1a8: {  	[hbm4b:s16+s26] =	stream.linear.scatter [tilespmem:s25], [sflag:$0x1], $0x80, $0x38;
	[tilespmem:$0x2B00] =	vst v63  }
0x1a9: {  	_ =	swait.ge [sflag:s19], $0x80  }
0x1aa: {  	s25 =	sor.u32 $0x50, s20;
	[sflag:s19] =	ssyncset.done $0x0  }
0x1ab: {  	s31 =	simm.s32 $0x2080;
	s30 =	sadd.s32 s6, s25;
	[sflag:s19] =	ssyncadd.s32 $0xFFFFFF80  }
0x1ac: {  	[hbm4b:s30+s26] =	stream.linear.scatter [tilespmem:s31], [sflag:$0x1], $0x80, $0x38;
	[tilespmem:$0x2B00] =	vst v63  }
0x1ad: {  	_ =	swait.ge [sflag:s19], $0x80  }
0x1ae: {  	[sflag:s19] =	ssyncset.done $0x0  }
0x1af: {  	[sflag:s19] =	ssyncadd.s32 $0xFFFFFF80  }
0x1b0: {  	[tilespmem:$0x2700] =	vst v0  }
0x1b1: {  	[tilespmem:$0x2710] =	vst v0  }
0x1b2: {  	[tilespmem:$0x2720] =	vst v0  }
0x1b3: {  	[tilespmem:$0x2730] =	vst v0  }
0x1b4: {  	[tilespmem:$0x2740] =	vst v0  }
0x1b5: {  	[tilespmem:$0x2750] =	vst v0  }
0x1b6: {  	[tilespmem:$0x2760] =	vst v0  }
0x1b7: {  	s29 =	simm.s32 $0x0;
	s28 =	simm.s32 $0x0;
	[tilespmem:$0x2770] =	vst v0  }
.LBB2_13:
0x1b8: {  	v3 =	vld.msk [tilespmem:s29+$0x1E00 ss:$0x0], $0xffff  }
0x1b9: {  	v4 =	vld.msk [tilespmem:s29+$0x1E80 ss:$0x0], $0xffff  }
0x1ba: {  	v5 =	vld.msk [tilespmem:s29+$0x1F00 ss:$0x0], $0xffff  }
0x1bb: {  	v7 =	vld.msk [tilespmem:s29+$0x1F80 ss:$0x0], $0xffff  }
0x1bc: {  	v8 =	vld.msk [tilespmem:s29+$0x2000 ss:$0x0], $0xffff  }
0x1bd: {  	s0 =	sand.u32 $0x30, s28;
	v9 =	vld.msk [tilespmem:s29+$0x2080 ss:$0x0], $0xffff  }
0x1be: {  	v6 =	vld [tilespmem:s0+$0x2100]  }
0x1bf: {  	v10 =	vld [tilespmem:s0+$0x2180]  }
0x1c0: {  	s4 =	sand.u32 $0xF, s28;
	v11 =	vld [tilespmem:s0+$0x2200]  }
0x1c1: {  	v12 =	vmov s4;
	v13 =	vld [tilespmem:s0+$0x2280]  }
0x1c2: {  	v63 =	vld [tilespmem:s0+$0x2300];
	vm0 =	veq.s32 v12, v1  }
0x1c3: {  	v14 =	vld [tilespmem:s0+$0x2380];
	v6 =	vsel vm0, v3, v6  }
0x1c4: {  	[tilespmem:s0+$0x2100] =	vst v6;
	v6 =	vsel vm0, v4, v10  }
0x1c5: {  	[tilespmem:s0+$0x2180] =	vst v6;
	v6 =	vsel vm0, v5, v11  }
0x1c6: {  	[tilespmem:s0+$0x2200] =	vst v6;
	v6 =	vsel vm0, v7, v13  }
0x1c7: {  	[tilespmem:s0+$0x2280] =	vst v6;
	v6 =	vsel vm0, v8, v63  }
0x1c8: {  	[tilespmem:s0+$0x2300] =	vst v6;
	v6 =	vsel vm0, v9, v14  }
0x1c9: {  	s30 =	simm.s32 $0x1E00;
	[tilespmem:s0+$0x2380] =	vst v6  }
0x1ca: {  	s31 =	simm.s32 $0x1E80;
	v6 =	vld [tilespmem:s30+$0x0]  }
0x1cb: {  	v7 =	vld [tilespmem:s31+$0x0]  }
0x1cc: {  	s4 =	simm.s32 $0x1F00  }
0x1cd: {  	v8 =	vld [tilespmem:s4+$0x0];
	_ =	sdelay $0x2  }
0x1ce: {  	v6 =	vsub.f32 v6, v3;
	v7 =	vsub.f32 v7, v4;
	_ =	sdelay $0x1  }
0x1cf: {  	s0 =	simm.s32 $0x2700;
	v8 =	vsub.f32 v8, v5;
	v6 =	vmul.f32 v6, v6;
	v7 =	vmul.f32 v7, v7  }
0x1d0: {  	v9 =	vld [tilespmem:s0+$0x0]  }
0x1d1: {  	v6 =	vadd.f32 v7, v6;
	v7 =	vmul.f32 v8, v8;
	_ =	sdelay $0x1  }
0x1d2: {  	v6 =	vadd.f32 v7, v6;
	_ =	sdelay $0x1  }
0x1d3: {  	v7 =	vimm.f32 $-1.000000000e+00;
	v6 =	vmin.f32 v9, v6  }
0x1d4: {  	s9 =	simm.s32 $0x1E10;
	v9 =	vimm.s32 $0x0;
	[tilespmem:s0+$0x0] =	vst v6;
	vm15 =	vgt.f32 v6, v7  }
0x1d5: {  	s5 =	simm.s32 $0x1;
	s10 =	simm.s32 $0x2;
	s11 =	simm.s32 $0x1E90;
	v8 =	vld [tilespmem:s9+$0x0];
	v6 =	vsel vm15, v6, v7;
	v7 =	vsel vm15, s26, v9  }
.LBB2_14:
0x1d6: {  	p1 =	sne.s32 s10, $0x7;
	v9 =	vld [tilespmem:s11+$0x0]  }
0x1d7: {  	s4 =	sadd.s32 $0x10, s4  }
0x1d8: {  	v10 =	vld [tilespmem:s4+$0x0];
	_ =	sdelay $0x2  }
0x1d9: {  	v8 =	vsub.f32 v8, v3;
	v9 =	vsub.f32 v9, v4;
	_ =	sdelay $0x1  }
0x1da: {  	s0 =	sadd.s32 $0x10, s0;
	v8 =	vmul.f32 v8, v8;
	v10 =	vsub.f32 v10, v5;
	v9 =	vmul.f32 v9, v9  }
0x1db: {  	v11 =	vld [tilespmem:s0+$0x0]  }
0x1dc: {  	v8 =	vadd.f32 v9, v8;
	v9 =	vmul.f32 v10, v10;
	_ =	sdelay $0x1  }
.Ltmp5:
0x1dd: {  	v8 =	vadd.f32 v9, v8;
	(pc) =	sbr.rel @p1 .LBB2_14-.Ltmp5, $4  }
0x1de: {  	_ = 	snop  }
0x1df: {  	v9 =	vmin.f32 v11, v8  }
0x1e0: {  	s9 =	sadd.s32 $0x10, s9;
	[tilespmem:s0+$0x0] =	vst v9;
	vm0 =	vgt.f32 v9, v6  }
0x1e1: {  	s11 =	sadd.s32 $0x10, s11;
	v8 =	vld [tilespmem:s9+$0x0];
	v6 =	vsel vm0, v9, v6;
	v7 =	vsel vm0, s5, v7;
	s5 =	smov.u32 s10;
	s10 =	sadd.s32 $0x1, s10  }
0x1e2: {  	v9 =	vld [tilespmem:s11+$0x0]  }
0x1e3: {  	s4 =	sadd.s32 $0x10, s4  }
0x1e4: {  	v10 =	vld [tilespmem:s4+$0x0];
	_ =	sdelay $0x2  }
0x1e5: {  	v3 =	vsub.f32 v8, v3;
	v4 =	vsub.f32 v9, v4;
	_ =	sdelay $0x1  }
0x1e6: {  	s0 =	sadd.s32 $0x10, s0;
	v5 =	vsub.f32 v10, v5;
	v3 =	vmul.f32 v3, v3;
	v4 =	vmul.f32 v4, v4  }
0x1e7: {  	v60 =	vld [tilespmem:s0+$0x0]  }
0x1e8: {  	v61 =	vmul.f32 v5, v5;
	v3 =	vadd.f32 v4, v3;
	_ =	sdelay $0x1  }
0x1e9: {  	v3 =	vadd.f32 v61, v3;
	_ =	sdelay $0x1  }
0x1ea: {  	v3 =	vmin.f32 v60, v3  }
0x1eb: {  	vm0 =	vgt.f32 v3, v6  }
0x1ec: {  	v62 =	vsel vm0, v3, v6;
	v63 =	vsel vm0, s5, v7  }
0x1ed: {  	(v2sf) =	vpush v62, $0x0;
	v5 =	vshll.u32 v63, $0x4  }
0x1ee: {  	(v2sf) =	vpush v5, $0x0;
	_ =	sdelay $0x3  }
0x1ef: {  	(v2sf) =	vpush v62, $0x1  }
0x1f0: {  	(v2sf) =	vpush v5, $0x1;
	_ =	sdelay $0x4  }
0x1f1: {  	(v2sf) =	vpush v62, $0x2  }
0x1f2: {  	(v2sf) =	vpush v5, $0x2;
	_ =	sdelay $0x2  }
0x1f3: {  	s30 =	spop (v2sf)  }
0x1f4: {  	p1 =	seq.f32 s30, $-1.000000000e+00;
	s29 =	spop (v2sf)  }
0x1f5: {  	(v2sf) =	vpush v62, $0x3;
	p2 =	slt.s32 s29, $0x0  }
0x1f6: {  	p3 =	sgt.f32 s30, $-1.000000000e+00;
	(v2sf) =	vpush v5, $0x3;
	p1 =	por !p1, !p2  }
0x1f7: {  	p1 =	por !p1, !p1  }
0x1f8: {  	s4 =	spop (v2sf);
	p1 =	por p3, p1  }
0x1f9: {  	s12 =	spop (v2sf);
	s30 =	simm.s32 @!p1 $0xBF800000  }
0x1fa: {  	s5 =	sor.u32 $0x1, s12;
	s29 =	simm.s32 @!p1 $0x0;
	p4 =	seq.f32 s4, s30  }
0x1fb: {  	(v2sf) =	vpush v62, $0x4;
	p5 =	slt.s32 s5, s29  }
0x1fc: {  	(v2sf) =	vpush v5, $0x4;
	p6 =	sgt.f32 s4, s30;
	p1 =	por !p4, !p5  }
0x1fd: {  	p1 =	por !p1, !p1  }
0x1fe: {  	s9 =	spop (v2sf);
	p1 =	por p6, p1  }
0x1ff: {  	s13 =	spop (v2sf);
	s30 =	smov.u32 @p1 s4  }
0x200: {  	s29 =	smov.u32 @p1 s5;
	s4 =	sor.u32 $0x2, s13;
	p4 =	seq.f32 s9, s30  }
0x201: {  	(v2sf) =	vpush v62, $0x5;
	p5 =	slt.s32 s4, s29  }
0x202: {  	(v2sf) =	vpush v5, $0x5;
	p6 =	sgt.f32 s9, s30;
	p1 =	por !p4, !p5  }
0x203: {  	p1 =	por !p1, !p1  }
0x204: {  	s5 =	spop (v2sf);
	p1 =	por p6, p1  }
0x205: {  	s14 =	spop (v2sf);
	s30 =	smov.u32 @p1 s9  }
0x206: {  	s29 =	smov.u32 @p1 s4;
	s4 =	sor.u32 $0x3, s14;
	p4 =	seq.f32 s5, s30  }
0x207: {  	(v2sf) =	vpush v62, $0x6;
	p5 =	slt.s32 s4, s29  }
0x208: {  	(v2sf) =	vpush v5, $0x6;
	p6 =	sgt.f32 s5, s30;
	p1 =	por !p4, !p5  }
0x209: {  	p1 =	por !p1, !p1  }
0x20a: {  	s9 =	spop (v2sf);
	p1 =	por p6, p1  }
0x20b: {  	s15 =	spop (v2sf);
	s30 =	smov.u32 @p1 s5  }
0x20c: {  	s29 =	smov.u32 @p1 s4;
	s4 =	sor.u32 $0x4, s15;
	p4 =	seq.f32 s9, s30  }
0x20d: {  	(v2sf) =	vpush v62, $0x7;
	p5 =	slt.s32 s4, s29  }
0x20e: {  	(v2sf) =	vpush v5, $0x7;
	p6 =	sgt.f32 s9, s30;
	p1 =	por !p4, !p5  }
0x20f: {  	p1 =	por !p1, !p1  }
0x210: {  	s5 =	spop (v2sf);
	p1 =	por p6, p1  }
0x211: {  	s16 =	spop (v2sf);
	s30 =	smov.u32 @p1 s9  }
0x212: {  	s29 =	smov.u32 @p1 s4;
	s4 =	sor.u32 $0x5, s16;
	p4 =	seq.f32 s5, s30  }
0x213: {  	(v2sf) =	vpush v62, $0x8;
	p5 =	slt.s32 s4, s29  }
0x214: {  	(v2sf) =	vpush v5, $0x8;
	p6 =	sgt.f32 s5, s30;
	p1 =	por !p4, !p5  }
0x215: {  	p1 =	por !p1, !p1  }
0x216: {  	s9 =	spop (v2sf);
	p1 =	por p6, p1  }
0x217: {  	s31 =	spop (v2sf);
	s30 =	smov.u32 @p1 s5  }
0x218: {  	s29 =	smov.u32 @p1 s4;
	s4 =	sor.u32 $0x6, s31;
	p4 =	seq.f32 s9, s30  }
0x219: {  	(v2sf) =	vpush v62, $0x9;
	p5 =	slt.s32 s4, s29  }
0x21a: {  	(v2sf) =	vpush v5, $0x9;
	p6 =	sgt.f32 s9, s30;
	p1 =	por !p4, !p5  }
0x21b: {  	p1 =	por !p1, !p1  }
0x21c: {  	s5 =	spop (v2sf);
	p1 =	por p6, p1  }
0x21d: {  	s1 =	spop (v2sf);
	s30 =	smov.u32 @p1 s9  }
0x21e: {  	s29 =	smov.u32 @p1 s4;
	s4 =	sor.u32 $0x7, s1;
	p4 =	seq.f32 s5, s30  }
0x21f: {  	(v2sf) =	vpush v62, $0xA;
	p5 =	slt.s32 s4, s29  }
0x220: {  	(v2sf) =	vpush v5, $0xA;
	p6 =	sgt.f32 s5, s30;
	p1 =	por !p4, !p5  }
0x221: {  	p1 =	por !p1, !p1  }
0x222: {  	s9 =	spop (v2sf);
	p1 =	por p6, p1  }
0x223: {  	s10 =	spop (v2sf);
	s30 =	smov.u32 @p1 s5  }
0x224: {  	s29 =	smov.u32 @p1 s4;
	s4 =	sor.u32 $0x8, s10;
	p4 =	seq.f32 s9, s30  }
0x225: {  	(v2sf) =	vpush v62, $0xB;
	p5 =	slt.s32 s4, s29  }
0x226: {  	(v2sf) =	vpush v5, $0xB;
	p6 =	sgt.f32 s9, s30;
	p1 =	por !p4, !p5  }
0x227: {  	p1 =	por !p1, !p1  }
0x228: {  	s5 =	spop (v2sf);
	p1 =	por p6, p1  }
0x229: {  	s11 =	spop (v2sf);
	s30 =	smov.u32 @p1 s9  }
0x22a: {  	s29 =	smov.u32 @p1 s4;
	s4 =	sor.u32 $0x9, s11;
	p4 =	seq.f32 s5, s30  }
0x22b: {  	(v2sf) =	vpush v62, $0xC;
	p5 =	slt.s32 s4, s29  }
0x22c: {  	(v2sf) =	vpush v5, $0xC;
	p6 =	sgt.f32 s5, s30;
	p1 =	por !p4, !p5  }
0x22d: {  	p1 =	por !p1, !p1  }
0x22e: {  	s9 =	spop (v2sf);
	p1 =	por p6, p1  }
0x22f: {  	s12 =	spop (v2sf);
	s30 =	smov.u32 @p1 s5  }
0x230: {  	s29 =	smov.u32 @p1 s4;
	s4 =	sor.u32 $0xA, s12;
	p4 =	seq.f32 s9, s30  }
0x231: {  	(v2sf) =	vpush v62, $0xD;
	p5 =	slt.s32 s4, s29  }
0x232: {  	(v2sf) =	vpush v5, $0xD;
	p6 =	sgt.f32 s9, s30;
	p1 =	por !p4, !p5  }
0x233: {  	p1 =	por !p1, !p1  }
0x234: {  	s5 =	spop (v2sf);
	p1 =	por p6, p1  }
0x235: {  	s13 =	spop (v2sf);
	s30 =	smov.u32 @p1 s9  }
0x236: {  	s29 =	smov.u32 @p1 s4;
	s4 =	sor.u32 $0xB, s13;
	p4 =	seq.f32 s5, s30  }
0x237: {  	(v2sf) =	vpush v62, $0xE;
	p5 =	slt.s32 s4, s29  }
0x238: {  	(v2sf) =	vpush v5, $0xE;
	p6 =	sgt.f32 s5, s30;
	p1 =	por !p4, !p5  }
0x239: {  	p1 =	por !p1, !p1  }
0x23a: {  	s9 =	spop (v2sf);
	p1 =	por p6, p1  }
0x23b: {  	s14 =	spop (v2sf);
	s30 =	smov.u32 @p1 s5  }
0x23c: {  	(v2sf) =	vpush v62, $0xF;
	s29 =	smov.u32 @p1 s4;
	s4 =	sor.u32 $0xC, s14;
	p4 =	seq.f32 s9, s30  }
0x23d: {  	(v2sf) =	vpush v5, $0xF;
	p5 =	slt.s32 s4, s29  }
0x23e: {  	p6 =	sgt.f32 s9, s30;
	p1 =	por !p4, !p5  }
0x23f: {  	p1 =	por !p1, !p1  }
0x240: {  	s5 =	spop (v2sf);
	p1 =	por p6, p1  }
0x241: {  	s10 =	spop (v2sf);
	s30 =	smov.u32 @p1 s9  }
0x242: {  	s29 =	smov.u32 @p1 s4;
	s4 =	sor.u32 $0xD, s10;
	p4 =	seq.f32 s5, s30  }
0x243: {  	p5 =	slt.s32 s4, s29  }
0x244: {  	p6 =	sgt.f32 s5, s30;
	p1 =	por !p4, !p5  }
0x245: {  	p1 =	por !p1, !p1  }
0x246: {  	s9 =	spop (v2sf);
	p1 =	por p6, p1  }
0x247: {  	s15 =	spop (v2sf);
	s30 =	smov.u32 @p1 s5  }
0x248: {  	s29 =	smov.u32 @p1 s4;
	s4 =	sor.u32 $0xE, s15;
	p4 =	seq.f32 s9, s30  }
0x249: {  	p5 =	slt.s32 s4, s29  }
0x24a: {  	p6 =	sgt.f32 s9, s30;
	p1 =	por !p4, !p5  }
0x24b: {  	s16 =	spop (v2sf);
	p1 =	por !p1, !p1  }
0x24c: {  	s31 =	spop (v2sf);
	p1 =	por p6, p1  }
0x24d: {  	s30 =	smov.u32 @p1 s9;
	s29 =	smov.u32 @p1 s4;
	s4 =	sor.u32 $0xF, s31  }
0x24e: {  	p1 =	seq.f32 s16, s30;
	p2 =	slt.s32 s4, s29;
	s9 =	smov.u32 s29  }
0x24f: {  	s28 =	sadd.s32 $0x1, s28;
	s9 =	smov.u32 @p2 s4  }
0x250: {  	s29 =	smov.u32 @p1 s9;
	p1 =	sne.s32 s28, $0x40  }
.Ltmp6:
0x251: {  	_ = 	snop;
	(pc) =	sbr.rel @p1 .LBB2_13-.Ltmp6, $3  }
0x252: {  	_ = 	snop  }
0x253: {  	p3 =	sgt.f32 s16, s30;
	_ =	sdelay $0x1  }
0x254: {  	[tilespmem:s0+$0x0] =	vst v3;
	s29 =	smov.u32 @p3 s4  }
0x255: {  	s0 =	sadd.s32 s7, s20;
	s4 =	simm.s32 $0x0;
	s1 =	simm.s32 $0x2100  }
0x256: {  	[hbm4b:s0+s4] =	stream.linear.scatter [tilespmem:s1], [sflag:$0x1], $0x80, $0x38;
	[tilespmem:$0x2B00] =	vst v63  }
0x257: {  	_ =	swait.ge [sflag:s19], $0x80  }
0x258: {  	[sflag:s19] =	ssyncset.done $0x0  }
0x259: {  	s16 =	sadd.s32 s7, s21;
	s26 =	simm.s32 $0x2180;
	[sflag:s19] =	ssyncadd.s32 $0xFFFFFF80  }
0x25a: {  	[hbm4b:s16+s4] =	stream.linear.scatter [tilespmem:s26], [sflag:$0x1], $0x80, $0x38;
	[tilespmem:$0x2B00] =	vst v63  }
0x25b: {  	_ =	swait.ge [sflag:s19], $0x80  }
0x25c: {  	[sflag:s19] =	ssyncset.done $0x0  }
0x25d: {  	s5 =	sadd.s32 s7, s22;
	s9 =	simm.s32 $0x2200;
	[sflag:s19] =	ssyncadd.s32 $0xFFFFFF80  }
0x25e: {  	[hbm4b:s5+s4] =	stream.linear.scatter [tilespmem:s9], [sflag:$0x1], $0x80, $0x38;
	[tilespmem:$0x2B00] =	vst v63  }
0x25f: {  	_ =	swait.ge [sflag:s19], $0x80  }
0x260: {  	[sflag:s19] =	ssyncset.done $0x0  }
0x261: {  	s10 =	sadd.s32 s7, s23;
	s11 =	simm.s32 $0x2280;
	[sflag:s19] =	ssyncadd.s32 $0xFFFFFF80  }
0x262: {  	[hbm4b:s10+s4] =	stream.linear.scatter [tilespmem:s11], [sflag:$0x1], $0x80, $0x38;
	[tilespmem:$0x2B00] =	vst v63  }
0x263: {  	_ =	swait.ge [sflag:s19], $0x80  }
0x264: {  	[sflag:s19] =	ssyncset.done $0x0  }
0x265: {  	s12 =	sadd.s32 s7, s24;
	s13 =	simm.s32 $0x2300;
	[sflag:s19] =	ssyncadd.s32 $0xFFFFFF80  }
0x266: {  	[hbm4b:s12+s4] =	stream.linear.scatter [tilespmem:s13], [sflag:$0x1], $0x80, $0x38;
	[tilespmem:$0x2B00] =	vst v63  }
0x267: {  	_ =	swait.ge [sflag:s19], $0x80  }
0x268: {  	[sflag:s19] =	ssyncset.done $0x0  }
0x269: {  	s14 =	sadd.s32 s7, s25;
	s15 =	simm.s32 $0x2380;
	[sflag:s19] =	ssyncadd.s32 $0xFFFFFF80  }
0x26a: {  	[hbm4b:s14+s4] =	stream.linear.scatter [tilespmem:s15], [sflag:$0x1], $0x80, $0x38;
	[tilespmem:$0x2B00] =	vst v63  }
0x26b: {  	_ =	swait.ge [sflag:s19], $0x80  }
0x26c: {  	[sflag:s19] =	ssyncset.done $0x0  }
0x26d: {  	[sflag:s19] =	ssyncadd.s32 $0xFFFFFF80  }
0x26e: {  	[tilespmem:$0x2700] =	vst v0  }
0x26f: {  	[tilespmem:$0x2710] =	vst v0  }
0x270: {  	[tilespmem:$0x2720] =	vst v0  }
0x271: {  	s16 =	sand.u32 $0x10, s4;
	[tilespmem:$0x2730] =	vst v0  }
0x272: {  	v3 =	vld [tilespmem:s16+$0x2400]  }
0x273: {  	v4 =	vld [tilespmem:s16+$0x2480]  }
0x274: {  	v5 =	vld [tilespmem:s16+$0x2580]  }
0x275: {  	v6 =	vld [tilespmem:s16+$0x2600]  }
0x276: {  	v7 =	vld [tilespmem:s16+$0x2500]  }
0x277: {  	v8 =	vld [tilespmem:s16+$0x2680]  }
0x278: {  	v9 =	vld.msk [tilespmem:s4+$0x2280 ss:$0x0], $0xffff  }
0x279: {  	v12 =	vld.msk [tilespmem:s4+$0x2200 ss:$0x0], $0xffff  }
0x27a: {  	s5 =	sand.u32 $0xF, s4;
	v14 =	vld.msk [tilespmem:s4+$0x2100 ss:$0x0], $0xffff  }
0x27b: {  	v13 =	vmov s5;
	v10 =	vld.msk [tilespmem:s4+$0x2300 ss:$0x0], $0xffff  }
0x27c: {  	vm0 =	veq.s32 v13, v1;
	v42 =	vld.msk [tilespmem:s4+$0x2180 ss:$0x0], $0xffff  }
0x27d: {  	v11 =	vld.msk [tilespmem:s4+$0x2380 ss:$0x0], $0xffff;
	v5 =	vsel vm0, v9, v5  }
0x27e: {  	v43 =	vsel vm0, v12, v7;
	[tilespmem:s16+$0x2580] =	vst v5  }
0x27f: {  	v3 =	vsel vm0, v14, v3;
	[tilespmem:s16+$0x2500] =	vst v43  }
0x280: {  	v5 =	vsel vm0, v10, v6;
	[tilespmem:s16+$0x2400] =	vst v3  }
0x281: {  	v3 =	vsel vm0, v42, v4;
	[tilespmem:s16+$0x2600] =	vst v5  }
0x282: {  	v5 =	vsel vm0, v11, v8;
	[tilespmem:s16+$0x2480] =	vst v3  }
0x283: {  	[tilespmem:s16+$0x2680] =	vst v5  }
0x284: {  	v3 =	vld [tilespmem:$0x2110]  }
0x285: {  	v4 =	vld [tilespmem:$0x2180]  }
0x286: {  	v5 =	vld [tilespmem:$0x2190]  }
0x287: {  	v6 =	vld [tilespmem:$0x2210]  }
0x288: {  	v44 =	vld [tilespmem:$0x2100]  }
0x289: {  	v45 =	vld [tilespmem:$0x2200]  }
0x28a: {  	v46 =	vld [tilespmem:$0x2120]  }
0x28b: {  	v47 =	vld [tilespmem:$0x21A0]  }
0x28c: {  	v48 =	vld [tilespmem:$0x2130];
	v3 =	vsub.f32 v3, v14;
	v5 =	vsub.f32 v5, v42  }
0x28d: {  	v15 =	vld [tilespmem:$0x21B0];
	v4 =	vsub.f32 v4, v42;
	v6 =	vsub.f32 v6, v12  }
0x28e: {  	v16 =	vld [tilespmem:$0x2220];
	v7 =	vsub.f32 v44, v14;
	v3 =	vmul.f32 v3, v3;
	v5 =	vmul.f32 v5, v5  }
0x28f: {  	v8 =	vsub.f32 v45, v12;
	v9 =	vsub.f32 v46, v14;
	v4 =	vmul.f32 v4, v4  }
0x290: {  	v49 =	vld [tilespmem:$0x2230];
	v7 =	vmul.f32 v7, v7;
	v3 =	vadd.f32 v5, v3;
	v5 =	vmul.f32 v6, v6  }
0x291: {  	v17 =	vld [tilespmem:$0x2700];
	v10 =	vsub.f32 v47, v42;
	v52 =	vsub.f32 v48, v14  }
0x292: {  	v4 =	vadd.f32 v4, v7;
	v3 =	vadd.f32 v5, v3;
	v5 =	vmul.f32 v8, v8  }
0x293: {  	v51 =	vld [tilespmem:$0x2710];
	v53 =	vsub.f32 v15, v42;
	v54 =	vsub.f32 v16, v12  }
0x294: {  	v50 =	vmul.f32 v9, v9;
	v10 =	vmul.f32 v10, v10;
	v4 =	vadd.f32 v5, v4  }
0x295: {  	v55 =	vld [tilespmem:$0x2720];
	v56 =	vmul.f32 v53, v53;
	v6 =	vsub.f32 v49, v12;
	v5 =	vmul.f32 v52, v52  }
0x296: {  	v57 =	vmul.f32 v54, v54;
	v7 =	vadd.f32 v10, v50;
	v4 =	vmin.f32 v17, v4  }
0x297: {  	v58 =	vld [tilespmem:$0x2730];
	v6 =	vmul.f32 v6, v6;
	v9 =	vadd.f32 v56, v5;
	vm14 =	vgt.f32 v4, $-1.000000000e+00  }
0x298: {  	v5 =	vmin.f32 v51, v3;
	v3 =	vadd.f32 v57, v7;
	v59 =	vnsel vm14, $0xBF800000, v4  }
0x299: {  	vm0 =	vgt.f32 v5, v59  }
0x29a: {  	v60 =	vadd.f32 v6, v9;
	v61 =	vmin.f32 v55, v3;
	v8 =	vsel vm0, v5, v59  }
0x29b: {  	vm1 =	vgt.f32 v61, v8  }
0x29c: {  	v3 =	vsel vm0, $0x1, v2;
	v7 =	vmin.f32 v58, v60;
	v8 =	vsel vm1, v61, v8  }
0x29d: {  	v62 =	vsel vm1, $0x2, v3;
	vm15 =	vgt.f32 v7, v8  }
0x29e: {  	v3 =	vsel vm15, v7, v8;
	v63 =	vsel vm15, $0x3, v62  }
0x29f: {  	v8 =	vshll.u32 v63, $0x4;
	(v2sf) =	vpush v3, $0x0  }
0x2a0: {  	(v2sf) =	vpush v8, $0x0  }
0x2a1: {  	(v2sf) =	vpush v8, $0x1  }
0x2a2: {  	(v2sf) =	vpush v3, $0x1;
	_ =	sdelay $0x2  }
0x2a3: {  	(v2sf) =	vpush v8, $0x2  }
0x2a4: {  	(v2sf) =	vpush v8, $0x3  }
0x2a5: {  	(v2sf) =	vpush v8, $0x4  }
0x2a6: {  	(v2sf) =	vpush v3, $0x2;
	_ =	sdelay $0x1  }
0x2a7: {  	(v2sf) =	vpush v8, $0x5  }
0x2a8: {  	(v2sf) =	vpush v8, $0x6  }
0x2a9: {  	(v2sf) =	vpush v8, $0x7  }
0x2aa: {  	(v2sf) =	vpush v8, $0x8  }
0x2ab: {  	(v2sf) =	vpush v3, $0x3;
	s29 =	spop (v2sf)  }
0x2ac: {  	p1 =	sgt.f32 s29, $-1.000000000e+00;
	s28 =	spop (v2sf)  }
0x2ad: {  	(v2sf) =	vpush v8, $0x9;
	s26 =	spop (v2sf)  }
0x2ae: {  	(v2sf) =	vpush v8, $0xA;
	s29 =	simm.s32 @!p1 $0xBF800000;
	s4 =	spop (v2sf)  }
0x2af: {  	(v2sf) =	vpush v8, $0xB;
	s28 =	simm.s32 @!p1 $0x0;
	s0 =	sor.u32 $0x1, s26;
	p6 =	seq.f32 s4, s29  }
0x2b0: {  	(v2sf) =	vpush v8, $0xC;
	p2 =	slt.u32 s0, s28  }
0x2b1: {  	s1 =	spop (v2sf);
	(v2sf) =	vpush v3, $0x4;
	p3 =	sgt.f32 s4, s29;
	p1 =	por !p6, !p2  }
0x2b2: {  	s9 =	spop (v2sf);
	p1 =	por !p1, !p1  }
0x2b3: {  	s12 =	spop (v2sf);
	p1 =	por p3, p1  }
0x2b4: {  	(v2sf) =	vpush v8, $0xD;
	s10 =	spop (v2sf);
	s29 =	smov.u32 @p1 s4  }
0x2b5: {  	(v2sf) =	vpush v8, $0xE;
	s28 =	smov.u32 @p1 s0;
	s0 =	sor.u32 $0x2, s1;
	p4 =	seq.f32 s10, s29  }
0x2b6: {  	(v2sf) =	vpush v8, $0xF;
	s16 =	spop (v2sf);
	p5 =	slt.u32 s0, s28  }
0x2b7: {  	(v2sf) =	vpush v3, $0x5;
	s26 =	spop (v2sf);
	p6 =	sgt.f32 s10, s29;
	p1 =	por !p4, !p5  }
0x2b8: {  	s13 =	spop (v2sf);
	p1 =	por !p1, !p1  }
0x2b9: {  	s11 =	spop (v2sf);
	p1 =	por p6, p1  }
0x2ba: {  	s30 =	spop (v2sf);
	s29 =	smov.u32 @p1 s10  }
0x2bb: {  	s28 =	smov.u32 @p1 s0;
	s0 =	sor.u32 $0x3, s9;
	p4 =	seq.f32 s30, s29  }
0x2bc: {  	s9 =	spop (v2sf);
	p5 =	slt.u32 s0, s28  }
0x2bd: {  	(v2sf) =	vpush v3, $0x6;
	s1 =	spop (v2sf);
	p6 =	sgt.f32 s30, s29;
	p1 =	por !p4, !p5  }
0x2be: {  	s4 =	spop (v2sf);
	p1 =	por !p1, !p1  }
0x2bf: {  	s15 =	spop (v2sf);
	p1 =	por p6, p1  }
0x2c0: {  	s14 =	spop (v2sf);
	s29 =	smov.u32 @p1 s30  }
0x2c1: {  	s12 =	sor.u32 $0x4, s12;
	s28 =	smov.u32 @p1 s0;
	p4 =	seq.f32 s14, s29  }
0x2c2: {  	p5 =	slt.u32 s12, s28  }
0x2c3: {  	(v2sf) =	vpush v3, $0x7;
	s0 =	spop (v2sf);
	p6 =	sgt.f32 s14, s29;
	p1 =	por !p4, !p5  }
0x2c4: {  	s31 =	spop (v2sf);
	p1 =	por !p1, !p1  }
0x2c5: {  	s30 =	spop (v2sf);
	p1 =	por p6, p1  }
0x2c6: {  	s29 =	smov.u32 @p1 s14;
	s14 =	spop (v2sf)  }
0x2c7: {  	s28 =	smov.u32 @p1 s12;
	s12 =	sor.u32 $0x5, s16;
	p4 =	seq.f32 s14, s29  }
0x2c8: {  	p5 =	slt.u32 s12, s28  }
0x2c9: {  	(v2sf) =	vpush v3, $0x8;
	p6 =	sgt.f32 s14, s29;
	p1 =	por !p4, !p5  }
0x2ca: {  	p1 =	por !p1, !p1  }
0x2cb: {  	p1 =	por p6, p1  }
0x2cc: {  	s29 =	smov.u32 @p1 s14;
	s14 =	spop (v2sf)  }
0x2cd: {  	s28 =	smov.u32 @p1 s12;
	s12 =	sor.u32 $0x6, s26;
	p4 =	seq.f32 s14, s29  }
0x2ce: {  	p5 =	slt.s32 s12, s28  }
0x2cf: {  	(v2sf) =	vpush v3, $0x9;
	p6 =	sgt.f32 s14, s29;
	p1 =	por !p4, !p5  }
0x2d0: {  	p1 =	por !p1, !p1  }
0x2d1: {  	p1 =	por p6, p1  }
0x2d2: {  	s29 =	smov.u32 @p1 s14;
	s14 =	spop (v2sf)  }
0x2d3: {  	s28 =	smov.u32 @p1 s12;
	s12 =	sor.u32 $0x7, s13;
	p4 =	seq.f32 s14, s29  }
0x2d4: {  	p5 =	slt.s32 s12, s28  }
0x2d5: {  	(v2sf) =	vpush v3, $0xA;
	p6 =	sgt.f32 s14, s29;
	p1 =	por !p4, !p5  }
0x2d6: {  	p1 =	por !p1, !p1  }
0x2d7: {  	p1 =	por p6, p1  }
0x2d8: {  	s13 =	spop (v2sf);
	s29 =	smov.u32 @p1 s14  }
0x2d9: {  	s11 =	sor.u32 $0x8, s11;
	s28 =	smov.u32 @p1 s12;
	p4 =	seq.f32 s13, s29  }
0x2da: {  	p5 =	slt.s32 s11, s28  }
0x2db: {  	(v2sf) =	vpush v3, $0xB;
	p6 =	sgt.f32 s13, s29;
	p1 =	por !p4, !p5  }
0x2dc: {  	p1 =	por !p1, !p1  }
0x2dd: {  	p1 =	por p6, p1  }
0x2de: {  	s12 =	spop (v2sf);
	s29 =	smov.u32 @p1 s13  }
0x2df: {  	s10 =	sor.u32 $0x9, s9;
	s28 =	smov.u32 @p1 s11;
	p4 =	seq.f32 s12, s29  }
0x2e0: {  	p5 =	slt.s32 s10, s28  }
0x2e1: {  	(v2sf) =	vpush v3, $0xC;
	p6 =	sgt.f32 s12, s29;
	p1 =	por !p4, !p5  }
0x2e2: {  	p1 =	por !p1, !p1  }
0x2e3: {  	p1 =	por p6, p1  }
0x2e4: {  	s11 =	spop (v2sf);
	s29 =	smov.u32 @p1 s12  }
0x2e5: {  	s9 =	sor.u32 $0xA, s1;
	s28 =	smov.u32 @p1 s10;
	p4 =	seq.f32 s11, s29  }
0x2e6: {  	p5 =	slt.s32 s9, s28  }
0x2e7: {  	(v2sf) =	vpush v3, $0xD;
	p6 =	sgt.f32 s11, s29;
	p1 =	por !p4, !p5  }
0x2e8: {  	p1 =	por !p1, !p1  }
0x2e9: {  	p1 =	por p6, p1  }
0x2ea: {  	s10 =	spop (v2sf);
	s29 =	smov.u32 @p1 s11  }
0x2eb: {  	s5 =	sor.u32 $0xB, s4;
	s28 =	smov.u32 @p1 s9;
	p4 =	seq.f32 s10, s29  }
0x2ec: {  	p5 =	slt.s32 s5, s28  }
0x2ed: {  	[tilespmem:$0x2700] =	vst v4;
	(v2sf) =	vpush v3, $0xE;
	p6 =	sgt.f32 s10, s29;
	p1 =	por !p4, !p5  }
0x2ee: {  	[tilespmem:$0x2710] =	vst v5;
	p1 =	por !p1, !p1  }
0x2ef: {  	[tilespmem:$0x2720] =	vst v61;
	s4 =	sor.u32 $0xC, s15;
	s26 =	simm.s32 $0x1;
	p1 =	por p6, p1  }
0x2f0: {  	[tilespmem:$0x2730] =	vst v7;
	s9 =	spop (v2sf);
	s29 =	smov.u32 @p1 s10;
	s28 =	smov.u32 @p1 s5  }
.LBB2_17:
0x2f1: {  	p1 =	sne.s32 s26, $0x1F  }
0x2f2: {  	p2 =	seq.f32 s9, s29;
	s5 =	smov.u32 s26;
	s26 =	sadd.s32 $0x1, s26  }
0x2f3: {  	p3 =	slt.s32 s4, s28;
	(v2sf) =	vpush v3, $0xF  }
0x2f4: {  	p4 =	sgt.f32 s9, s29;
	p2 =	por !p2, !p3  }
0x2f5: {  	p2 =	por !p2, !p2  }
0x2f6: {  	p2 =	por p4, p2;
	s10 =	spop (v2sf)  }
0x2f7: {  	s29 =	smov.u32 @p2 s9;
	s28 =	smov.u32 @p2 s4  }
0x2f8: {  	s0 =	sor.u32 $0xD, s0;
	s4 =	sand.u32 $0x10, s5;
	p2 =	seq.f32 s10, s29  }
0x2f9: {  	p3 =	slt.s32 s0, s28;
	v3 =	vld [tilespmem:s4+$0x2400]  }
0x2fa: {  	p4 =	sgt.f32 s10, s29;
	v4 =	vld [tilespmem:s4+$0x2480];
	p2 =	por !p2, !p3  }
0x2fb: {  	v5 =	vld [tilespmem:s4+$0x2580];
	p2 =	por !p2, !p2  }
0x2fc: {  	v6 =	vld [tilespmem:s4+$0x2600];
	p2 =	por p4, p2;
	s9 =	spop (v2sf)  }
0x2fd: {  	v7 =	vld [tilespmem:s4+$0x2500];
	s29 =	smov.u32 @p2 s10;
	s28 =	smov.u32 @p2 s0  }
0x2fe: {  	s0 =	sor.u32 $0xE, s31;
	p2 =	seq.f32 s9, s29  }
0x2ff: {  	p3 =	slt.s32 s0, s28;
	v8 =	vld [tilespmem:s4+$0x2680]  }
0x300: {  	p4 =	sgt.f32 s9, s29;
	p2 =	por !p2, !p3  }
0x301: {  	p2 =	por !p2, !p2  }
0x302: {  	p2 =	por p4, p2;
	s10 =	spop (v2sf)  }
0x303: {  	s29 =	smov.u32 @p2 s9;
	s28 =	smov.u32 @p2 s0;
	s0 =	sor.u32 $0xF, s30  }
0x304: {  	p2 =	seq.f32 s10, s29;
	p3 =	slt.s32 s0, s28;
	s9 =	smov.u32 s28  }
0x305: {  	p4 =	sgt.f32 s10, s29;
	s9 =	smov.u32 @p3 s0  }
0x306: {  	s28 =	smov.u32 @p2 s9  }
0x307: {  	s28 =	smov.u32 @p4 s0  }
0x308: {  	v9 =	vld.msk [tilespmem:s28+$0x2280 ss:$0x0], $0xffff  }
0x309: {  	v10 =	vld.msk [tilespmem:s28+$0x2300 ss:$0x0], $0xffff  }
0x30a: {  	v11 =	vld.msk [tilespmem:s28+$0x2380 ss:$0x0], $0xffff  }
0x30b: {  	s0 =	sand.u32 $0xF, s5;
	v12 =	vld.msk [tilespmem:s28+$0x2200 ss:$0x0], $0xffff  }
0x30c: {  	v13 =	vmov s0;
	v14 =	vld.msk [tilespmem:s28+$0x2100 ss:$0x0], $0xffff  }
0x30d: {  	vm0 =	veq.s32 v13, v1;
	v13 =	vld.msk [tilespmem:s28+$0x2180 ss:$0x0], $0xffff  }
0x30e: {  	v5 =	vsel vm0, v9, v5  }
0x30f: {  	[tilespmem:s4+$0x2580] =	vst v5;
	v5 =	vsel vm0, v10, v6  }
0x310: {  	[tilespmem:s4+$0x2600] =	vst v5;
	v5 =	vsel vm0, v11, v8  }
0x311: {  	v6 =	vsel vm0, v12, v7;
	[tilespmem:s4+$0x2680] =	vst v5  }
0x312: {  	v3 =	vsel vm0, v14, v3;
	[tilespmem:s4+$0x2500] =	vst v6  }
0x313: {  	[tilespmem:s4+$0x2400] =	vst v3;
	v3 =	vsel vm0, v13, v4  }
0x314: {  	[tilespmem:s4+$0x2480] =	vst v3  }
0x315: {  	v3 =	vld [tilespmem:$0x2110]  }
0x316: {  	v4 =	vld [tilespmem:$0x2180]  }
0x317: {  	v5 =	vld [tilespmem:$0x2190]  }
0x318: {  	v6 =	vld [tilespmem:$0x2200]  }
0x319: {  	v7 =	vld [tilespmem:$0x2210]  }
0x31a: {  	v8 =	vld [tilespmem:$0x2120]  }
0x31b: {  	v3 =	vsub.f32 v3, v14;
	v9 =	vld [tilespmem:$0x2100];
	v4 =	vsub.f32 v4, v13  }
0x31c: {  	v5 =	vsub.f32 v5, v13;
	v10 =	vld [tilespmem:$0x21A0]  }
0x31d: {  	v3 =	vmul.f32 v3, v3;
	v6 =	vsub.f32 v6, v12;
	v4 =	vmul.f32 v4, v4;
	v11 =	vld [tilespmem:$0x2220]  }
0x31e: {  	v7 =	vsub.f32 v7, v12;
	v5 =	vmul.f32 v5, v5;
	v15 =	vld [tilespmem:$0x2130]  }
0x31f: {  	v8 =	vsub.f32 v8, v14;
	v16 =	vld [tilespmem:$0x21B0]  }
0x320: {  	v9 =	vsub.f32 v9, v14;
	v17 =	vld [tilespmem:$0x2700];
	v3 =	vadd.f32 v5, v3;
	v5 =	vmul.f32 v7, v7  }
0x321: {  	v7 =	vsub.f32 v10, v13;
	v8 =	vmul.f32 v8, v8;
	v10 =	vld [tilespmem:$0x2230]  }
0x322: {  	v9 =	vmul.f32 v9, v9;
	v3 =	vadd.f32 v5, v3;
	v5 =	vld [tilespmem:$0x2710];
	v11 =	vsub.f32 v11, v12  }
0x323: {  	v7 =	vmul.f32 v7, v7;
	v18 =	vld [tilespmem:$0x2720];
	v14 =	vsub.f32 v15, v14  }
0x324: {  	v6 =	vmul.f32 v6, v6;
	v4 =	vadd.f32 v4, v9;
	v9 =	vsub.f32 v16, v13;
	v13 =	vld [tilespmem:$0x2730]  }
0x325: {  	v7 =	vadd.f32 v7, v8;
	v8 =	vmul.f32 v14, v14  }
0x326: {  	v4 =	vadd.f32 v6, v4;
	v6 =	vsub.f32 v10, v12;
	v9 =	vmul.f32 v9, v9;
	_ =	sdelay $0x1  }
0x327: {  	v10 =	vmul.f32 v11, v11;
	v4 =	vmin.f32 v17, v4;
	v8 =	vadd.f32 v9, v8  }
0x328: {  	v6 =	vmul.f32 v6, v6;
	[tilespmem:$0x2700] =	vst v4;
	vm0 =	vgt.f32 v4, $-1.000000000e+00  }
0x329: {  	v3 =	vmin.f32 v5, v3;
	v5 =	vadd.f32 v10, v7;
	v4 =	vnsel vm0, $0xBF800000, v4  }
0x32a: {  	v6 =	vadd.f32 v6, v8;
	[tilespmem:$0x2710] =	vst v3;
	vm0 =	vgt.f32 v3, v4  }
0x32b: {  	v3 =	vsel vm0, v3, v4;
	v4 =	vmin.f32 v18, v5  }
0x32c: {  	[tilespmem:$0x2720] =	vst v4;
	vm1 =	vgt.f32 v4, v3  }
0x32d: {  	v5 =	vsel vm0, $0x1, v2;
	v3 =	vsel vm1, v4, v3;
	v4 =	vmin.f32 v13, v6  }
0x32e: {  	v5 =	vsel vm1, $0x2, v5;
	[tilespmem:$0x2730] =	vst v4;
	vm0 =	vgt.f32 v4, v3  }
0x32f: {  	v3 =	vsel vm0, v4, v3;
	v4 =	vsel vm0, $0x3, v5  }
0x330: {  	v4 =	vshll.u32 v4, $0x4;
	(v2sf) =	vpush v3, $0x0  }
0x331: {  	(v2sf) =	vpush v4, $0x0  }
0x332: {  	(v2sf) =	vpush v4, $0x1  }
0x333: {  	(v2sf) =	vpush v3, $0x1;
	_ =	sdelay $0x1  }
0x334: {  	(v2sf) =	vpush v4, $0x2  }
0x335: {  	(v2sf) =	vpush v4, $0x3  }
0x336: {  	(v2sf) =	vpush v4, $0x4  }
0x337: {  	(v2sf) =	vpush v3, $0x2;
	_ =	sdelay $0x1  }
0x338: {  	(v2sf) =	vpush v4, $0x5  }
0x339: {  	(v2sf) =	vpush v4, $0x6  }
0x33a: {  	(v2sf) =	vpush v4, $0x7  }
0x33b: {  	(v2sf) =	vpush v4, $0x8  }
0x33c: {  	(v2sf) =	vpush v3, $0x3  }
0x33d: {  	s29 =	spop (v2sf)  }
0x33e: {  	p2 =	sgt.f32 s29, $-1.000000000e+00;
	s28 =	spop (v2sf);
	(v2sf) =	vpush v4, $0x9  }
0x33f: {  	s0 =	spop (v2sf);
	(v2sf) =	vpush v4, $0xA  }
0x340: {  	s29 =	simm.s32 @!p2 $0xBF800000;
	s4 =	spop (v2sf);
	(v2sf) =	vpush v4, $0xB  }
0x341: {  	s28 =	simm.s32 @!p2 $0x0;
	s0 =	sor.u32 $0x1, s0;
	p2 =	seq.f32 s4, s29;
	(v2sf) =	vpush v4, $0xC  }
0x342: {  	p3 =	slt.u32 s0, s28;
	s5 =	spop (v2sf);
	(v2sf) =	vpush v3, $0x4  }
0x343: {  	p4 =	sgt.f32 s4, s29;
	p2 =	por !p2, !p3;
	s9 =	spop (v2sf)  }
0x344: {  	p2 =	por !p2, !p2;
	s13 =	spop (v2sf);
	(v2sf) =	vpush v4, $0xD  }
0x345: {  	p2 =	por p4, p2;
	s14 =	spop (v2sf);
	(v2sf) =	vpush v4, $0xE  }
0x346: {  	s29 =	smov.u32 @p2 s4;
	s28 =	smov.u32 @p2 s0;
	(v2sf) =	vpush v4, $0xF  }
0x347: {  	s0 =	sor.u32 $0x2, s5;
	p2 =	seq.f32 s14, s29;
	s15 =	spop (v2sf)  }
0x348: {  	p3 =	slt.u32 s0, s28;
	(v2sf) =	vpush v3, $0x5;
	s12 =	spop (v2sf)  }
0x349: {  	p4 =	sgt.f32 s14, s29;
	p2 =	por !p2, !p3;
	s11 =	spop (v2sf)  }
0x34a: {  	p2 =	por !p2, !p2;
	s10 =	spop (v2sf)  }
0x34b: {  	p2 =	por p4, p2;
	s30 =	spop (v2sf)  }
0x34c: {  	s29 =	smov.u32 @p2 s14;
	s28 =	smov.u32 @p2 s0  }
0x34d: {  	s0 =	sor.u32 $0x3, s9;
	p2 =	seq.f32 s30, s29;
	s9 =	spop (v2sf)  }
0x34e: {  	p3 =	slt.u32 s0, s28;
	(v2sf) =	vpush v3, $0x6;
	s5 =	spop (v2sf)  }
0x34f: {  	p4 =	sgt.f32 s30, s29;
	p2 =	por !p2, !p3;
	s16 =	spop (v2sf)  }
0x350: {  	p2 =	por !p2, !p2;
	s4 =	spop (v2sf)  }
0x351: {  	p2 =	por p4, p2;
	s4 =	sor.u32 $0xC, s4;
	s14 =	spop (v2sf)  }
0x352: {  	s29 =	smov.u32 @p2 s30;
	s28 =	smov.u32 @p2 s0  }
0x353: {  	s13 =	sor.u32 $0x4, s13;
	p2 =	seq.f32 s14, s29;
	s0 =	spop (v2sf)  }
0x354: {  	p3 =	slt.u32 s13, s28;
	(v2sf) =	vpush v3, $0x7;
	s31 =	spop (v2sf)  }
0x355: {  	p4 =	sgt.f32 s14, s29;
	p2 =	por !p2, !p3;
	s30 =	spop (v2sf)  }
0x356: {  	p2 =	por !p2, !p2  }
0x357: {  	p2 =	por p4, p2;
	s1 =	spop (v2sf)  }
0x358: {  	s29 =	smov.u32 @p2 s14;
	s28 =	smov.u32 @p2 s13  }
0x359: {  	s13 =	sor.u32 $0x5, s15;
	p2 =	seq.f32 s1, s29  }
0x35a: {  	p3 =	slt.u32 s13, s28;
	(v2sf) =	vpush v3, $0x8  }
0x35b: {  	p4 =	sgt.f32 s1, s29;
	p2 =	por !p2, !p3  }
0x35c: {  	p2 =	por !p2, !p2  }
0x35d: {  	p2 =	por p4, p2;
	s14 =	spop (v2sf)  }
0x35e: {  	s29 =	smov.u32 @p2 s1;
	s28 =	smov.u32 @p2 s13  }
0x35f: {  	s1 =	sor.u32 $0x6, s12;
	p2 =	seq.f32 s14, s29  }
0x360: {  	p3 =	slt.s32 s1, s28;
	(v2sf) =	vpush v3, $0x9  }
0x361: {  	p4 =	sgt.f32 s14, s29;
	p2 =	por !p2, !p3  }
0x362: {  	p2 =	por !p2, !p2  }
0x363: {  	p2 =	por p4, p2;
	s12 =	spop (v2sf)  }
0x364: {  	s29 =	smov.u32 @p2 s14;
	s28 =	smov.u32 @p2 s1  }
0x365: {  	s1 =	sor.u32 $0x7, s11;
	p2 =	seq.f32 s12, s29  }
0x366: {  	p3 =	slt.s32 s1, s28;
	(v2sf) =	vpush v3, $0xA  }
0x367: {  	p4 =	sgt.f32 s12, s29;
	p2 =	por !p2, !p3  }
0x368: {  	p2 =	por !p2, !p2  }
0x369: {  	p2 =	por p4, p2;
	s11 =	spop (v2sf)  }
0x36a: {  	s29 =	smov.u32 @p2 s12;
	s28 =	smov.u32 @p2 s1  }
0x36b: {  	s1 =	sor.u32 $0x8, s10;
	p2 =	seq.f32 s11, s29  }
0x36c: {  	p3 =	slt.s32 s1, s28;
	(v2sf) =	vpush v3, $0xB  }
0x36d: {  	p4 =	sgt.f32 s11, s29;
	p2 =	por !p2, !p3  }
0x36e: {  	p2 =	por !p2, !p2  }
0x36f: {  	p2 =	por p4, p2;
	s10 =	spop (v2sf)  }
0x370: {  	s29 =	smov.u32 @p2 s11;
	s28 =	smov.u32 @p2 s1  }
0x371: {  	s1 =	sor.u32 $0x9, s9;
	p2 =	seq.f32 s10, s29  }
0x372: {  	p3 =	slt.s32 s1, s28;
	(v2sf) =	vpush v3, $0xC  }
0x373: {  	p4 =	sgt.f32 s10, s29;
	p2 =	por !p2, !p3  }
0x374: {  	p2 =	por !p2, !p2  }
0x375: {  	p2 =	por p4, p2;
	s9 =	spop (v2sf)  }
0x376: {  	s29 =	smov.u32 @p2 s10;
	s28 =	smov.u32 @p2 s1  }
0x377: {  	s1 =	sor.u32 $0xA, s5;
	p2 =	seq.f32 s9, s29  }
0x378: {  	p3 =	slt.s32 s1, s28;
	(v2sf) =	vpush v3, $0xD  }
0x379: {  	p4 =	sgt.f32 s9, s29;
	p2 =	por !p2, !p3  }
0x37a: {  	p2 =	por !p2, !p2  }
0x37b: {  	p2 =	por p4, p2;
	s5 =	spop (v2sf)  }
0x37c: {  	s29 =	smov.u32 @p2 s9;
	s28 =	smov.u32 @p2 s1  }
0x37d: {  	s1 =	sor.u32 $0xB, s16;
	p2 =	seq.f32 s5, s29  }
.Ltmp7:
0x37e: {  	p3 =	slt.s32 s1, s28;
	(v2sf) =	vpush v3, $0xE;
	(pc) =	sbr.rel @p1 .LBB2_17-.Ltmp7, $4  }
0x37f: {  	p4 =	sgt.f32 s5, s29;
	p2 =	por !p2, !p3  }
0x380: {  	p2 =	por !p2, !p2  }
0x381: {  	p2 =	por p4, p2;
	s9 =	spop (v2sf)  }
0x382: {  	s29 =	smov.u32 @p2 s5;
	s28 =	smov.u32 @p2 s1  }
0x383: {  	(v2sf) =	vpush v3, $0xF;
	_ =	sdelay $0xa  }
0x384: {  	s0 =	spop (v2sf)  }
0x385: {  	s0 =	spop (v2sf)  }
0x386: {  	s1 =	simm.s32 $0x2400;
	s0 =	sadd.s32 s8, s20  }
0x387: {  	[hbm4b:s0+s2] =	stream.linear.scatter [tilespmem:s1], [sflag:$0x1], $0x80, $0x38;
	[tilespmem:$0x2B00] =	vst v63  }
0x388: {  	s0 =	simm.s32 $0x1;
	s16 =	spop (v2sf)  }
0x389: {  	_ =	swait.ge [sflag:s0], $0x80  }
0x38a: {  	[sflag:s0] =	ssyncset.done $0x0  }
0x38b: {  	s4 =	simm.s32 $0x2480;
	s20 =	sadd.s32 s8, s21;
	[sflag:s0] =	ssyncadd.s32 $0xFFFFFF80  }
0x38c: {  	[hbm4b:s20+s2] =	stream.linear.scatter [tilespmem:s4], [sflag:$0x1], $0x80, $0x38;
	[tilespmem:$0x2B00] =	vst v63  }
0x38d: {  	_ =	swait.ge [sflag:s0], $0x80  }
0x38e: {  	[sflag:s0] =	ssyncset.done $0x0  }
0x38f: {  	s21 =	sadd.s32 s8, s22;
	s22 =	simm.s32 $0x2500;
	[sflag:s0] =	ssyncadd.s32 $0xFFFFFF80  }
0x390: {  	[hbm4b:s21+s2] =	stream.linear.scatter [tilespmem:s22], [sflag:$0x1], $0x80, $0x38;
	[tilespmem:$0x2B00] =	vst v63  }
0x391: {  	_ =	swait.ge [sflag:s0], $0x80  }
0x392: {  	[sflag:s0] =	ssyncset.done $0x0  }
0x393: {  	s23 =	sadd.s32 s8, s23;
	s26 =	simm.s32 $0x2580;
	[sflag:s0] =	ssyncadd.s32 $0xFFFFFF80  }
0x394: {  	[hbm4b:s23+s2] =	stream.linear.scatter [tilespmem:s26], [sflag:$0x1], $0x80, $0x38;
	[tilespmem:$0x2B00] =	vst v63  }
0x395: {  	_ =	swait.ge [sflag:s0], $0x80  }
0x396: {  	[sflag:s0] =	ssyncset.done $0x0  }
0x397: {  	s28 =	sadd.s32 s8, s24;
	s29 =	simm.s32 $0x2600;
	[sflag:s0] =	ssyncadd.s32 $0xFFFFFF80  }
0x398: {  	[hbm4b:s28+s2] =	stream.linear.scatter [tilespmem:s29], [sflag:$0x1], $0x80, $0x38;
	[tilespmem:$0x2B00] =	vst v63  }
0x399: {  	_ =	swait.ge [sflag:s0], $0x80  }
0x39a: {  	s30 =	sadd.s32 s8, s25;
	[sflag:s0] =	ssyncset.done $0x0  }
.Ltmp8:
0x39b: {  	s31 =	simm.s32 $0x2680;
	[sflag:s0] =	ssyncadd.s32 $0xFFFFFF80;
	(pc) =	sbr.rel @p0 .LBB2_2-.Ltmp8, $4  }
0x39c: {  	[hbm4b:s30+s2] =	stream.linear.scatter [tilespmem:s31], [sflag:$0x1], $0x80, $0x38;
	[tilespmem:$0x2B00] =	vst v63  }
0x39d: {  	_ =	swait.ge [sflag:s0], $0x80  }
0x39e: {  	[sflag:s0] =	ssyncset.done $0x0  }
0x39f: {  	p1 =	por $0x0, $0x0;
	[sflag:s0] =	ssyncadd.s32 $0xFFFFFF80  }
0x3a0: {  	s1 =	rddreg [dreg:$0xc]  }
0x3a1: {  	s0 =	rddreg [dreg:$0xb];
	s1 =	sadd.s32 $0x1, s1  }
0x3a2: {  	p0 =	sne.s32 s1, s0  }
.Ltmp9:
0x3a3: {  	_ = 	snop;
	(pc) =	sbr.rel @p0 .LBB2_1-.Ltmp9, $1  }
0x3a4: {  	_ =	sdelay $0x3  }
0x3a5: {  	_ =	sfence.sel $0x180000  }
0x3a6: {  	[bflag:$0x0] =	sbarrier.arrive $0xFFFF  }
0x3a7: {  	_ =	strace $0x90000047  }
0x3a8: {  	s0 =	stileid.u32;
	[bflag:$0x2] =	sbarrier.arrive $0xFFFF  }
0x3a9: {  	p0 =	sne.s32 s0, $0x0;
	s0 =	rddreg [dreg:$0x2]  }
0x3aa: {  	s0 =	sadd.s32 @!p0 $0x100000, s0  }
0x3ab: {  	[sflag:s0] =	ssyncadd.tile.s32 @!p0 $0x1;
	_ =	shalt  }
.Lfunc_end2:
_tile_overlayer_lowered:
.L_overlay_start_2:
0x3ac: {  	(tag) =	ssettag $0x2  }
0x3ad: {  	s0 =	rddreg [dreg:$0x0];
	s2 =	stileid.u32  }
0x3ae: {  	s1 =	rddreg [dreg:$0x1];
	p0 =	sne.s32 s2, $0x0  }
0x3af: {  	s3 =	rddreg [dreg:$0x2];
	[bflag:$0x3] =	sbarrier.arrive $0xFFFF;
	s2 =	simm.s32 @!p0 $0x1C01  }
0x3b0: {  	[timem:s3], [sflag:s2] =	dma.local @!p0 [hbm:s0], s1  }
0x3b1: {  	s0 =	simm.s32 @!p0 $0x1  }
0x3b2: {  	_ =	swait.ge @!p0 [sflag:s0], s1  }
0x3b3: {  	s1 =	ssub.s32 @!p0 $0x0, s1;
	[sflag:s0] =	ssyncset.done @!p0 $0x0  }
0x3b4: {  	[sflag:s0] =	ssyncadd.s32 @!p0 s1  }
0x3b5: {  	[bflag:$0x3] =	sbarrier.arrive $0xFFFF  }
0x3b6: {  	_ =	shalt  }

</sc_bundles>
